<compile_context>
chip_gen: v7x
topology: tpu7x:2x2x1
jax: 0.10.2.dev20260603
libtpu: 0.0.44.dev20260713+nightly
codegen_flags: <defaults>
</compile_context>

<pallas_src>
import functools

import jax
import jax.numpy as jnp
from jax import lax
from jax.experimental import pallas as pl
from jax.experimental.pallas import tpu as pltpu
from jax.experimental.pallas import tpu_sc as plsc

N = 10000
E = 320000
IN = 3
P = 16
PN = 16
CN = 16
H = IN

D = 8
NC = 2
NS = 16
NW = NC * NS
EPW = E // NW
CH = 80
NCH = EPW // CH
NB = 5
NG = NCH // NB
NPAD = 10240
RPT = NPAD // NS


def _sc_agg(x, src3, dst3, init, d):
    mesh = plsc.VectorSubcoreMesh(core_axis_name="c", subcore_axis_name="s")

    @functools.partial(
        pl.kernel,
        out_type=jax.ShapeDtypeStruct((NC, NPAD, d), jnp.float32),
        mesh=mesh,
        scratch_types=[
            pltpu.VMEM((NCH, CH), jnp.int32),
            pltpu.VMEM((NCH, CH), jnp.int32),
            pltpu.VMEM((NB, CH, d), jnp.float32),
            pltpu.VMEM_SHARED((NPAD, d), jnp.float32),
            pltpu.SemaphoreType.DMA,
        ],
        compiler_params=pltpu.CompilerParams(use_tc_tiling_on_sc=False),
    )
    def agg(x_hbm, src_hbm, dst_hbm, z_hbm, out_hbm, src_v, dst_v, rows_v,
            acc, sem):
        cid = lax.axis_index("c")
        sid = lax.axis_index("s")
        wid = cid * NS + sid
        pltpu.sync_copy(src_hbm.at[wid], src_v)
        pltpu.sync_copy(dst_hbm.at[wid], dst_v)
        pltpu.sync_copy(z_hbm.at[cid].at[pl.ds(sid * RPT, RPT)],
                        acc.at[pl.ds(sid * RPT, RPT)])
        plsc.subcore_barrier()

        for b in range(NB):
            pltpu.async_copy(x_hbm.at[src_v.at[b]], rows_v.at[b], sem)

        def body(g, carry):
            for b in range(NB):
                chunk = g * NB + b
                pltpu.make_async_copy(x_hbm.at[src_v.at[chunk]],
                                      rows_v.at[b], sem).wait()
                pltpu.sync_copy(rows_v.at[b], acc.at[dst_v.at[chunk]],
                                add=True)

                @pl.when(g < NG - 1)
                def _():
                    pltpu.async_copy(x_hbm.at[src_v.at[chunk + NB]],
                                     rows_v.at[b], sem)
            return carry

        lax.fori_loop(0, NG, body, 0)
        plsc.subcore_barrier()
        pltpu.sync_copy(acc.at[pl.ds(sid * RPT, RPT)],
                        out_hbm.at[cid].at[pl.ds(sid * RPT, RPT)])

    return agg(x, src3, dst3, init)


APAD = 320
TRASH = 312
NSC = EPW // 16


def _sc_gin2(p0, p1, src2, dst2, wpat, z320):
    mesh = plsc.VectorSubcoreMesh(core_axis_name="c", subcore_axis_name="s")

    @functools.partial(
        pl.kernel,
        out_type=(jax.ShapeDtypeStruct((NC, APAD, D), jnp.float32),
                  jax.ShapeDtypeStruct((P * PN, D), jnp.float32)),
        mesh=mesh,
        scratch_types=[
            pltpu.VMEM((EPW,), jnp.int32),
            pltpu.VMEM((EPW,), jnp.int32),
            pltpu.VMEM((640, 16), jnp.int32),
            pltpu.VMEM((640, 16), jnp.int32),
            pltpu.VMEM((16, D), jnp.float32),
            pltpu.VMEM((16, D), jnp.float32),
            pltpu.VMEM((16, D), jnp.float32),
            pltpu.VMEM((16, D), jnp.float32),
            pltpu.VMEM((16, D), jnp.float32),
            pltpu.VMEM((4, 16), jnp.float32),
            pltpu.VMEM((16, D), jnp.float32),
            pltpu.VMEM((16, D), jnp.float32),
            pltpu.VMEM_SHARED((APAD, D), jnp.float32),
            pltpu.SemaphoreType.DMA,
        ],
        compiler_params=pltpu.CompilerParams(use_tc_tiling_on_sc=False,
                                            needs_layout_passes=False),
    )
    def gin2(p0_hbm, p1_hbm, src_hbm, dst_hbm, w_hbm, z_hbm, outp_hbm,
             h1s_hbm, src_v, dst_v, srcc_v, dstc_v, rows0, rows1, rows0b,
             rows1b, h1c, wv, ph0, ph1, acc, sem):
        cid = lax.axis_index("c")
        sid = lax.axis_index("s")
        wid = cid * NS + sid
        pltpu.sync_copy(src_hbm.at[wid], src_v)
        pltpu.sync_copy(dst_hbm.at[wid], dst_v)
        pltpu.sync_copy(w_hbm, wv)
        pltpu.sync_copy(z_hbm.at[pl.ds(sid * (APAD // NS), APAD // NS)],
                        acc.at[pl.ds(sid * (APAD // NS), APAD // NS)])

        iota = lax.broadcasted_iota(jnp.int32, (16,), 0)
        rowpat = lax.shift_right_logical(iota, 3)
        colpat = lax.bitwise_and(iota, 7)

        def scan_body(i, cnt):
            sl = pl.ds(i * 16, 16)
            dvals = dst_v[sl]
            svals = src_v[sl]
            m = dvals < P * PN
            plsc.store_scatter(srcc_v, [cnt, iota], svals, mask=m)
            plsc.store_scatter(dstc_v, [cnt, iota], dvals, mask=m)
            return cnt + m.astype(jnp.int32)

        cnt_vec = lax.fori_loop(0, NSC, scan_body,
                                jnp.zeros((16,), jnp.int32))
        maxcnt = jnp.max(cnt_vec)
        zero16 = jnp.zeros((16,), jnp.int32)
        trash16 = jnp.full((16,), TRASH, jnp.int32)

        def pad_body(t, carry):
            tv = jnp.full((16,), 0, jnp.int32) + t
            m2 = tv >= cnt_vec
            plsc.store_scatter(srcc_v, [tv, iota], zero16, mask=m2)
            plsc.store_scatter(dstc_v, [tv, iota], trash16, mask=m2)
            return carry

        lax.fori_loop(0, maxcnt, pad_body, 0)

        def transform(r0_ref, r1_ref, out_ref, nv):
            for v in range(nv):
                rvec = rowpat + 2 * v
                z = wv[3, :]
                for d in range(3):
                    cvec = jnp.full((16,), d, jnp.int32)
                    g = (plsc.load_gather(r0_ref, [rvec, cvec])
                         + plsc.load_gather(r1_ref, [rvec, cvec]))
                    z = z + g * wv[d, :]
                z = jnp.maximum(z, 0.0)
                plsc.store_scatter(out_ref, [rvec, colpat], z)

        def gath(j, r0, r1):
            sidx = srcc_v.at[j]
            pltpu.async_copy(p0_hbm.at[sidx], r0, sem)
            pltpu.async_copy(p1_hbm.at[sidx], r1, sem)

        def gwait(j, r0, r1):
            sidx = srcc_v.at[j]
            pltpu.make_async_copy(p0_hbm.at[sidx], r0, sem).wait()
            pltpu.make_async_copy(p1_hbm.at[sidx], r1, sem).wait()

        @pl.when(maxcnt > 0)
        def _():
            gath(0, rows0, rows1)

        def chunk_body(g, carry):
            j0 = g * 2
            j1 = j0 + 1
            gwait(j0, rows0, rows1)

            @pl.when(j1 < maxcnt)
            def _():
                gath(j1, rows0b, rows1b)

            transform(rows0, rows1, h1c, 8)
            pltpu.sync_copy(h1c, acc.at[dstc_v.at[j0]], add=True)

            @pl.when(j1 < maxcnt)
            def _():
                gwait(j1, rows0b, rows1b)

                @pl.when(j1 + 1 < maxcnt)
                def _():
                    gath(j1 + 1, rows0, rows1)

                transform(rows0b, rows1b, h1c, 8)
                pltpu.sync_copy(h1c, acc.at[dstc_v.at[j1]], add=True)

            return carry

        lax.fori_loop(0, lax.shift_right_logical(maxcnt + 1, 1),
                      chunk_body, 0)
        plsc.subcore_barrier()
        pltpu.sync_copy(acc.at[pl.ds(sid * (APAD // NS), APAD // NS)],
                        outp_hbm.at[cid, pl.ds(sid * (APAD // NS),
                                               APAD // NS)])

        @pl.when(cid == 0)
        def _():
            base = sid * 16
            pltpu.sync_copy(p0_hbm.at[pl.ds(base, 16)], ph0)
            pltpu.sync_copy(p1_hbm.at[pl.ds(base, 16)], ph1)
            transform(ph0, ph1, h1c, 8)
            pltpu.sync_copy(h1c, h1s_hbm.at[pl.ds(base, 16)])

    return gin2(p0, p1, src2, dst2, wpat, z320)


def _mm(a, b):
    return lax.dot_general(a, b, (((1,), (0,)), ((), ())),
                           preferred_element_type=jnp.float32)


def _tc_tail(h1_s, p2_s, W2_8, b2, Aq, Ar, Ah, bias12, W3, lin1_bc, c_col,
             lin2_WT, lin2_bc, lin3_W, lin3_b):

    def body(h_ref, p_ref, w2_ref, b2_ref, aq_ref, ar_ref, ah_ref, b12_ref,
             w3_ref, l1b_ref, c_ref, l2w_ref, l2b_ref, l3w_ref, l3b_ref,
             o_ref):
        p = p_ref[...]
        x2 = h_ref[...] + p[0] + p[1]
        h2 = jnp.maximum(_mm(x2, w2_ref[...]) + b2_ref[...], 0.0)
        xs3 = h2.reshape(P, PN, H)

        q = jnp.zeros((P, H), jnp.float32)
        r = jnp.zeros((P, H), jnp.float32)
        hs = jnp.zeros((P, H), jnp.float32)
        cs = jnp.zeros((P, H), jnp.float32)
        for _ in range(2):
            gates = (_mm(q, aq_ref[...]) + _mm(r, ar_ref[...])
                     + _mm(hs, ah_ref[...]) + b12_ref[...])
            gi = jax.nn.sigmoid(gates[:, 0 * H:1 * H])
            gf = jax.nn.sigmoid(gates[:, 1 * H:2 * H])
            gg = jnp.tanh(gates[:, 2 * H:3 * H])
            go = jax.nn.sigmoid(gates[:, 3 * H:4 * H])
            cs = gf * cs + gi * gg
            hs = go * jnp.tanh(cs)
            q = hs
            e = jnp.sum(xs3 * q[:, None, :], axis=-1)
            emax = jnp.max(e, axis=1, keepdims=True)
            ee = jnp.exp(e - emax)
            den = jnp.sum(ee, axis=1, keepdims=True)
            alpha = ee / den
            r = alpha[:, 0:1] * xs3[:, 0, :]
            for pp in range(1, PN):
                r = r + alpha[:, pp:pp + 1] * xs3[:, pp, :]

        w3 = w3_ref[...]
        x = _mm(w3[0], q[:, 0:1])
        for k in (1, 2):
            x = x + _mm(w3[k], q[:, k:k + 1])
        for k in (3, 4, 5):
            x = x + _mm(w3[k], r[:, k - 3:k - 2])
        x = jnp.tanh(x + l1b_ref[...])
        xc = jnp.concatenate([x, c_ref[...]], axis=0)
        x = jnp.maximum(_mm(l2w_ref[...], xc) + l2b_ref[...], 0.0)
        o_ref[...] = jax.nn.sigmoid(_mm(l3w_ref[...], x) + l3b_ref[...])

    return pl.pallas_call(
        body,
        out_shape=jax.ShapeDtypeStruct((1, 1), jnp.float32),
    )(h1_s, p2_s, W2_8, b2, Aq, Ar, Ah, bias12, W3, lin1_bc, c_col, lin2_WT,
      lin2_bc, lin3_W, lin3_b)


def kernel(h, edge_index, c, pathway_nodes, W1, b1, W2, b2, s1_Wih, s1_Whh,
           s1_bih, s1_bhh, s2_Wih, s2_Whh, s2_bih, s2_bhh, s3_Wih, s3_Whh,
           s3_bih, s3_bhh, lin1_W, lin1_b, lin2_W, lin2_b, lin3_W, lin3_b):
    f32 = jnp.float32
    src3 = edge_index[0].reshape(NW, NCH, CH)
    dst3 = edge_index[1].reshape(NW, NCH, CH)
    src2 = edge_index[0].reshape(NW, EPW)
    dst2 = edge_index[1].reshape(NW, EPW)

    h8 = jnp.pad(h, ((0, 0), (0, D - IN)))
    init = jnp.stack([jnp.pad(h8, ((0, NPAD - N), (0, 0))),
                      jnp.zeros((NPAD, D), f32)])
    pp = _sc_agg(h8, src3, dst3, init, D)
    W1_8 = jnp.zeros((IN, D), f32).at[:, :2 * IN].set(W1.T)
    b1_8 = jnp.pad(b1, (0, D - 2 * IN)).reshape(1, D)
    wpat = jnp.concatenate([jnp.tile(W1_8, (1, 2)),
                            jnp.tile(b1_8, (1, 2))])

    p2, h1_s = _sc_gin2(pp[0], pp[1], src2, dst2, wpat,
                        jnp.zeros((APAD, D), f32))

    p2_s = p2[:, :P * PN]
    W2_8 = jnp.zeros((D, H), f32).at[:2 * IN, :].set(W2.T)
    b2_2 = b2.reshape(1, H)
    WihT = s1_Wih.T
    Aq, Ar = WihT[0:H], WihT[H:2 * H]
    Ah = s1_Whh.T
    bias12 = (s1_bih + s1_bhh).reshape(1, 4 * H)
    W3 = jnp.stack([lin1_W[:, k::2 * H] for k in range(2 * H)])
    logit = _tc_tail(h1_s, p2_s, W2_8, b2_2, Aq, Ar, Ah, bias12, W3,
                     lin1_b.reshape(P, 1), c.reshape(CN, 1), lin2_W,
                     lin2_b.reshape(128, 1), lin3_W, lin3_b.reshape(1, 1))
    return logit.reshape(1)

# --- scband reference (transcript-rebuilt; emitter-appended) ---
"""Pipeline reference for scband-deep-moi-10900626998077 (READ-ONLY COPY).

The authoritative reference and input builder live on the scoring server;
editing this copy changes nothing except your own understanding.
"""

import jax, jax.numpy as jnp
import numpy as np

N = 10000
E = 320000
IN = 3
P = 16
PN = 16
CN = 16
H = IN


def _lin_params(k, o, i):
    s = 1.0 / np.sqrt(i)
    kw, kb = jax.random.split(k)
    W = jax.random.uniform(kw, (o, i), jnp.float32, -s, s)
    b = jax.random.uniform(kb, (o,), jnp.float32, -s, s)
    return W, b


def setup_inputs(seed: int = 0):
    key = jax.random.key(seed)
    ks = jax.random.split(key, 32)
    inp = {}
    inp['h'] = jax.random.normal(ks[0], (N, IN), jnp.float32)
    inp['edge_index'] = jax.random.randint(ks[1], (2, E), 0, N, dtype=jnp.int32)
    inp['c'] = jax.random.normal(ks[2], (CN,), jnp.float32)
    inp['pathway_nodes'] = jnp.arange(P * PN, dtype=jnp.int32).reshape(P, PN)
    inp['W1'], inp['b1'] = _lin_params(ks[3], 2 * IN, IN)
    inp['W2'], inp['b2'] = _lin_params(ks[4], IN, 2 * IN)
    for j in range(3):
        Wih, bih = _lin_params(ks[5 + 2 * j], 4 * H, 2 * H)
        Whh, bhh = _lin_params(ks[6 + 2 * j], 4 * H, H)
        inp['s%d_Wih' % (j + 1)] = Wih
        inp['s%d_Whh' % (j + 1)] = Whh
        inp['s%d_bih' % (j + 1)] = bih
        inp['s%d_bhh' % (j + 1)] = bhh
    inp['lin1_W'], inp['lin1_b'] = _lin_params(ks[11], P, P * 2 * IN)
    inp['lin2_W'], inp['lin2_b'] = _lin_params(ks[12], 128, P + CN)
    inp['lin3_W'], inp['lin3_b'] = _lin_params(ks[13], 1, 128)
    return inp


def _gin(x, src, dst, W, b):
    # DGL GINConv, eps=0, 'sum' aggregator: apply_func((1+eps)*x + sum_{in-edges} x_src)
    agg = jax.ops.segment_sum(x[src], dst, num_segments=N)
    return jax.nn.relu((x + agg) @ W.T + b)


def _set2set(x, gid, B, Wih, Whh, bih, bhh):
    # DGL Set2Set(input_dim=3, n_iters=2, n_layers=1) with a 1-layer LSTM (PyTorch gate order i,f,g,o)
    q_star = jnp.zeros((B, 2 * H), x.dtype)
    hs = jnp.zeros((B, H), x.dtype)
    cs = jnp.zeros((B, H), x.dtype)
    for _ in range(2):
        gates = q_star @ Wih.T + bih + hs @ Whh.T + bhh
        i, f, g, o = jnp.split(gates, 4, axis=-1)
        i = jax.nn.sigmoid(i)
        f = jax.nn.sigmoid(f)
        g = jnp.tanh(g)
        o = jax.nn.sigmoid(o)
        cs = f * cs + i * g
        hs = o * jnp.tanh(cs)
        q = hs
        e = jnp.sum(x * q[gid], axis=-1)
        emax = jax.ops.segment_max(e, gid, num_segments=B)
        ee = jnp.exp(e - emax[gid])
        den = jax.ops.segment_sum(ee, gid, num_segments=B)
        alpha = ee / den[gid]
        r = jax.ops.segment_sum(alpha[:, None] * x, gid, num_segments=B)
        q_star = jnp.concatenate([q, r], axis=-1)
    return q_star


def reference(h, edge_index, c, pathway_nodes, W1, b1, W2, b2, s1_Wih, s1_Whh, s1_bih, s1_bhh, s2_Wih, s2_Whh, s2_bih, s2_bhh, s3_Wih, s3_Whh, s3_bih, s3_bhh, lin1_W, lin1_b, lin2_W, lin2_b, lin3_W, lin3_b):
    src, dst = edge_index[0], edge_index[1]
    h = _gin(h, src, dst, W1, b1)
    h = _gin(h, src, dst, W2, b2)
    gid = jnp.repeat(jnp.arange(P), PN)
    xs = h[pathway_nodes.reshape(-1)]
    r1 = _set2set(xs, gid, P, s1_Wih, s1_Whh, s1_bih, s1_bhh).reshape(-1)
    r2 = _set2set(xs, gid, P, s2_Wih, s2_Whh, s2_bih, s2_bhh).reshape(-1)  # computed but unused, as in original
    r3 = _set2set(xs, gid, P, s3_Wih, s3_Whh, s3_bih, s3_bhh).reshape(-1)  # computed but unused, as in original
    x = jnp.tanh(r1 @ lin1_W.T + lin1_b)
    x = jnp.concatenate([x, c], axis=0)
    x = jax.nn.relu(x @ lin2_W.T + lin2_b)
    logit = jax.nn.sigmoid(x @ lin3_W.T + lin3_b)
    return logit

if __name__ == "__main__":
    import jax
    _d = setup_inputs()
    print(jax.jit(kernel)(*tuple(_d.values())))

</pallas_src>

<mosaic_0001>
#map = affine_map<(d0, d1) -> (0, 0)>
#map1 = affine_map<(d0, d1) -> (0, 0, 0)>
module attributes {stable_mosaic.version = 14 : i64} {
  func.func @agg(%arg0: i32, %arg1: i32, %arg2: memref<10000x8xf32, #tpu.memory_space<hbm>>, %arg3: memref<32x125x80xi32, #tpu.memory_space<hbm>>, %arg4: memref<32x125x80xi32, #tpu.memory_space<hbm>>, %arg5: memref<2x10240x8xf32, #tpu.memory_space<hbm>>, %arg6: memref<2x10240x8xf32, #tpu.memory_space<hbm>>, %arg7: memref<125x80xi32, #tpu.memory_space<vmem>>, %arg8: memref<125x80xi32, #tpu.memory_space<vmem>>, %arg9: memref<5x80x8xf32, #tpu.memory_space<vmem>>, %arg10: memref<10240x8xf32, #tpu.memory_space<vmem_shared>>, %arg11: memref<!tpu.dma_semaphore, #tpu.memory_space<semaphore_mem>>) attributes {dimension_semantics = [#tpu.dimension_semantics<core_parallel>, #tpu.dimension_semantics<subcore_parallel>], iteration_bounds = array<i64: 2, 16>, scalar_prefetch = 0 : i64, scratch_operands = 5 : i64, tpu.core_type = #tpu.core_type<sc_vector_subcore>, window_params = [{transform_indices = #map}, {transform_indices = #map1}, {transform_indices = #map1}, {transform_indices = #map1}, {transform_indices = #map1}]} {
    %mul3A = arith.constant 16 : i32
    %mul3A_0 = arith.muli %arg0, %mul3A : i32
    %add3A = arith.addi %mul3A_0, %arg1 : i32
    "tpu.region"() ({
      %run_scoped3A = tpu.sem_alloc : memref<!tpu.dma_semaphore, #tpu.memory_space<semaphore_mem>>
      %dma_start3A_74 = arith.constant 0 : i32
      %dma_start3A_75 = arith.constant 0 : i32
      %dma_start3A_76 = tpu.memref_slice %arg3[%add3A, %dma_start3A_74, %dma_start3A_75] : memref<32x125x80xi32, #tpu.memory_space<hbm>> -> memref<1x125x80xi32, #tpu.memory_space<hbm>>
      %dma_start3A_77 = tpu.memref_squeeze %dma_start3A_76 : memref<1x125x80xi32, #tpu.memory_space<hbm>> -> memref<125x80xi32, #tpu.memory_space<hbm>>
      %dma_start3A_78 = arith.constant 0 : i32
      %dma_start3A_79 = arith.constant 0 : i32
      %dma_start3A_80 = tpu.memref_slice %arg3[%add3A, %dma_start3A_78, %dma_start3A_79] : memref<32x125x80xi32, #tpu.memory_space<hbm>> -> memref<1x125x80xi32, #tpu.memory_space<hbm>>
      %dma_start3A_81 = tpu.memref_squeeze %dma_start3A_80 : memref<1x125x80xi32, #tpu.memory_space<hbm>> -> memref<125x80xi32, #tpu.memory_space<hbm>>
      tpu.enqueue_dma source(%dma_start3A_81 : memref<125x80xi32, #tpu.memory_space<hbm>>) target(%arg7 : memref<125x80xi32, #tpu.memory_space<vmem>>) target_semaphore(%run_scoped3A : memref<!tpu.dma_semaphore, #tpu.memory_space<semaphore_mem>>)
      %dma_wait3A = arith.constant 0 : i32
      %dma_wait3A_82 = arith.constant 0 : i32
      %dma_wait3A_83 = tpu.memref_slice %arg3[%add3A, %dma_wait3A, %dma_wait3A_82] : memref<32x125x80xi32, #tpu.memory_space<hbm>> -> memref<1x125x80xi32, #tpu.memory_space<hbm>>
      %dma_wait3A_84 = tpu.memref_squeeze %dma_wait3A_83 : memref<1x125x80xi32, #tpu.memory_space<hbm>> -> memref<125x80xi32, #tpu.memory_space<hbm>>
      %dma_wait3A_85 = arith.constant 0 : i32
      %dma_wait3A_86 = arith.constant 0 : i32
      %dma_wait3A_87 = tpu.memref_slice %arg3[%add3A, %dma_wait3A_85, %dma_wait3A_86] : memref<32x125x80xi32, #tpu.memory_space<hbm>> -> memref<1x125x80xi32, #tpu.memory_space<hbm>>
      %dma_wait3A_88 = tpu.memref_squeeze %dma_wait3A_87 : memref<1x125x80xi32, #tpu.memory_space<hbm>> -> memref<125x80xi32, #tpu.memory_space<hbm>>
      tpu.wait_dma2 semaphore(%run_scoped3A : memref<!tpu.dma_semaphore, #tpu.memory_space<semaphore_mem>>) src(%dma_wait3A_88 : memref<125x80xi32, #tpu.memory_space<hbm>>) dst(%arg7 : memref<125x80xi32, #tpu.memory_space<vmem>>)
      tpu.yield
    }) : () -> ()
    "tpu.region"() ({
      %run_scoped3A = tpu.sem_alloc : memref<!tpu.dma_semaphore, #tpu.memory_space<semaphore_mem>>
      %dma_start3A_74 = arith.constant 0 : i32
      %dma_start3A_75 = arith.constant 0 : i32
      %dma_start3A_76 = tpu.memref_slice %arg4[%add3A, %dma_start3A_74, %dma_start3A_75] : memref<32x125x80xi32, #tpu.memory_space<hbm>> -> memref<1x125x80xi32, #tpu.memory_space<hbm>>
      %dma_start3A_77 = tpu.memref_squeeze %dma_start3A_76 : memref<1x125x80xi32, #tpu.memory_space<hbm>> -> memref<125x80xi32, #tpu.memory_space<hbm>>
      %dma_start3A_78 = arith.constant 0 : i32
      %dma_start3A_79 = arith.constant 0 : i32
      %dma_start3A_80 = tpu.memref_slice %arg4[%add3A, %dma_start3A_78, %dma_start3A_79] : memref<32x125x80xi32, #tpu.memory_space<hbm>> -> memref<1x125x80xi32, #tpu.memory_space<hbm>>
      %dma_start3A_81 = tpu.memref_squeeze %dma_start3A_80 : memref<1x125x80xi32, #tpu.memory_space<hbm>> -> memref<125x80xi32, #tpu.memory_space<hbm>>
      tpu.enqueue_dma source(%dma_start3A_81 : memref<125x80xi32, #tpu.memory_space<hbm>>) target(%arg8 : memref<125x80xi32, #tpu.memory_space<vmem>>) target_semaphore(%run_scoped3A : memref<!tpu.dma_semaphore, #tpu.memory_space<semaphore_mem>>)
      %dma_wait3A = arith.constant 0 : i32
      %dma_wait3A_82 = arith.constant 0 : i32
      %dma_wait3A_83 = tpu.memref_slice %arg4[%add3A, %dma_wait3A, %dma_wait3A_82] : memref<32x125x80xi32, #tpu.memory_space<hbm>> -> memref<1x125x80xi32, #tpu.memory_space<hbm>>
      %dma_wait3A_84 = tpu.memref_squeeze %dma_wait3A_83 : memref<1x125x80xi32, #tpu.memory_space<hbm>> -> memref<125x80xi32, #tpu.memory_space<hbm>>
      %dma_wait3A_85 = arith.constant 0 : i32
      %dma_wait3A_86 = arith.constant 0 : i32
      %dma_wait3A_87 = tpu.memref_slice %arg4[%add3A, %dma_wait3A_85, %dma_wait3A_86] : memref<32x125x80xi32, #tpu.memory_space<hbm>> -> memref<1x125x80xi32, #tpu.memory_space<hbm>>
      %dma_wait3A_88 = tpu.memref_squeeze %dma_wait3A_87 : memref<1x125x80xi32, #tpu.memory_space<hbm>> -> memref<125x80xi32, #tpu.memory_space<hbm>>
      tpu.wait_dma2 semaphore(%run_scoped3A : memref<!tpu.dma_semaphore, #tpu.memory_space<semaphore_mem>>) src(%dma_wait3A_88 : memref<125x80xi32, #tpu.memory_space<hbm>>) dst(%arg8 : memref<125x80xi32, #tpu.memory_space<vmem>>)
      tpu.yield
    }) : () -> ()
    %mul3A_1 = arith.constant 640 : i32
    %mul3A_2 = arith.muli %arg1, %mul3A_1 : i32
    %mul3A_3 = arith.constant 640 : i32
    %mul3A_4 = arith.muli %arg1, %mul3A_3 : i32
    "tpu.region"() ({
      %run_scoped3A = tpu.sem_alloc : memref<!tpu.dma_semaphore, #tpu.memory_space<semaphore_mem>>
      %dma_start3A_74 = arith.constant 0 : i32
      %dma_start3A_75 = tpu.memref_slice %arg10[%mul3A_4, %dma_start3A_74] : memref<10240x8xf32, #tpu.memory_space<vmem_shared>> -> memref<640x8xf32, #tpu.memory_space<vmem_shared>>
      %dma_start3A_76 = arith.constant 0 : i32
      %dma_start3A_77 = arith.constant 0 : i32
      %dma_start3A_78 = tpu.memref_slice %arg5[%arg0, %dma_start3A_76, %dma_start3A_77] : memref<2x10240x8xf32, #tpu.memory_space<hbm>> -> memref<1x10240x8xf32, #tpu.memory_space<hbm>>
      %dma_start3A_79 = tpu.memref_squeeze %dma_start3A_78 : memref<1x10240x8xf32, #tpu.memory_space<hbm>> -> memref<10240x8xf32, #tpu.memory_space<hbm>>
      %dma_start3A_80 = arith.constant 0 : i32
      %dma_start3A_81 = tpu.memref_slice %dma_start3A_79[%mul3A_2, %dma_start3A_80] : memref<10240x8xf32, #tpu.memory_space<hbm>> -> memref<640x8xf32, #tpu.memory_space<hbm>>
      tpu.enqueue_dma source(%dma_start3A_81 : memref<640x8xf32, #tpu.memory_space<hbm>>) target(%dma_start3A_75 : memref<640x8xf32, #tpu.memory_space<vmem_shared>>) target_semaphore(%run_scoped3A : memref<!tpu.dma_semaphore, #tpu.memory_space<semaphore_mem>>)
      %dma_wait3A = arith.constant 0 : i32
      %dma_wait3A_82 = tpu.memref_slice %arg10[%mul3A_4, %dma_wait3A] : memref<10240x8xf32, #tpu.memory_space<vmem_shared>> -> memref<640x8xf32, #tpu.memory_space<vmem_shared>>
      %dma_wait3A_83 = arith.constant 0 : i32
      %dma_wait3A_84 = arith.constant 0 : i32
      %dma_wait3A_85 = tpu.memref_slice %arg5[%arg0, %dma_wait3A_83, %dma_wait3A_84] : memref<2x10240x8xf32, #tpu.memory_space<hbm>> -> memref<1x10240x8xf32, #tpu.memory_space<hbm>>
      %dma_wait3A_86 = tpu.memref_squeeze %dma_wait3A_85 : memref<1x10240x8xf32, #tpu.memory_space<hbm>> -> memref<10240x8xf32, #tpu.memory_space<hbm>>
      %dma_wait3A_87 = arith.constant 0 : i32
      %dma_wait3A_88 = tpu.memref_slice %dma_wait3A_86[%mul3A_2, %dma_wait3A_87] : memref<10240x8xf32, #tpu.memory_space<hbm>> -> memref<640x8xf32, #tpu.memory_space<hbm>>
      tpu.wait_dma2 semaphore(%run_scoped3A : memref<!tpu.dma_semaphore, #tpu.memory_space<semaphore_mem>>) src(%dma_wait3A_88 : memref<640x8xf32, #tpu.memory_space<hbm>>) dst(%dma_wait3A_82 : memref<640x8xf32, #tpu.memory_space<vmem_shared>>)
      tpu.yield
    }) : () -> ()
    %barrier3A = arith.constant 0 : index
    tpu.barrier barrier_id(%barrier3A)
    %dma_start3A = arith.constant 0 : i32
    %dma_start3A_5 = arith.constant 0 : i32
    %dma_start3A_6 = arith.constant 0 : i32
    %dma_start3A_7 = arith.constant 0 : i32
    %dma_start3A_8 = tpu.memref_slice %arg9[%dma_start3A_5, %dma_start3A_6, %dma_start3A_7] : memref<5x80x8xf32, #tpu.memory_space<vmem>> -> memref<1x80x8xf32, #tpu.memory_space<vmem>>
    %dma_start3A_9 = tpu.memref_squeeze %dma_start3A_8 : memref<1x80x8xf32, #tpu.memory_space<vmem>> -> memref<80x8xf32, #tpu.memory_space<vmem>>
    %dma_start3A_10 = arith.constant 0 : i32
    %dma_start3A_11 = tpu.memref_slice %arg7[%dma_start3A, %dma_start3A_10] : memref<125x80xi32, #tpu.memory_space<vmem>> -> memref<1x80xi32, #tpu.memory_space<vmem>>
    %dma_start3A_12 = tpu.memref_squeeze %dma_start3A_11 : memref<1x80xi32, #tpu.memory_space<vmem>> -> memref<80xi32, #tpu.memory_space<vmem>>
    %dma_start3A_13 = arith.constant 0 : i32
    %dma_start3A_14 = arith.constant 0 : i32
    %dma_start3A_15 = tpu.memref_slice %arg2[%dma_start3A_13, %dma_start3A_14] : memref<10000x8xf32, #tpu.memory_space<hbm>> -> memref<10000x8xf32, #tpu.memory_space<hbm>>
    tpu.enqueue_indirect_dma source(%dma_start3A_15 : memref<10000x8xf32, #tpu.memory_space<hbm>>) target(%dma_start3A_9 : memref<80x8xf32, #tpu.memory_space<vmem>>) offsets(%dma_start3A_12 : memref<80xi32, #tpu.memory_space<vmem>>) semaphore(%arg11 : memref<!tpu.dma_semaphore, #tpu.memory_space<semaphore_mem>>)
    %dma_start3A_16 = arith.constant 1 : i32
    %dma_start3A_17 = arith.constant 1 : i32
    %dma_start3A_18 = arith.constant 0 : i32
    %dma_start3A_19 = arith.constant 0 : i32
    %dma_start3A_20 = tpu.memref_slice %arg9[%dma_start3A_17, %dma_start3A_18, %dma_start3A_19] : memref<5x80x8xf32, #tpu.memory_space<vmem>> -> memref<1x80x8xf32, #tpu.memory_space<vmem>>
    %dma_start3A_21 = tpu.memref_squeeze %dma_start3A_20 : memref<1x80x8xf32, #tpu.memory_space<vmem>> -> memref<80x8xf32, #tpu.memory_space<vmem>>
    %dma_start3A_22 = arith.constant 0 : i32
    %dma_start3A_23 = tpu.memref_slice %arg7[%dma_start3A_16, %dma_start3A_22] : memref<125x80xi32, #tpu.memory_space<vmem>> -> memref<1x80xi32, #tpu.memory_space<vmem>>
    %dma_start3A_24 = tpu.memref_squeeze %dma_start3A_23 : memref<1x80xi32, #tpu.memory_space<vmem>> -> memref<80xi32, #tpu.memory_space<vmem>>
    %dma_start3A_25 = arith.constant 0 : i32
    %dma_start3A_26 = arith.constant 0 : i32
    %dma_start3A_27 = tpu.memref_slice %arg2[%dma_start3A_25, %dma_start3A_26] : memref<10000x8xf32, #tpu.memory_space<hbm>> -> memref<10000x8xf32, #tpu.memory_space<hbm>>
    tpu.enqueue_indirect_dma source(%dma_start3A_27 : memref<10000x8xf32, #tpu.memory_space<hbm>>) target(%dma_start3A_21 : memref<80x8xf32, #tpu.memory_space<vmem>>) offsets(%dma_start3A_24 : memref<80xi32, #tpu.memory_space<vmem>>) semaphore(%arg11 : memref<!tpu.dma_semaphore, #tpu.memory_space<semaphore_mem>>)
    %dma_start3A_28 = arith.constant 2 : i32
    %dma_start3A_29 = arith.constant 2 : i32
    %dma_start3A_30 = arith.constant 0 : i32
    %dma_start3A_31 = arith.constant 0 : i32
    %dma_start3A_32 = tpu.memref_slice %arg9[%dma_start3A_29, %dma_start3A_30, %dma_start3A_31] : memref<5x80x8xf32, #tpu.memory_space<vmem>> -> memref<1x80x8xf32, #tpu.memory_space<vmem>>
    %dma_start3A_33 = tpu.memref_squeeze %dma_start3A_32 : memref<1x80x8xf32, #tpu.memory_space<vmem>> -> memref<80x8xf32, #tpu.memory_space<vmem>>
    %dma_start3A_34 = arith.constant 0 : i32
    %dma_start3A_35 = tpu.memref_slice %arg7[%dma_start3A_28, %dma_start3A_34] : memref<125x80xi32, #tpu.memory_space<vmem>> -> memref<1x80xi32, #tpu.memory_space<vmem>>
    %dma_start3A_36 = tpu.memref_squeeze %dma_start3A_35 : memref<1x80xi32, #tpu.memory_space<vmem>> -> memref<80xi32, #tpu.memory_space<vmem>>
    %dma_start3A_37 = arith.constant 0 : i32
    %dma_start3A_38 = arith.constant 0 : i32
    %dma_start3A_39 = tpu.memref_slice %arg2[%dma_start3A_37, %dma_start3A_38] : memref<10000x8xf32, #tpu.memory_space<hbm>> -> memref<10000x8xf32, #tpu.memory_space<hbm>>
    tpu.enqueue_indirect_dma source(%dma_start3A_39 : memref<10000x8xf32, #tpu.memory_space<hbm>>) target(%dma_start3A_33 : memref<80x8xf32, #tpu.memory_space<vmem>>) offsets(%dma_start3A_36 : memref<80xi32, #tpu.memory_space<vmem>>) semaphore(%arg11 : memref<!tpu.dma_semaphore, #tpu.memory_space<semaphore_mem>>)
    %dma_start3A_40 = arith.constant 3 : i32
    %dma_start3A_41 = arith.constant 3 : i32
    %dma_start3A_42 = arith.constant 0 : i32
    %dma_start3A_43 = arith.constant 0 : i32
    %dma_start3A_44 = tpu.memref_slice %arg9[%dma_start3A_41, %dma_start3A_42, %dma_start3A_43] : memref<5x80x8xf32, #tpu.memory_space<vmem>> -> memref<1x80x8xf32, #tpu.memory_space<vmem>>
    %dma_start3A_45 = tpu.memref_squeeze %dma_start3A_44 : memref<1x80x8xf32, #tpu.memory_space<vmem>> -> memref<80x8xf32, #tpu.memory_space<vmem>>
    %dma_start3A_46 = arith.constant 0 : i32
    %dma_start3A_47 = tpu.memref_slice %arg7[%dma_start3A_40, %dma_start3A_46] : memref<125x80xi32, #tpu.memory_space<vmem>> -> memref<1x80xi32, #tpu.memory_space<vmem>>
    %dma_start3A_48 = tpu.memref_squeeze %dma_start3A_47 : memref<1x80xi32, #tpu.memory_space<vmem>> -> memref<80xi32, #tpu.memory_space<vmem>>
    %dma_start3A_49 = arith.constant 0 : i32
    %dma_start3A_50 = arith.constant 0 : i32
    %dma_start3A_51 = tpu.memref_slice %arg2[%dma_start3A_49, %dma_start3A_50] : memref<10000x8xf32, #tpu.memory_space<hbm>> -> memref<10000x8xf32, #tpu.memory_space<hbm>>
    tpu.enqueue_indirect_dma source(%dma_start3A_51 : memref<10000x8xf32, #tpu.memory_space<hbm>>) target(%dma_start3A_45 : memref<80x8xf32, #tpu.memory_space<vmem>>) offsets(%dma_start3A_48 : memref<80xi32, #tpu.memory_space<vmem>>) semaphore(%arg11 : memref<!tpu.dma_semaphore, #tpu.memory_space<semaphore_mem>>)
    %dma_start3A_52 = arith.constant 4 : i32
    %dma_start3A_53 = arith.constant 4 : i32
    %dma_start3A_54 = arith.constant 0 : i32
    %dma_start3A_55 = arith.constant 0 : i32
    %dma_start3A_56 = tpu.memref_slice %arg9[%dma_start3A_53, %dma_start3A_54, %dma_start3A_55] : memref<5x80x8xf32, #tpu.memory_space<vmem>> -> memref<1x80x8xf32, #tpu.memory_space<vmem>>
    %dma_start3A_57 = tpu.memref_squeeze %dma_start3A_56 : memref<1x80x8xf32, #tpu.memory_space<vmem>> -> memref<80x8xf32, #tpu.memory_space<vmem>>
    %dma_start3A_58 = arith.constant 0 : i32
    %dma_start3A_59 = tpu.memref_slice %arg7[%dma_start3A_52, %dma_start3A_58] : memref<125x80xi32, #tpu.memory_space<vmem>> -> memref<1x80xi32, #tpu.memory_space<vmem>>
    %dma_start3A_60 = tpu.memref_squeeze %dma_start3A_59 : memref<1x80xi32, #tpu.memory_space<vmem>> -> memref<80xi32, #tpu.memory_space<vmem>>
    %dma_start3A_61 = arith.constant 0 : i32
    %dma_start3A_62 = arith.constant 0 : i32
    %dma_start3A_63 = tpu.memref_slice %arg2[%dma_start3A_61, %dma_start3A_62] : memref<10000x8xf32, #tpu.memory_space<hbm>> -> memref<10000x8xf32, #tpu.memory_space<hbm>>
    tpu.enqueue_indirect_dma source(%dma_start3A_63 : memref<10000x8xf32, #tpu.memory_space<hbm>>) target(%dma_start3A_57 : memref<80x8xf32, #tpu.memory_space<vmem>>) offsets(%dma_start3A_60 : memref<80xi32, #tpu.memory_space<vmem>>) semaphore(%arg11 : memref<!tpu.dma_semaphore, #tpu.memory_space<semaphore_mem>>)
    %scan3A = arith.constant 0 : i32
    %scan3A_64 = arith.constant 0 : i32
    %scan3A_65 = arith.constant 25 : i32
    %scan3A_66 = arith.addi %scan3A_64, %scan3A_65 : i32
    %scan3A_67 = arith.constant 1 : i32
    scf.for %scan3A_74 = %scan3A_64 to %scan3A_66 step %scan3A_67  : i32 {
      %mul3A_75 = arith.constant 5 : i32
      %mul3A_76 = arith.muli %scan3A_74, %mul3A_75 : i32
      %add3A_77 = arith.constant 0 : i32
      %add3A_78 = arith.addi %mul3A_76, %add3A_77 : i32
      %dma_wait3A = arith.constant 0 : i32
      %dma_wait3A_79 = arith.constant 0 : i32
      %dma_wait3A_80 = arith.constant 0 : i32
      %dma_wait3A_81 = tpu.memref_slice %arg9[%dma_wait3A, %dma_wait3A_79, %dma_wait3A_80] : memref<5x80x8xf32, #tpu.memory_space<vmem>> -> memref<1x80x8xf32, #tpu.memory_space<vmem>>
      %dma_wait3A_82 = tpu.memref_squeeze %dma_wait3A_81 : memref<1x80x8xf32, #tpu.memory_space<vmem>> -> memref<80x8xf32, #tpu.memory_space<vmem>>
      %dma_wait3A_83 = arith.constant 0 : i32
      %dma_wait3A_84 = tpu.memref_slice %arg7[%add3A_78, %dma_wait3A_83] : memref<125x80xi32, #tpu.memory_space<vmem>> -> memref<1x80xi32, #tpu.memory_space<vmem>>
      %dma_wait3A_85 = tpu.memref_squeeze %dma_wait3A_84 : memref<1x80xi32, #tpu.memory_space<vmem>> -> memref<80xi32, #tpu.memory_space<vmem>>
      %dma_wait3A_86 = arith.constant 0 : i32
      %dma_wait3A_87 = arith.constant 0 : i32
      %dma_wait3A_88 = tpu.memref_slice %arg2[%dma_wait3A_86, %dma_wait3A_87] : memref<10000x8xf32, #tpu.memory_space<hbm>> -> memref<10000x8xf32, #tpu.memory_space<hbm>>
      tpu.wait_indirect_dma semaphore(%arg11 : memref<!tpu.dma_semaphore, #tpu.memory_space<semaphore_mem>>) src(%dma_wait3A_88 : memref<10000x8xf32, #tpu.memory_space<hbm>>) dst(%dma_wait3A_82 : memref<80x8xf32, #tpu.memory_space<vmem>>)
      %run_scoped3A = arith.constant 0 : i32
      "tpu.region"() ({
        %run_scoped3A_175 = tpu.sem_alloc : memref<!tpu.dma_semaphore, #tpu.memory_space<semaphore_mem>>
        %dma_start3A_176 = arith.constant 0 : i32
        %dma_start3A_177 = arith.constant 0 : i32
        %dma_start3A_178 = tpu.memref_slice %arg9[%run_scoped3A, %dma_start3A_176, %dma_start3A_177] : memref<5x80x8xf32, #tpu.memory_space<vmem>> -> memref<1x80x8xf32, #tpu.memory_space<vmem>>
        %dma_start3A_179 = tpu.memref_squeeze %dma_start3A_178 : memref<1x80x8xf32, #tpu.memory_space<vmem>> -> memref<80x8xf32, #tpu.memory_space<vmem>>
        %dma_start3A_180 = arith.constant 0 : i32
        %dma_start3A_181 = tpu.memref_slice %arg8[%add3A_78, %dma_start3A_180] : memref<125x80xi32, #tpu.memory_space<vmem>> -> memref<1x80xi32, #tpu.memory_space<vmem>>
        %dma_start3A_182 = tpu.memref_squeeze %dma_start3A_181 : memref<1x80xi32, #tpu.memory_space<vmem>> -> memref<80xi32, #tpu.memory_space<vmem>>
        %dma_start3A_183 = arith.constant 0 : i32
        %dma_start3A_184 = arith.constant 0 : i32
        %dma_start3A_185 = tpu.memref_slice %arg10[%dma_start3A_183, %dma_start3A_184] : memref<10240x8xf32, #tpu.memory_space<vmem_shared>> -> memref<10240x8xf32, #tpu.memory_space<vmem_shared>>
        tpu.enqueue_indirect_dma source(%dma_start3A_179 : memref<80x8xf32, #tpu.memory_space<vmem>>) target(%dma_start3A_185 : memref<10240x8xf32, #tpu.memory_space<vmem_shared>>) offsets(%dma_start3A_182 : memref<80xi32, #tpu.memory_space<vmem>>) semaphore(%run_scoped3A_175 : memref<!tpu.dma_semaphore, #tpu.memory_space<semaphore_mem>>) {add = true}
        %dma_wait3A_186 = arith.constant 0 : i32
        %dma_wait3A_187 = arith.constant 0 : i32
        %dma_wait3A_188 = tpu.memref_slice %arg9[%run_scoped3A, %dma_wait3A_186, %dma_wait3A_187] : memref<5x80x8xf32, #tpu.memory_space<vmem>> -> memref<1x80x8xf32, #tpu.memory_space<vmem>>
        %dma_wait3A_189 = tpu.memref_squeeze %dma_wait3A_188 : memref<1x80x8xf32, #tpu.memory_space<vmem>> -> memref<80x8xf32, #tpu.memory_space<vmem>>
        %dma_wait3A_190 = arith.constant 0 : i32
        %dma_wait3A_191 = tpu.memref_slice %arg8[%add3A_78, %dma_wait3A_190] : memref<125x80xi32, #tpu.memory_space<vmem>> -> memref<1x80xi32, #tpu.memory_space<vmem>>
        %dma_wait3A_192 = tpu.memref_squeeze %dma_wait3A_191 : memref<1x80xi32, #tpu.memory_space<vmem>> -> memref<80xi32, #tpu.memory_space<vmem>>
        %dma_wait3A_193 = arith.constant 0 : i32
        %dma_wait3A_194 = arith.constant 0 : i32
        %dma_wait3A_195 = tpu.memref_slice %arg10[%dma_wait3A_193, %dma_wait3A_194] : memref<10240x8xf32, #tpu.memory_space<vmem_shared>> -> memref<10240x8xf32, #tpu.memory_space<vmem_shared>>
        tpu.wait_indirect_dma semaphore(%run_scoped3A_175 : memref<!tpu.dma_semaphore, #tpu.memory_space<semaphore_mem>>) src(%dma_wait3A_189 : memref<80x8xf32, #tpu.memory_space<vmem>>) dst(%dma_wait3A_195 : memref<10240x8xf32, #tpu.memory_space<vmem_shared>>)
        tpu.yield
      }) : () -> ()
      %lt3A = arith.constant 24 : i32
      %lt3A_89 = arith.cmpi slt, %scan3A_74, %lt3A : i32
      %convert_element_type3A = arith.extui %lt3A_89 : i1 to i32
      %cond3A = arith.constant 0 : i32
      %cond3A_90 = arith.cmpi ne, %convert_element_type3A, %cond3A : i32
      scf.if %cond3A_90 {
        %add3A_175 = arith.constant 5 : i32
        %add3A_176 = arith.addi %add3A_78, %add3A_175 : i32
        %dma_start3A_177 = arith.constant 0 : i32
        %dma_start3A_178 = arith.constant 0 : i32
        %dma_start3A_179 = arith.constant 0 : i32
        %dma_start3A_180 = tpu.memref_slice %arg9[%dma_start3A_177, %dma_start3A_178, %dma_start3A_179] : memref<5x80x8xf32, #tpu.memory_space<vmem>> -> memref<1x80x8xf32, #tpu.memory_space<vmem>>
        %dma_start3A_181 = tpu.memref_squeeze %dma_start3A_180 : memref<1x80x8xf32, #tpu.memory_space<vmem>> -> memref<80x8xf32, #tpu.memory_space<vmem>>
        %dma_start3A_182 = arith.constant 0 : i32
        %dma_start3A_183 = tpu.memref_slice %arg7[%add3A_176, %dma_start3A_182] : memref<125x80xi32, #tpu.memory_space<vmem>> -> memref<1x80xi32, #tpu.memory_space<vmem>>
        %dma_start3A_184 = tpu.memref_squeeze %dma_start3A_183 : memref<1x80xi32, #tpu.memory_space<vmem>> -> memref<80xi32, #tpu.memory_space<vmem>>
        %dma_start3A_185 = arith.constant 0 : i32
        %dma_start3A_186 = arith.constant 0 : i32
        %dma_start3A_187 = tpu.memref_slice %arg2[%dma_start3A_185, %dma_start3A_186] : memref<10000x8xf32, #tpu.memory_space<hbm>> -> memref<10000x8xf32, #tpu.memory_space<hbm>>
        tpu.enqueue_indirect_dma source(%dma_start3A_187 : memref<10000x8xf32, #tpu.memory_space<hbm>>) target(%dma_start3A_181 : memref<80x8xf32, #tpu.memory_space<vmem>>) offsets(%dma_start3A_184 : memref<80xi32, #tpu.memory_space<vmem>>) semaphore(%arg11 : memref<!tpu.dma_semaphore, #tpu.memory_space<semaphore_mem>>)
      } else {
      }
      %mul3A_91 = arith.constant 5 : i32
      %mul3A_92 = arith.muli %scan3A_74, %mul3A_91 : i32
      %add3A_93 = arith.constant 1 : i32
      %add3A_94 = arith.addi %mul3A_92, %add3A_93 : i32
      %dma_wait3A_95 = arith.constant 1 : i32
      %dma_wait3A_96 = arith.constant 0 : i32
      %dma_wait3A_97 = arith.constant 0 : i32
      %dma_wait3A_98 = tpu.memref_slice %arg9[%dma_wait3A_95, %dma_wait3A_96, %dma_wait3A_97] : memref<5x80x8xf32, #tpu.memory_space<vmem>> -> memref<1x80x8xf32, #tpu.memory_space<vmem>>
      %dma_wait3A_99 = tpu.memref_squeeze %dma_wait3A_98 : memref<1x80x8xf32, #tpu.memory_space<vmem>> -> memref<80x8xf32, #tpu.memory_space<vmem>>
      %dma_wait3A_100 = arith.constant 0 : i32
      %dma_wait3A_101 = tpu.memref_slice %arg7[%add3A_94, %dma_wait3A_100] : memref<125x80xi32, #tpu.memory_space<vmem>> -> memref<1x80xi32, #tpu.memory_space<vmem>>
      %dma_wait3A_102 = tpu.memref_squeeze %dma_wait3A_101 : memref<1x80xi32, #tpu.memory_space<vmem>> -> memref<80xi32, #tpu.memory_space<vmem>>
      %dma_wait3A_103 = arith.constant 0 : i32
      %dma_wait3A_104 = arith.constant 0 : i32
      %dma_wait3A_105 = tpu.memref_slice %arg2[%dma_wait3A_103, %dma_wait3A_104] : memref<10000x8xf32, #tpu.memory_space<hbm>> -> memref<10000x8xf32, #tpu.memory_space<hbm>>
      tpu.wait_indirect_dma semaphore(%arg11 : memref<!tpu.dma_semaphore, #tpu.memory_space<semaphore_mem>>) src(%dma_wait3A_105 : memref<10000x8xf32, #tpu.memory_space<hbm>>) dst(%dma_wait3A_99 : memref<80x8xf32, #tpu.memory_space<vmem>>)
      %run_scoped3A_106 = arith.constant 1 : i32
      "tpu.region"() ({
        %run_scoped3A_175 = tpu.sem_alloc : memref<!tpu.dma_semaphore, #tpu.memory_space<semaphore_mem>>
        %dma_start3A_176 = arith.constant 0 : i32
        %dma_start3A_177 = arith.constant 0 : i32
        %dma_start3A_178 = tpu.memref_slice %arg9[%run_scoped3A_106, %dma_start3A_176, %dma_start3A_177] : memref<5x80x8xf32, #tpu.memory_space<vmem>> -> memref<1x80x8xf32, #tpu.memory_space<vmem>>
        %dma_start3A_179 = tpu.memref_squeeze %dma_start3A_178 : memref<1x80x8xf32, #tpu.memory_space<vmem>> -> memref<80x8xf32, #tpu.memory_space<vmem>>
        %dma_start3A_180 = arith.constant 0 : i32
        %dma_start3A_181 = tpu.memref_slice %arg8[%add3A_94, %dma_start3A_180] : memref<125x80xi32, #tpu.memory_space<vmem>> -> memref<1x80xi32, #tpu.memory_space<vmem>>
        %dma_start3A_182 = tpu.memref_squeeze %dma_start3A_181 : memref<1x80xi32, #tpu.memory_space<vmem>> -> memref<80xi32, #tpu.memory_space<vmem>>
        %dma_start3A_183 = arith.constant 0 : i32
        %dma_start3A_184 = arith.constant 0 : i32
        %dma_start3A_185 = tpu.memref_slice %arg10[%dma_start3A_183, %dma_start3A_184] : memref<10240x8xf32, #tpu.memory_space<vmem_shared>> -> memref<10240x8xf32, #tpu.memory_space<vmem_shared>>
        tpu.enqueue_indirect_dma source(%dma_start3A_179 : memref<80x8xf32, #tpu.memory_space<vmem>>) target(%dma_start3A_185 : memref<10240x8xf32, #tpu.memory_space<vmem_shared>>) offsets(%dma_start3A_182 : memref<80xi32, #tpu.memory_space<vmem>>) semaphore(%run_scoped3A_175 : memref<!tpu.dma_semaphore, #tpu.memory_space<semaphore_mem>>) {add = true}
        %dma_wait3A_186 = arith.constant 0 : i32
        %dma_wait3A_187 = arith.constant 0 : i32
        %dma_wait3A_188 = tpu.memref_slice %arg9[%run_scoped3A_106, %dma_wait3A_186, %dma_wait3A_187] : memref<5x80x8xf32, #tpu.memory_space<vmem>> -> memref<1x80x8xf32, #tpu.memory_space<vmem>>
        %dma_wait3A_189 = tpu.memref_squeeze %dma_wait3A_188 : memref<1x80x8xf32, #tpu.memory_space<vmem>> -> memref<80x8xf32, #tpu.memory_space<vmem>>
        %dma_wait3A_190 = arith.constant 0 : i32
        %dma_wait3A_191 = tpu.memref_slice %arg8[%add3A_94, %dma_wait3A_190] : memref<125x80xi32, #tpu.memory_space<vmem>> -> memref<1x80xi32, #tpu.memory_space<vmem>>
        %dma_wait3A_192 = tpu.memref_squeeze %dma_wait3A_191 : memref<1x80xi32, #tpu.memory_space<vmem>> -> memref<80xi32, #tpu.memory_space<vmem>>
        %dma_wait3A_193 = arith.constant 0 : i32
        %dma_wait3A_194 = arith.constant 0 : i32
        %dma_wait3A_195 = tpu.memref_slice %arg10[%dma_wait3A_193, %dma_wait3A_194] : memref<10240x8xf32, #tpu.memory_space<vmem_shared>> -> memref<10240x8xf32, #tpu.memory_space<vmem_shared>>
        tpu.wait_indirect_dma semaphore(%run_scoped3A_175 : memref<!tpu.dma_semaphore, #tpu.memory_space<semaphore_mem>>) src(%dma_wait3A_189 : memref<80x8xf32, #tpu.memory_space<vmem>>) dst(%dma_wait3A_195 : memref<10240x8xf32, #tpu.memory_space<vmem_shared>>)
        tpu.yield
      }) : () -> ()
      %lt3A_107 = arith.constant 24 : i32
      %lt3A_108 = arith.cmpi slt, %scan3A_74, %lt3A_107 : i32
      %convert_element_type3A_109 = arith.extui %lt3A_108 : i1 to i32
      %cond3A_110 = arith.constant 0 : i32
      %cond3A_111 = arith.cmpi ne, %convert_element_type3A_109, %cond3A_110 : i32
      scf.if %cond3A_111 {
        %add3A_175 = arith.constant 5 : i32
        %add3A_176 = arith.addi %add3A_94, %add3A_175 : i32
        %dma_start3A_177 = arith.constant 1 : i32
        %dma_start3A_178 = arith.constant 0 : i32
        %dma_start3A_179 = arith.constant 0 : i32
        %dma_start3A_180 = tpu.memref_slice %arg9[%dma_start3A_177, %dma_start3A_178, %dma_start3A_179] : memref<5x80x8xf32, #tpu.memory_space<vmem>> -> memref<1x80x8xf32, #tpu.memory_space<vmem>>
        %dma_start3A_181 = tpu.memref_squeeze %dma_start3A_180 : memref<1x80x8xf32, #tpu.memory_space<vmem>> -> memref<80x8xf32, #tpu.memory_space<vmem>>
        %dma_start3A_182 = arith.constant 0 : i32
        %dma_start3A_183 = tpu.memref_slice %arg7[%add3A_176, %dma_start3A_182] : memref<125x80xi32, #tpu.memory_space<vmem>> -> memref<1x80xi32, #tpu.memory_space<vmem>>
        %dma_start3A_184 = tpu.memref_squeeze %dma_start3A_183 : memref<1x80xi32, #tpu.memory_space<vmem>> -> memref<80xi32, #tpu.memory_space<vmem>>
        %dma_start3A_185 = arith.constant 0 : i32
        %dma_start3A_186 = arith.constant 0 : i32
        %dma_start3A_187 = tpu.memref_slice %arg2[%dma_start3A_185, %dma_start3A_186] : memref<10000x8xf32, #tpu.memory_space<hbm>> -> memref<10000x8xf32, #tpu.memory_space<hbm>>
        tpu.enqueue_indirect_dma source(%dma_start3A_187 : memref<10000x8xf32, #tpu.memory_space<hbm>>) target(%dma_start3A_181 : memref<80x8xf32, #tpu.memory_space<vmem>>) offsets(%dma_start3A_184 : memref<80xi32, #tpu.memory_space<vmem>>) semaphore(%arg11 : memref<!tpu.dma_semaphore, #tpu.memory_space<semaphore_mem>>)
      } else {
      }
      %mul3A_112 = arith.constant 5 : i32
      %mul3A_113 = arith.muli %scan3A_74, %mul3A_112 : i32
      %add3A_114 = arith.constant 2 : i32
      %add3A_115 = arith.addi %mul3A_113, %add3A_114 : i32
      %dma_wait3A_116 = arith.constant 2 : i32
      %dma_wait3A_117 = arith.constant 0 : i32
      %dma_wait3A_118 = arith.constant 0 : i32
      %dma_wait3A_119 = tpu.memref_slice %arg9[%dma_wait3A_116, %dma_wait3A_117, %dma_wait3A_118] : memref<5x80x8xf32, #tpu.memory_space<vmem>> -> memref<1x80x8xf32, #tpu.memory_space<vmem>>
      %dma_wait3A_120 = tpu.memref_squeeze %dma_wait3A_119 : memref<1x80x8xf32, #tpu.memory_space<vmem>> -> memref<80x8xf32, #tpu.memory_space<vmem>>
      %dma_wait3A_121 = arith.constant 0 : i32
      %dma_wait3A_122 = tpu.memref_slice %arg7[%add3A_115, %dma_wait3A_121] : memref<125x80xi32, #tpu.memory_space<vmem>> -> memref<1x80xi32, #tpu.memory_space<vmem>>
      %dma_wait3A_123 = tpu.memref_squeeze %dma_wait3A_122 : memref<1x80xi32, #tpu.memory_space<vmem>> -> memref<80xi32, #tpu.memory_space<vmem>>
      %dma_wait3A_124 = arith.constant 0 : i32
      %dma_wait3A_125 = arith.constant 0 : i32
      %dma_wait3A_126 = tpu.memref_slice %arg2[%dma_wait3A_124, %dma_wait3A_125] : memref<10000x8xf32, #tpu.memory_space<hbm>> -> memref<10000x8xf32, #tpu.memory_space<hbm>>
      tpu.wait_indirect_dma semaphore(%arg11 : memref<!tpu.dma_semaphore, #tpu.memory_space<semaphore_mem>>) src(%dma_wait3A_126 : memref<10000x8xf32, #tpu.memory_space<hbm>>) dst(%dma_wait3A_120 : memref<80x8xf32, #tpu.memory_space<vmem>>)
      %run_scoped3A_127 = arith.constant 2 : i32
      "tpu.region"() ({
        %run_scoped3A_175 = tpu.sem_alloc : memref<!tpu.dma_semaphore, #tpu.memory_space<semaphore_mem>>
        %dma_start3A_176 = arith.constant 0 : i32
        %dma_start3A_177 = arith.constant 0 : i32
        %dma_start3A_178 = tpu.memref_slice %arg9[%run_scoped3A_127, %dma_start3A_176, %dma_start3A_177] : memref<5x80x8xf32, #tpu.memory_space<vmem>> -> memref<1x80x8xf32, #tpu.memory_space<vmem>>
        %dma_start3A_179 = tpu.memref_squeeze %dma_start3A_178 : memref<1x80x8xf32, #tpu.memory_space<vmem>> -> memref<80x8xf32, #tpu.memory_space<vmem>>
        %dma_start3A_180 = arith.constant 0 : i32
        %dma_start3A_181 = tpu.memref_slice %arg8[%add3A_115, %dma_start3A_180] : memref<125x80xi32, #tpu.memory_space<vmem>> -> memref<1x80xi32, #tpu.memory_space<vmem>>
        %dma_start3A_182 = tpu.memref_squeeze %dma_start3A_181 : memref<1x80xi32, #tpu.memory_space<vmem>> -> memref<80xi32, #tpu.memory_space<vmem>>
        %dma_start3A_183 = arith.constant 0 : i32
        %dma_start3A_184 = arith.constant 0 : i32
        %dma_start3A_185 = tpu.memref_slice %arg10[%dma_start3A_183, %dma_start3A_184] : memref<10240x8xf32, #tpu.memory_space<vmem_shared>> -> memref<10240x8xf32, #tpu.memory_space<vmem_shared>>
        tpu.enqueue_indirect_dma source(%dma_start3A_179 : memref<80x8xf32, #tpu.memory_space<vmem>>) target(%dma_start3A_185 : memref<10240x8xf32, #tpu.memory_space<vmem_shared>>) offsets(%dma_start3A_182 : memref<80xi32, #tpu.memory_space<vmem>>) semaphore(%run_scoped3A_175 : memref<!tpu.dma_semaphore, #tpu.memory_space<semaphore_mem>>) {add = true}
        %dma_wait3A_186 = arith.constant 0 : i32
        %dma_wait3A_187 = arith.constant 0 : i32
        %dma_wait3A_188 = tpu.memref_slice %arg9[%run_scoped3A_127, %dma_wait3A_186, %dma_wait3A_187] : memref<5x80x8xf32, #tpu.memory_space<vmem>> -> memref<1x80x8xf32, #tpu.memory_space<vmem>>
        %dma_wait3A_189 = tpu.memref_squeeze %dma_wait3A_188 : memref<1x80x8xf32, #tpu.memory_space<vmem>> -> memref<80x8xf32, #tpu.memory_space<vmem>>
        %dma_wait3A_190 = arith.constant 0 : i32
        %dma_wait3A_191 = tpu.memref_slice %arg8[%add3A_115, %dma_wait3A_190] : memref<125x80xi32, #tpu.memory_space<vmem>> -> memref<1x80xi32, #tpu.memory_space<vmem>>
        %dma_wait3A_192 = tpu.memref_squeeze %dma_wait3A_191 : memref<1x80xi32, #tpu.memory_space<vmem>> -> memref<80xi32, #tpu.memory_space<vmem>>
        %dma_wait3A_193 = arith.constant 0 : i32
        %dma_wait3A_194 = arith.constant 0 : i32
        %dma_wait3A_195 = tpu.memref_slice %arg10[%dma_wait3A_193, %dma_wait3A_194] : memref<10240x8xf32, #tpu.memory_space<vmem_shared>> -> memref<10240x8xf32, #tpu.memory_space<vmem_shared>>
        tpu.wait_indirect_dma semaphore(%run_scoped3A_175 : memref<!tpu.dma_semaphore, #tpu.memory_space<semaphore_mem>>) src(%dma_wait3A_189 : memref<80x8xf32, #tpu.memory_space<vmem>>) dst(%dma_wait3A_195 : memref<10240x8xf32, #tpu.memory_space<vmem_shared>>)
        tpu.yield
      }) : () -> ()
      %lt3A_128 = arith.constant 24 : i32
      %lt3A_129 = arith.cmpi slt, %scan3A_74, %lt3A_128 : i32
      %convert_element_type3A_130 = arith.extui %lt3A_129 : i1 to i32
      %cond3A_131 = arith.constant 0 : i32
      %cond3A_132 = arith.cmpi ne, %convert_element_type3A_130, %cond3A_131 : i32
      scf.if %cond3A_132 {
        %add3A_175 = arith.constant 5 : i32
        %add3A_176 = arith.addi %add3A_115, %add3A_175 : i32
        %dma_start3A_177 = arith.constant 2 : i32
        %dma_start3A_178 = arith.constant 0 : i32
        %dma_start3A_179 = arith.constant 0 : i32
        %dma_start3A_180 = tpu.memref_slice %arg9[%dma_start3A_177, %dma_start3A_178, %dma_start3A_179] : memref<5x80x8xf32, #tpu.memory_space<vmem>> -> memref<1x80x8xf32, #tpu.memory_space<vmem>>
        %dma_start3A_181 = tpu.memref_squeeze %dma_start3A_180 : memref<1x80x8xf32, #tpu.memory_space<vmem>> -> memref<80x8xf32, #tpu.memory_space<vmem>>
        %dma_start3A_182 = arith.constant 0 : i32
        %dma_start3A_183 = tpu.memref_slice %arg7[%add3A_176, %dma_start3A_182] : memref<125x80xi32, #tpu.memory_space<vmem>> -> memref<1x80xi32, #tpu.memory_space<vmem>>
        %dma_start3A_184 = tpu.memref_squeeze %dma_start3A_183 : memref<1x80xi32, #tpu.memory_space<vmem>> -> memref<80xi32, #tpu.memory_space<vmem>>
        %dma_start3A_185 = arith.constant 0 : i32
        %dma_start3A_186 = arith.constant 0 : i32
        %dma_start3A_187 = tpu.memref_slice %arg2[%dma_start3A_185, %dma_start3A_186] : memref<10000x8xf32, #tpu.memory_space<hbm>> -> memref<10000x8xf32, #tpu.memory_space<hbm>>
        tpu.enqueue_indirect_dma source(%dma_start3A_187 : memref<10000x8xf32, #tpu.memory_space<hbm>>) target(%dma_start3A_181 : memref<80x8xf32, #tpu.memory_space<vmem>>) offsets(%dma_start3A_184 : memref<80xi32, #tpu.memory_space<vmem>>) semaphore(%arg11 : memref<!tpu.dma_semaphore, #tpu.memory_space<semaphore_mem>>)
      } else {
      }
      %mul3A_133 = arith.constant 5 : i32
      %mul3A_134 = arith.muli %scan3A_74, %mul3A_133 : i32
      %add3A_135 = arith.constant 3 : i32
      %add3A_136 = arith.addi %mul3A_134, %add3A_135 : i32
      %dma_wait3A_137 = arith.constant 3 : i32
      %dma_wait3A_138 = arith.constant 0 : i32
      %dma_wait3A_139 = arith.constant 0 : i32
      %dma_wait3A_140 = tpu.memref_slice %arg9[%dma_wait3A_137, %dma_wait3A_138, %dma_wait3A_139] : memref<5x80x8xf32, #tpu.memory_space<vmem>> -> memref<1x80x8xf32, #tpu.memory_space<vmem>>
      %dma_wait3A_141 = tpu.memref_squeeze %dma_wait3A_140 : memref<1x80x8xf32, #tpu.memory_space<vmem>> -> memref<80x8xf32, #tpu.memory_space<vmem>>
      %dma_wait3A_142 = arith.constant 0 : i32
      %dma_wait3A_143 = tpu.memref_slice %arg7[%add3A_136, %dma_wait3A_142] : memref<125x80xi32, #tpu.memory_space<vmem>> -> memref<1x80xi32, #tpu.memory_space<vmem>>
      %dma_wait3A_144 = tpu.memref_squeeze %dma_wait3A_143 : memref<1x80xi32, #tpu.memory_space<vmem>> -> memref<80xi32, #tpu.memory_space<vmem>>
      %dma_wait3A_145 = arith.constant 0 : i32
      %dma_wait3A_146 = arith.constant 0 : i32
      %dma_wait3A_147 = tpu.memref_slice %arg2[%dma_wait3A_145, %dma_wait3A_146] : memref<10000x8xf32, #tpu.memory_space<hbm>> -> memref<10000x8xf32, #tpu.memory_space<hbm>>
      tpu.wait_indirect_dma semaphore(%arg11 : memref<!tpu.dma_semaphore, #tpu.memory_space<semaphore_mem>>) src(%dma_wait3A_147 : memref<10000x8xf32, #tpu.memory_space<hbm>>) dst(%dma_wait3A_141 : memref<80x8xf32, #tpu.memory_space<vmem>>)
      %run_scoped3A_148 = arith.constant 3 : i32
      "tpu.region"() ({
        %run_scoped3A_175 = tpu.sem_alloc : memref<!tpu.dma_semaphore, #tpu.memory_space<semaphore_mem>>
        %dma_start3A_176 = arith.constant 0 : i32
        %dma_start3A_177 = arith.constant 0 : i32
        %dma_start3A_178 = tpu.memref_slice %arg9[%run_scoped3A_148, %dma_start3A_176, %dma_start3A_177] : memref<5x80x8xf32, #tpu.memory_space<vmem>> -> memref<1x80x8xf32, #tpu.memory_space<vmem>>
        %dma_start3A_179 = tpu.memref_squeeze %dma_start3A_178 : memref<1x80x8xf32, #tpu.memory_space<vmem>> -> memref<80x8xf32, #tpu.memory_space<vmem>>
        %dma_start3A_180 = arith.constant 0 : i32
        %dma_start3A_181 = tpu.memref_slice %arg8[%add3A_136, %dma_start3A_180] : memref<125x80xi32, #tpu.memory_space<vmem>> -> memref<1x80xi32, #tpu.memory_space<vmem>>
        %dma_start3A_182 = tpu.memref_squeeze %dma_start3A_181 : memref<1x80xi32, #tpu.memory_space<vmem>> -> memref<80xi32, #tpu.memory_space<vmem>>
        %dma_start3A_183 = arith.constant 0 : i32
        %dma_start3A_184 = arith.constant 0 : i32
        %dma_start3A_185 = tpu.memref_slice %arg10[%dma_start3A_183, %dma_start3A_184] : memref<10240x8xf32, #tpu.memory_space<vmem_shared>> -> memref<10240x8xf32, #tpu.memory_space<vmem_shared>>
        tpu.enqueue_indirect_dma source(%dma_start3A_179 : memref<80x8xf32, #tpu.memory_space<vmem>>) target(%dma_start3A_185 : memref<10240x8xf32, #tpu.memory_space<vmem_shared>>) offsets(%dma_start3A_182 : memref<80xi32, #tpu.memory_space<vmem>>) semaphore(%run_scoped3A_175 : memref<!tpu.dma_semaphore, #tpu.memory_space<semaphore_mem>>) {add = true}
        %dma_wait3A_186 = arith.constant 0 : i32
        %dma_wait3A_187 = arith.constant 0 : i32
        %dma_wait3A_188 = tpu.memref_slice %arg9[%run_scoped3A_148, %dma_wait3A_186, %dma_wait3A_187] : memref<5x80x8xf32, #tpu.memory_space<vmem>> -> memref<1x80x8xf32, #tpu.memory_space<vmem>>
        %dma_wait3A_189 = tpu.memref_squeeze %dma_wait3A_188 : memref<1x80x8xf32, #tpu.memory_space<vmem>> -> memref<80x8xf32, #tpu.memory_space<vmem>>
        %dma_wait3A_190 = arith.constant 0 : i32
        %dma_wait3A_191 = tpu.memref_slice %arg8[%add3A_136, %dma_wait3A_190] : memref<125x80xi32, #tpu.memory_space<vmem>> -> memref<1x80xi32, #tpu.memory_space<vmem>>
        %dma_wait3A_192 = tpu.memref_squeeze %dma_wait3A_191 : memref<1x80xi32, #tpu.memory_space<vmem>> -> memref<80xi32, #tpu.memory_space<vmem>>
        %dma_wait3A_193 = arith.constant 0 : i32
        %dma_wait3A_194 = arith.constant 0 : i32
        %dma_wait3A_195 = tpu.memref_slice %arg10[%dma_wait3A_193, %dma_wait3A_194] : memref<10240x8xf32, #tpu.memory_space<vmem_shared>> -> memref<10240x8xf32, #tpu.memory_space<vmem_shared>>
        tpu.wait_indirect_dma semaphore(%run_scoped3A_175 : memref<!tpu.dma_semaphore, #tpu.memory_space<semaphore_mem>>) src(%dma_wait3A_189 : memref<80x8xf32, #tpu.memory_space<vmem>>) dst(%dma_wait3A_195 : memref<10240x8xf32, #tpu.memory_space<vmem_shared>>)
        tpu.yield
      }) : () -> ()
      %lt3A_149 = arith.constant 24 : i32
      %lt3A_150 = arith.cmpi slt, %scan3A_74, %lt3A_149 : i32
      %convert_element_type3A_151 = arith.extui %lt3A_150 : i1 to i32
      %cond3A_152 = arith.constant 0 : i32
      %cond3A_153 = arith.cmpi ne, %convert_element_type3A_151, %cond3A_152 : i32
      scf.if %cond3A_153 {
        %add3A_175 = arith.constant 5 : i32
        %add3A_176 = arith.addi %add3A_136, %add3A_175 : i32
        %dma_start3A_177 = arith.constant 3 : i32
        %dma_start3A_178 = arith.constant 0 : i32
        %dma_start3A_179 = arith.constant 0 : i32
        %dma_start3A_180 = tpu.memref_slice %arg9[%dma_start3A_177, %dma_start3A_178, %dma_start3A_179] : memref<5x80x8xf32, #tpu.memory_space<vmem>> -> memref<1x80x8xf32, #tpu.memory_space<vmem>>
        %dma_start3A_181 = tpu.memref_squeeze %dma_start3A_180 : memref<1x80x8xf32, #tpu.memory_space<vmem>> -> memref<80x8xf32, #tpu.memory_space<vmem>>
        %dma_start3A_182 = arith.constant 0 : i32
        %dma_start3A_183 = tpu.memref_slice %arg7[%add3A_176, %dma_start3A_182] : memref<125x80xi32, #tpu.memory_space<vmem>> -> memref<1x80xi32, #tpu.memory_space<vmem>>
        %dma_start3A_184 = tpu.memref_squeeze %dma_start3A_183 : memref<1x80xi32, #tpu.memory_space<vmem>> -> memref<80xi32, #tpu.memory_space<vmem>>
        %dma_start3A_185 = arith.constant 0 : i32
        %dma_start3A_186 = arith.constant 0 : i32
        %dma_start3A_187 = tpu.memref_slice %arg2[%dma_start3A_185, %dma_start3A_186] : memref<10000x8xf32, #tpu.memory_space<hbm>> -> memref<10000x8xf32, #tpu.memory_space<hbm>>
        tpu.enqueue_indirect_dma source(%dma_start3A_187 : memref<10000x8xf32, #tpu.memory_space<hbm>>) target(%dma_start3A_181 : memref<80x8xf32, #tpu.memory_space<vmem>>) offsets(%dma_start3A_184 : memref<80xi32, #tpu.memory_space<vmem>>) semaphore(%arg11 : memref<!tpu.dma_semaphore, #tpu.memory_space<semaphore_mem>>)
      } else {
      }
      %mul3A_154 = arith.constant 5 : i32
      %mul3A_155 = arith.muli %scan3A_74, %mul3A_154 : i32
      %add3A_156 = arith.constant 4 : i32
      %add3A_157 = arith.addi %mul3A_155, %add3A_156 : i32
      %dma_wait3A_158 = arith.constant 4 : i32
      %dma_wait3A_159 = arith.constant 0 : i32
      %dma_wait3A_160 = arith.constant 0 : i32
      %dma_wait3A_161 = tpu.memref_slice %arg9[%dma_wait3A_158, %dma_wait3A_159, %dma_wait3A_160] : memref<5x80x8xf32, #tpu.memory_space<vmem>> -> memref<1x80x8xf32, #tpu.memory_space<vmem>>
      %dma_wait3A_162 = tpu.memref_squeeze %dma_wait3A_161 : memref<1x80x8xf32, #tpu.memory_space<vmem>> -> memref<80x8xf32, #tpu.memory_space<vmem>>
      %dma_wait3A_163 = arith.constant 0 : i32
      %dma_wait3A_164 = tpu.memref_slice %arg7[%add3A_157, %dma_wait3A_163] : memref<125x80xi32, #tpu.memory_space<vmem>> -> memref<1x80xi32, #tpu.memory_space<vmem>>
      %dma_wait3A_165 = tpu.memref_squeeze %dma_wait3A_164 : memref<1x80xi32, #tpu.memory_space<vmem>> -> memref<80xi32, #tpu.memory_space<vmem>>
      %dma_wait3A_166 = arith.constant 0 : i32
      %dma_wait3A_167 = arith.constant 0 : i32
      %dma_wait3A_168 = tpu.memref_slice %arg2[%dma_wait3A_166, %dma_wait3A_167] : memref<10000x8xf32, #tpu.memory_space<hbm>> -> memref<10000x8xf32, #tpu.memory_space<hbm>>
      tpu.wait_indirect_dma semaphore(%arg11 : memref<!tpu.dma_semaphore, #tpu.memory_space<semaphore_mem>>) src(%dma_wait3A_168 : memref<10000x8xf32, #tpu.memory_space<hbm>>) dst(%dma_wait3A_162 : memref<80x8xf32, #tpu.memory_space<vmem>>)
      %run_scoped3A_169 = arith.constant 4 : i32
      "tpu.region"() ({
        %run_scoped3A_175 = tpu.sem_alloc : memref<!tpu.dma_semaphore, #tpu.memory_space<semaphore_mem>>
        %dma_start3A_176 = arith.constant 0 : i32
        %dma_start3A_177 = arith.constant 0 : i32
        %dma_start3A_178 = tpu.memref_slice %arg9[%run_scoped3A_169, %dma_start3A_176, %dma_start3A_177] : memref<5x80x8xf32, #tpu.memory_space<vmem>> -> memref<1x80x8xf32, #tpu.memory_space<vmem>>
        %dma_start3A_179 = tpu.memref_squeeze %dma_start3A_178 : memref<1x80x8xf32, #tpu.memory_space<vmem>> -> memref<80x8xf32, #tpu.memory_space<vmem>>
        %dma_start3A_180 = arith.constant 0 : i32
        %dma_start3A_181 = tpu.memref_slice %arg8[%add3A_157, %dma_start3A_180] : memref<125x80xi32, #tpu.memory_space<vmem>> -> memref<1x80xi32, #tpu.memory_space<vmem>>
        %dma_start3A_182 = tpu.memref_squeeze %dma_start3A_181 : memref<1x80xi32, #tpu.memory_space<vmem>> -> memref<80xi32, #tpu.memory_space<vmem>>
        %dma_start3A_183 = arith.constant 0 : i32
        %dma_start3A_184 = arith.constant 0 : i32
        %dma_start3A_185 = tpu.memref_slice %arg10[%dma_start3A_183, %dma_start3A_184] : memref<10240x8xf32, #tpu.memory_space<vmem_shared>> -> memref<10240x8xf32, #tpu.memory_space<vmem_shared>>
        tpu.enqueue_indirect_dma source(%dma_start3A_179 : memref<80x8xf32, #tpu.memory_space<vmem>>) target(%dma_start3A_185 : memref<10240x8xf32, #tpu.memory_space<vmem_shared>>) offsets(%dma_start3A_182 : memref<80xi32, #tpu.memory_space<vmem>>) semaphore(%run_scoped3A_175 : memref<!tpu.dma_semaphore, #tpu.memory_space<semaphore_mem>>) {add = true}
        %dma_wait3A_186 = arith.constant 0 : i32
        %dma_wait3A_187 = arith.constant 0 : i32
        %dma_wait3A_188 = tpu.memref_slice %arg9[%run_scoped3A_169, %dma_wait3A_186, %dma_wait3A_187] : memref<5x80x8xf32, #tpu.memory_space<vmem>> -> memref<1x80x8xf32, #tpu.memory_space<vmem>>
        %dma_wait3A_189 = tpu.memref_squeeze %dma_wait3A_188 : memref<1x80x8xf32, #tpu.memory_space<vmem>> -> memref<80x8xf32, #tpu.memory_space<vmem>>
        %dma_wait3A_190 = arith.constant 0 : i32
        %dma_wait3A_191 = tpu.memref_slice %arg8[%add3A_157, %dma_wait3A_190] : memref<125x80xi32, #tpu.memory_space<vmem>> -> memref<1x80xi32, #tpu.memory_space<vmem>>
        %dma_wait3A_192 = tpu.memref_squeeze %dma_wait3A_191 : memref<1x80xi32, #tpu.memory_space<vmem>> -> memref<80xi32, #tpu.memory_space<vmem>>
        %dma_wait3A_193 = arith.constant 0 : i32
        %dma_wait3A_194 = arith.constant 0 : i32
        %dma_wait3A_195 = tpu.memref_slice %arg10[%dma_wait3A_193, %dma_wait3A_194] : memref<10240x8xf32, #tpu.memory_space<vmem_shared>> -> memref<10240x8xf32, #tpu.memory_space<vmem_shared>>
        tpu.wait_indirect_dma semaphore(%run_scoped3A_175 : memref<!tpu.dma_semaphore, #tpu.memory_space<semaphore_mem>>) src(%dma_wait3A_189 : memref<80x8xf32, #tpu.memory_space<vmem>>) dst(%dma_wait3A_195 : memref<10240x8xf32, #tpu.memory_space<vmem_shared>>)
        tpu.yield
      }) : () -> ()
      %lt3A_170 = arith.constant 24 : i32
      %lt3A_171 = arith.cmpi slt, %scan3A_74, %lt3A_170 : i32
      %convert_element_type3A_172 = arith.extui %lt3A_171 : i1 to i32
      %cond3A_173 = arith.constant 0 : i32
      %cond3A_174 = arith.cmpi ne, %convert_element_type3A_172, %cond3A_173 : i32
      scf.if %cond3A_174 {
        %add3A_175 = arith.constant 5 : i32
        %add3A_176 = arith.addi %add3A_157, %add3A_175 : i32
        %dma_start3A_177 = arith.constant 4 : i32
        %dma_start3A_178 = arith.constant 0 : i32
        %dma_start3A_179 = arith.constant 0 : i32
        %dma_start3A_180 = tpu.memref_slice %arg9[%dma_start3A_177, %dma_start3A_178, %dma_start3A_179] : memref<5x80x8xf32, #tpu.memory_space<vmem>> -> memref<1x80x8xf32, #tpu.memory_space<vmem>>
        %dma_start3A_181 = tpu.memref_squeeze %dma_start3A_180 : memref<1x80x8xf32, #tpu.memory_space<vmem>> -> memref<80x8xf32, #tpu.memory_space<vmem>>
        %dma_start3A_182 = arith.constant 0 : i32
        %dma_start3A_183 = tpu.memref_slice %arg7[%add3A_176, %dma_start3A_182] : memref<125x80xi32, #tpu.memory_space<vmem>> -> memref<1x80xi32, #tpu.memory_space<vmem>>
        %dma_start3A_184 = tpu.memref_squeeze %dma_start3A_183 : memref<1x80xi32, #tpu.memory_space<vmem>> -> memref<80xi32, #tpu.memory_space<vmem>>
        %dma_start3A_185 = arith.constant 0 : i32
        %dma_start3A_186 = arith.constant 0 : i32
        %dma_start3A_187 = tpu.memref_slice %arg2[%dma_start3A_185, %dma_start3A_186] : memref<10000x8xf32, #tpu.memory_space<hbm>> -> memref<10000x8xf32, #tpu.memory_space<hbm>>
        tpu.enqueue_indirect_dma source(%dma_start3A_187 : memref<10000x8xf32, #tpu.memory_space<hbm>>) target(%dma_start3A_181 : memref<80x8xf32, #tpu.memory_space<vmem>>) offsets(%dma_start3A_184 : memref<80xi32, #tpu.memory_space<vmem>>) semaphore(%arg11 : memref<!tpu.dma_semaphore, #tpu.memory_space<semaphore_mem>>)
      } else {
      }
    }
    %scan3A_68 = arith.constant 25 : i32
    %barrier3A_69 = arith.constant 0 : index
    tpu.barrier barrier_id(%barrier3A_69)
    %mul3A_70 = arith.constant 640 : i32
    %mul3A_71 = arith.muli %arg1, %mul3A_70 : i32
    %mul3A_72 = arith.constant 640 : i32
    %mul3A_73 = arith.muli %arg1, %mul3A_72 : i32
    "tpu.region"() ({
      %run_scoped3A = tpu.sem_alloc : memref<!tpu.dma_semaphore, #tpu.memory_space<semaphore_mem>>
      %dma_start3A_74 = arith.constant 0 : i32
      %dma_start3A_75 = arith.constant 0 : i32
      %dma_start3A_76 = tpu.memref_slice %arg6[%arg0, %dma_start3A_74, %dma_start3A_75] : memref<2x10240x8xf32, #tpu.memory_space<hbm>> -> memref<1x10240x8xf32, #tpu.memory_space<hbm>>
      %dma_start3A_77 = tpu.memref_squeeze %dma_start3A_76 : memref<1x10240x8xf32, #tpu.memory_space<hbm>> -> memref<10240x8xf32, #tpu.memory_space<hbm>>
      %dma_start3A_78 = arith.constant 0 : i32
      %dma_start3A_79 = tpu.memref_slice %dma_start3A_77[%mul3A_73, %dma_start3A_78] : memref<10240x8xf32, #tpu.memory_space<hbm>> -> memref<640x8xf32, #tpu.memory_space<hbm>>
      %dma_start3A_80 = arith.constant 0 : i32
      %dma_start3A_81 = tpu.memref_slice %arg10[%mul3A_71, %dma_start3A_80] : memref<10240x8xf32, #tpu.memory_space<vmem_shared>> -> memref<640x8xf32, #tpu.memory_space<vmem_shared>>
      tpu.enqueue_dma source(%dma_start3A_81 : memref<640x8xf32, #tpu.memory_space<vmem_shared>>) target(%dma_start3A_79 : memref<640x8xf32, #tpu.memory_space<hbm>>) target_semaphore(%run_scoped3A : memref<!tpu.dma_semaphore, #tpu.memory_space<semaphore_mem>>)
      %dma_wait3A = arith.constant 0 : i32
      %dma_wait3A_82 = arith.constant 0 : i32
      %dma_wait3A_83 = tpu.memref_slice %arg6[%arg0, %dma_wait3A, %dma_wait3A_82] : memref<2x10240x8xf32, #tpu.memory_space<hbm>> -> memref<1x10240x8xf32, #tpu.memory_space<hbm>>
      %dma_wait3A_84 = tpu.memref_squeeze %dma_wait3A_83 : memref<1x10240x8xf32, #tpu.memory_space<hbm>> -> memref<10240x8xf32, #tpu.memory_space<hbm>>
      %dma_wait3A_85 = arith.constant 0 : i32
      %dma_wait3A_86 = tpu.memref_slice %dma_wait3A_84[%mul3A_73, %dma_wait3A_85] : memref<10240x8xf32, #tpu.memory_space<hbm>> -> memref<640x8xf32, #tpu.memory_space<hbm>>
      %dma_wait3A_87 = arith.constant 0 : i32
      %dma_wait3A_88 = tpu.memref_slice %arg10[%mul3A_71, %dma_wait3A_87] : memref<10240x8xf32, #tpu.memory_space<vmem_shared>> -> memref<640x8xf32, #tpu.memory_space<vmem_shared>>
      tpu.wait_dma2 semaphore(%run_scoped3A : memref<!tpu.dma_semaphore, #tpu.memory_space<semaphore_mem>>) src(%dma_wait3A_88 : memref<640x8xf32, #tpu.memory_space<vmem_shared>>) dst(%dma_wait3A_86 : memref<640x8xf32, #tpu.memory_space<hbm>>)
      tpu.yield
    }) : () -> ()
    return
  }
}

#map = affine_map<(d0, d1) -> (0, 0)>
#map1 = affine_map<(d0, d1) -> (0, 0, 0)>
module attributes {stable_mosaic.version = 14 : i64} {
  func.func @gin2(%arg0: i32, %arg1: i32, %arg2: memref<10240x8xf32, #tpu.memory_space<hbm>>, %arg3: memref<10240x8xf32, #tpu.memory_space<hbm>>, %arg4: memref<32x10000xi32, #tpu.memory_space<hbm>>, %arg5: memref<32x10000xi32, #tpu.memory_space<hbm>>, %arg6: memref<4x16xf32, #tpu.memory_space<hbm>>, %arg7: memref<320x8xf32, #tpu.memory_space<hbm>>, %arg8: memref<2x320x8xf32, #tpu.memory_space<hbm>>, %arg9: memref<256x8xf32, #tpu.memory_space<hbm>>, %arg10: memref<10000xi32, #tpu.memory_space<vmem>>, %arg11: memref<10000xi32, #tpu.memory_space<vmem>>, %arg12: memref<640x16xi32, #tpu.memory_space<vmem>>, %arg13: memref<640x16xi32, #tpu.memory_space<vmem>>, %arg14: memref<16x8xf32, #tpu.memory_space<vmem>>, %arg15: memref<16x8xf32, #tpu.memory_space<vmem>>, %arg16: memref<16x8xf32, #tpu.memory_space<vmem>>, %arg17: memref<16x8xf32, #tpu.memory_space<vmem>>, %arg18: memref<16x8xf32, #tpu.memory_space<vmem>>, %arg19: memref<4x16xf32, #tpu.memory_space<vmem>>, %arg20: memref<16x8xf32, #tpu.memory_space<vmem>>, %arg21: memref<16x8xf32, #tpu.memory_space<vmem>>, %arg22: memref<320x8xf32, #tpu.memory_space<vmem_shared>>, %arg23: memref<!tpu.dma_semaphore, #tpu.memory_space<semaphore_mem>>) attributes {dimension_semantics = [#tpu.dimension_semantics<core_parallel>, #tpu.dimension_semantics<subcore_parallel>], iteration_bounds = array<i64: 2, 16>, scalar_prefetch = 0 : i64, scratch_operands = 14 : i64, tpu.core_type = #tpu.core_type<sc_vector_subcore>, window_params = [{transform_indices = #map}, {transform_indices = #map}, {transform_indices = #map}, {transform_indices = #map}, {transform_indices = #map}, {transform_indices = #map}, {transform_indices = #map1}, {transform_indices = #map}]} {
    %mul3A = arith.constant 16 : i32
    %mul3A_0 = arith.muli %arg0, %mul3A : i32
    %add3A = arith.addi %mul3A_0, %arg1 : i32
    "tpu.region"() ({
      %run_scoped3A = tpu.sem_alloc : memref<!tpu.dma_semaphore, #tpu.memory_space<semaphore_mem>>
      %dma_start3A = arith.constant 0 : i32
      %dma_start3A_59 = tpu.memref_slice %arg4[%add3A, %dma_start3A] : memref<32x10000xi32, #tpu.memory_space<hbm>> -> memref<1x10000xi32, #tpu.memory_space<hbm>>
      %dma_start3A_60 = tpu.memref_squeeze %dma_start3A_59 : memref<1x10000xi32, #tpu.memory_space<hbm>> -> memref<10000xi32, #tpu.memory_space<hbm>>
      %dma_start3A_61 = arith.constant 0 : i32
      %dma_start3A_62 = tpu.memref_slice %arg4[%add3A, %dma_start3A_61] : memref<32x10000xi32, #tpu.memory_space<hbm>> -> memref<1x10000xi32, #tpu.memory_space<hbm>>
      %dma_start3A_63 = tpu.memref_squeeze %dma_start3A_62 : memref<1x10000xi32, #tpu.memory_space<hbm>> -> memref<10000xi32, #tpu.memory_space<hbm>>
      tpu.enqueue_dma source(%dma_start3A_63 : memref<10000xi32, #tpu.memory_space<hbm>>) target(%arg10 : memref<10000xi32, #tpu.memory_space<vmem>>) target_semaphore(%run_scoped3A : memref<!tpu.dma_semaphore, #tpu.memory_space<semaphore_mem>>)
      %dma_wait3A = arith.constant 0 : i32
      %dma_wait3A_64 = tpu.memref_slice %arg4[%add3A, %dma_wait3A] : memref<32x10000xi32, #tpu.memory_space<hbm>> -> memref<1x10000xi32, #tpu.memory_space<hbm>>
      %dma_wait3A_65 = tpu.memref_squeeze %dma_wait3A_64 : memref<1x10000xi32, #tpu.memory_space<hbm>> -> memref<10000xi32, #tpu.memory_space<hbm>>
      %dma_wait3A_66 = arith.constant 0 : i32
      %dma_wait3A_67 = tpu.memref_slice %arg4[%add3A, %dma_wait3A_66] : memref<32x10000xi32, #tpu.memory_space<hbm>> -> memref<1x10000xi32, #tpu.memory_space<hbm>>
      %dma_wait3A_68 = tpu.memref_squeeze %dma_wait3A_67 : memref<1x10000xi32, #tpu.memory_space<hbm>> -> memref<10000xi32, #tpu.memory_space<hbm>>
      tpu.wait_dma2 semaphore(%run_scoped3A : memref<!tpu.dma_semaphore, #tpu.memory_space<semaphore_mem>>) src(%dma_wait3A_68 : memref<10000xi32, #tpu.memory_space<hbm>>) dst(%arg10 : memref<10000xi32, #tpu.memory_space<vmem>>)
      tpu.yield
    }) : () -> ()
    "tpu.region"() ({
      %run_scoped3A = tpu.sem_alloc : memref<!tpu.dma_semaphore, #tpu.memory_space<semaphore_mem>>
      %dma_start3A = arith.constant 0 : i32
      %dma_start3A_59 = tpu.memref_slice %arg5[%add3A, %dma_start3A] : memref<32x10000xi32, #tpu.memory_space<hbm>> -> memref<1x10000xi32, #tpu.memory_space<hbm>>
      %dma_start3A_60 = tpu.memref_squeeze %dma_start3A_59 : memref<1x10000xi32, #tpu.memory_space<hbm>> -> memref<10000xi32, #tpu.memory_space<hbm>>
      %dma_start3A_61 = arith.constant 0 : i32
      %dma_start3A_62 = tpu.memref_slice %arg5[%add3A, %dma_start3A_61] : memref<32x10000xi32, #tpu.memory_space<hbm>> -> memref<1x10000xi32, #tpu.memory_space<hbm>>
      %dma_start3A_63 = tpu.memref_squeeze %dma_start3A_62 : memref<1x10000xi32, #tpu.memory_space<hbm>> -> memref<10000xi32, #tpu.memory_space<hbm>>
      tpu.enqueue_dma source(%dma_start3A_63 : memref<10000xi32, #tpu.memory_space<hbm>>) target(%arg11 : memref<10000xi32, #tpu.memory_space<vmem>>) target_semaphore(%run_scoped3A : memref<!tpu.dma_semaphore, #tpu.memory_space<semaphore_mem>>)
      %dma_wait3A = arith.constant 0 : i32
      %dma_wait3A_64 = tpu.memref_slice %arg5[%add3A, %dma_wait3A] : memref<32x10000xi32, #tpu.memory_space<hbm>> -> memref<1x10000xi32, #tpu.memory_space<hbm>>
      %dma_wait3A_65 = tpu.memref_squeeze %dma_wait3A_64 : memref<1x10000xi32, #tpu.memory_space<hbm>> -> memref<10000xi32, #tpu.memory_space<hbm>>
      %dma_wait3A_66 = arith.constant 0 : i32
      %dma_wait3A_67 = tpu.memref_slice %arg5[%add3A, %dma_wait3A_66] : memref<32x10000xi32, #tpu.memory_space<hbm>> -> memref<1x10000xi32, #tpu.memory_space<hbm>>
      %dma_wait3A_68 = tpu.memref_squeeze %dma_wait3A_67 : memref<1x10000xi32, #tpu.memory_space<hbm>> -> memref<10000xi32, #tpu.memory_space<hbm>>
      tpu.wait_dma2 semaphore(%run_scoped3A : memref<!tpu.dma_semaphore, #tpu.memory_space<semaphore_mem>>) src(%dma_wait3A_68 : memref<10000xi32, #tpu.memory_space<hbm>>) dst(%arg11 : memref<10000xi32, #tpu.memory_space<vmem>>)
      tpu.yield
    }) : () -> ()
    "tpu.region"() ({
      %run_scoped3A = tpu.sem_alloc : memref<!tpu.dma_semaphore, #tpu.memory_space<semaphore_mem>>
      tpu.enqueue_dma source(%arg6 : memref<4x16xf32, #tpu.memory_space<hbm>>) target(%arg19 : memref<4x16xf32, #tpu.memory_space<vmem>>) target_semaphore(%run_scoped3A : memref<!tpu.dma_semaphore, #tpu.memory_space<semaphore_mem>>)
      tpu.wait_dma2 semaphore(%run_scoped3A : memref<!tpu.dma_semaphore, #tpu.memory_space<semaphore_mem>>) src(%arg6 : memref<4x16xf32, #tpu.memory_space<hbm>>) dst(%arg19 : memref<4x16xf32, #tpu.memory_space<vmem>>)
      tpu.yield
    }) : () -> ()
    %mul3A_1 = arith.constant 20 : i32
    %mul3A_2 = arith.muli %arg1, %mul3A_1 : i32
    %mul3A_3 = arith.constant 20 : i32
    %mul3A_4 = arith.muli %arg1, %mul3A_3 : i32
    "tpu.region"() ({
      %run_scoped3A = tpu.sem_alloc : memref<!tpu.dma_semaphore, #tpu.memory_space<semaphore_mem>>
      %dma_start3A = arith.constant 0 : i32
      %dma_start3A_59 = tpu.memref_slice %arg22[%mul3A_4, %dma_start3A] : memref<320x8xf32, #tpu.memory_space<vmem_shared>> -> memref<20x8xf32, #tpu.memory_space<vmem_shared>>
      %dma_start3A_60 = arith.constant 0 : i32
      %dma_start3A_61 = tpu.memref_slice %arg7[%mul3A_2, %dma_start3A_60] : memref<320x8xf32, #tpu.memory_space<hbm>> -> memref<20x8xf32, #tpu.memory_space<hbm>>
      tpu.enqueue_dma source(%dma_start3A_61 : memref<20x8xf32, #tpu.memory_space<hbm>>) target(%dma_start3A_59 : memref<20x8xf32, #tpu.memory_space<vmem_shared>>) target_semaphore(%run_scoped3A : memref<!tpu.dma_semaphore, #tpu.memory_space<semaphore_mem>>)
      %dma_wait3A = arith.constant 0 : i32
      %dma_wait3A_62 = tpu.memref_slice %arg22[%mul3A_4, %dma_wait3A] : memref<320x8xf32, #tpu.memory_space<vmem_shared>> -> memref<20x8xf32, #tpu.memory_space<vmem_shared>>
      %dma_wait3A_63 = arith.constant 0 : i32
      %dma_wait3A_64 = tpu.memref_slice %arg7[%mul3A_2, %dma_wait3A_63] : memref<320x8xf32, #tpu.memory_space<hbm>> -> memref<20x8xf32, #tpu.memory_space<hbm>>
      tpu.wait_dma2 semaphore(%run_scoped3A : memref<!tpu.dma_semaphore, #tpu.memory_space<semaphore_mem>>) src(%dma_wait3A_64 : memref<20x8xf32, #tpu.memory_space<hbm>>) dst(%dma_wait3A_62 : memref<20x8xf32, #tpu.memory_space<vmem_shared>>)
      tpu.yield
    }) : () -> ()
    %iota3A = tpu.iota {dimensions = array<i32: 0>} : vector<16xi32>
    %shift_right_logical3A = arith.constant 3 : i32
    %shift_right_logical3A_5 = vector.broadcast %shift_right_logical3A : i32 to vector<16xi32>
    %shift_right_logical3A_6 = arith.shrui %iota3A, %shift_right_logical3A_5 : vector<16xi32>
    %and3A = arith.constant 7 : i32
    %and3A_7 = vector.broadcast %and3A : i32 to vector<16xi32>
    %and3A_8 = arith.andi %iota3A, %and3A_7 : vector<16xi32>
    %broadcast_in_dim3A = arith.constant 0 : i32
    %broadcast_in_dim3A_9 = vector.broadcast %broadcast_in_dim3A : i32 to vector<16xi32>
    %scan3A = arith.constant 0 : i32
    %scan3A_10 = arith.constant 625 : i32
    %scan3A_11 = arith.addi %scan3A, %scan3A_10 : i32
    %scan3A_12 = arith.constant 1 : i32
    %scan3A_13 = scf.for %scan3A_59 = %scan3A to %scan3A_11 step %scan3A_12 iter_args(%scan3A_60 = %broadcast_in_dim3A_9) -> (vector<16xi32>)  : i32 {
      %mul3A_61 = arith.constant 16 : i32
      %mul3A_62 = arith.muli %scan3A_59, %mul3A_61 : i32
      %get3A = arith.index_cast %mul3A_62 : i32 to index
      %get3A_63 = tpu.vector_load %arg11[%get3A] {strides = array<i32>} : memref<10000xi32, #tpu.memory_space<vmem>>, vector<16xi32>,
      %get3A_64 = arith.index_cast %mul3A_62 : i32 to index
      %get3A_65 = tpu.vector_load %arg10[%get3A_64] {strides = array<i32>} : memref<10000xi32, #tpu.memory_space<vmem>>, vector<16xi32>,
      %lt3A = arith.constant 256 : i32
      %lt3A_66 = vector.broadcast %lt3A : i32 to vector<16xi32>
      %lt3A_67 = arith.cmpi slt, %get3A_63, %lt3A_66 : vector<16xi32>
      tpu.vector_store_idx %arg12[%scan3A_60, %iota3A], %get3A_65 masked %lt3A_67 : memref<640x16xi32, #tpu.memory_space<vmem>>[vector<16xi32>, vector<16xi32>], vector<16xi32>, vector<16xi1>
      tpu.vector_store_idx %arg13[%scan3A_60, %iota3A], %get3A_63 masked %lt3A_67 : memref<640x16xi32, #tpu.memory_space<vmem>>[vector<16xi32>, vector<16xi32>], vector<16xi32>, vector<16xi1>
      %convert_element_type3A_68 = arith.extui %lt3A_67 : vector<16xi1> to vector<16xi32>
      %add3A_69 = arith.addi %scan3A_60, %convert_element_type3A_68 : vector<16xi32>
      scf.yield %add3A_69 : vector<16xi32>
    }
    %scan3A_14 = arith.constant 625 : i32
    %reduce_max3A = arith.constant true
    %reduce_max3A_15 = vector.broadcast %reduce_max3A : i1 to vector<16xi1>
    %reduce_max3A_16 = arith.constant -2147483648 : i32
    %reduce_max3A_17 = vector.broadcast %reduce_max3A_16 : i32 to vector<16xi32>
    %reduce_max3A_18 = arith.xori %scan3A_13, %reduce_max3A_17 : vector<16xi32>
    %reduce_max3A_19 = tpu.scan <max>, %reduce_max3A_18 masked %reduce_max3A_15 : vector<16xi32>, vector<16xi1> -> vector<16xi32>
    %reduce_max3A_20 = arith.xori %reduce_max3A_19, %reduce_max3A_17 : vector<16xi32>
    %reduce_max3A_21 = vector.extract %reduce_max3A_20[15] : i32 from vector<16xi32>
    %broadcast_in_dim3A_22 = arith.constant 0 : i32
    %broadcast_in_dim3A_23 = vector.broadcast %broadcast_in_dim3A_22 : i32 to vector<16xi32>
    %broadcast_in_dim3A_24 = arith.constant 312 : i32
    %broadcast_in_dim3A_25 = vector.broadcast %broadcast_in_dim3A_24 : i32 to vector<16xi32>
    %while3A = arith.constant 0 : i32
    %while3A_26 = arith.constant 0 : i32
    %while3A_27 = arith.subi %reduce_max3A_21, %while3A_26 : i32
    %while3A_28 = arith.addi %while3A_26, %while3A_27 : i32
    %while3A_29 = arith.constant 1 : i32
    %while3A_30 = arith.divsi %while3A_27, %while3A_29 : i32
    %while3A_31 = arith.muli %while3A_30, %while3A_29 : i32
    %while3A_32 = arith.addi %while3A_26, %while3A_31 : i32
    %while3A_33 = arith.constant 1 : i32
    scf.for %while3A_59 = %while3A_26 to %while3A_32 step %while3A_33  : i32 {
      %broadcast_in_dim3A_60 = arith.constant 0 : i32
      %broadcast_in_dim3A_61 = vector.broadcast %broadcast_in_dim3A_60 : i32 to vector<16xi32>
      %add3A_62 = vector.broadcast %while3A_59 : i32 to vector<16xi32>
      %add3A_63 = arith.addi %broadcast_in_dim3A_61, %add3A_62 : vector<16xi32>
      %ge3A = arith.cmpi sge, %add3A_63, %scan3A_13 : vector<16xi32>
      tpu.vector_store_idx %arg12[%add3A_63, %iota3A], %broadcast_in_dim3A_23 masked %ge3A : memref<640x16xi32, #tpu.memory_space<vmem>>[vector<16xi32>, vector<16xi32>], vector<16xi32>, vector<16xi1>
      tpu.vector_store_idx %arg13[%add3A_63, %iota3A], %broadcast_in_dim3A_25 masked %ge3A : memref<640x16xi32, #tpu.memory_space<vmem>>[vector<16xi32>, vector<16xi32>], vector<16xi32>, vector<16xi1>
    }
    %while3A_34 = arith.constant 1 : i32
    scf.for %while3A_59 = %while3A_32 to %while3A_28 step %while3A_34  : i32 {
      %broadcast_in_dim3A_60 = arith.constant 0 : i32
      %broadcast_in_dim3A_61 = vector.broadcast %broadcast_in_dim3A_60 : i32 to vector<16xi32>
      %add3A_62 = vector.broadcast %while3A_59 : i32 to vector<16xi32>
      %add3A_63 = arith.addi %broadcast_in_dim3A_61, %add3A_62 : vector<16xi32>
      %ge3A = arith.cmpi sge, %add3A_63, %scan3A_13 : vector<16xi32>
      tpu.vector_store_idx %arg12[%add3A_63, %iota3A], %broadcast_in_dim3A_23 masked %ge3A : memref<640x16xi32, #tpu.memory_space<vmem>>[vector<16xi32>, vector<16xi32>], vector<16xi32>, vector<16xi1>
      tpu.vector_store_idx %arg13[%add3A_63, %iota3A], %broadcast_in_dim3A_25 masked %ge3A : memref<640x16xi32, #tpu.memory_space<vmem>>[vector<16xi32>, vector<16xi32>], vector<16xi32>, vector<16xi1>
    }
    %gt3A = arith.constant 0 : i32
    %gt3A_35 = arith.cmpi sgt, %reduce_max3A_21, %gt3A : i32
    %convert_element_type3A = arith.extui %gt3A_35 : i1 to i32
    %cond3A = arith.constant 0 : i32
    %cond3A_36 = arith.cmpi ne, %convert_element_type3A, %cond3A : i32
    scf.if %cond3A_36 {
      %dma_start3A = arith.constant 0 : i32
      %dma_start3A_59 = arith.constant 0 : i32
      %dma_start3A_60 = tpu.memref_slice %arg12[%dma_start3A, %dma_start3A_59] : memref<640x16xi32, #tpu.memory_space<vmem>> -> memref<1x16xi32, #tpu.memory_space<vmem>>
      %dma_start3A_61 = tpu.memref_squeeze %dma_start3A_60 : memref<1x16xi32, #tpu.memory_space<vmem>> -> memref<16xi32, #tpu.memory_space<vmem>>
      %dma_start3A_62 = arith.constant 0 : i32
      %dma_start3A_63 = arith.constant 0 : i32
      %dma_start3A_64 = tpu.memref_slice %arg2[%dma_start3A_62, %dma_start3A_63] : memref<10240x8xf32, #tpu.memory_space<hbm>> -> memref<10240x8xf32, #tpu.memory_space<hbm>>
      tpu.enqueue_indirect_dma source(%dma_start3A_64 : memref<10240x8xf32, #tpu.memory_space<hbm>>) target(%arg14 : memref<16x8xf32, #tpu.memory_space<vmem>>) offsets(%dma_start3A_61 : memref<16xi32, #tpu.memory_space<vmem>>) semaphore(%arg23 : memref<!tpu.dma_semaphore, #tpu.memory_space<semaphore_mem>>)
      %dma_start3A_65 = arith.constant 0 : i32
      %dma_start3A_66 = arith.constant 0 : i32
      %dma_start3A_67 = tpu.memref_slice %arg12[%dma_start3A_65, %dma_start3A_66] : memref<640x16xi32, #tpu.memory_space<vmem>> -> memref<1x16xi32, #tpu.memory_space<vmem>>
      %dma_start3A_68 = tpu.memref_squeeze %dma_start3A_67 : memref<1x16xi32, #tpu.memory_space<vmem>> -> memref<16xi32, #tpu.memory_space<vmem>>
      %dma_start3A_69 = arith.constant 0 : i32
      %dma_start3A_70 = arith.constant 0 : i32
      %dma_start3A_71 = tpu.memref_slice %arg3[%dma_start3A_69, %dma_start3A_70] : memref<10240x8xf32, #tpu.memory_space<hbm>> -> memref<10240x8xf32, #tpu.memory_space<hbm>>
      tpu.enqueue_indirect_dma source(%dma_start3A_71 : memref<10240x8xf32, #tpu.memory_space<hbm>>) target(%arg15 : memref<16x8xf32, #tpu.memory_space<vmem>>) offsets(%dma_start3A_68 : memref<16xi32, #tpu.memory_space<vmem>>) semaphore(%arg23 : memref<!tpu.dma_semaphore, #tpu.memory_space<semaphore_mem>>)
    } else {
    }
    %add3A_37 = arith.constant 1 : i32
    %add3A_38 = arith.addi %reduce_max3A_21, %add3A_37 : i32
    %shift_right_logical3A_39 = arith.constant 1 : i32
    %shift_right_logical3A_40 = arith.shrui %add3A_38, %shift_right_logical3A_39 : i32
    %while3A_41 = arith.constant 0 : i32
    %while3A_42 = arith.constant 0 : i32
    %while3A_43 = arith.subi %shift_right_logical3A_40, %while3A_42 : i32
    %while3A_44 = arith.addi %while3A_42, %while3A_43 : i32
    %while3A_45 = arith.constant 1 : i32
    %while3A_46 = arith.divsi %while3A_43, %while3A_45 : i32
    %while3A_47 = arith.muli %while3A_46, %while3A_45 : i32
    %while3A_48 = arith.addi %while3A_42, %while3A_47 : i32
    %while3A_49 = arith.constant 1 : i32
    scf.for %while3A_59 = %while3A_42 to %while3A_48 step %while3A_49  : i32 {
      %mul3A_60 = arith.constant 2 : i32
      %mul3A_61 = arith.muli %while3A_59, %mul3A_60 : i32
      %add3A_62 = arith.constant 1 : i32
      %add3A_63 = arith.addi %mul3A_61, %add3A_62 : i32
      %dma_wait3A = arith.constant 0 : i32
      %dma_wait3A_64 = tpu.memref_slice %arg12[%mul3A_61, %dma_wait3A] : memref<640x16xi32, #tpu.memory_space<vmem>> -> memref<1x16xi32, #tpu.memory_space<vmem>>
      %dma_wait3A_65 = tpu.memref_squeeze %dma_wait3A_64 : memref<1x16xi32, #tpu.memory_space<vmem>> -> memref<16xi32, #tpu.memory_space<vmem>>
      %dma_wait3A_66 = arith.constant 0 : i32
      %dma_wait3A_67 = arith.constant 0 : i32
      %dma_wait3A_68 = tpu.memref_slice %arg2[%dma_wait3A_66, %dma_wait3A_67] : memref<10240x8xf32, #tpu.memory_space<hbm>> -> memref<10240x8xf32, #tpu.memory_space<hbm>>
      tpu.wait_indirect_dma semaphore(%arg23 : memref<!tpu.dma_semaphore, #tpu.memory_space<semaphore_mem>>) src(%dma_wait3A_68 : memref<10240x8xf32, #tpu.memory_space<hbm>>) dst(%arg14 : memref<16x8xf32, #tpu.memory_space<vmem>>)
      %dma_wait3A_69 = arith.constant 0 : i32
      %dma_wait3A_70 = tpu.memref_slice %arg12[%mul3A_61, %dma_wait3A_69] : memref<640x16xi32, #tpu.memory_space<vmem>> -> memref<1x16xi32, #tpu.memory_space<vmem>>
      %dma_wait3A_71 = tpu.memref_squeeze %dma_wait3A_70 : memref<1x16xi32, #tpu.memory_space<vmem>> -> memref<16xi32, #tpu.memory_space<vmem>>
      %dma_wait3A_72 = arith.constant 0 : i32
      %dma_wait3A_73 = arith.constant 0 : i32
      %dma_wait3A_74 = tpu.memref_slice %arg3[%dma_wait3A_72, %dma_wait3A_73] : memref<10240x8xf32, #tpu.memory_space<hbm>> -> memref<10240x8xf32, #tpu.memory_space<hbm>>
      tpu.wait_indirect_dma semaphore(%arg23 : memref<!tpu.dma_semaphore, #tpu.memory_space<semaphore_mem>>) src(%dma_wait3A_74 : memref<10240x8xf32, #tpu.memory_space<hbm>>) dst(%arg15 : memref<16x8xf32, #tpu.memory_space<vmem>>)
      %lt3A = arith.cmpi slt, %add3A_63, %reduce_max3A_21 : i32
      %convert_element_type3A_75 = arith.extui %lt3A : i1 to i32
      %cond3A_76 = arith.constant 0 : i32
      %cond3A_77 = arith.cmpi ne, %convert_element_type3A_75, %cond3A_76 : i32
      scf.if %cond3A_77 {
        %dma_start3A = arith.constant 0 : i32
        %dma_start3A_423 = tpu.memref_slice %arg12[%add3A_63, %dma_start3A] : memref<640x16xi32, #tpu.memory_space<vmem>> -> memref<1x16xi32, #tpu.memory_space<vmem>>
        %dma_start3A_424 = tpu.memref_squeeze %dma_start3A_423 : memref<1x16xi32, #tpu.memory_space<vmem>> -> memref<16xi32, #tpu.memory_space<vmem>>
        %dma_start3A_425 = arith.constant 0 : i32
        %dma_start3A_426 = arith.constant 0 : i32
        %dma_start3A_427 = tpu.memref_slice %arg2[%dma_start3A_425, %dma_start3A_426] : memref<10240x8xf32, #tpu.memory_space<hbm>> -> memref<10240x8xf32, #tpu.memory_space<hbm>>
        tpu.enqueue_indirect_dma source(%dma_start3A_427 : memref<10240x8xf32, #tpu.memory_space<hbm>>) target(%arg16 : memref<16x8xf32, #tpu.memory_space<vmem>>) offsets(%dma_start3A_424 : memref<16xi32, #tpu.memory_space<vmem>>) semaphore(%arg23 : memref<!tpu.dma_semaphore, #tpu.memory_space<semaphore_mem>>)
        %dma_start3A_428 = arith.constant 0 : i32
        %dma_start3A_429 = tpu.memref_slice %arg12[%add3A_63, %dma_start3A_428] : memref<640x16xi32, #tpu.memory_space<vmem>> -> memref<1x16xi32, #tpu.memory_space<vmem>>
        %dma_start3A_430 = tpu.memref_squeeze %dma_start3A_429 : memref<1x16xi32, #tpu.memory_space<vmem>> -> memref<16xi32, #tpu.memory_space<vmem>>
        %dma_start3A_431 = arith.constant 0 : i32
        %dma_start3A_432 = arith.constant 0 : i32
        %dma_start3A_433 = tpu.memref_slice %arg3[%dma_start3A_431, %dma_start3A_432] : memref<10240x8xf32, #tpu.memory_space<hbm>> -> memref<10240x8xf32, #tpu.memory_space<hbm>>
        tpu.enqueue_indirect_dma source(%dma_start3A_433 : memref<10240x8xf32, #tpu.memory_space<hbm>>) target(%arg17 : memref<16x8xf32, #tpu.memory_space<vmem>>) offsets(%dma_start3A_430 : memref<16xi32, #tpu.memory_space<vmem>>) semaphore(%arg23 : memref<!tpu.dma_semaphore, #tpu.memory_space<semaphore_mem>>)
      } else {
      }
      %add3A_78 = arith.constant 0 : i32
      %add3A_79 = vector.broadcast %add3A_78 : i32 to vector<16xi32>
      %add3A_80 = arith.addi %shift_right_logical3A_6, %add3A_79 : vector<16xi32>
      %get3A = arith.constant 3 : i32
      %get3A_81 = arith.index_cast %get3A : i32 to index
      %get3A_82 = arith.constant 0 : index
      %get3A_83 = tpu.vector_load %arg19[%get3A_81, %get3A_82] {strides = array<i32>} : memref<4x16xf32, #tpu.memory_space<vmem>>, vector<16xf32>,
      %broadcast_in_dim3A_84 = arith.constant 0 : i32
      %broadcast_in_dim3A_85 = vector.broadcast %broadcast_in_dim3A_84 : i32 to vector<16xi32>
      %gather3A = tpu.vector_load_idx %arg14[%add3A_80, %broadcast_in_dim3A_85] : memref<16x8xf32, #tpu.memory_space<vmem>>[vector<16xi32>, vector<16xi32>], vector<16xf32>,
      %gather3A_86 = tpu.vector_load_idx %arg15[%add3A_80, %broadcast_in_dim3A_85] : memref<16x8xf32, #tpu.memory_space<vmem>>[vector<16xi32>, vector<16xi32>], vector<16xf32>,
      %add3A_87 = arith.addf %gather3A, %gather3A_86 : vector<16xf32>
      %get3A_88 = arith.constant 0 : i32
      %get3A_89 = arith.index_cast %get3A_88 : i32 to index
      %get3A_90 = arith.constant 0 : index
      %get3A_91 = tpu.vector_load %arg19[%get3A_89, %get3A_90] {strides = array<i32>} : memref<4x16xf32, #tpu.memory_space<vmem>>, vector<16xf32>,
      %mul3A_92 = arith.mulf %add3A_87, %get3A_91 : vector<16xf32>
      %add3A_93 = arith.addf %get3A_83, %mul3A_92 : vector<16xf32>
      %broadcast_in_dim3A_94 = arith.constant 1 : i32
      %broadcast_in_dim3A_95 = vector.broadcast %broadcast_in_dim3A_94 : i32 to vector<16xi32>
      %gather3A_96 = tpu.vector_load_idx %arg14[%add3A_80, %broadcast_in_dim3A_95] : memref<16x8xf32, #tpu.memory_space<vmem>>[vector<16xi32>, vector<16xi32>], vector<16xf32>,
      %gather3A_97 = tpu.vector_load_idx %arg15[%add3A_80, %broadcast_in_dim3A_95] : memref<16x8xf32, #tpu.memory_space<vmem>>[vector<16xi32>, vector<16xi32>], vector<16xf32>,
      %add3A_98 = arith.addf %gather3A_96, %gather3A_97 : vector<16xf32>
      %get3A_99 = arith.constant 1 : i32
      %get3A_100 = arith.index_cast %get3A_99 : i32 to index
      %get3A_101 = arith.constant 0 : index
      %get3A_102 = tpu.vector_load %arg19[%get3A_100, %get3A_101] {strides = array<i32>} : memref<4x16xf32, #tpu.memory_space<vmem>>, vector<16xf32>,
      %mul3A_103 = arith.mulf %add3A_98, %get3A_102 : vector<16xf32>
      %add3A_104 = arith.addf %add3A_93, %mul3A_103 : vector<16xf32>
      %broadcast_in_dim3A_105 = arith.constant 2 : i32
      %broadcast_in_dim3A_106 = vector.broadcast %broadcast_in_dim3A_105 : i32 to vector<16xi32>
      %gather3A_107 = tpu.vector_load_idx %arg14[%add3A_80, %broadcast_in_dim3A_106] : memref<16x8xf32, #tpu.memory_space<vmem>>[vector<16xi32>, vector<16xi32>], vector<16xf32>,
      %gather3A_108 = tpu.vector_load_idx %arg15[%add3A_80, %broadcast_in_dim3A_106] : memref<16x8xf32, #tpu.memory_space<vmem>>[vector<16xi32>, vector<16xi32>], vector<16xf32>,
      %add3A_109 = arith.addf %gather3A_107, %gather3A_108 : vector<16xf32>
      %get3A_110 = arith.constant 2 : i32
      %get3A_111 = arith.index_cast %get3A_110 : i32 to index
      %get3A_112 = arith.constant 0 : index
      %get3A_113 = tpu.vector_load %arg19[%get3A_111, %get3A_112] {strides = array<i32>} : memref<4x16xf32, #tpu.memory_space<vmem>>, vector<16xf32>,
      %mul3A_114 = arith.mulf %add3A_109, %get3A_113 : vector<16xf32>
      %add3A_115 = arith.addf %add3A_104, %mul3A_114 : vector<16xf32>
      %max3A = arith.constant 0.000000e+00 : f32
      %max3A_116 = vector.broadcast %max3A : f32 to vector<16xf32>
      %max3A_117 = arith.maximumf %add3A_115, %max3A_116 : vector<16xf32>
      tpu.vector_store_idx %arg18[%add3A_80, %and3A_8], %max3A_117 : memref<16x8xf32, #tpu.memory_space<vmem>>[vector<16xi32>, vector<16xi32>], vector<16xf32>,
      %add3A_118 = arith.constant 2 : i32
      %add3A_119 = vector.broadcast %add3A_118 : i32 to vector<16xi32>
      %add3A_120 = arith.addi %shift_right_logical3A_6, %add3A_119 : vector<16xi32>
      %get3A_121 = arith.constant 3 : i32
      %get3A_122 = arith.index_cast %get3A_121 : i32 to index
      %get3A_123 = arith.constant 0 : index
      %get3A_124 = tpu.vector_load %arg19[%get3A_122, %get3A_123] {strides = array<i32>} : memref<4x16xf32, #tpu.memory_space<vmem>>, vector<16xf32>,
      %broadcast_in_dim3A_125 = arith.constant 0 : i32
      %broadcast_in_dim3A_126 = vector.broadcast %broadcast_in_dim3A_125 : i32 to vector<16xi32>
      %gather3A_127 = tpu.vector_load_idx %arg14[%add3A_120, %broadcast_in_dim3A_126] : memref<16x8xf32, #tpu.memory_space<vmem>>[vector<16xi32>, vector<16xi32>], vector<16xf32>,
      %gather3A_128 = tpu.vector_load_idx %arg15[%add3A_120, %broadcast_in_dim3A_126] : memref<16x8xf32, #tpu.memory_space<vmem>>[vector<16xi32>, vector<16xi32>], vector<16xf32>,
      %add3A_129 = arith.addf %gather3A_127, %gather3A_128 : vector<16xf32>
      %get3A_130 = arith.constant 0 : i32
      %get3A_131 = arith.index_cast %get3A_130 : i32 to index
      %get3A_132 = arith.constant 0 : index
      %get3A_133 = tpu.vector_load %arg19[%get3A_131, %get3A_132] {strides = array<i32>} : memref<4x16xf32, #tpu.memory_space<vmem>>, vector<16xf32>,
      %mul3A_134 = arith.mulf %add3A_129, %get3A_133 : vector<16xf32>
      %add3A_135 = arith.addf %get3A_124, %mul3A_134 : vector<16xf32>
      %broadcast_in_dim3A_136 = arith.constant 1 : i32
      %broadcast_in_dim3A_137 = vector.broadcast %broadcast_in_dim3A_136 : i32 to vector<16xi32>
      %gather3A_138 = tpu.vector_load_idx %arg14[%add3A_120, %broadcast_in_dim3A_137] : memref<16x8xf32, #tpu.memory_space<vmem>>[vector<16xi32>, vector<16xi32>], vector<16xf32>,
      %gather3A_139 = tpu.vector_load_idx %arg15[%add3A_120, %broadcast_in_dim3A_137] : memref<16x8xf32, #tpu.memory_space<vmem>>[vector<16xi32>, vector<16xi32>], vector<16xf32>,
      %add3A_140 = arith.addf %gather3A_138, %gather3A_139 : vector<16xf32>
      %get3A_141 = arith.constant 1 : i32
      %get3A_142 = arith.index_cast %get3A_141 : i32 to index
      %get3A_143 = arith.constant 0 : index
      %get3A_144 = tpu.vector_load %arg19[%get3A_142, %get3A_143] {strides = array<i32>} : memref<4x16xf32, #tpu.memory_space<vmem>>, vector<16xf32>,
      %mul3A_145 = arith.mulf %add3A_140, %get3A_144 : vector<16xf32>
      %add3A_146 = arith.addf %add3A_135, %mul3A_145 : vector<16xf32>
      %broadcast_in_dim3A_147 = arith.constant 2 : i32
      %broadcast_in_dim3A_148 = vector.broadcast %broadcast_in_dim3A_147 : i32 to vector<16xi32>
      %gather3A_149 = tpu.vector_load_idx %arg14[%add3A_120, %broadcast_in_dim3A_148] : memref<16x8xf32, #tpu.memory_space<vmem>>[vector<16xi32>, vector<16xi32>], vector<16xf32>,
      %gather3A_150 = tpu.vector_load_idx %arg15[%add3A_120, %broadcast_in_dim3A_148] : memref<16x8xf32, #tpu.memory_space<vmem>>[vector<16xi32>, vector<16xi32>], vector<16xf32>,
      %add3A_151 = arith.addf %gather3A_149, %gather3A_150 : vector<16xf32>
      %get3A_152 = arith.constant 2 : i32
      %get3A_153 = arith.index_cast %get3A_152 : i32 to index
      %get3A_154 = arith.constant 0 : index
      %get3A_155 = tpu.vector_load %arg19[%get3A_153, %get3A_154] {strides = array<i32>} : memref<4x16xf32, #tpu.memory_space<vmem>>, vector<16xf32>,
      %mul3A_156 = arith.mulf %add3A_151, %get3A_155 : vector<16xf32>
      %add3A_157 = arith.addf %add3A_146, %mul3A_156 : vector<16xf32>
      %max3A_158 = arith.constant 0.000000e+00 : f32
      %max3A_159 = vector.broadcast %max3A_158 : f32 to vector<16xf32>
      %max3A_160 = arith.maximumf %add3A_157, %max3A_159 : vector<16xf32>
      tpu.vector_store_idx %arg18[%add3A_120, %and3A_8], %max3A_160 : memref<16x8xf32, #tpu.memory_space<vmem>>[vector<16xi32>, vector<16xi32>], vector<16xf32>,
      %add3A_161 = arith.constant 4 : i32
      %add3A_162 = vector.broadcast %add3A_161 : i32 to vector<16xi32>
      %add3A_163 = arith.addi %shift_right_logical3A_6, %add3A_162 : vector<16xi32>
      %get3A_164 = arith.constant 3 : i32
      %get3A_165 = arith.index_cast %get3A_164 : i32 to index
      %get3A_166 = arith.constant 0 : index
      %get3A_167 = tpu.vector_load %arg19[%get3A_165, %get3A_166] {strides = array<i32>} : memref<4x16xf32, #tpu.memory_space<vmem>>, vector<16xf32>,
      %broadcast_in_dim3A_168 = arith.constant 0 : i32
      %broadcast_in_dim3A_169 = vector.broadcast %broadcast_in_dim3A_168 : i32 to vector<16xi32>
      %gather3A_170 = tpu.vector_load_idx %arg14[%add3A_163, %broadcast_in_dim3A_169] : memref<16x8xf32, #tpu.memory_space<vmem>>[vector<16xi32>, vector<16xi32>], vector<16xf32>,
      %gather3A_171 = tpu.vector_load_idx %arg15[%add3A_163, %broadcast_in_dim3A_169] : memref<16x8xf32, #tpu.memory_space<vmem>>[vector<16xi32>, vector<16xi32>], vector<16xf32>,
      %add3A_172 = arith.addf %gather3A_170, %gather3A_171 : vector<16xf32>
      %get3A_173 = arith.constant 0 : i32
      %get3A_174 = arith.index_cast %get3A_173 : i32 to index
      %get3A_175 = arith.constant 0 : index
      %get3A_176 = tpu.vector_load %arg19[%get3A_174, %get3A_175] {strides = array<i32>} : memref<4x16xf32, #tpu.memory_space<vmem>>, vector<16xf32>,
      %mul3A_177 = arith.mulf %add3A_172, %get3A_176 : vector<16xf32>
      %add3A_178 = arith.addf %get3A_167, %mul3A_177 : vector<16xf32>
      %broadcast_in_dim3A_179 = arith.constant 1 : i32
      %broadcast_in_dim3A_180 = vector.broadcast %broadcast_in_dim3A_179 : i32 to vector<16xi32>
      %gather3A_181 = tpu.vector_load_idx %arg14[%add3A_163, %broadcast_in_dim3A_180] : memref<16x8xf32, #tpu.memory_space<vmem>>[vector<16xi32>, vector<16xi32>], vector<16xf32>,
      %gather3A_182 = tpu.vector_load_idx %arg15[%add3A_163, %broadcast_in_dim3A_180] : memref<16x8xf32, #tpu.memory_space<vmem>>[vector<16xi32>, vector<16xi32>], vector<16xf32>,
      %add3A_183 = arith.addf %gather3A_181, %gather3A_182 : vector<16xf32>
      %get3A_184 = arith.constant 1 : i32
      %get3A_185 = arith.index_cast %get3A_184 : i32 to index
      %get3A_186 = arith.constant 0 : index
      %get3A_187 = tpu.vector_load %arg19[%get3A_185, %get3A_186] {strides = array<i32>} : memref<4x16xf32, #tpu.memory_space<vmem>>, vector<16xf32>,
      %mul3A_188 = arith.mulf %add3A_183, %get3A_187 : vector<16xf32>
      %add3A_189 = arith.addf %add3A_178, %mul3A_188 : vector<16xf32>
      %broadcast_in_dim3A_190 = arith.constant 2 : i32
      %broadcast_in_dim3A_191 = vector.broadcast %broadcast_in_dim3A_190 : i32 to vector<16xi32>
      %gather3A_192 = tpu.vector_load_idx %arg14[%add3A_163, %broadcast_in_dim3A_191] : memref<16x8xf32, #tpu.memory_space<vmem>>[vector<16xi32>, vector<16xi32>], vector<16xf32>,
      %gather3A_193 = tpu.vector_load_idx %arg15[%add3A_163, %broadcast_in_dim3A_191] : memref<16x8xf32, #tpu.memory_space<vmem>>[vector<16xi32>, vector<16xi32>], vector<16xf32>,
      %add3A_194 = arith.addf %gather3A_192, %gather3A_193 : vector<16xf32>
      %get3A_195 = arith.constant 2 : i32
      %get3A_196 = arith.index_cast %get3A_195 : i32 to index
      %get3A_197 = arith.constant 0 : index
      %get3A_198 = tpu.vector_load %arg19[%get3A_196, %get3A_197] {strides = array<i32>} : memref<4x16xf32, #tpu.memory_space<vmem>>, vector<16xf32>,
      %mul3A_199 = arith.mulf %add3A_194, %get3A_198 : vector<16xf32>
      %add3A_200 = arith.addf %add3A_189, %mul3A_199 : vector<16xf32>
      %max3A_201 = arith.constant 0.000000e+00 : f32
      %max3A_202 = vector.broadcast %max3A_201 : f32 to vector<16xf32>
      %max3A_203 = arith.maximumf %add3A_200, %max3A_202 : vector<16xf32>
      tpu.vector_store_idx %arg18[%add3A_163, %and3A_8], %max3A_203 : memref<16x8xf32, #tpu.memory_space<vmem>>[vector<16xi32>, vector<16xi32>], vector<16xf32>,
      %add3A_204 = arith.constant 6 : i32
      %add3A_205 = vector.broadcast %add3A_204 : i32 to vector<16xi32>
      %add3A_206 = arith.addi %shift_right_logical3A_6, %add3A_205 : vector<16xi32>
      %get3A_207 = arith.constant 3 : i32
      %get3A_208 = arith.index_cast %get3A_207 : i32 to index
      %get3A_209 = arith.constant 0 : index
      %get3A_210 = tpu.vector_load %arg19[%get3A_208, %get3A_209] {strides = array<i32>} : memref<4x16xf32, #tpu.memory_space<vmem>>, vector<16xf32>,
      %broadcast_in_dim3A_211 = arith.constant 0 : i32
      %broadcast_in_dim3A_212 = vector.broadcast %broadcast_in_dim3A_211 : i32 to vector<16xi32>
      %gather3A_213 = tpu.vector_load_idx %arg14[%add3A_206, %broadcast_in_dim3A_212] : memref<16x8xf32, #tpu.memory_space<vmem>>[vector<16xi32>, vector<16xi32>], vector<16xf32>,
      %gather3A_214 = tpu.vector_load_idx %arg15[%add3A_206, %broadcast_in_dim3A_212] : memref<16x8xf32, #tpu.memory_space<vmem>>[vector<16xi32>, vector<16xi32>], vector<16xf32>,
      %add3A_215 = arith.addf %gather3A_213, %gather3A_214 : vector<16xf32>
      %get3A_216 = arith.constant 0 : i32
      %get3A_217 = arith.index_cast %get3A_216 : i32 to index
      %get3A_218 = arith.constant 0 : index
      %get3A_219 = tpu.vector_load %arg19[%get3A_217, %get3A_218] {strides = array<i32>} : memref<4x16xf32, #tpu.memory_space<vmem>>, vector<16xf32>,
      %mul3A_220 = arith.mulf %add3A_215, %get3A_219 : vector<16xf32>
      %add3A_221 = arith.addf %get3A_210, %mul3A_220 : vector<16xf32>
      %broadcast_in_dim3A_222 = arith.constant 1 : i32
      %broadcast_in_dim3A_223 = vector.broadcast %broadcast_in_dim3A_222 : i32 to vector<16xi32>
      %gather3A_224 = tpu.vector_load_idx %arg14[%add3A_206, %broadcast_in_dim3A_223] : memref<16x8xf32, #tpu.memory_space<vmem>>[vector<16xi32>, vector<16xi32>], vector<16xf32>,
      %gather3A_225 = tpu.vector_load_idx %arg15[%add3A_206, %broadcast_in_dim3A_223] : memref<16x8xf32, #tpu.memory_space<vmem>>[vector<16xi32>, vector<16xi32>], vector<16xf32>,
      %add3A_226 = arith.addf %gather3A_224, %gather3A_225 : vector<16xf32>
      %get3A_227 = arith.constant 1 : i32
      %get3A_228 = arith.index_cast %get3A_227 : i32 to index
      %get3A_229 = arith.constant 0 : index
      %get3A_230 = tpu.vector_load %arg19[%get3A_228, %get3A_229] {strides = array<i32>} : memref<4x16xf32, #tpu.memory_space<vmem>>, vector<16xf32>,
      %mul3A_231 = arith.mulf %add3A_226, %get3A_230 : vector<16xf32>
      %add3A_232 = arith.addf %add3A_221, %mul3A_231 : vector<16xf32>
      %broadcast_in_dim3A_233 = arith.constant 2 : i32
      %broadcast_in_dim3A_234 = vector.broadcast %broadcast_in_dim3A_233 : i32 to vector<16xi32>
      %gather3A_235 = tpu.vector_load_idx %arg14[%add3A_206, %broadcast_in_dim3A_234] : memref<16x8xf32, #tpu.memory_space<vmem>>[vector<16xi32>, vector<16xi32>], vector<16xf32>,
      %gather3A_236 = tpu.vector_load_idx %arg15[%add3A_206, %broadcast_in_dim3A_234] : memref<16x8xf32, #tpu.memory_space<vmem>>[vector<16xi32>, vector<16xi32>], vector<16xf32>,
      %add3A_237 = arith.addf %gather3A_235, %gather3A_236 : vector<16xf32>
      %get3A_238 = arith.constant 2 : i32
      %get3A_239 = arith.index_cast %get3A_238 : i32 to index
      %get3A_240 = arith.constant 0 : index
      %get3A_241 = tpu.vector_load %arg19[%get3A_239, %get3A_240] {strides = array<i32>} : memref<4x16xf32, #tpu.memory_space<vmem>>, vector<16xf32>,
      %mul3A_242 = arith.mulf %add3A_237, %get3A_241 : vector<16xf32>
      %add3A_243 = arith.addf %add3A_232, %mul3A_242 : vector<16xf32>
      %max3A_244 = arith.constant 0.000000e+00 : f32
      %max3A_245 = vector.broadcast %max3A_244 : f32 to vector<16xf32>
      %max3A_246 = arith.maximumf %add3A_243, %max3A_245 : vector<16xf32>
      tpu.vector_store_idx %arg18[%add3A_206, %and3A_8], %max3A_246 : memref<16x8xf32, #tpu.memory_space<vmem>>[vector<16xi32>, vector<16xi32>], vector<16xf32>,
      %add3A_247 = arith.constant 8 : i32
      %add3A_248 = vector.broadcast %add3A_247 : i32 to vector<16xi32>
      %add3A_249 = arith.addi %shift_right_logical3A_6, %add3A_248 : vector<16xi32>
      %get3A_250 = arith.constant 3 : i32
      %get3A_251 = arith.index_cast %get3A_250 : i32 to index
      %get3A_252 = arith.constant 0 : index
      %get3A_253 = tpu.vector_load %arg19[%get3A_251, %get3A_252] {strides = array<i32>} : memref<4x16xf32, #tpu.memory_space<vmem>>, vector<16xf32>,
      %broadcast_in_dim3A_254 = arith.constant 0 : i32
      %broadcast_in_dim3A_255 = vector.broadcast %broadcast_in_dim3A_254 : i32 to vector<16xi32>
      %gather3A_256 = tpu.vector_load_idx %arg14[%add3A_249, %broadcast_in_dim3A_255] : memref<16x8xf32, #tpu.memory_space<vmem>>[vector<16xi32>, vector<16xi32>], vector<16xf32>,
      %gather3A_257 = tpu.vector_load_idx %arg15[%add3A_249, %broadcast_in_dim3A_255] : memref<16x8xf32, #tpu.memory_space<vmem>>[vector<16xi32>, vector<16xi32>], vector<16xf32>,
      %add3A_258 = arith.addf %gather3A_256, %gather3A_257 : vector<16xf32>
      %get3A_259 = arith.constant 0 : i32
      %get3A_260 = arith.index_cast %get3A_259 : i32 to index
      %get3A_261 = arith.constant 0 : index
      %get3A_262 = tpu.vector_load %arg19[%get3A_260, %get3A_261] {strides = array<i32>} : memref<4x16xf32, #tpu.memory_space<vmem>>, vector<16xf32>,
      %mul3A_263 = arith.mulf %add3A_258, %get3A_262 : vector<16xf32>
      %add3A_264 = arith.addf %get3A_253, %mul3A_263 : vector<16xf32>
      %broadcast_in_dim3A_265 = arith.constant 1 : i32
      %broadcast_in_dim3A_266 = vector.broadcast %broadcast_in_dim3A_265 : i32 to vector<16xi32>
      %gather3A_267 = tpu.vector_load_idx %arg14[%add3A_249, %broadcast_in_dim3A_266] : memref<16x8xf32, #tpu.memory_space<vmem>>[vector<16xi32>, vector<16xi32>], vector<16xf32>,
      %gather3A_268 = tpu.vector_load_idx %arg15[%add3A_249, %broadcast_in_dim3A_266] : memref<16x8xf32, #tpu.memory_space<vmem>>[vector<16xi32>, vector<16xi32>], vector<16xf32>,
      %add3A_269 = arith.addf %gather3A_267, %gather3A_268 : vector<16xf32>
      %get3A_270 = arith.constant 1 : i32
      %get3A_271 = arith.index_cast %get3A_270 : i32 to index
      %get3A_272 = arith.constant 0 : index
      %get3A_273 = tpu.vector_load %arg19[%get3A_271, %get3A_272] {strides = array<i32>} : memref<4x16xf32, #tpu.memory_space<vmem>>, vector<16xf32>,
      %mul3A_274 = arith.mulf %add3A_269, %get3A_273 : vector<16xf32>
      %add3A_275 = arith.addf %add3A_264, %mul3A_274 : vector<16xf32>
      %broadcast_in_dim3A_276 = arith.constant 2 : i32
      %broadcast_in_dim3A_277 = vector.broadcast %broadcast_in_dim3A_276 : i32 to vector<16xi32>
      %gather3A_278 = tpu.vector_load_idx %arg14[%add3A_249, %broadcast_in_dim3A_277] : memref<16x8xf32, #tpu.memory_space<vmem>>[vector<16xi32>, vector<16xi32>], vector<16xf32>,
      %gather3A_279 = tpu.vector_load_idx %arg15[%add3A_249, %broadcast_in_dim3A_277] : memref<16x8xf32, #tpu.memory_space<vmem>>[vector<16xi32>, vector<16xi32>], vector<16xf32>,
      %add3A_280 = arith.addf %gather3A_278, %gather3A_279 : vector<16xf32>
      %get3A_281 = arith.constant 2 : i32
      %get3A_282 = arith.index_cast %get3A_281 : i32 to index
      %get3A_283 = arith.constant 0 : index
      %get3A_284 = tpu.vector_load %arg19[%get3A_282, %get3A_283] {strides = array<i32>} : memref<4x16xf32, #tpu.memory_space<vmem>>, vector<16xf32>,
      %mul3A_285 = arith.mulf %add3A_280, %get3A_284 : vector<16xf32>
      %add3A_286 = arith.addf %add3A_275, %mul3A_285 : vector<16xf32>
      %max3A_287 = arith.constant 0.000000e+00 : f32
      %max3A_288 = vector.broadcast %max3A_287 : f32 to vector<16xf32>
      %max3A_289 = arith.maximumf %add3A_286, %max3A_288 : vector<16xf32>
      tpu.vector_store_idx %arg18[%add3A_249, %and3A_8], %max3A_289 : memref<16x8xf32, #tpu.memory_space<vmem>>[vector<16xi32>, vector<16xi32>], vector<16xf32>,
      %add3A_290 = arith.constant 10 : i32
      %add3A_291 = vector.broadcast %add3A_290 : i32 to vector<16xi32>
      %add3A_292 = arith.addi %shift_right_logical3A_6, %add3A_291 : vector<16xi32>
      %get3A_293 = arith.constant 3 : i32
      %get3A_294 = arith.index_cast %get3A_293 : i32 to index
      %get3A_295 = arith.constant 0 : index
      %get3A_296 = tpu.vector_load %arg19[%get3A_294, %get3A_295] {strides = array<i32>} : memref<4x16xf32, #tpu.memory_space<vmem>>, vector<16xf32>,
      %broadcast_in_dim3A_297 = arith.constant 0 : i32
      %broadcast_in_dim3A_298 = vector.broadcast %broadcast_in_dim3A_297 : i32 to vector<16xi32>
      %gather3A_299 = tpu.vector_load_idx %arg14[%add3A_292, %broadcast_in_dim3A_298] : memref<16x8xf32, #tpu.memory_space<vmem>>[vector<16xi32>, vector<16xi32>], vector<16xf32>,
      %gather3A_300 = tpu.vector_load_idx %arg15[%add3A_292, %broadcast_in_dim3A_298] : memref<16x8xf32, #tpu.memory_space<vmem>>[vector<16xi32>, vector<16xi32>], vector<16xf32>,
      %add3A_301 = arith.addf %gather3A_299, %gather3A_300 : vector<16xf32>
      %get3A_302 = arith.constant 0 : i32
      %get3A_303 = arith.index_cast %get3A_302 : i32 to index
      %get3A_304 = arith.constant 0 : index
      %get3A_305 = tpu.vector_load %arg19[%get3A_303, %get3A_304] {strides = array<i32>} : memref<4x16xf32, #tpu.memory_space<vmem>>, vector<16xf32>,
      %mul3A_306 = arith.mulf %add3A_301, %get3A_305 : vector<16xf32>
      %add3A_307 = arith.addf %get3A_296, %mul3A_306 : vector<16xf32>
      %broadcast_in_dim3A_308 = arith.constant 1 : i32
      %broadcast_in_dim3A_309 = vector.broadcast %broadcast_in_dim3A_308 : i32 to vector<16xi32>
      %gather3A_310 = tpu.vector_load_idx %arg14[%add3A_292, %broadcast_in_dim3A_309] : memref<16x8xf32, #tpu.memory_space<vmem>>[vector<16xi32>, vector<16xi32>], vector<16xf32>,
      %gather3A_311 = tpu.vector_load_idx %arg15[%add3A_292, %broadcast_in_dim3A_309] : memref<16x8xf32, #tpu.memory_space<vmem>>[vector<16xi32>, vector<16xi32>], vector<16xf32>,
      %add3A_312 = arith.addf %gather3A_310, %gather3A_311 : vector<16xf32>
      %get3A_313 = arith.constant 1 : i32
      %get3A_314 = arith.index_cast %get3A_313 : i32 to index
      %get3A_315 = arith.constant 0 : index
      %get3A_316 = tpu.vector_load %arg19[%get3A_314, %get3A_315] {strides = array<i32>} : memref<4x16xf32, #tpu.memory_space<vmem>>, vector<16xf32>,
      %mul3A_317 = arith.mulf %add3A_312, %get3A_316 : vector<16xf32>
      %add3A_318 = arith.addf %add3A_307, %mul3A_317 : vector<16xf32>
      %broadcast_in_dim3A_319 = arith.constant 2 : i32
      %broadcast_in_dim3A_320 = vector.broadcast %broadcast_in_dim3A_319 : i32 to vector<16xi32>
      %gather3A_321 = tpu.vector_load_idx %arg14[%add3A_292, %broadcast_in_dim3A_320] : memref<16x8xf32, #tpu.memory_space<vmem>>[vector<16xi32>, vector<16xi32>], vector<16xf32>,
      %gather3A_322 = tpu.vector_load_idx %arg15[%add3A_292, %broadcast_in_dim3A_320] : memref<16x8xf32, #tpu.memory_space<vmem>>[vector<16xi32>, vector<16xi32>], vector<16xf32>,
      %add3A_323 = arith.addf %gather3A_321, %gather3A_322 : vector<16xf32>
      %get3A_324 = arith.constant 2 : i32
      %get3A_325 = arith.index_cast %get3A_324 : i32 to index
      %get3A_326 = arith.constant 0 : index
      %get3A_327 = tpu.vector_load %arg19[%get3A_325, %get3A_326] {strides = array<i32>} : memref<4x16xf32, #tpu.memory_space<vmem>>, vector<16xf32>,
      %mul3A_328 = arith.mulf %add3A_323, %get3A_327 : vector<16xf32>
      %add3A_329 = arith.addf %add3A_318, %mul3A_328 : vector<16xf32>
      %max3A_330 = arith.constant 0.000000e+00 : f32
      %max3A_331 = vector.broadcast %max3A_330 : f32 to vector<16xf32>
      %max3A_332 = arith.maximumf %add3A_329, %max3A_331 : vector<16xf32>
      tpu.vector_store_idx %arg18[%add3A_292, %and3A_8], %max3A_332 : memref<16x8xf32, #tpu.memory_space<vmem>>[vector<16xi32>, vector<16xi32>], vector<16xf32>,
      %add3A_333 = arith.constant 12 : i32
      %add3A_334 = vector.broadcast %add3A_333 : i32 to vector<16xi32>
      %add3A_335 = arith.addi %shift_right_logical3A_6, %add3A_334 : vector<16xi32>
      %get3A_336 = arith.constant 3 : i32
      %get3A_337 = arith.index_cast %get3A_336 : i32 to index
      %get3A_338 = arith.constant 0 : index
      %get3A_339 = tpu.vector_load %arg19[%get3A_337, %get3A_338] {strides = array<i32>} : memref<4x16xf32, #tpu.memory_space<vmem>>, vector<16xf32>,
      %broadcast_in_dim3A_340 = arith.constant 0 : i32
      %broadcast_in_dim3A_341 = vector.broadcast %broadcast_in_dim3A_340 : i32 to vector<16xi32>
      %gather3A_342 = tpu.vector_load_idx %arg14[%add3A_335, %broadcast_in_dim3A_341] : memref<16x8xf32, #tpu.memory_space<vmem>>[vector<16xi32>, vector<16xi32>], vector<16xf32>,
      %gather3A_343 = tpu.vector_load_idx %arg15[%add3A_335, %broadcast_in_dim3A_341] : memref<16x8xf32, #tpu.memory_space<vmem>>[vector<16xi32>, vector<16xi32>], vector<16xf32>,
      %add3A_344 = arith.addf %gather3A_342, %gather3A_343 : vector<16xf32>
      %get3A_345 = arith.constant 0 : i32
      %get3A_346 = arith.index_cast %get3A_345 : i32 to index
      %get3A_347 = arith.constant 0 : index
      %get3A_348 = tpu.vector_load %arg19[%get3A_346, %get3A_347] {strides = array<i32>} : memref<4x16xf32, #tpu.memory_space<vmem>>, vector<16xf32>,
      %mul3A_349 = arith.mulf %add3A_344, %get3A_348 : vector<16xf32>
      %add3A_350 = arith.addf %get3A_339, %mul3A_349 : vector<16xf32>
      %broadcast_in_dim3A_351 = arith.constant 1 : i32
      %broadcast_in_dim3A_352 = vector.broadcast %broadcast_in_dim3A_351 : i32 to vector<16xi32>
      %gather3A_353 = tpu.vector_load_idx %arg14[%add3A_335, %broadcast_in_dim3A_352] : memref<16x8xf32, #tpu.memory_space<vmem>>[vector<16xi32>, vector<16xi32>], vector<16xf32>,
      %gather3A_354 = tpu.vector_load_idx %arg15[%add3A_335, %broadcast_in_dim3A_352] : memref<16x8xf32, #tpu.memory_space<vmem>>[vector<16xi32>, vector<16xi32>], vector<16xf32>,
      %add3A_355 = arith.addf %gather3A_353, %gather3A_354 : vector<16xf32>
      %get3A_356 = arith.constant 1 : i32
      %get3A_357 = arith.index_cast %get3A_356 : i32 to index
      %get3A_358 = arith.constant 0 : index
      %get3A_359 = tpu.vector_load %arg19[%get3A_357, %get3A_358] {strides = array<i32>} : memref<4x16xf32, #tpu.memory_space<vmem>>, vector<16xf32>,
      %mul3A_360 = arith.mulf %add3A_355, %get3A_359 : vector<16xf32>
      %add3A_361 = arith.addf %add3A_350, %mul3A_360 : vector<16xf32>
      %broadcast_in_dim3A_362 = arith.constant 2 : i32
      %broadcast_in_dim3A_363 = vector.broadcast %broadcast_in_dim3A_362 : i32 to vector<16xi32>
      %gather3A_364 = tpu.vector_load_idx %arg14[%add3A_335, %broadcast_in_dim3A_363] : memref<16x8xf32, #tpu.memory_space<vmem>>[vector<16xi32>, vector<16xi32>], vector<16xf32>,
      %gather3A_365 = tpu.vector_load_idx %arg15[%add3A_335, %broadcast_in_dim3A_363] : memref<16x8xf32, #tpu.memory_space<vmem>>[vector<16xi32>, vector<16xi32>], vector<16xf32>,
      %add3A_366 = arith.addf %gather3A_364, %gather3A_365 : vector<16xf32>
      %get3A_367 = arith.constant 2 : i32
      %get3A_368 = arith.index_cast %get3A_367 : i32 to index
      %get3A_369 = arith.constant 0 : index
      %get3A_370 = tpu.vector_load %arg19[%get3A_368, %get3A_369] {strides = array<i32>} : memref<4x16xf32, #tpu.memory_space<vmem>>, vector<16xf32>,
      %mul3A_371 = arith.mulf %add3A_366, %get3A_370 : vector<16xf32>
      %add3A_372 = arith.addf %add3A_361, %mul3A_371 : vector<16xf32>
      %max3A_373 = arith.constant 0.000000e+00 : f32
      %max3A_374 = vector.broadcast %max3A_373 : f32 to vector<16xf32>
      %max3A_375 = arith.maximumf %add3A_372, %max3A_374 : vector<16xf32>
      tpu.vector_store_idx %arg18[%add3A_335, %and3A_8], %max3A_375 : memref<16x8xf32, #tpu.memory_space<vmem>>[vector<16xi32>, vector<16xi32>], vector<16xf32>,
      %add3A_376 = arith.constant 14 : i32
      %add3A_377 = vector.broadcast %add3A_376 : i32 to vector<16xi32>
      %add3A_378 = arith.addi %shift_right_logical3A_6, %add3A_377 : vector<16xi32>
      %get3A_379 = arith.constant 3 : i32
      %get3A_380 = arith.index_cast %get3A_379 : i32 to index
      %get3A_381 = arith.constant 0 : index
      %get3A_382 = tpu.vector_load %arg19[%get3A_380, %get3A_381] {strides = array<i32>} : memref<4x16xf32, #tpu.memory_space<vmem>>, vector<16xf32>,
      %broadcast_in_dim3A_383 = arith.constant 0 : i32
      %broadcast_in_dim3A_384 = vector.broadcast %broadcast_in_dim3A_383 : i32 to vector<16xi32>
      %gather3A_385 = tpu.vector_load_idx %arg14[%add3A_378, %broadcast_in_dim3A_384] : memref<16x8xf32, #tpu.memory_space<vmem>>[vector<16xi32>, vector<16xi32>], vector<16xf32>,
      %gather3A_386 = tpu.vector_load_idx %arg15[%add3A_378, %broadcast_in_dim3A_384] : memref<16x8xf32, #tpu.memory_space<vmem>>[vector<16xi32>, vector<16xi32>], vector<16xf32>,
      %add3A_387 = arith.addf %gather3A_385, %gather3A_386 : vector<16xf32>
      %get3A_388 = arith.constant 0 : i32
      %get3A_389 = arith.index_cast %get3A_388 : i32 to index
      %get3A_390 = arith.constant 0 : index
      %get3A_391 = tpu.vector_load %arg19[%get3A_389, %get3A_390] {strides = array<i32>} : memref<4x16xf32, #tpu.memory_space<vmem>>, vector<16xf32>,
      %mul3A_392 = arith.mulf %add3A_387, %get3A_391 : vector<16xf32>
      %add3A_393 = arith.addf %get3A_382, %mul3A_392 : vector<16xf32>
      %broadcast_in_dim3A_394 = arith.constant 1 : i32
      %broadcast_in_dim3A_395 = vector.broadcast %broadcast_in_dim3A_394 : i32 to vector<16xi32>
      %gather3A_396 = tpu.vector_load_idx %arg14[%add3A_378, %broadcast_in_dim3A_395] : memref<16x8xf32, #tpu.memory_space<vmem>>[vector<16xi32>, vector<16xi32>], vector<16xf32>,
      %gather3A_397 = tpu.vector_load_idx %arg15[%add3A_378, %broadcast_in_dim3A_395] : memref<16x8xf32, #tpu.memory_space<vmem>>[vector<16xi32>, vector<16xi32>], vector<16xf32>,
      %add3A_398 = arith.addf %gather3A_396, %gather3A_397 : vector<16xf32>
      %get3A_399 = arith.constant 1 : i32
      %get3A_400 = arith.index_cast %get3A_399 : i32 to index
      %get3A_401 = arith.constant 0 : index
      %get3A_402 = tpu.vector_load %arg19[%get3A_400, %get3A_401] {strides = array<i32>} : memref<4x16xf32, #tpu.memory_space<vmem>>, vector<16xf32>,
      %mul3A_403 = arith.mulf %add3A_398, %get3A_402 : vector<16xf32>
      %add3A_404 = arith.addf %add3A_393, %mul3A_403 : vector<16xf32>
      %broadcast_in_dim3A_405 = arith.constant 2 : i32
      %broadcast_in_dim3A_406 = vector.broadcast %broadcast_in_dim3A_405 : i32 to vector<16xi32>
      %gather3A_407 = tpu.vector_load_idx %arg14[%add3A_378, %broadcast_in_dim3A_406] : memref<16x8xf32, #tpu.memory_space<vmem>>[vector<16xi32>, vector<16xi32>], vector<16xf32>,
      %gather3A_408 = tpu.vector_load_idx %arg15[%add3A_378, %broadcast_in_dim3A_406] : memref<16x8xf32, #tpu.memory_space<vmem>>[vector<16xi32>, vector<16xi32>], vector<16xf32>,
      %add3A_409 = arith.addf %gather3A_407, %gather3A_408 : vector<16xf32>
      %get3A_410 = arith.constant 2 : i32
      %get3A_411 = arith.index_cast %get3A_410 : i32 to index
      %get3A_412 = arith.constant 0 : index
      %get3A_413 = tpu.vector_load %arg19[%get3A_411, %get3A_412] {strides = array<i32>} : memref<4x16xf32, #tpu.memory_space<vmem>>, vector<16xf32>,
      %mul3A_414 = arith.mulf %add3A_409, %get3A_413 : vector<16xf32>
      %add3A_415 = arith.addf %add3A_404, %mul3A_414 : vector<16xf32>
      %max3A_416 = arith.constant 0.000000e+00 : f32
      %max3A_417 = vector.broadcast %max3A_416 : f32 to vector<16xf32>
      %max3A_418 = arith.maximumf %add3A_415, %max3A_417 : vector<16xf32>
      tpu.vector_store_idx %arg18[%add3A_378, %and3A_8], %max3A_418 : memref<16x8xf32, #tpu.memory_space<vmem>>[vector<16xi32>, vector<16xi32>], vector<16xf32>,
      "tpu.region"() ({
        %run_scoped3A = tpu.sem_alloc : memref<!tpu.dma_semaphore, #tpu.memory_space<semaphore_mem>>
        %dma_start3A = arith.constant 0 : i32
        %dma_start3A_423 = tpu.memref_slice %arg13[%mul3A_61, %dma_start3A] : memref<640x16xi32, #tpu.memory_space<vmem>> -> memref<1x16xi32, #tpu.memory_space<vmem>>
        %dma_start3A_424 = tpu.memref_squeeze %dma_start3A_423 : memref<1x16xi32, #tpu.memory_space<vmem>> -> memref<16xi32, #tpu.memory_space<vmem>>
        %dma_start3A_425 = arith.constant 0 : i32
        %dma_start3A_426 = arith.constant 0 : i32
        %dma_start3A_427 = tpu.memref_slice %arg22[%dma_start3A_425, %dma_start3A_426] : memref<320x8xf32, #tpu.memory_space<vmem_shared>> -> memref<320x8xf32, #tpu.memory_space<vmem_shared>>
        tpu.enqueue_indirect_dma source(%arg18 : memref<16x8xf32, #tpu.memory_space<vmem>>) target(%dma_start3A_427 : memref<320x8xf32, #tpu.memory_space<vmem_shared>>) offsets(%dma_start3A_424 : memref<16xi32, #tpu.memory_space<vmem>>) semaphore(%run_scoped3A : memref<!tpu.dma_semaphore, #tpu.memory_space<semaphore_mem>>) {add = true}
        %dma_wait3A_428 = arith.constant 0 : i32
        %dma_wait3A_429 = tpu.memref_slice %arg13[%mul3A_61, %dma_wait3A_428] : memref<640x16xi32, #tpu.memory_space<vmem>> -> memref<1x16xi32, #tpu.memory_space<vmem>>
        %dma_wait3A_430 = tpu.memref_squeeze %dma_wait3A_429 : memref<1x16xi32, #tpu.memory_space<vmem>> -> memref<16xi32, #tpu.memory_space<vmem>>
        %dma_wait3A_431 = arith.constant 0 : i32
        %dma_wait3A_432 = arith.constant 0 : i32
        %dma_wait3A_433 = tpu.memref_slice %arg22[%dma_wait3A_431, %dma_wait3A_432] : memref<320x8xf32, #tpu.memory_space<vmem_shared>> -> memref<320x8xf32, #tpu.memory_space<vmem_shared>>
        tpu.wait_indirect_dma semaphore(%run_scoped3A : memref<!tpu.dma_semaphore, #tpu.memory_space<semaphore_mem>>) src(%arg18 : memref<16x8xf32, #tpu.memory_space<vmem>>) dst(%dma_wait3A_433 : memref<320x8xf32, #tpu.memory_space<vmem_shared>>)
        tpu.yield
      }) : () -> ()
      %lt3A_419 = arith.cmpi slt, %add3A_63, %reduce_max3A_21 : i32
      %convert_element_type3A_420 = arith.extui %lt3A_419 : i1 to i32
      %cond3A_421 = arith.constant 0 : i32
      %cond3A_422 = arith.cmpi ne, %convert_element_type3A_420, %cond3A_421 : i32
      scf.if %cond3A_422 {
        %dma_wait3A_423 = arith.constant 0 : i32
        %dma_wait3A_424 = tpu.memref_slice %arg12[%add3A_63, %dma_wait3A_423] : memref<640x16xi32, #tpu.memory_space<vmem>> -> memref<1x16xi32, #tpu.memory_space<vmem>>
        %dma_wait3A_425 = tpu.memref_squeeze %dma_wait3A_424 : memref<1x16xi32, #tpu.memory_space<vmem>> -> memref<16xi32, #tpu.memory_space<vmem>>
        %dma_wait3A_426 = arith.constant 0 : i32
        %dma_wait3A_427 = arith.constant 0 : i32
        %dma_wait3A_428 = tpu.memref_slice %arg2[%dma_wait3A_426, %dma_wait3A_427] : memref<10240x8xf32, #tpu.memory_space<hbm>> -> memref<10240x8xf32, #tpu.memory_space<hbm>>
        tpu.wait_indirect_dma semaphore(%arg23 : memref<!tpu.dma_semaphore, #tpu.memory_space<semaphore_mem>>) src(%dma_wait3A_428 : memref<10240x8xf32, #tpu.memory_space<hbm>>) dst(%arg16 : memref<16x8xf32, #tpu.memory_space<vmem>>)
        %dma_wait3A_429 = arith.constant 0 : i32
        %dma_wait3A_430 = tpu.memref_slice %arg12[%add3A_63, %dma_wait3A_429] : memref<640x16xi32, #tpu.memory_space<vmem>> -> memref<1x16xi32, #tpu.memory_space<vmem>>
        %dma_wait3A_431 = tpu.memref_squeeze %dma_wait3A_430 : memref<1x16xi32, #tpu.memory_space<vmem>> -> memref<16xi32, #tpu.memory_space<vmem>>
        %dma_wait3A_432 = arith.constant 0 : i32
        %dma_wait3A_433 = arith.constant 0 : i32
        %dma_wait3A_434 = tpu.memref_slice %arg3[%dma_wait3A_432, %dma_wait3A_433] : memref<10240x8xf32, #tpu.memory_space<hbm>> -> memref<10240x8xf32, #tpu.memory_space<hbm>>
        tpu.wait_indirect_dma semaphore(%arg23 : memref<!tpu.dma_semaphore, #tpu.memory_space<semaphore_mem>>) src(%dma_wait3A_434 : memref<10240x8xf32, #tpu.memory_space<hbm>>) dst(%arg17 : memref<16x8xf32, #tpu.memory_space<vmem>>)
        %add3A_435 = arith.constant 1 : i32
        %add3A_436 = arith.addi %add3A_63, %add3A_435 : i32
        %lt3A_437 = arith.cmpi slt, %add3A_436, %reduce_max3A_21 : i32
        %convert_element_type3A_438 = arith.extui %lt3A_437 : i1 to i32
        %cond3A_439 = arith.constant 0 : i32
        %cond3A_440 = arith.cmpi ne, %convert_element_type3A_438, %cond3A_439 : i32
        scf.if %cond3A_440 {
          %add3A_785 = arith.constant 1 : i32
          %add3A_786 = arith.addi %add3A_63, %add3A_785 : i32
          %dma_start3A = arith.constant 0 : i32
          %dma_start3A_787 = tpu.memref_slice %arg12[%add3A_786, %dma_start3A] : memref<640x16xi32, #tpu.memory_space<vmem>> -> memref<1x16xi32, #tpu.memory_space<vmem>>
          %dma_start3A_788 = tpu.memref_squeeze %dma_start3A_787 : memref<1x16xi32, #tpu.memory_space<vmem>> -> memref<16xi32, #tpu.memory_space<vmem>>
          %dma_start3A_789 = arith.constant 0 : i32
          %dma_start3A_790 = arith.constant 0 : i32
          %dma_start3A_791 = tpu.memref_slice %arg2[%dma_start3A_789, %dma_start3A_790] : memref<10240x8xf32, #tpu.memory_space<hbm>> -> memref<10240x8xf32, #tpu.memory_space<hbm>>
          tpu.enqueue_indirect_dma source(%dma_start3A_791 : memref<10240x8xf32, #tpu.memory_space<hbm>>) target(%arg14 : memref<16x8xf32, #tpu.memory_space<vmem>>) offsets(%dma_start3A_788 : memref<16xi32, #tpu.memory_space<vmem>>) semaphore(%arg23 : memref<!tpu.dma_semaphore, #tpu.memory_space<semaphore_mem>>)
          %dma_start3A_792 = arith.constant 0 : i32
          %dma_start3A_793 = tpu.memref_slice %arg12[%add3A_786, %dma_start3A_792] : memref<640x16xi32, #tpu.memory_space<vmem>> -> memref<1x16xi32, #tpu.memory_space<vmem>>
          %dma_start3A_794 = tpu.memref_squeeze %dma_start3A_793 : memref<1x16xi32, #tpu.memory_space<vmem>> -> memref<16xi32, #tpu.memory_space<vmem>>
          %dma_start3A_795 = arith.constant 0 : i32
          %dma_start3A_796 = arith.constant 0 : i32
          %dma_start3A_797 = tpu.memref_slice %arg3[%dma_start3A_795, %dma_start3A_796] : memref<10240x8xf32, #tpu.memory_space<hbm>> -> memref<10240x8xf32, #tpu.memory_space<hbm>>
          tpu.enqueue_indirect_dma source(%dma_start3A_797 : memref<10240x8xf32, #tpu.memory_space<hbm>>) target(%arg15 : memref<16x8xf32, #tpu.memory_space<vmem>>) offsets(%dma_start3A_794 : memref<16xi32, #tpu.memory_space<vmem>>) semaphore(%arg23 : memref<!tpu.dma_semaphore, #tpu.memory_space<semaphore_mem>>)
        } else {
        }
        %add3A_441 = arith.constant 0 : i32
        %add3A_442 = vector.broadcast %add3A_441 : i32 to vector<16xi32>
        %add3A_443 = arith.addi %shift_right_logical3A_6, %add3A_442 : vector<16xi32>
        %get3A_444 = arith.constant 3 : i32
        %get3A_445 = arith.index_cast %get3A_444 : i32 to index
        %get3A_446 = arith.constant 0 : index
        %get3A_447 = tpu.vector_load %arg19[%get3A_445, %get3A_446] {strides = array<i32>} : memref<4x16xf32, #tpu.memory_space<vmem>>, vector<16xf32>,
        %broadcast_in_dim3A_448 = arith.constant 0 : i32
        %broadcast_in_dim3A_449 = vector.broadcast %broadcast_in_dim3A_448 : i32 to vector<16xi32>
        %gather3A_450 = tpu.vector_load_idx %arg16[%add3A_443, %broadcast_in_dim3A_449] : memref<16x8xf32, #tpu.memory_space<vmem>>[vector<16xi32>, vector<16xi32>], vector<16xf32>,
        %gather3A_451 = tpu.vector_load_idx %arg17[%add3A_443, %broadcast_in_dim3A_449] : memref<16x8xf32, #tpu.memory_space<vmem>>[vector<16xi32>, vector<16xi32>], vector<16xf32>,
        %add3A_452 = arith.addf %gather3A_450, %gather3A_451 : vector<16xf32>
        %get3A_453 = arith.constant 0 : i32
        %get3A_454 = arith.index_cast %get3A_453 : i32 to index
        %get3A_455 = arith.constant 0 : index
        %get3A_456 = tpu.vector_load %arg19[%get3A_454, %get3A_455] {strides = array<i32>} : memref<4x16xf32, #tpu.memory_space<vmem>>, vector<16xf32>,
        %mul3A_457 = arith.mulf %add3A_452, %get3A_456 : vector<16xf32>
        %add3A_458 = arith.addf %get3A_447, %mul3A_457 : vector<16xf32>
        %broadcast_in_dim3A_459 = arith.constant 1 : i32
        %broadcast_in_dim3A_460 = vector.broadcast %broadcast_in_dim3A_459 : i32 to vector<16xi32>
        %gather3A_461 = tpu.vector_load_idx %arg16[%add3A_443, %broadcast_in_dim3A_460] : memref<16x8xf32, #tpu.memory_space<vmem>>[vector<16xi32>, vector<16xi32>], vector<16xf32>,
        %gather3A_462 = tpu.vector_load_idx %arg17[%add3A_443, %broadcast_in_dim3A_460] : memref<16x8xf32, #tpu.memory_space<vmem>>[vector<16xi32>, vector<16xi32>], vector<16xf32>,
        %add3A_463 = arith.addf %gather3A_461, %gather3A_462 : vector<16xf32>
        %get3A_464 = arith.constant 1 : i32
        %get3A_465 = arith.index_cast %get3A_464 : i32 to index
        %get3A_466 = arith.constant 0 : index
        %get3A_467 = tpu.vector_load %arg19[%get3A_465, %get3A_466] {strides = array<i32>} : memref<4x16xf32, #tpu.memory_space<vmem>>, vector<16xf32>,
        %mul3A_468 = arith.mulf %add3A_463, %get3A_467 : vector<16xf32>
        %add3A_469 = arith.addf %add3A_458, %mul3A_468 : vector<16xf32>
        %broadcast_in_dim3A_470 = arith.constant 2 : i32
        %broadcast_in_dim3A_471 = vector.broadcast %broadcast_in_dim3A_470 : i32 to vector<16xi32>
        %gather3A_472 = tpu.vector_load_idx %arg16[%add3A_443, %broadcast_in_dim3A_471] : memref<16x8xf32, #tpu.memory_space<vmem>>[vector<16xi32>, vector<16xi32>], vector<16xf32>,
        %gather3A_473 = tpu.vector_load_idx %arg17[%add3A_443, %broadcast_in_dim3A_471] : memref<16x8xf32, #tpu.memory_space<vmem>>[vector<16xi32>, vector<16xi32>], vector<16xf32>,
        %add3A_474 = arith.addf %gather3A_472, %gather3A_473 : vector<16xf32>
        %get3A_475 = arith.constant 2 : i32
        %get3A_476 = arith.index_cast %get3A_475 : i32 to index
        %get3A_477 = arith.constant 0 : index
        %get3A_478 = tpu.vector_load %arg19[%get3A_476, %get3A_477] {strides = array<i32>} : memref<4x16xf32, #tpu.memory_space<vmem>>, vector<16xf32>,
        %mul3A_479 = arith.mulf %add3A_474, %get3A_478 : vector<16xf32>
        %add3A_480 = arith.addf %add3A_469, %mul3A_479 : vector<16xf32>
        %max3A_481 = arith.constant 0.000000e+00 : f32
        %max3A_482 = vector.broadcast %max3A_481 : f32 to vector<16xf32>
        %max3A_483 = arith.maximumf %add3A_480, %max3A_482 : vector<16xf32>
        tpu.vector_store_idx %arg18[%add3A_443, %and3A_8], %max3A_483 : memref<16x8xf32, #tpu.memory_space<vmem>>[vector<16xi32>, vector<16xi32>], vector<16xf32>,
        %add3A_484 = arith.constant 2 : i32
        %add3A_485 = vector.broadcast %add3A_484 : i32 to vector<16xi32>
        %add3A_486 = arith.addi %shift_right_logical3A_6, %add3A_485 : vector<16xi32>
        %get3A_487 = arith.constant 3 : i32
        %get3A_488 = arith.index_cast %get3A_487 : i32 to index
        %get3A_489 = arith.constant 0 : index
        %get3A_490 = tpu.vector_load %arg19[%get3A_488, %get3A_489] {strides = array<i32>} : memref<4x16xf32, #tpu.memory_space<vmem>>, vector<16xf32>,
        %broadcast_in_dim3A_491 = arith.constant 0 : i32
        %broadcast_in_dim3A_492 = vector.broadcast %broadcast_in_dim3A_491 : i32 to vector<16xi32>
        %gather3A_493 = tpu.vector_load_idx %arg16[%add3A_486, %broadcast_in_dim3A_492] : memref<16x8xf32, #tpu.memory_space<vmem>>[vector<16xi32>, vector<16xi32>], vector<16xf32>,
        %gather3A_494 = tpu.vector_load_idx %arg17[%add3A_486, %broadcast_in_dim3A_492] : memref<16x8xf32, #tpu.memory_space<vmem>>[vector<16xi32>, vector<16xi32>], vector<16xf32>,
        %add3A_495 = arith.addf %gather3A_493, %gather3A_494 : vector<16xf32>
        %get3A_496 = arith.constant 0 : i32
        %get3A_497 = arith.index_cast %get3A_496 : i32 to index
        %get3A_498 = arith.constant 0 : index
        %get3A_499 = tpu.vector_load %arg19[%get3A_497, %get3A_498] {strides = array<i32>} : memref<4x16xf32, #tpu.memory_space<vmem>>, vector<16xf32>,
        %mul3A_500 = arith.mulf %add3A_495, %get3A_499 : vector<16xf32>
        %add3A_501 = arith.addf %get3A_490, %mul3A_500 : vector<16xf32>
        %broadcast_in_dim3A_502 = arith.constant 1 : i32
        %broadcast_in_dim3A_503 = vector.broadcast %broadcast_in_dim3A_502 : i32 to vector<16xi32>
        %gather3A_504 = tpu.vector_load_idx %arg16[%add3A_486, %broadcast_in_dim3A_503] : memref<16x8xf32, #tpu.memory_space<vmem>>[vector<16xi32>, vector<16xi32>], vector<16xf32>,
        %gather3A_505 = tpu.vector_load_idx %arg17[%add3A_486, %broadcast_in_dim3A_503] : memref<16x8xf32, #tpu.memory_space<vmem>>[vector<16xi32>, vector<16xi32>], vector<16xf32>,
        %add3A_506 = arith.addf %gather3A_504, %gather3A_505 : vector<16xf32>
        %get3A_507 = arith.constant 1 : i32
        %get3A_508 = arith.index_cast %get3A_507 : i32 to index
        %get3A_509 = arith.constant 0 : index
        %get3A_510 = tpu.vector_load %arg19[%get3A_508, %get3A_509] {strides = array<i32>} : memref<4x16xf32, #tpu.memory_space<vmem>>, vector<16xf32>,
        %mul3A_511 = arith.mulf %add3A_506, %get3A_510 : vector<16xf32>
        %add3A_512 = arith.addf %add3A_501, %mul3A_511 : vector<16xf32>
        %broadcast_in_dim3A_513 = arith.constant 2 : i32
        %broadcast_in_dim3A_514 = vector.broadcast %broadcast_in_dim3A_513 : i32 to vector<16xi32>
        %gather3A_515 = tpu.vector_load_idx %arg16[%add3A_486, %broadcast_in_dim3A_514] : memref<16x8xf32, #tpu.memory_space<vmem>>[vector<16xi32>, vector<16xi32>], vector<16xf32>,
        %gather3A_516 = tpu.vector_load_idx %arg17[%add3A_486, %broadcast_in_dim3A_514] : memref<16x8xf32, #tpu.memory_space<vmem>>[vector<16xi32>, vector<16xi32>], vector<16xf32>,
        %add3A_517 = arith.addf %gather3A_515, %gather3A_516 : vector<16xf32>
        %get3A_518 = arith.constant 2 : i32
        %get3A_519 = arith.index_cast %get3A_518 : i32 to index
        %get3A_520 = arith.constant 0 : index
        %get3A_521 = tpu.vector_load %arg19[%get3A_519, %get3A_520] {strides = array<i32>} : memref<4x16xf32, #tpu.memory_space<vmem>>, vector<16xf32>,
        %mul3A_522 = arith.mulf %add3A_517, %get3A_521 : vector<16xf32>
        %add3A_523 = arith.addf %add3A_512, %mul3A_522 : vector<16xf32>
        %max3A_524 = arith.constant 0.000000e+00 : f32
        %max3A_525 = vector.broadcast %max3A_524 : f32 to vector<16xf32>
        %max3A_526 = arith.maximumf %add3A_523, %max3A_525 : vector<16xf32>
        tpu.vector_store_idx %arg18[%add3A_486, %and3A_8], %max3A_526 : memref<16x8xf32, #tpu.memory_space<vmem>>[vector<16xi32>, vector<16xi32>], vector<16xf32>,
        %add3A_527 = arith.constant 4 : i32
        %add3A_528 = vector.broadcast %add3A_527 : i32 to vector<16xi32>
        %add3A_529 = arith.addi %shift_right_logical3A_6, %add3A_528 : vector<16xi32>
        %get3A_530 = arith.constant 3 : i32
        %get3A_531 = arith.index_cast %get3A_530 : i32 to index
        %get3A_532 = arith.constant 0 : index
        %get3A_533 = tpu.vector_load %arg19[%get3A_531, %get3A_532] {strides = array<i32>} : memref<4x16xf32, #tpu.memory_space<vmem>>, vector<16xf32>,
        %broadcast_in_dim3A_534 = arith.constant 0 : i32
        %broadcast_in_dim3A_535 = vector.broadcast %broadcast_in_dim3A_534 : i32 to vector<16xi32>
        %gather3A_536 = tpu.vector_load_idx %arg16[%add3A_529, %broadcast_in_dim3A_535] : memref<16x8xf32, #tpu.memory_space<vmem>>[vector<16xi32>, vector<16xi32>], vector<16xf32>,
        %gather3A_537 = tpu.vector_load_idx %arg17[%add3A_529, %broadcast_in_dim3A_535] : memref<16x8xf32, #tpu.memory_space<vmem>>[vector<16xi32>, vector<16xi32>], vector<16xf32>,
        %add3A_538 = arith.addf %gather3A_536, %gather3A_537 : vector<16xf32>
        %get3A_539 = arith.constant 0 : i32
        %get3A_540 = arith.index_cast %get3A_539 : i32 to index
        %get3A_541 = arith.constant 0 : index
        %get3A_542 = tpu.vector_load %arg19[%get3A_540, %get3A_541] {strides = array<i32>} : memref<4x16xf32, #tpu.memory_space<vmem>>, vector<16xf32>,
        %mul3A_543 = arith.mulf %add3A_538, %get3A_542 : vector<16xf32>
        %add3A_544 = arith.addf %get3A_533, %mul3A_543 : vector<16xf32>
        %broadcast_in_dim3A_545 = arith.constant 1 : i32
        %broadcast_in_dim3A_546 = vector.broadcast %broadcast_in_dim3A_545 : i32 to vector<16xi32>
        %gather3A_547 = tpu.vector_load_idx %arg16[%add3A_529, %broadcast_in_dim3A_546] : memref<16x8xf32, #tpu.memory_space<vmem>>[vector<16xi32>, vector<16xi32>], vector<16xf32>,
        %gather3A_548 = tpu.vector_load_idx %arg17[%add3A_529, %broadcast_in_dim3A_546] : memref<16x8xf32, #tpu.memory_space<vmem>>[vector<16xi32>, vector<16xi32>], vector<16xf32>,
        %add3A_549 = arith.addf %gather3A_547, %gather3A_548 : vector<16xf32>
        %get3A_550 = arith.constant 1 : i32
        %get3A_551 = arith.index_cast %get3A_550 : i32 to index
        %get3A_552 = arith.constant 0 : index
        %get3A_553 = tpu.vector_load %arg19[%get3A_551, %get3A_552] {strides = array<i32>} : memref<4x16xf32, #tpu.memory_space<vmem>>, vector<16xf32>,
        %mul3A_554 = arith.mulf %add3A_549, %get3A_553 : vector<16xf32>
        %add3A_555 = arith.addf %add3A_544, %mul3A_554 : vector<16xf32>
        %broadcast_in_dim3A_556 = arith.constant 2 : i32
        %broadcast_in_dim3A_557 = vector.broadcast %broadcast_in_dim3A_556 : i32 to vector<16xi32>
        %gather3A_558 = tpu.vector_load_idx %arg16[%add3A_529, %broadcast_in_dim3A_557] : memref<16x8xf32, #tpu.memory_space<vmem>>[vector<16xi32>, vector<16xi32>], vector<16xf32>,
        %gather3A_559 = tpu.vector_load_idx %arg17[%add3A_529, %broadcast_in_dim3A_557] : memref<16x8xf32, #tpu.memory_space<vmem>>[vector<16xi32>, vector<16xi32>], vector<16xf32>,
        %add3A_560 = arith.addf %gather3A_558, %gather3A_559 : vector<16xf32>
        %get3A_561 = arith.constant 2 : i32
        %get3A_562 = arith.index_cast %get3A_561 : i32 to index
        %get3A_563 = arith.constant 0 : index
        %get3A_564 = tpu.vector_load %arg19[%get3A_562, %get3A_563] {strides = array<i32>} : memref<4x16xf32, #tpu.memory_space<vmem>>, vector<16xf32>,
        %mul3A_565 = arith.mulf %add3A_560, %get3A_564 : vector<16xf32>
        %add3A_566 = arith.addf %add3A_555, %mul3A_565 : vector<16xf32>
        %max3A_567 = arith.constant 0.000000e+00 : f32
        %max3A_568 = vector.broadcast %max3A_567 : f32 to vector<16xf32>
        %max3A_569 = arith.maximumf %add3A_566, %max3A_568 : vector<16xf32>
        tpu.vector_store_idx %arg18[%add3A_529, %and3A_8], %max3A_569 : memref<16x8xf32, #tpu.memory_space<vmem>>[vector<16xi32>, vector<16xi32>], vector<16xf32>,
        %add3A_570 = arith.constant 6 : i32
        %add3A_571 = vector.broadcast %add3A_570 : i32 to vector<16xi32>
        %add3A_572 = arith.addi %shift_right_logical3A_6, %add3A_571 : vector<16xi32>
        %get3A_573 = arith.constant 3 : i32
        %get3A_574 = arith.index_cast %get3A_573 : i32 to index
        %get3A_575 = arith.constant 0 : index
        %get3A_576 = tpu.vector_load %arg19[%get3A_574, %get3A_575] {strides = array<i32>} : memref<4x16xf32, #tpu.memory_space<vmem>>, vector<16xf32>,
        %broadcast_in_dim3A_577 = arith.constant 0 : i32
        %broadcast_in_dim3A_578 = vector.broadcast %broadcast_in_dim3A_577 : i32 to vector<16xi32>
        %gather3A_579 = tpu.vector_load_idx %arg16[%add3A_572, %broadcast_in_dim3A_578] : memref<16x8xf32, #tpu.memory_space<vmem>>[vector<16xi32>, vector<16xi32>], vector<16xf32>,
        %gather3A_580 = tpu.vector_load_idx %arg17[%add3A_572, %broadcast_in_dim3A_578] : memref<16x8xf32, #tpu.memory_space<vmem>>[vector<16xi32>, vector<16xi32>], vector<16xf32>,
        %add3A_581 = arith.addf %gather3A_579, %gather3A_580 : vector<16xf32>
        %get3A_582 = arith.constant 0 : i32
        %get3A_583 = arith.index_cast %get3A_582 : i32 to index
        %get3A_584 = arith.constant 0 : index
        %get3A_585 = tpu.vector_load %arg19[%get3A_583, %get3A_584] {strides = array<i32>} : memref<4x16xf32, #tpu.memory_space<vmem>>, vector<16xf32>,
        %mul3A_586 = arith.mulf %add3A_581, %get3A_585 : vector<16xf32>
        %add3A_587 = arith.addf %get3A_576, %mul3A_586 : vector<16xf32>
        %broadcast_in_dim3A_588 = arith.constant 1 : i32
        %broadcast_in_dim3A_589 = vector.broadcast %broadcast_in_dim3A_588 : i32 to vector<16xi32>
        %gather3A_590 = tpu.vector_load_idx %arg16[%add3A_572, %broadcast_in_dim3A_589] : memref<16x8xf32, #tpu.memory_space<vmem>>[vector<16xi32>, vector<16xi32>], vector<16xf32>,
        %gather3A_591 = tpu.vector_load_idx %arg17[%add3A_572, %broadcast_in_dim3A_589] : memref<16x8xf32, #tpu.memory_space<vmem>>[vector<16xi32>, vector<16xi32>], vector<16xf32>,
        %add3A_592 = arith.addf %gather3A_590, %gather3A_591 : vector<16xf32>
        %get3A_593 = arith.constant 1 : i32
        %get3A_594 = arith.index_cast %get3A_593 : i32 to index
        %get3A_595 = arith.constant 0 : index
        %get3A_596 = tpu.vector_load %arg19[%get3A_594, %get3A_595] {strides = array<i32>} : memref<4x16xf32, #tpu.memory_space<vmem>>, vector<16xf32>,
        %mul3A_597 = arith.mulf %add3A_592, %get3A_596 : vector<16xf32>
        %add3A_598 = arith.addf %add3A_587, %mul3A_597 : vector<16xf32>
        %broadcast_in_dim3A_599 = arith.constant 2 : i32
        %broadcast_in_dim3A_600 = vector.broadcast %broadcast_in_dim3A_599 : i32 to vector<16xi32>
        %gather3A_601 = tpu.vector_load_idx %arg16[%add3A_572, %broadcast_in_dim3A_600] : memref<16x8xf32, #tpu.memory_space<vmem>>[vector<16xi32>, vector<16xi32>], vector<16xf32>,
        %gather3A_602 = tpu.vector_load_idx %arg17[%add3A_572, %broadcast_in_dim3A_600] : memref<16x8xf32, #tpu.memory_space<vmem>>[vector<16xi32>, vector<16xi32>], vector<16xf32>,
        %add3A_603 = arith.addf %gather3A_601, %gather3A_602 : vector<16xf32>
        %get3A_604 = arith.constant 2 : i32
        %get3A_605 = arith.index_cast %get3A_604 : i32 to index
        %get3A_606 = arith.constant 0 : index
        %get3A_607 = tpu.vector_load %arg19[%get3A_605, %get3A_606] {strides = array<i32>} : memref<4x16xf32, #tpu.memory_space<vmem>>, vector<16xf32>,
        %mul3A_608 = arith.mulf %add3A_603, %get3A_607 : vector<16xf32>
        %add3A_609 = arith.addf %add3A_598, %mul3A_608 : vector<16xf32>
        %max3A_610 = arith.constant 0.000000e+00 : f32
        %max3A_611 = vector.broadcast %max3A_610 : f32 to vector<16xf32>
        %max3A_612 = arith.maximumf %add3A_609, %max3A_611 : vector<16xf32>
        tpu.vector_store_idx %arg18[%add3A_572, %and3A_8], %max3A_612 : memref<16x8xf32, #tpu.memory_space<vmem>>[vector<16xi32>, vector<16xi32>], vector<16xf32>,
        %add3A_613 = arith.constant 8 : i32
        %add3A_614 = vector.broadcast %add3A_613 : i32 to vector<16xi32>
        %add3A_615 = arith.addi %shift_right_logical3A_6, %add3A_614 : vector<16xi32>
        %get3A_616 = arith.constant 3 : i32
        %get3A_617 = arith.index_cast %get3A_616 : i32 to index
        %get3A_618 = arith.constant 0 : index
        %get3A_619 = tpu.vector_load %arg19[%get3A_617, %get3A_618] {strides = array<i32>} : memref<4x16xf32, #tpu.memory_space<vmem>>, vector<16xf32>,
        %broadcast_in_dim3A_620 = arith.constant 0 : i32
        %broadcast_in_dim3A_621 = vector.broadcast %broadcast_in_dim3A_620 : i32 to vector<16xi32>
        %gather3A_622 = tpu.vector_load_idx %arg16[%add3A_615, %broadcast_in_dim3A_621] : memref<16x8xf32, #tpu.memory_space<vmem>>[vector<16xi32>, vector<16xi32>], vector<16xf32>,
        %gather3A_623 = tpu.vector_load_idx %arg17[%add3A_615, %broadcast_in_dim3A_621] : memref<16x8xf32, #tpu.memory_space<vmem>>[vector<16xi32>, vector<16xi32>], vector<16xf32>,
        %add3A_624 = arith.addf %gather3A_622, %gather3A_623 : vector<16xf32>
        %get3A_625 = arith.constant 0 : i32
        %get3A_626 = arith.index_cast %get3A_625 : i32 to index
        %get3A_627 = arith.constant 0 : index
        %get3A_628 = tpu.vector_load %arg19[%get3A_626, %get3A_627] {strides = array<i32>} : memref<4x16xf32, #tpu.memory_space<vmem>>, vector<16xf32>,
        %mul3A_629 = arith.mulf %add3A_624, %get3A_628 : vector<16xf32>
        %add3A_630 = arith.addf %get3A_619, %mul3A_629 : vector<16xf32>
        %broadcast_in_dim3A_631 = arith.constant 1 : i32
        %broadcast_in_dim3A_632 = vector.broadcast %broadcast_in_dim3A_631 : i32 to vector<16xi32>
        %gather3A_633 = tpu.vector_load_idx %arg16[%add3A_615, %broadcast_in_dim3A_632] : memref<16x8xf32, #tpu.memory_space<vmem>>[vector<16xi32>, vector<16xi32>], vector<16xf32>,
        %gather3A_634 = tpu.vector_load_idx %arg17[%add3A_615, %broadcast_in_dim3A_632] : memref<16x8xf32, #tpu.memory_space<vmem>>[vector<16xi32>, vector<16xi32>], vector<16xf32>,
        %add3A_635 = arith.addf %gather3A_633, %gather3A_634 : vector<16xf32>
        %get3A_636 = arith.constant 1 : i32
        %get3A_637 = arith.index_cast %get3A_636 : i32 to index
        %get3A_638 = arith.constant 0 : index
        %get3A_639 = tpu.vector_load %arg19[%get3A_637, %get3A_638] {strides = array<i32>} : memref<4x16xf32, #tpu.memory_space<vmem>>, vector<16xf32>,
        %mul3A_640 = arith.mulf %add3A_635, %get3A_639 : vector<16xf32>
        %add3A_641 = arith.addf %add3A_630, %mul3A_640 : vector<16xf32>
        %broadcast_in_dim3A_642 = arith.constant 2 : i32
        %broadcast_in_dim3A_643 = vector.broadcast %broadcast_in_dim3A_642 : i32 to vector<16xi32>
        %gather3A_644 = tpu.vector_load_idx %arg16[%add3A_615, %broadcast_in_dim3A_643] : memref<16x8xf32, #tpu.memory_space<vmem>>[vector<16xi32>, vector<16xi32>], vector<16xf32>,
        %gather3A_645 = tpu.vector_load_idx %arg17[%add3A_615, %broadcast_in_dim3A_643] : memref<16x8xf32, #tpu.memory_space<vmem>>[vector<16xi32>, vector<16xi32>], vector<16xf32>,
        %add3A_646 = arith.addf %gather3A_644, %gather3A_645 : vector<16xf32>
        %get3A_647 = arith.constant 2 : i32
        %get3A_648 = arith.index_cast %get3A_647 : i32 to index
        %get3A_649 = arith.constant 0 : index
        %get3A_650 = tpu.vector_load %arg19[%get3A_648, %get3A_649] {strides = array<i32>} : memref<4x16xf32, #tpu.memory_space<vmem>>, vector<16xf32>,
        %mul3A_651 = arith.mulf %add3A_646, %get3A_650 : vector<16xf32>
        %add3A_652 = arith.addf %add3A_641, %mul3A_651 : vector<16xf32>
        %max3A_653 = arith.constant 0.000000e+00 : f32
        %max3A_654 = vector.broadcast %max3A_653 : f32 to vector<16xf32>
        %max3A_655 = arith.maximumf %add3A_652, %max3A_654 : vector<16xf32>
        tpu.vector_store_idx %arg18[%add3A_615, %and3A_8], %max3A_655 : memref<16x8xf32, #tpu.memory_space<vmem>>[vector<16xi32>, vector<16xi32>], vector<16xf32>,
        %add3A_656 = arith.constant 10 : i32
        %add3A_657 = vector.broadcast %add3A_656 : i32 to vector<16xi32>
        %add3A_658 = arith.addi %shift_right_logical3A_6, %add3A_657 : vector<16xi32>
        %get3A_659 = arith.constant 3 : i32
        %get3A_660 = arith.index_cast %get3A_659 : i32 to index
        %get3A_661 = arith.constant 0 : index
        %get3A_662 = tpu.vector_load %arg19[%get3A_660, %get3A_661] {strides = array<i32>} : memref<4x16xf32, #tpu.memory_space<vmem>>, vector<16xf32>,
        %broadcast_in_dim3A_663 = arith.constant 0 : i32
        %broadcast_in_dim3A_664 = vector.broadcast %broadcast_in_dim3A_663 : i32 to vector<16xi32>
        %gather3A_665 = tpu.vector_load_idx %arg16[%add3A_658, %broadcast_in_dim3A_664] : memref<16x8xf32, #tpu.memory_space<vmem>>[vector<16xi32>, vector<16xi32>], vector<16xf32>,
        %gather3A_666 = tpu.vector_load_idx %arg17[%add3A_658, %broadcast_in_dim3A_664] : memref<16x8xf32, #tpu.memory_space<vmem>>[vector<16xi32>, vector<16xi32>], vector<16xf32>,
        %add3A_667 = arith.addf %gather3A_665, %gather3A_666 : vector<16xf32>
        %get3A_668 = arith.constant 0 : i32
        %get3A_669 = arith.index_cast %get3A_668 : i32 to index
        %get3A_670 = arith.constant 0 : index
        %get3A_671 = tpu.vector_load %arg19[%get3A_669, %get3A_670] {strides = array<i32>} : memref<4x16xf32, #tpu.memory_space<vmem>>, vector<16xf32>,
        %mul3A_672 = arith.mulf %add3A_667, %get3A_671 : vector<16xf32>
        %add3A_673 = arith.addf %get3A_662, %mul3A_672 : vector<16xf32>
        %broadcast_in_dim3A_674 = arith.constant 1 : i32
        %broadcast_in_dim3A_675 = vector.broadcast %broadcast_in_dim3A_674 : i32 to vector<16xi32>
        %gather3A_676 = tpu.vector_load_idx %arg16[%add3A_658, %broadcast_in_dim3A_675] : memref<16x8xf32, #tpu.memory_space<vmem>>[vector<16xi32>, vector<16xi32>], vector<16xf32>,
        %gather3A_677 = tpu.vector_load_idx %arg17[%add3A_658, %broadcast_in_dim3A_675] : memref<16x8xf32, #tpu.memory_space<vmem>>[vector<16xi32>, vector<16xi32>], vector<16xf32>,
        %add3A_678 = arith.addf %gather3A_676, %gather3A_677 : vector<16xf32>
        %get3A_679 = arith.constant 1 : i32
        %get3A_680 = arith.index_cast %get3A_679 : i32 to index
        %get3A_681 = arith.constant 0 : index
        %get3A_682 = tpu.vector_load %arg19[%get3A_680, %get3A_681] {strides = array<i32>} : memref<4x16xf32, #tpu.memory_space<vmem>>, vector<16xf32>,
        %mul3A_683 = arith.mulf %add3A_678, %get3A_682 : vector<16xf32>
        %add3A_684 = arith.addf %add3A_673, %mul3A_683 : vector<16xf32>
        %broadcast_in_dim3A_685 = arith.constant 2 : i32
        %broadcast_in_dim3A_686 = vector.broadcast %broadcast_in_dim3A_685 : i32 to vector<16xi32>
        %gather3A_687 = tpu.vector_load_idx %arg16[%add3A_658, %broadcast_in_dim3A_686] : memref<16x8xf32, #tpu.memory_space<vmem>>[vector<16xi32>, vector<16xi32>], vector<16xf32>,
        %gather3A_688 = tpu.vector_load_idx %arg17[%add3A_658, %broadcast_in_dim3A_686] : memref<16x8xf32, #tpu.memory_space<vmem>>[vector<16xi32>, vector<16xi32>], vector<16xf32>,
        %add3A_689 = arith.addf %gather3A_687, %gather3A_688 : vector<16xf32>
        %get3A_690 = arith.constant 2 : i32
        %get3A_691 = arith.index_cast %get3A_690 : i32 to index
        %get3A_692 = arith.constant 0 : index
        %get3A_693 = tpu.vector_load %arg19[%get3A_691, %get3A_692] {strides = array<i32>} : memref<4x16xf32, #tpu.memory_space<vmem>>, vector<16xf32>,
        %mul3A_694 = arith.mulf %add3A_689, %get3A_693 : vector<16xf32>
        %add3A_695 = arith.addf %add3A_684, %mul3A_694 : vector<16xf32>
        %max3A_696 = arith.constant 0.000000e+00 : f32
        %max3A_697 = vector.broadcast %max3A_696 : f32 to vector<16xf32>
        %max3A_698 = arith.maximumf %add3A_695, %max3A_697 : vector<16xf32>
        tpu.vector_store_idx %arg18[%add3A_658, %and3A_8], %max3A_698 : memref<16x8xf32, #tpu.memory_space<vmem>>[vector<16xi32>, vector<16xi32>], vector<16xf32>,
        %add3A_699 = arith.constant 12 : i32
        %add3A_700 = vector.broadcast %add3A_699 : i32 to vector<16xi32>
        %add3A_701 = arith.addi %shift_right_logical3A_6, %add3A_700 : vector<16xi32>
        %get3A_702 = arith.constant 3 : i32
        %get3A_703 = arith.index_cast %get3A_702 : i32 to index
        %get3A_704 = arith.constant 0 : index
        %get3A_705 = tpu.vector_load %arg19[%get3A_703, %get3A_704] {strides = array<i32>} : memref<4x16xf32, #tpu.memory_space<vmem>>, vector<16xf32>,
        %broadcast_in_dim3A_706 = arith.constant 0 : i32
        %broadcast_in_dim3A_707 = vector.broadcast %broadcast_in_dim3A_706 : i32 to vector<16xi32>
        %gather3A_708 = tpu.vector_load_idx %arg16[%add3A_701, %broadcast_in_dim3A_707] : memref<16x8xf32, #tpu.memory_space<vmem>>[vector<16xi32>, vector<16xi32>], vector<16xf32>,
        %gather3A_709 = tpu.vector_load_idx %arg17[%add3A_701, %broadcast_in_dim3A_707] : memref<16x8xf32, #tpu.memory_space<vmem>>[vector<16xi32>, vector<16xi32>], vector<16xf32>,
        %add3A_710 = arith.addf %gather3A_708, %gather3A_709 : vector<16xf32>
        %get3A_711 = arith.constant 0 : i32
        %get3A_712 = arith.index_cast %get3A_711 : i32 to index
        %get3A_713 = arith.constant 0 : index
        %get3A_714 = tpu.vector_load %arg19[%get3A_712, %get3A_713] {strides = array<i32>} : memref<4x16xf32, #tpu.memory_space<vmem>>, vector<16xf32>,
        %mul3A_715 = arith.mulf %add3A_710, %get3A_714 : vector<16xf32>
        %add3A_716 = arith.addf %get3A_705, %mul3A_715 : vector<16xf32>
        %broadcast_in_dim3A_717 = arith.constant 1 : i32
        %broadcast_in_dim3A_718 = vector.broadcast %broadcast_in_dim3A_717 : i32 to vector<16xi32>
        %gather3A_719 = tpu.vector_load_idx %arg16[%add3A_701, %broadcast_in_dim3A_718] : memref<16x8xf32, #tpu.memory_space<vmem>>[vector<16xi32>, vector<16xi32>], vector<16xf32>,
        %gather3A_720 = tpu.vector_load_idx %arg17[%add3A_701, %broadcast_in_dim3A_718] : memref<16x8xf32, #tpu.memory_space<vmem>>[vector<16xi32>, vector<16xi32>], vector<16xf32>,
        %add3A_721 = arith.addf %gather3A_719, %gather3A_720 : vector<16xf32>
        %get3A_722 = arith.constant 1 : i32
        %get3A_723 = arith.index_cast %get3A_722 : i32 to index
        %get3A_724 = arith.constant 0 : index
        %get3A_725 = tpu.vector_load %arg19[%get3A_723, %get3A_724] {strides = array<i32>} : memref<4x16xf32, #tpu.memory_space<vmem>>, vector<16xf32>,
        %mul3A_726 = arith.mulf %add3A_721, %get3A_725 : vector<16xf32>
        %add3A_727 = arith.addf %add3A_716, %mul3A_726 : vector<16xf32>
        %broadcast_in_dim3A_728 = arith.constant 2 : i32
        %broadcast_in_dim3A_729 = vector.broadcast %broadcast_in_dim3A_728 : i32 to vector<16xi32>
        %gather3A_730 = tpu.vector_load_idx %arg16[%add3A_701, %broadcast_in_dim3A_729] : memref<16x8xf32, #tpu.memory_space<vmem>>[vector<16xi32>, vector<16xi32>], vector<16xf32>,
        %gather3A_731 = tpu.vector_load_idx %arg17[%add3A_701, %broadcast_in_dim3A_729] : memref<16x8xf32, #tpu.memory_space<vmem>>[vector<16xi32>, vector<16xi32>], vector<16xf32>,
        %add3A_732 = arith.addf %gather3A_730, %gather3A_731 : vector<16xf32>
        %get3A_733 = arith.constant 2 : i32
        %get3A_734 = arith.index_cast %get3A_733 : i32 to index
        %get3A_735 = arith.constant 0 : index
        %get3A_736 = tpu.vector_load %arg19[%get3A_734, %get3A_735] {strides = array<i32>} : memref<4x16xf32, #tpu.memory_space<vmem>>, vector<16xf32>,
        %mul3A_737 = arith.mulf %add3A_732, %get3A_736 : vector<16xf32>
        %add3A_738 = arith.addf %add3A_727, %mul3A_737 : vector<16xf32>
        %max3A_739 = arith.constant 0.000000e+00 : f32
        %max3A_740 = vector.broadcast %max3A_739 : f32 to vector<16xf32>
        %max3A_741 = arith.maximumf %add3A_738, %max3A_740 : vector<16xf32>
        tpu.vector_store_idx %arg18[%add3A_701, %and3A_8], %max3A_741 : memref<16x8xf32, #tpu.memory_space<vmem>>[vector<16xi32>, vector<16xi32>], vector<16xf32>,
        %add3A_742 = arith.constant 14 : i32
        %add3A_743 = vector.broadcast %add3A_742 : i32 to vector<16xi32>
        %add3A_744 = arith.addi %shift_right_logical3A_6, %add3A_743 : vector<16xi32>
        %get3A_745 = arith.constant 3 : i32
        %get3A_746 = arith.index_cast %get3A_745 : i32 to index
        %get3A_747 = arith.constant 0 : index
        %get3A_748 = tpu.vector_load %arg19[%get3A_746, %get3A_747] {strides = array<i32>} : memref<4x16xf32, #tpu.memory_space<vmem>>, vector<16xf32>,
        %broadcast_in_dim3A_749 = arith.constant 0 : i32
        %broadcast_in_dim3A_750 = vector.broadcast %broadcast_in_dim3A_749 : i32 to vector<16xi32>
        %gather3A_751 = tpu.vector_load_idx %arg16[%add3A_744, %broadcast_in_dim3A_750] : memref<16x8xf32, #tpu.memory_space<vmem>>[vector<16xi32>, vector<16xi32>], vector<16xf32>,
        %gather3A_752 = tpu.vector_load_idx %arg17[%add3A_744, %broadcast_in_dim3A_750] : memref<16x8xf32, #tpu.memory_space<vmem>>[vector<16xi32>, vector<16xi32>], vector<16xf32>,
        %add3A_753 = arith.addf %gather3A_751, %gather3A_752 : vector<16xf32>
        %get3A_754 = arith.constant 0 : i32
        %get3A_755 = arith.index_cast %get3A_754 : i32 to index
        %get3A_756 = arith.constant 0 : index
        %get3A_757 = tpu.vector_load %arg19[%get3A_755, %get3A_756] {strides = array<i32>} : memref<4x16xf32, #tpu.memory_space<vmem>>, vector<16xf32>,
        %mul3A_758 = arith.mulf %add3A_753, %get3A_757 : vector<16xf32>
        %add3A_759 = arith.addf %get3A_748, %mul3A_758 : vector<16xf32>
        %broadcast_in_dim3A_760 = arith.constant 1 : i32
        %broadcast_in_dim3A_761 = vector.broadcast %broadcast_in_dim3A_760 : i32 to vector<16xi32>
        %gather3A_762 = tpu.vector_load_idx %arg16[%add3A_744, %broadcast_in_dim3A_761] : memref<16x8xf32, #tpu.memory_space<vmem>>[vector<16xi32>, vector<16xi32>], vector<16xf32>,
        %gather3A_763 = tpu.vector_load_idx %arg17[%add3A_744, %broadcast_in_dim3A_761] : memref<16x8xf32, #tpu.memory_space<vmem>>[vector<16xi32>, vector<16xi32>], vector<16xf32>,
        %add3A_764 = arith.addf %gather3A_762, %gather3A_763 : vector<16xf32>
        %get3A_765 = arith.constant 1 : i32
        %get3A_766 = arith.index_cast %get3A_765 : i32 to index
        %get3A_767 = arith.constant 0 : index
        %get3A_768 = tpu.vector_load %arg19[%get3A_766, %get3A_767] {strides = array<i32>} : memref<4x16xf32, #tpu.memory_space<vmem>>, vector<16xf32>,
        %mul3A_769 = arith.mulf %add3A_764, %get3A_768 : vector<16xf32>
        %add3A_770 = arith.addf %add3A_759, %mul3A_769 : vector<16xf32>
        %broadcast_in_dim3A_771 = arith.constant 2 : i32
        %broadcast_in_dim3A_772 = vector.broadcast %broadcast_in_dim3A_771 : i32 to vector<16xi32>
        %gather3A_773 = tpu.vector_load_idx %arg16[%add3A_744, %broadcast_in_dim3A_772] : memref<16x8xf32, #tpu.memory_space<vmem>>[vector<16xi32>, vector<16xi32>], vector<16xf32>,
        %gather3A_774 = tpu.vector_load_idx %arg17[%add3A_744, %broadcast_in_dim3A_772] : memref<16x8xf32, #tpu.memory_space<vmem>>[vector<16xi32>, vector<16xi32>], vector<16xf32>,
        %add3A_775 = arith.addf %gather3A_773, %gather3A_774 : vector<16xf32>
        %get3A_776 = arith.constant 2 : i32
        %get3A_777 = arith.index_cast %get3A_776 : i32 to index
        %get3A_778 = arith.constant 0 : index
        %get3A_779 = tpu.vector_load %arg19[%get3A_777, %get3A_778] {strides = array<i32>} : memref<4x16xf32, #tpu.memory_space<vmem>>, vector<16xf32>,
        %mul3A_780 = arith.mulf %add3A_775, %get3A_779 : vector<16xf32>
        %add3A_781 = arith.addf %add3A_770, %mul3A_780 : vector<16xf32>
        %max3A_782 = arith.constant 0.000000e+00 : f32
        %max3A_783 = vector.broadcast %max3A_782 : f32 to vector<16xf32>
        %max3A_784 = arith.maximumf %add3A_781, %max3A_783 : vector<16xf32>
        tpu.vector_store_idx %arg18[%add3A_744, %and3A_8], %max3A_784 : memref<16x8xf32, #tpu.memory_space<vmem>>[vector<16xi32>, vector<16xi32>], vector<16xf32>,
        "tpu.region"() ({
          %run_scoped3A = tpu.sem_alloc : memref<!tpu.dma_semaphore, #tpu.memory_space<semaphore_mem>>
          %dma_start3A = arith.constant 0 : i32
          %dma_start3A_785 = tpu.memref_slice %arg13[%add3A_63, %dma_start3A] : memref<640x16xi32, #tpu.memory_space<vmem>> -> memref<1x16xi32, #tpu.memory_space<vmem>>
          %dma_start3A_786 = tpu.memref_squeeze %dma_start3A_785 : memref<1x16xi32, #tpu.memory_space<vmem>> -> memref<16xi32, #tpu.memory_space<vmem>>
          %dma_start3A_787 = arith.constant 0 : i32
          %dma_start3A_788 = arith.constant 0 : i32
          %dma_start3A_789 = tpu.memref_slice %arg22[%dma_start3A_787, %dma_start3A_788] : memref<320x8xf32, #tpu.memory_space<vmem_shared>> -> memref<320x8xf32, #tpu.memory_space<vmem_shared>>
          tpu.enqueue_indirect_dma source(%arg18 : memref<16x8xf32, #tpu.memory_space<vmem>>) target(%dma_start3A_789 : memref<320x8xf32, #tpu.memory_space<vmem_shared>>) offsets(%dma_start3A_786 : memref<16xi32, #tpu.memory_space<vmem>>) semaphore(%run_scoped3A : memref<!tpu.dma_semaphore, #tpu.memory_space<semaphore_mem>>) {add = true}
          %dma_wait3A_790 = arith.constant 0 : i32
          %dma_wait3A_791 = tpu.memref_slice %arg13[%add3A_63, %dma_wait3A_790] : memref<640x16xi32, #tpu.memory_space<vmem>> -> memref<1x16xi32, #tpu.memory_space<vmem>>
          %dma_wait3A_792 = tpu.memref_squeeze %dma_wait3A_791 : memref<1x16xi32, #tpu.memory_space<vmem>> -> memref<16xi32, #tpu.memory_space<vmem>>
          %dma_wait3A_793 = arith.constant 0 : i32
          %dma_wait3A_794 = arith.constant 0 : i32
          %dma_wait3A_795 = tpu.memref_slice %arg22[%dma_wait3A_793, %dma_wait3A_794] : memref<320x8xf32, #tpu.memory_space<vmem_shared>> -> memref<320x8xf32, #tpu.memory_space<vmem_shared>>
          tpu.wait_indirect_dma semaphore(%run_scoped3A : memref<!tpu.dma_semaphore, #tpu.memory_space<semaphore_mem>>) src(%arg18 : memref<16x8xf32, #tpu.memory_space<vmem>>) dst(%dma_wait3A_795 : memref<320x8xf32, #tpu.memory_space<vmem_shared>>)
          tpu.yield
        }) : () -> ()
      } else {
      }
    }
    %while3A_50 = arith.constant 1 : i32
    scf.for %while3A_59 = %while3A_48 to %while3A_44 step %while3A_50  : i32 {
      %mul3A_60 = arith.constant 2 : i32
      %mul3A_61 = arith.muli %while3A_59, %mul3A_60 : i32
      %add3A_62 = arith.constant 1 : i32
      %add3A_63 = arith.addi %mul3A_61, %add3A_62 : i32
      %dma_wait3A = arith.constant 0 : i32
      %dma_wait3A_64 = tpu.memref_slice %arg12[%mul3A_61, %dma_wait3A] : memref<640x16xi32, #tpu.memory_space<vmem>> -> memref<1x16xi32, #tpu.memory_space<vmem>>
      %dma_wait3A_65 = tpu.memref_squeeze %dma_wait3A_64 : memref<1x16xi32, #tpu.memory_space<vmem>> -> memref<16xi32, #tpu.memory_space<vmem>>
      %dma_wait3A_66 = arith.constant 0 : i32
      %dma_wait3A_67 = arith.constant 0 : i32
      %dma_wait3A_68 = tpu.memref_slice %arg2[%dma_wait3A_66, %dma_wait3A_67] : memref<10240x8xf32, #tpu.memory_space<hbm>> -> memref<10240x8xf32, #tpu.memory_space<hbm>>
      tpu.wait_indirect_dma semaphore(%arg23 : memref<!tpu.dma_semaphore, #tpu.memory_space<semaphore_mem>>) src(%dma_wait3A_68 : memref<10240x8xf32, #tpu.memory_space<hbm>>) dst(%arg14 : memref<16x8xf32, #tpu.memory_space<vmem>>)
      %dma_wait3A_69 = arith.constant 0 : i32
      %dma_wait3A_70 = tpu.memref_slice %arg12[%mul3A_61, %dma_wait3A_69] : memref<640x16xi32, #tpu.memory_space<vmem>> -> memref<1x16xi32, #tpu.memory_space<vmem>>
      %dma_wait3A_71 = tpu.memref_squeeze %dma_wait3A_70 : memref<1x16xi32, #tpu.memory_space<vmem>> -> memref<16xi32, #tpu.memory_space<vmem>>
      %dma_wait3A_72 = arith.constant 0 : i32
      %dma_wait3A_73 = arith.constant 0 : i32
      %dma_wait3A_74 = tpu.memref_slice %arg3[%dma_wait3A_72, %dma_wait3A_73] : memref<10240x8xf32, #tpu.memory_space<hbm>> -> memref<10240x8xf32, #tpu.memory_space<hbm>>
      tpu.wait_indirect_dma semaphore(%arg23 : memref<!tpu.dma_semaphore, #tpu.memory_space<semaphore_mem>>) src(%dma_wait3A_74 : memref<10240x8xf32, #tpu.memory_space<hbm>>) dst(%arg15 : memref<16x8xf32, #tpu.memory_space<vmem>>)
      %lt3A = arith.cmpi slt, %add3A_63, %reduce_max3A_21 : i32
      %convert_element_type3A_75 = arith.extui %lt3A : i1 to i32
      %cond3A_76 = arith.constant 0 : i32
      %cond3A_77 = arith.cmpi ne, %convert_element_type3A_75, %cond3A_76 : i32
      scf.if %cond3A_77 {
        %dma_start3A = arith.constant 0 : i32
        %dma_start3A_423 = tpu.memref_slice %arg12[%add3A_63, %dma_start3A] : memref<640x16xi32, #tpu.memory_space<vmem>> -> memref<1x16xi32, #tpu.memory_space<vmem>>
        %dma_start3A_424 = tpu.memref_squeeze %dma_start3A_423 : memref<1x16xi32, #tpu.memory_space<vmem>> -> memref<16xi32, #tpu.memory_space<vmem>>
        %dma_start3A_425 = arith.constant 0 : i32
        %dma_start3A_426 = arith.constant 0 : i32
        %dma_start3A_427 = tpu.memref_slice %arg2[%dma_start3A_425, %dma_start3A_426] : memref<10240x8xf32, #tpu.memory_space<hbm>> -> memref<10240x8xf32, #tpu.memory_space<hbm>>
        tpu.enqueue_indirect_dma source(%dma_start3A_427 : memref<10240x8xf32, #tpu.memory_space<hbm>>) target(%arg16 : memref<16x8xf32, #tpu.memory_space<vmem>>) offsets(%dma_start3A_424 : memref<16xi32, #tpu.memory_space<vmem>>) semaphore(%arg23 : memref<!tpu.dma_semaphore, #tpu.memory_space<semaphore_mem>>)
        %dma_start3A_428 = arith.constant 0 : i32
        %dma_start3A_429 = tpu.memref_slice %arg12[%add3A_63, %dma_start3A_428] : memref<640x16xi32, #tpu.memory_space<vmem>> -> memref<1x16xi32, #tpu.memory_space<vmem>>
        %dma_start3A_430 = tpu.memref_squeeze %dma_start3A_429 : memref<1x16xi32, #tpu.memory_space<vmem>> -> memref<16xi32, #tpu.memory_space<vmem>>
        %dma_start3A_431 = arith.constant 0 : i32
        %dma_start3A_432 = arith.constant 0 : i32
        %dma_start3A_433 = tpu.memref_slice %arg3[%dma_start3A_431, %dma_start3A_432] : memref<10240x8xf32, #tpu.memory_space<hbm>> -> memref<10240x8xf32, #tpu.memory_space<hbm>>
        tpu.enqueue_indirect_dma source(%dma_start3A_433 : memref<10240x8xf32, #tpu.memory_space<hbm>>) target(%arg17 : memref<16x8xf32, #tpu.memory_space<vmem>>) offsets(%dma_start3A_430 : memref<16xi32, #tpu.memory_space<vmem>>) semaphore(%arg23 : memref<!tpu.dma_semaphore, #tpu.memory_space<semaphore_mem>>)
      } else {
      }
      %add3A_78 = arith.constant 0 : i32
      %add3A_79 = vector.broadcast %add3A_78 : i32 to vector<16xi32>
      %add3A_80 = arith.addi %shift_right_logical3A_6, %add3A_79 : vector<16xi32>
      %get3A = arith.constant 3 : i32
      %get3A_81 = arith.index_cast %get3A : i32 to index
      %get3A_82 = arith.constant 0 : index
      %get3A_83 = tpu.vector_load %arg19[%get3A_81, %get3A_82] {strides = array<i32>} : memref<4x16xf32, #tpu.memory_space<vmem>>, vector<16xf32>,
      %broadcast_in_dim3A_84 = arith.constant 0 : i32
      %broadcast_in_dim3A_85 = vector.broadcast %broadcast_in_dim3A_84 : i32 to vector<16xi32>
      %gather3A = tpu.vector_load_idx %arg14[%add3A_80, %broadcast_in_dim3A_85] : memref<16x8xf32, #tpu.memory_space<vmem>>[vector<16xi32>, vector<16xi32>], vector<16xf32>,
      %gather3A_86 = tpu.vector_load_idx %arg15[%add3A_80, %broadcast_in_dim3A_85] : memref<16x8xf32, #tpu.memory_space<vmem>>[vector<16xi32>, vector<16xi32>], vector<16xf32>,
      %add3A_87 = arith.addf %gather3A, %gather3A_86 : vector<16xf32>
      %get3A_88 = arith.constant 0 : i32
      %get3A_89 = arith.index_cast %get3A_88 : i32 to index
      %get3A_90 = arith.constant 0 : index
      %get3A_91 = tpu.vector_load %arg19[%get3A_89, %get3A_90] {strides = array<i32>} : memref<4x16xf32, #tpu.memory_space<vmem>>, vector<16xf32>,
      %mul3A_92 = arith.mulf %add3A_87, %get3A_91 : vector<16xf32>
      %add3A_93 = arith.addf %get3A_83, %mul3A_92 : vector<16xf32>
      %broadcast_in_dim3A_94 = arith.constant 1 : i32
      %broadcast_in_dim3A_95 = vector.broadcast %broadcast_in_dim3A_94 : i32 to vector<16xi32>
      %gather3A_96 = tpu.vector_load_idx %arg14[%add3A_80, %broadcast_in_dim3A_95] : memref<16x8xf32, #tpu.memory_space<vmem>>[vector<16xi32>, vector<16xi32>], vector<16xf32>,
      %gather3A_97 = tpu.vector_load_idx %arg15[%add3A_80, %broadcast_in_dim3A_95] : memref<16x8xf32, #tpu.memory_space<vmem>>[vector<16xi32>, vector<16xi32>], vector<16xf32>,
      %add3A_98 = arith.addf %gather3A_96, %gather3A_97 : vector<16xf32>
      %get3A_99 = arith.constant 1 : i32
      %get3A_100 = arith.index_cast %get3A_99 : i32 to index
      %get3A_101 = arith.constant 0 : index
      %get3A_102 = tpu.vector_load %arg19[%get3A_100, %get3A_101] {strides = array<i32>} : memref<4x16xf32, #tpu.memory_space<vmem>>, vector<16xf32>,
      %mul3A_103 = arith.mulf %add3A_98, %get3A_102 : vector<16xf32>
      %add3A_104 = arith.addf %add3A_93, %mul3A_103 : vector<16xf32>
      %broadcast_in_dim3A_105 = arith.constant 2 : i32
      %broadcast_in_dim3A_106 = vector.broadcast %broadcast_in_dim3A_105 : i32 to vector<16xi32>
      %gather3A_107 = tpu.vector_load_idx %arg14[%add3A_80, %broadcast_in_dim3A_106] : memref<16x8xf32, #tpu.memory_space<vmem>>[vector<16xi32>, vector<16xi32>], vector<16xf32>,
      %gather3A_108 = tpu.vector_load_idx %arg15[%add3A_80, %broadcast_in_dim3A_106] : memref<16x8xf32, #tpu.memory_space<vmem>>[vector<16xi32>, vector<16xi32>], vector<16xf32>,
      %add3A_109 = arith.addf %gather3A_107, %gather3A_108 : vector<16xf32>
      %get3A_110 = arith.constant 2 : i32
      %get3A_111 = arith.index_cast %get3A_110 : i32 to index
      %get3A_112 = arith.constant 0 : index
      %get3A_113 = tpu.vector_load %arg19[%get3A_111, %get3A_112] {strides = array<i32>} : memref<4x16xf32, #tpu.memory_space<vmem>>, vector<16xf32>,
      %mul3A_114 = arith.mulf %add3A_109, %get3A_113 : vector<16xf32>
      %add3A_115 = arith.addf %add3A_104, %mul3A_114 : vector<16xf32>
      %max3A = arith.constant 0.000000e+00 : f32
      %max3A_116 = vector.broadcast %max3A : f32 to vector<16xf32>
      %max3A_117 = arith.maximumf %add3A_115, %max3A_116 : vector<16xf32>
      tpu.vector_store_idx %arg18[%add3A_80, %and3A_8], %max3A_117 : memref<16x8xf32, #tpu.memory_space<vmem>>[vector<16xi32>, vector<16xi32>], vector<16xf32>,
      %add3A_118 = arith.constant 2 : i32
      %add3A_119 = vector.broadcast %add3A_118 : i32 to vector<16xi32>
      %add3A_120 = arith.addi %shift_right_logical3A_6, %add3A_119 : vector<16xi32>
      %get3A_121 = arith.constant 3 : i32
      %get3A_122 = arith.index_cast %get3A_121 : i32 to index
      %get3A_123 = arith.constant 0 : index
      %get3A_124 = tpu.vector_load %arg19[%get3A_122, %get3A_123] {strides = array<i32>} : memref<4x16xf32, #tpu.memory_space<vmem>>, vector<16xf32>,
      %broadcast_in_dim3A_125 = arith.constant 0 : i32
      %broadcast_in_dim3A_126 = vector.broadcast %broadcast_in_dim3A_125 : i32 to vector<16xi32>
      %gather3A_127 = tpu.vector_load_idx %arg14[%add3A_120, %broadcast_in_dim3A_126] : memref<16x8xf32, #tpu.memory_space<vmem>>[vector<16xi32>, vector<16xi32>], vector<16xf32>,
      %gather3A_128 = tpu.vector_load_idx %arg15[%add3A_120, %broadcast_in_dim3A_126] : memref<16x8xf32, #tpu.memory_space<vmem>>[vector<16xi32>, vector<16xi32>], vector<16xf32>,
      %add3A_129 = arith.addf %gather3A_127, %gather3A_128 : vector<16xf32>
      %get3A_130 = arith.constant 0 : i32
      %get3A_131 = arith.index_cast %get3A_130 : i32 to index
      %get3A_132 = arith.constant 0 : index
      %get3A_133 = tpu.vector_load %arg19[%get3A_131, %get3A_132] {strides = array<i32>} : memref<4x16xf32, #tpu.memory_space<vmem>>, vector<16xf32>,
      %mul3A_134 = arith.mulf %add3A_129, %get3A_133 : vector<16xf32>
      %add3A_135 = arith.addf %get3A_124, %mul3A_134 : vector<16xf32>
      %broadcast_in_dim3A_136 = arith.constant 1 : i32
      %broadcast_in_dim3A_137 = vector.broadcast %broadcast_in_dim3A_136 : i32 to vector<16xi32>
      %gather3A_138 = tpu.vector_load_idx %arg14[%add3A_120, %broadcast_in_dim3A_137] : memref<16x8xf32, #tpu.memory_space<vmem>>[vector<16xi32>, vector<16xi32>], vector<16xf32>,
      %gather3A_139 = tpu.vector_load_idx %arg15[%add3A_120, %broadcast_in_dim3A_137] : memref<16x8xf32, #tpu.memory_space<vmem>>[vector<16xi32>, vector<16xi32>], vector<16xf32>,
      %add3A_140 = arith.addf %gather3A_138, %gather3A_139 : vector<16xf32>
      %get3A_141 = arith.constant 1 : i32
      %get3A_142 = arith.index_cast %get3A_141 : i32 to index
      %get3A_143 = arith.constant 0 : index
      %get3A_144 = tpu.vector_load %arg19[%get3A_142, %get3A_143] {strides = array<i32>} : memref<4x16xf32, #tpu.memory_space<vmem>>, vector<16xf32>,
      %mul3A_145 = arith.mulf %add3A_140, %get3A_144 : vector<16xf32>
      %add3A_146 = arith.addf %add3A_135, %mul3A_145 : vector<16xf32>
      %broadcast_in_dim3A_147 = arith.constant 2 : i32
      %broadcast_in_dim3A_148 = vector.broadcast %broadcast_in_dim3A_147 : i32 to vector<16xi32>
      %gather3A_149 = tpu.vector_load_idx %arg14[%add3A_120, %broadcast_in_dim3A_148] : memref<16x8xf32, #tpu.memory_space<vmem>>[vector<16xi32>, vector<16xi32>], vector<16xf32>,
      %gather3A_150 = tpu.vector_load_idx %arg15[%add3A_120, %broadcast_in_dim3A_148] : memref<16x8xf32, #tpu.memory_space<vmem>>[vector<16xi32>, vector<16xi32>], vector<16xf32>,
      %add3A_151 = arith.addf %gather3A_149, %gather3A_150 : vector<16xf32>
      %get3A_152 = arith.constant 2 : i32
      %get3A_153 = arith.index_cast %get3A_152 : i32 to index
      %get3A_154 = arith.constant 0 : index
      %get3A_155 = tpu.vector_load %arg19[%get3A_153, %get3A_154] {strides = array<i32>} : memref<4x16xf32, #tpu.memory_space<vmem>>, vector<16xf32>,
      %mul3A_156 = arith.mulf %add3A_151, %get3A_155 : vector<16xf32>
      %add3A_157 = arith.addf %add3A_146, %mul3A_156 : vector<16xf32>
      %max3A_158 = arith.constant 0.000000e+00 : f32
      %max3A_159 = vector.broadcast %max3A_158 : f32 to vector<16xf32>
      %max3A_160 = arith.maximumf %add3A_157, %max3A_159 : vector<16xf32>
      tpu.vector_store_idx %arg18[%add3A_120, %and3A_8], %max3A_160 : memref<16x8xf32, #tpu.memory_space<vmem>>[vector<16xi32>, vector<16xi32>], vector<16xf32>,
      %add3A_161 = arith.constant 4 : i32
      %add3A_162 = vector.broadcast %add3A_161 : i32 to vector<16xi32>
      %add3A_163 = arith.addi %shift_right_logical3A_6, %add3A_162 : vector<16xi32>
      %get3A_164 = arith.constant 3 : i32
      %get3A_165 = arith.index_cast %get3A_164 : i32 to index
      %get3A_166 = arith.constant 0 : index
      %get3A_167 = tpu.vector_load %arg19[%get3A_165, %get3A_166] {strides = array<i32>} : memref<4x16xf32, #tpu.memory_space<vmem>>, vector<16xf32>,
      %broadcast_in_dim3A_168 = arith.constant 0 : i32
      %broadcast_in_dim3A_169 = vector.broadcast %broadcast_in_dim3A_168 : i32 to vector<16xi32>
      %gather3A_170 = tpu.vector_load_idx %arg14[%add3A_163, %broadcast_in_dim3A_169] : memref<16x8xf32, #tpu.memory_space<vmem>>[vector<16xi32>, vector<16xi32>], vector<16xf32>,
      %gather3A_171 = tpu.vector_load_idx %arg15[%add3A_163, %broadcast_in_dim3A_169] : memref<16x8xf32, #tpu.memory_space<vmem>>[vector<16xi32>, vector<16xi32>], vector<16xf32>,
      %add3A_172 = arith.addf %gather3A_170, %gather3A_171 : vector<16xf32>
      %get3A_173 = arith.constant 0 : i32
      %get3A_174 = arith.index_cast %get3A_173 : i32 to index
      %get3A_175 = arith.constant 0 : index
      %get3A_176 = tpu.vector_load %arg19[%get3A_174, %get3A_175] {strides = array<i32>} : memref<4x16xf32, #tpu.memory_space<vmem>>, vector<16xf32>,
      %mul3A_177 = arith.mulf %add3A_172, %get3A_176 : vector<16xf32>
      %add3A_178 = arith.addf %get3A_167, %mul3A_177 : vector<16xf32>
      %broadcast_in_dim3A_179 = arith.constant 1 : i32
      %broadcast_in_dim3A_180 = vector.broadcast %broadcast_in_dim3A_179 : i32 to vector<16xi32>
      %gather3A_181 = tpu.vector_load_idx %arg14[%add3A_163, %broadcast_in_dim3A_180] : memref<16x8xf32, #tpu.memory_space<vmem>>[vector<16xi32>, vector<16xi32>], vector<16xf32>,
      %gather3A_182 = tpu.vector_load_idx %arg15[%add3A_163, %broadcast_in_dim3A_180] : memref<16x8xf32, #tpu.memory_space<vmem>>[vector<16xi32>, vector<16xi32>], vector<16xf32>,
      %add3A_183 = arith.addf %gather3A_181, %gather3A_182 : vector<16xf32>
      %get3A_184 = arith.constant 1 : i32
      %get3A_185 = arith.index_cast %get3A_184 : i32 to index
      %get3A_186 = arith.constant 0 : index
      %get3A_187 = tpu.vector_load %arg19[%get3A_185, %get3A_186] {strides = array<i32>} : memref<4x16xf32, #tpu.memory_space<vmem>>, vector<16xf32>,
      %mul3A_188 = arith.mulf %add3A_183, %get3A_187 : vector<16xf32>
      %add3A_189 = arith.addf %add3A_178, %mul3A_188 : vector<16xf32>
      %broadcast_in_dim3A_190 = arith.constant 2 : i32
      %broadcast_in_dim3A_191 = vector.broadcast %broadcast_in_dim3A_190 : i32 to vector<16xi32>
      %gather3A_192 = tpu.vector_load_idx %arg14[%add3A_163, %broadcast_in_dim3A_191] : memref<16x8xf32, #tpu.memory_space<vmem>>[vector<16xi32>, vector<16xi32>], vector<16xf32>,
      %gather3A_193 = tpu.vector_load_idx %arg15[%add3A_163, %broadcast_in_dim3A_191] : memref<16x8xf32, #tpu.memory_space<vmem>>[vector<16xi32>, vector<16xi32>], vector<16xf32>,
      %add3A_194 = arith.addf %gather3A_192, %gather3A_193 : vector<16xf32>
      %get3A_195 = arith.constant 2 : i32
      %get3A_196 = arith.index_cast %get3A_195 : i32 to index
      %get3A_197 = arith.constant 0 : index
      %get3A_198 = tpu.vector_load %arg19[%get3A_196, %get3A_197] {strides = array<i32>} : memref<4x16xf32, #tpu.memory_space<vmem>>, vector<16xf32>,
      %mul3A_199 = arith.mulf %add3A_194, %get3A_198 : vector<16xf32>
      %add3A_200 = arith.addf %add3A_189, %mul3A_199 : vector<16xf32>
      %max3A_201 = arith.constant 0.000000e+00 : f32
      %max3A_202 = vector.broadcast %max3A_201 : f32 to vector<16xf32>
      %max3A_203 = arith.maximumf %add3A_200, %max3A_202 : vector<16xf32>
      tpu.vector_store_idx %arg18[%add3A_163, %and3A_8], %max3A_203 : memref<16x8xf32, #tpu.memory_space<vmem>>[vector<16xi32>, vector<16xi32>], vector<16xf32>,
      %add3A_204 = arith.constant 6 : i32
      %add3A_205 = vector.broadcast %add3A_204 : i32 to vector<16xi32>
      %add3A_206 = arith.addi %shift_right_logical3A_6, %add3A_205 : vector<16xi32>
      %get3A_207 = arith.constant 3 : i32
      %get3A_208 = arith.index_cast %get3A_207 : i32 to index
      %get3A_209 = arith.constant 0 : index
      %get3A_210 = tpu.vector_load %arg19[%get3A_208, %get3A_209] {strides = array<i32>} : memref<4x16xf32, #tpu.memory_space<vmem>>, vector<16xf32>,
      %broadcast_in_dim3A_211 = arith.constant 0 : i32
      %broadcast_in_dim3A_212 = vector.broadcast %broadcast_in_dim3A_211 : i32 to vector<16xi32>
      %gather3A_213 = tpu.vector_load_idx %arg14[%add3A_206, %broadcast_in_dim3A_212] : memref<16x8xf32, #tpu.memory_space<vmem>>[vector<16xi32>, vector<16xi32>], vector<16xf32>,
      %gather3A_214 = tpu.vector_load_idx %arg15[%add3A_206, %broadcast_in_dim3A_212] : memref<16x8xf32, #tpu.memory_space<vmem>>[vector<16xi32>, vector<16xi32>], vector<16xf32>,
      %add3A_215 = arith.addf %gather3A_213, %gather3A_214 : vector<16xf32>
      %get3A_216 = arith.constant 0 : i32
      %get3A_217 = arith.index_cast %get3A_216 : i32 to index
      %get3A_218 = arith.constant 0 : index
      %get3A_219 = tpu.vector_load %arg19[%get3A_217, %get3A_218] {strides = array<i32>} : memref<4x16xf32, #tpu.memory_space<vmem>>, vector<16xf32>,
      %mul3A_220 = arith.mulf %add3A_215, %get3A_219 : vector<16xf32>
      %add3A_221 = arith.addf %get3A_210, %mul3A_220 : vector<16xf32>
      %broadcast_in_dim3A_222 = arith.constant 1 : i32
      %broadcast_in_dim3A_223 = vector.broadcast %broadcast_in_dim3A_222 : i32 to vector<16xi32>
      %gather3A_224 = tpu.vector_load_idx %arg14[%add3A_206, %broadcast_in_dim3A_223] : memref<16x8xf32, #tpu.memory_space<vmem>>[vector<16xi32>, vector<16xi32>], vector<16xf32>,
      %gather3A_225 = tpu.vector_load_idx %arg15[%add3A_206, %broadcast_in_dim3A_223] : memref<16x8xf32, #tpu.memory_space<vmem>>[vector<16xi32>, vector<16xi32>], vector<16xf32>,
      %add3A_226 = arith.addf %gather3A_224, %gather3A_225 : vector<16xf32>
      %get3A_227 = arith.constant 1 : i32
      %get3A_228 = arith.index_cast %get3A_227 : i32 to index
      %get3A_229 = arith.constant 0 : index
      %get3A_230 = tpu.vector_load %arg19[%get3A_228, %get3A_229] {strides = array<i32>} : memref<4x16xf32, #tpu.memory_space<vmem>>, vector<16xf32>,
      %mul3A_231 = arith.mulf %add3A_226, %get3A_230 : vector<16xf32>
      %add3A_232 = arith.addf %add3A_221, %mul3A_231 : vector<16xf32>
      %broadcast_in_dim3A_233 = arith.constant 2 : i32
      %broadcast_in_dim3A_234 = vector.broadcast %broadcast_in_dim3A_233 : i32 to vector<16xi32>
      %gather3A_235 = tpu.vector_load_idx %arg14[%add3A_206, %broadcast_in_dim3A_234] : memref<16x8xf32, #tpu.memory_space<vmem>>[vector<16xi32>, vector<16xi32>], vector<16xf32>,
      %gather3A_236 = tpu.vector_load_idx %arg15[%add3A_206, %broadcast_in_dim3A_234] : memref<16x8xf32, #tpu.memory_space<vmem>>[vector<16xi32>, vector<16xi32>], vector<16xf32>,
      %add3A_237 = arith.addf %gather3A_235, %gather3A_236 : vector<16xf32>
      %get3A_238 = arith.constant 2 : i32
      %get3A_239 = arith.index_cast %get3A_238 : i32 to index
      %get3A_240 = arith.constant 0 : index
      %get3A_241 = tpu.vector_load %arg19[%get3A_239, %get3A_240] {strides = array<i32>} : memref<4x16xf32, #tpu.memory_space<vmem>>, vector<16xf32>,
      %mul3A_242 = arith.mulf %add3A_237, %get3A_241 : vector<16xf32>
      %add3A_243 = arith.addf %add3A_232, %mul3A_242 : vector<16xf32>
      %max3A_244 = arith.constant 0.000000e+00 : f32
      %max3A_245 = vector.broadcast %max3A_244 : f32 to vector<16xf32>
      %max3A_246 = arith.maximumf %add3A_243, %max3A_245 : vector<16xf32>
      tpu.vector_store_idx %arg18[%add3A_206, %and3A_8], %max3A_246 : memref<16x8xf32, #tpu.memory_space<vmem>>[vector<16xi32>, vector<16xi32>], vector<16xf32>,
      %add3A_247 = arith.constant 8 : i32
      %add3A_248 = vector.broadcast %add3A_247 : i32 to vector<16xi32>
      %add3A_249 = arith.addi %shift_right_logical3A_6, %add3A_248 : vector<16xi32>
      %get3A_250 = arith.constant 3 : i32
      %get3A_251 = arith.index_cast %get3A_250 : i32 to index
      %get3A_252 = arith.constant 0 : index
      %get3A_253 = tpu.vector_load %arg19[%get3A_251, %get3A_252] {strides = array<i32>} : memref<4x16xf32, #tpu.memory_space<vmem>>, vector<16xf32>,
      %broadcast_in_dim3A_254 = arith.constant 0 : i32
      %broadcast_in_dim3A_255 = vector.broadcast %broadcast_in_dim3A_254 : i32 to vector<16xi32>
      %gather3A_256 = tpu.vector_load_idx %arg14[%add3A_249, %broadcast_in_dim3A_255] : memref<16x8xf32, #tpu.memory_space<vmem>>[vector<16xi32>, vector<16xi32>], vector<16xf32>,
      %gather3A_257 = tpu.vector_load_idx %arg15[%add3A_249, %broadcast_in_dim3A_255] : memref<16x8xf32, #tpu.memory_space<vmem>>[vector<16xi32>, vector<16xi32>], vector<16xf32>,
      %add3A_258 = arith.addf %gather3A_256, %gather3A_257 : vector<16xf32>
      %get3A_259 = arith.constant 0 : i32
      %get3A_260 = arith.index_cast %get3A_259 : i32 to index
      %get3A_261 = arith.constant 0 : index
      %get3A_262 = tpu.vector_load %arg19[%get3A_260, %get3A_261] {strides = array<i32>} : memref<4x16xf32, #tpu.memory_space<vmem>>, vector<16xf32>,
      %mul3A_263 = arith.mulf %add3A_258, %get3A_262 : vector<16xf32>
      %add3A_264 = arith.addf %get3A_253, %mul3A_263 : vector<16xf32>
      %broadcast_in_dim3A_265 = arith.constant 1 : i32
      %broadcast_in_dim3A_266 = vector.broadcast %broadcast_in_dim3A_265 : i32 to vector<16xi32>
      %gather3A_267 = tpu.vector_load_idx %arg14[%add3A_249, %broadcast_in_dim3A_266] : memref<16x8xf32, #tpu.memory_space<vmem>>[vector<16xi32>, vector<16xi32>], vector<16xf32>,
      %gather3A_268 = tpu.vector_load_idx %arg15[%add3A_249, %broadcast_in_dim3A_266] : memref<16x8xf32, #tpu.memory_space<vmem>>[vector<16xi32>, vector<16xi32>], vector<16xf32>,
      %add3A_269 = arith.addf %gather3A_267, %gather3A_268 : vector<16xf32>
      %get3A_270 = arith.constant 1 : i32
      %get3A_271 = arith.index_cast %get3A_270 : i32 to index
      %get3A_272 = arith.constant 0 : index
      %get3A_273 = tpu.vector_load %arg19[%get3A_271, %get3A_272] {strides = array<i32>} : memref<4x16xf32, #tpu.memory_space<vmem>>, vector<16xf32>,
      %mul3A_274 = arith.mulf %add3A_269, %get3A_273 : vector<16xf32>
      %add3A_275 = arith.addf %add3A_264, %mul3A_274 : vector<16xf32>
      %broadcast_in_dim3A_276 = arith.constant 2 : i32
      %broadcast_in_dim3A_277 = vector.broadcast %broadcast_in_dim3A_276 : i32 to vector<16xi32>
      %gather3A_278 = tpu.vector_load_idx %arg14[%add3A_249, %broadcast_in_dim3A_277] : memref<16x8xf32, #tpu.memory_space<vmem>>[vector<16xi32>, vector<16xi32>], vector<16xf32>,
      %gather3A_279 = tpu.vector_load_idx %arg15[%add3A_249, %broadcast_in_dim3A_277] : memref<16x8xf32, #tpu.memory_space<vmem>>[vector<16xi32>, vector<16xi32>], vector<16xf32>,
      %add3A_280 = arith.addf %gather3A_278, %gather3A_279 : vector<16xf32>
      %get3A_281 = arith.constant 2 : i32
      %get3A_282 = arith.index_cast %get3A_281 : i32 to index
      %get3A_283 = arith.constant 0 : index
      %get3A_284 = tpu.vector_load %arg19[%get3A_282, %get3A_283] {strides = array<i32>} : memref<4x16xf32, #tpu.memory_space<vmem>>, vector<16xf32>,
      %mul3A_285 = arith.mulf %add3A_280, %get3A_284 : vector<16xf32>
      %add3A_286 = arith.addf %add3A_275, %mul3A_285 : vector<16xf32>
      %max3A_287 = arith.constant 0.000000e+00 : f32
      %max3A_288 = vector.broadcast %max3A_287 : f32 to vector<16xf32>
      %max3A_289 = arith.maximumf %add3A_286, %max3A_288 : vector<16xf32>
      tpu.vector_store_idx %arg18[%add3A_249, %and3A_8], %max3A_289 : memref<16x8xf32, #tpu.memory_space<vmem>>[vector<16xi32>, vector<16xi32>], vector<16xf32>,
      %add3A_290 = arith.constant 10 : i32
      %add3A_291 = vector.broadcast %add3A_290 : i32 to vector<16xi32>
      %add3A_292 = arith.addi %shift_right_logical3A_6, %add3A_291 : vector<16xi32>
      %get3A_293 = arith.constant 3 : i32
      %get3A_294 = arith.index_cast %get3A_293 : i32 to index
      %get3A_295 = arith.constant 0 : index
      %get3A_296 = tpu.vector_load %arg19[%get3A_294, %get3A_295] {strides = array<i32>} : memref<4x16xf32, #tpu.memory_space<vmem>>, vector<16xf32>,
      %broadcast_in_dim3A_297 = arith.constant 0 : i32
      %broadcast_in_dim3A_298 = vector.broadcast %broadcast_in_dim3A_297 : i32 to vector<16xi32>
      %gather3A_299 = tpu.vector_load_idx %arg14[%add3A_292, %broadcast_in_dim3A_298] : memref<16x8xf32, #tpu.memory_space<vmem>>[vector<16xi32>, vector<16xi32>], vector<16xf32>,
      %gather3A_300 = tpu.vector_load_idx %arg15[%add3A_292, %broadcast_in_dim3A_298] : memref<16x8xf32, #tpu.memory_space<vmem>>[vector<16xi32>, vector<16xi32>], vector<16xf32>,
      %add3A_301 = arith.addf %gather3A_299, %gather3A_300 : vector<16xf32>
      %get3A_302 = arith.constant 0 : i32
      %get3A_303 = arith.index_cast %get3A_302 : i32 to index
      %get3A_304 = arith.constant 0 : index
      %get3A_305 = tpu.vector_load %arg19[%get3A_303, %get3A_304] {strides = array<i32>} : memref<4x16xf32, #tpu.memory_space<vmem>>, vector<16xf32>,
      %mul3A_306 = arith.mulf %add3A_301, %get3A_305 : vector<16xf32>
      %add3A_307 = arith.addf %get3A_296, %mul3A_306 : vector<16xf32>
      %broadcast_in_dim3A_308 = arith.constant 1 : i32
      %broadcast_in_dim3A_309 = vector.broadcast %broadcast_in_dim3A_308 : i32 to vector<16xi32>
      %gather3A_310 = tpu.vector_load_idx %arg14[%add3A_292, %broadcast_in_dim3A_309] : memref<16x8xf32, #tpu.memory_space<vmem>>[vector<16xi32>, vector<16xi32>], vector<16xf32>,
      %gather3A_311 = tpu.vector_load_idx %arg15[%add3A_292, %broadcast_in_dim3A_309] : memref<16x8xf32, #tpu.memory_space<vmem>>[vector<16xi32>, vector<16xi32>], vector<16xf32>,
      %add3A_312 = arith.addf %gather3A_310, %gather3A_311 : vector<16xf32>
      %get3A_313 = arith.constant 1 : i32
      %get3A_314 = arith.index_cast %get3A_313 : i32 to index
      %get3A_315 = arith.constant 0 : index
      %get3A_316 = tpu.vector_load %arg19[%get3A_314, %get3A_315] {strides = array<i32>} : memref<4x16xf32, #tpu.memory_space<vmem>>, vector<16xf32>,
      %mul3A_317 = arith.mulf %add3A_312, %get3A_316 : vector<16xf32>
      %add3A_318 = arith.addf %add3A_307, %mul3A_317 : vector<16xf32>
      %broadcast_in_dim3A_319 = arith.constant 2 : i32
      %broadcast_in_dim3A_320 = vector.broadcast %broadcast_in_dim3A_319 : i32 to vector<16xi32>
      %gather3A_321 = tpu.vector_load_idx %arg14[%add3A_292, %broadcast_in_dim3A_320] : memref<16x8xf32, #tpu.memory_space<vmem>>[vector<16xi32>, vector<16xi32>], vector<16xf32>,
      %gather3A_322 = tpu.vector_load_idx %arg15[%add3A_292, %broadcast_in_dim3A_320] : memref<16x8xf32, #tpu.memory_space<vmem>>[vector<16xi32>, vector<16xi32>], vector<16xf32>,
      %add3A_323 = arith.addf %gather3A_321, %gather3A_322 : vector<16xf32>
      %get3A_324 = arith.constant 2 : i32
      %get3A_325 = arith.index_cast %get3A_324 : i32 to index
      %get3A_326 = arith.constant 0 : index
      %get3A_327 = tpu.vector_load %arg19[%get3A_325, %get3A_326] {strides = array<i32>} : memref<4x16xf32, #tpu.memory_space<vmem>>, vector<16xf32>,
      %mul3A_328 = arith.mulf %add3A_323, %get3A_327 : vector<16xf32>
      %add3A_329 = arith.addf %add3A_318, %mul3A_328 : vector<16xf32>
      %max3A_330 = arith.constant 0.000000e+00 : f32
      %max3A_331 = vector.broadcast %max3A_330 : f32 to vector<16xf32>
      %max3A_332 = arith.maximumf %add3A_329, %max3A_331 : vector<16xf32>
      tpu.vector_store_idx %arg18[%add3A_292, %and3A_8], %max3A_332 : memref<16x8xf32, #tpu.memory_space<vmem>>[vector<16xi32>, vector<16xi32>], vector<16xf32>,
      %add3A_333 = arith.constant 12 : i32
      %add3A_334 = vector.broadcast %add3A_333 : i32 to vector<16xi32>
      %add3A_335 = arith.addi %shift_right_logical3A_6, %add3A_334 : vector<16xi32>
      %get3A_336 = arith.constant 3 : i32
      %get3A_337 = arith.index_cast %get3A_336 : i32 to index
      %get3A_338 = arith.constant 0 : index
      %get3A_339 = tpu.vector_load %arg19[%get3A_337, %get3A_338] {strides = array<i32>} : memref<4x16xf32, #tpu.memory_space<vmem>>, vector<16xf32>,
      %broadcast_in_dim3A_340 = arith.constant 0 : i32
      %broadcast_in_dim3A_341 = vector.broadcast %broadcast_in_dim3A_340 : i32 to vector<16xi32>
      %gather3A_342 = tpu.vector_load_idx %arg14[%add3A_335, %broadcast_in_dim3A_341] : memref<16x8xf32, #tpu.memory_space<vmem>>[vector<16xi32>, vector<16xi32>], vector<16xf32>,
      %gather3A_343 = tpu.vector_load_idx %arg15[%add3A_335, %broadcast_in_dim3A_341] : memref<16x8xf32, #tpu.memory_space<vmem>>[vector<16xi32>, vector<16xi32>], vector<16xf32>,
      %add3A_344 = arith.addf %gather3A_342, %gather3A_343 : vector<16xf32>
      %get3A_345 = arith.constant 0 : i32
      %get3A_346 = arith.index_cast %get3A_345 : i32 to index
      %get3A_347 = arith.constant 0 : index
      %get3A_348 = tpu.vector_load %arg19[%get3A_346, %get3A_347] {strides = array<i32>} : memref<4x16xf32, #tpu.memory_space<vmem>>, vector<16xf32>,
      %mul3A_349 = arith.mulf %add3A_344, %get3A_348 : vector<16xf32>
      %add3A_350 = arith.addf %get3A_339, %mul3A_349 : vector<16xf32>
      %broadcast_in_dim3A_351 = arith.constant 1 : i32
      %broadcast_in_dim3A_352 = vector.broadcast %broadcast_in_dim3A_351 : i32 to vector<16xi32>
      %gather3A_353 = tpu.vector_load_idx %arg14[%add3A_335, %broadcast_in_dim3A_352] : memref<16x8xf32, #tpu.memory_space<vmem>>[vector<16xi32>, vector<16xi32>], vector<16xf32>,
      %gather3A_354 = tpu.vector_load_idx %arg15[%add3A_335, %broadcast_in_dim3A_352] : memref<16x8xf32, #tpu.memory_space<vmem>>[vector<16xi32>, vector<16xi32>], vector<16xf32>,
      %add3A_355 = arith.addf %gather3A_353, %gather3A_354 : vector<16xf32>
      %get3A_356 = arith.constant 1 : i32
      %get3A_357 = arith.index_cast %get3A_356 : i32 to index
      %get3A_358 = arith.constant 0 : index
      %get3A_359 = tpu.vector_load %arg19[%get3A_357, %get3A_358] {strides = array<i32>} : memref<4x16xf32, #tpu.memory_space<vmem>>, vector<16xf32>,
      %mul3A_360 = arith.mulf %add3A_355, %get3A_359 : vector<16xf32>
      %add3A_361 = arith.addf %add3A_350, %mul3A_360 : vector<16xf32>
      %broadcast_in_dim3A_362 = arith.constant 2 : i32
      %broadcast_in_dim3A_363 = vector.broadcast %broadcast_in_dim3A_362 : i32 to vector<16xi32>
      %gather3A_364 = tpu.vector_load_idx %arg14[%add3A_335, %broadcast_in_dim3A_363] : memref<16x8xf32, #tpu.memory_space<vmem>>[vector<16xi32>, vector<16xi32>], vector<16xf32>,
      %gather3A_365 = tpu.vector_load_idx %arg15[%add3A_335, %broadcast_in_dim3A_363] : memref<16x8xf32, #tpu.memory_space<vmem>>[vector<16xi32>, vector<16xi32>], vector<16xf32>,
      %add3A_366 = arith.addf %gather3A_364, %gather3A_365 : vector<16xf32>
      %get3A_367 = arith.constant 2 : i32
      %get3A_368 = arith.index_cast %get3A_367 : i32 to index
      %get3A_369 = arith.constant 0 : index
      %get3A_370 = tpu.vector_load %arg19[%get3A_368, %get3A_369] {strides = array<i32>} : memref<4x16xf32, #tpu.memory_space<vmem>>, vector<16xf32>,
      %mul3A_371 = arith.mulf %add3A_366, %get3A_370 : vector<16xf32>
      %add3A_372 = arith.addf %add3A_361, %mul3A_371 : vector<16xf32>
      %max3A_373 = arith.constant 0.000000e+00 : f32
      %max3A_374 = vector.broadcast %max3A_373 : f32 to vector<16xf32>
      %max3A_375 = arith.maximumf %add3A_372, %max3A_374 : vector<16xf32>
      tpu.vector_store_idx %arg18[%add3A_335, %and3A_8], %max3A_375 : memref<16x8xf32, #tpu.memory_space<vmem>>[vector<16xi32>, vector<16xi32>], vector<16xf32>,
      %add3A_376 = arith.constant 14 : i32
      %add3A_377 = vector.broadcast %add3A_376 : i32 to vector<16xi32>
      %add3A_378 = arith.addi %shift_right_logical3A_6, %add3A_377 : vector<16xi32>
      %get3A_379 = arith.constant 3 : i32
      %get3A_380 = arith.index_cast %get3A_379 : i32 to index
      %get3A_381 = arith.constant 0 : index
      %get3A_382 = tpu.vector_load %arg19[%get3A_380, %get3A_381] {strides = array<i32>} : memref<4x16xf32, #tpu.memory_space<vmem>>, vector<16xf32>,
      %broadcast_in_dim3A_383 = arith.constant 0 : i32
      %broadcast_in_dim3A_384 = vector.broadcast %broadcast_in_dim3A_383 : i32 to vector<16xi32>
      %gather3A_385 = tpu.vector_load_idx %arg14[%add3A_378, %broadcast_in_dim3A_384] : memref<16x8xf32, #tpu.memory_space<vmem>>[vector<16xi32>, vector<16xi32>], vector<16xf32>,
      %gather3A_386 = tpu.vector_load_idx %arg15[%add3A_378, %broadcast_in_dim3A_384] : memref<16x8xf32, #tpu.memory_space<vmem>>[vector<16xi32>, vector<16xi32>], vector<16xf32>,
      %add3A_387 = arith.addf %gather3A_385, %gather3A_386 : vector<16xf32>
      %get3A_388 = arith.constant 0 : i32
      %get3A_389 = arith.index_cast %get3A_388 : i32 to index
      %get3A_390 = arith.constant 0 : index
      %get3A_391 = tpu.vector_load %arg19[%get3A_389, %get3A_390] {strides = array<i32>} : memref<4x16xf32, #tpu.memory_space<vmem>>, vector<16xf32>,
      %mul3A_392 = arith.mulf %add3A_387, %get3A_391 : vector<16xf32>
      %add3A_393 = arith.addf %get3A_382, %mul3A_392 : vector<16xf32>
      %broadcast_in_dim3A_394 = arith.constant 1 : i32
      %broadcast_in_dim3A_395 = vector.broadcast %broadcast_in_dim3A_394 : i32 to vector<16xi32>
      %gather3A_396 = tpu.vector_load_idx %arg14[%add3A_378, %broadcast_in_dim3A_395] : memref<16x8xf32, #tpu.memory_space<vmem>>[vector<16xi32>, vector<16xi32>], vector<16xf32>,
      %gather3A_397 = tpu.vector_load_idx %arg15[%add3A_378, %broadcast_in_dim3A_395] : memref<16x8xf32, #tpu.memory_space<vmem>>[vector<16xi32>, vector<16xi32>], vector<16xf32>,
      %add3A_398 = arith.addf %gather3A_396, %gather3A_397 : vector<16xf32>
      %get3A_399 = arith.constant 1 : i32
      %get3A_400 = arith.index_cast %get3A_399 : i32 to index
      %get3A_401 = arith.constant 0 : index
      %get3A_402 = tpu.vector_load %arg19[%get3A_400, %get3A_401] {strides = array<i32>} : memref<4x16xf32, #tpu.memory_space<vmem>>, vector<16xf32>,
      %mul3A_403 = arith.mulf %add3A_398, %get3A_402 : vector<16xf32>
      %add3A_404 = arith.addf %add3A_393, %mul3A_403 : vector<16xf32>
      %broadcast_in_dim3A_405 = arith.constant 2 : i32
      %broadcast_in_dim3A_406 = vector.broadcast %broadcast_in_dim3A_405 : i32 to vector<16xi32>
      %gather3A_407 = tpu.vector_load_idx %arg14[%add3A_378, %broadcast_in_dim3A_406] : memref<16x8xf32, #tpu.memory_space<vmem>>[vector<16xi32>, vector<16xi32>], vector<16xf32>,
      %gather3A_408 = tpu.vector_load_idx %arg15[%add3A_378, %broadcast_in_dim3A_406] : memref<16x8xf32, #tpu.memory_space<vmem>>[vector<16xi32>, vector<16xi32>], vector<16xf32>,
      %add3A_409 = arith.addf %gather3A_407, %gather3A_408 : vector<16xf32>
      %get3A_410 = arith.constant 2 : i32
      %get3A_411 = arith.index_cast %get3A_410 : i32 to index
      %get3A_412 = arith.constant 0 : index
      %get3A_413 = tpu.vector_load %arg19[%get3A_411, %get3A_412] {strides = array<i32>} : memref<4x16xf32, #tpu.memory_space<vmem>>, vector<16xf32>,
      %mul3A_414 = arith.mulf %add3A_409, %get3A_413 : vector<16xf32>
      %add3A_415 = arith.addf %add3A_404, %mul3A_414 : vector<16xf32>
      %max3A_416 = arith.constant 0.000000e+00 : f32
      %max3A_417 = vector.broadcast %max3A_416 : f32 to vector<16xf32>
      %max3A_418 = arith.maximumf %add3A_415, %max3A_417 : vector<16xf32>
      tpu.vector_store_idx %arg18[%add3A_378, %and3A_8], %max3A_418 : memref<16x8xf32, #tpu.memory_space<vmem>>[vector<16xi32>, vector<16xi32>], vector<16xf32>,
      "tpu.region"() ({
        %run_scoped3A = tpu.sem_alloc : memref<!tpu.dma_semaphore, #tpu.memory_space<semaphore_mem>>
        %dma_start3A = arith.constant 0 : i32
        %dma_start3A_423 = tpu.memref_slice %arg13[%mul3A_61, %dma_start3A] : memref<640x16xi32, #tpu.memory_space<vmem>> -> memref<1x16xi32, #tpu.memory_space<vmem>>
        %dma_start3A_424 = tpu.memref_squeeze %dma_start3A_423 : memref<1x16xi32, #tpu.memory_space<vmem>> -> memref<16xi32, #tpu.memory_space<vmem>>
        %dma_start3A_425 = arith.constant 0 : i32
        %dma_start3A_426 = arith.constant 0 : i32
        %dma_start3A_427 = tpu.memref_slice %arg22[%dma_start3A_425, %dma_start3A_426] : memref<320x8xf32, #tpu.memory_space<vmem_shared>> -> memref<320x8xf32, #tpu.memory_space<vmem_shared>>
        tpu.enqueue_indirect_dma source(%arg18 : memref<16x8xf32, #tpu.memory_space<vmem>>) target(%dma_start3A_427 : memref<320x8xf32, #tpu.memory_space<vmem_shared>>) offsets(%dma_start3A_424 : memref<16xi32, #tpu.memory_space<vmem>>) semaphore(%run_scoped3A : memref<!tpu.dma_semaphore, #tpu.memory_space<semaphore_mem>>) {add = true}
        %dma_wait3A_428 = arith.constant 0 : i32
        %dma_wait3A_429 = tpu.memref_slice %arg13[%mul3A_61, %dma_wait3A_428] : memref<640x16xi32, #tpu.memory_space<vmem>> -> memref<1x16xi32, #tpu.memory_space<vmem>>
        %dma_wait3A_430 = tpu.memref_squeeze %dma_wait3A_429 : memref<1x16xi32, #tpu.memory_space<vmem>> -> memref<16xi32, #tpu.memory_space<vmem>>
        %dma_wait3A_431 = arith.constant 0 : i32
        %dma_wait3A_432 = arith.constant 0 : i32
        %dma_wait3A_433 = tpu.memref_slice %arg22[%dma_wait3A_431, %dma_wait3A_432] : memref<320x8xf32, #tpu.memory_space<vmem_shared>> -> memref<320x8xf32, #tpu.memory_space<vmem_shared>>
        tpu.wait_indirect_dma semaphore(%run_scoped3A : memref<!tpu.dma_semaphore, #tpu.memory_space<semaphore_mem>>) src(%arg18 : memref<16x8xf32, #tpu.memory_space<vmem>>) dst(%dma_wait3A_433 : memref<320x8xf32, #tpu.memory_space<vmem_shared>>)
        tpu.yield
      }) : () -> ()
      %lt3A_419 = arith.cmpi slt, %add3A_63, %reduce_max3A_21 : i32
      %convert_element_type3A_420 = arith.extui %lt3A_419 : i1 to i32
      %cond3A_421 = arith.constant 0 : i32
      %cond3A_422 = arith.cmpi ne, %convert_element_type3A_420, %cond3A_421 : i32
      scf.if %cond3A_422 {
        %dma_wait3A_423 = arith.constant 0 : i32
        %dma_wait3A_424 = tpu.memref_slice %arg12[%add3A_63, %dma_wait3A_423] : memref<640x16xi32, #tpu.memory_space<vmem>> -> memref<1x16xi32, #tpu.memory_space<vmem>>
        %dma_wait3A_425 = tpu.memref_squeeze %dma_wait3A_424 : memref<1x16xi32, #tpu.memory_space<vmem>> -> memref<16xi32, #tpu.memory_space<vmem>>
        %dma_wait3A_426 = arith.constant 0 : i32
        %dma_wait3A_427 = arith.constant 0 : i32
        %dma_wait3A_428 = tpu.memref_slice %arg2[%dma_wait3A_426, %dma_wait3A_427] : memref<10240x8xf32, #tpu.memory_space<hbm>> -> memref<10240x8xf32, #tpu.memory_space<hbm>>
        tpu.wait_indirect_dma semaphore(%arg23 : memref<!tpu.dma_semaphore, #tpu.memory_space<semaphore_mem>>) src(%dma_wait3A_428 : memref<10240x8xf32, #tpu.memory_space<hbm>>) dst(%arg16 : memref<16x8xf32, #tpu.memory_space<vmem>>)
        %dma_wait3A_429 = arith.constant 0 : i32
        %dma_wait3A_430 = tpu.memref_slice %arg12[%add3A_63, %dma_wait3A_429] : memref<640x16xi32, #tpu.memory_space<vmem>> -> memref<1x16xi32, #tpu.memory_space<vmem>>
        %dma_wait3A_431 = tpu.memref_squeeze %dma_wait3A_430 : memref<1x16xi32, #tpu.memory_space<vmem>> -> memref<16xi32, #tpu.memory_space<vmem>>
        %dma_wait3A_432 = arith.constant 0 : i32
        %dma_wait3A_433 = arith.constant 0 : i32
        %dma_wait3A_434 = tpu.memref_slice %arg3[%dma_wait3A_432, %dma_wait3A_433] : memref<10240x8xf32, #tpu.memory_space<hbm>> -> memref<10240x8xf32, #tpu.memory_space<hbm>>
        tpu.wait_indirect_dma semaphore(%arg23 : memref<!tpu.dma_semaphore, #tpu.memory_space<semaphore_mem>>) src(%dma_wait3A_434 : memref<10240x8xf32, #tpu.memory_space<hbm>>) dst(%arg17 : memref<16x8xf32, #tpu.memory_space<vmem>>)
        %add3A_435 = arith.constant 1 : i32
        %add3A_436 = arith.addi %add3A_63, %add3A_435 : i32
        %lt3A_437 = arith.cmpi slt, %add3A_436, %reduce_max3A_21 : i32
        %convert_element_type3A_438 = arith.extui %lt3A_437 : i1 to i32
        %cond3A_439 = arith.constant 0 : i32
        %cond3A_440 = arith.cmpi ne, %convert_element_type3A_438, %cond3A_439 : i32
        scf.if %cond3A_440 {
          %add3A_785 = arith.constant 1 : i32
          %add3A_786 = arith.addi %add3A_63, %add3A_785 : i32
          %dma_start3A = arith.constant 0 : i32
          %dma_start3A_787 = tpu.memref_slice %arg12[%add3A_786, %dma_start3A] : memref<640x16xi32, #tpu.memory_space<vmem>> -> memref<1x16xi32, #tpu.memory_space<vmem>>
          %dma_start3A_788 = tpu.memref_squeeze %dma_start3A_787 : memref<1x16xi32, #tpu.memory_space<vmem>> -> memref<16xi32, #tpu.memory_space<vmem>>
          %dma_start3A_789 = arith.constant 0 : i32
          %dma_start3A_790 = arith.constant 0 : i32
          %dma_start3A_791 = tpu.memref_slice %arg2[%dma_start3A_789, %dma_start3A_790] : memref<10240x8xf32, #tpu.memory_space<hbm>> -> memref<10240x8xf32, #tpu.memory_space<hbm>>
          tpu.enqueue_indirect_dma source(%dma_start3A_791 : memref<10240x8xf32, #tpu.memory_space<hbm>>) target(%arg14 : memref<16x8xf32, #tpu.memory_space<vmem>>) offsets(%dma_start3A_788 : memref<16xi32, #tpu.memory_space<vmem>>) semaphore(%arg23 : memref<!tpu.dma_semaphore, #tpu.memory_space<semaphore_mem>>)
          %dma_start3A_792 = arith.constant 0 : i32
          %dma_start3A_793 = tpu.memref_slice %arg12[%add3A_786, %dma_start3A_792] : memref<640x16xi32, #tpu.memory_space<vmem>> -> memref<1x16xi32, #tpu.memory_space<vmem>>
          %dma_start3A_794 = tpu.memref_squeeze %dma_start3A_793 : memref<1x16xi32, #tpu.memory_space<vmem>> -> memref<16xi32, #tpu.memory_space<vmem>>
          %dma_start3A_795 = arith.constant 0 : i32
          %dma_start3A_796 = arith.constant 0 : i32
          %dma_start3A_797 = tpu.memref_slice %arg3[%dma_start3A_795, %dma_start3A_796] : memref<10240x8xf32, #tpu.memory_space<hbm>> -> memref<10240x8xf32, #tpu.memory_space<hbm>>
          tpu.enqueue_indirect_dma source(%dma_start3A_797 : memref<10240x8xf32, #tpu.memory_space<hbm>>) target(%arg15 : memref<16x8xf32, #tpu.memory_space<vmem>>) offsets(%dma_start3A_794 : memref<16xi32, #tpu.memory_space<vmem>>) semaphore(%arg23 : memref<!tpu.dma_semaphore, #tpu.memory_space<semaphore_mem>>)
        } else {
        }
        %add3A_441 = arith.constant 0 : i32
        %add3A_442 = vector.broadcast %add3A_441 : i32 to vector<16xi32>
        %add3A_443 = arith.addi %shift_right_logical3A_6, %add3A_442 : vector<16xi32>
        %get3A_444 = arith.constant 3 : i32
        %get3A_445 = arith.index_cast %get3A_444 : i32 to index
        %get3A_446 = arith.constant 0 : index
        %get3A_447 = tpu.vector_load %arg19[%get3A_445, %get3A_446] {strides = array<i32>} : memref<4x16xf32, #tpu.memory_space<vmem>>, vector<16xf32>,
        %broadcast_in_dim3A_448 = arith.constant 0 : i32
        %broadcast_in_dim3A_449 = vector.broadcast %broadcast_in_dim3A_448 : i32 to vector<16xi32>
        %gather3A_450 = tpu.vector_load_idx %arg16[%add3A_443, %broadcast_in_dim3A_449] : memref<16x8xf32, #tpu.memory_space<vmem>>[vector<16xi32>, vector<16xi32>], vector<16xf32>,
        %gather3A_451 = tpu.vector_load_idx %arg17[%add3A_443, %broadcast_in_dim3A_449] : memref<16x8xf32, #tpu.memory_space<vmem>>[vector<16xi32>, vector<16xi32>], vector<16xf32>,
        %add3A_452 = arith.addf %gather3A_450, %gather3A_451 : vector<16xf32>
        %get3A_453 = arith.constant 0 : i32
        %get3A_454 = arith.index_cast %get3A_453 : i32 to index
        %get3A_455 = arith.constant 0 : index
        %get3A_456 = tpu.vector_load %arg19[%get3A_454, %get3A_455] {strides = array<i32>} : memref<4x16xf32, #tpu.memory_space<vmem>>, vector<16xf32>,
        %mul3A_457 = arith.mulf %add3A_452, %get3A_456 : vector<16xf32>
        %add3A_458 = arith.addf %get3A_447, %mul3A_457 : vector<16xf32>
        %broadcast_in_dim3A_459 = arith.constant 1 : i32
        %broadcast_in_dim3A_460 = vector.broadcast %broadcast_in_dim3A_459 : i32 to vector<16xi32>
        %gather3A_461 = tpu.vector_load_idx %arg16[%add3A_443, %broadcast_in_dim3A_460] : memref<16x8xf32, #tpu.memory_space<vmem>>[vector<16xi32>, vector<16xi32>], vector<16xf32>,
        %gather3A_462 = tpu.vector_load_idx %arg17[%add3A_443, %broadcast_in_dim3A_460] : memref<16x8xf32, #tpu.memory_space<vmem>>[vector<16xi32>, vector<16xi32>], vector<16xf32>,
        %add3A_463 = arith.addf %gather3A_461, %gather3A_462 : vector<16xf32>
        %get3A_464 = arith.constant 1 : i32
        %get3A_465 = arith.index_cast %get3A_464 : i32 to index
        %get3A_466 = arith.constant 0 : index
        %get3A_467 = tpu.vector_load %arg19[%get3A_465, %get3A_466] {strides = array<i32>} : memref<4x16xf32, #tpu.memory_space<vmem>>, vector<16xf32>,
        %mul3A_468 = arith.mulf %add3A_463, %get3A_467 : vector<16xf32>
        %add3A_469 = arith.addf %add3A_458, %mul3A_468 : vector<16xf32>
        %broadcast_in_dim3A_470 = arith.constant 2 : i32
        %broadcast_in_dim3A_471 = vector.broadcast %broadcast_in_dim3A_470 : i32 to vector<16xi32>
        %gather3A_472 = tpu.vector_load_idx %arg16[%add3A_443, %broadcast_in_dim3A_471] : memref<16x8xf32, #tpu.memory_space<vmem>>[vector<16xi32>, vector<16xi32>], vector<16xf32>,
        %gather3A_473 = tpu.vector_load_idx %arg17[%add3A_443, %broadcast_in_dim3A_471] : memref<16x8xf32, #tpu.memory_space<vmem>>[vector<16xi32>, vector<16xi32>], vector<16xf32>,
        %add3A_474 = arith.addf %gather3A_472, %gather3A_473 : vector<16xf32>
        %get3A_475 = arith.constant 2 : i32
        %get3A_476 = arith.index_cast %get3A_475 : i32 to index
        %get3A_477 = arith.constant 0 : index
        %get3A_478 = tpu.vector_load %arg19[%get3A_476, %get3A_477] {strides = array<i32>} : memref<4x16xf32, #tpu.memory_space<vmem>>, vector<16xf32>,
        %mul3A_479 = arith.mulf %add3A_474, %get3A_478 : vector<16xf32>
        %add3A_480 = arith.addf %add3A_469, %mul3A_479 : vector<16xf32>
        %max3A_481 = arith.constant 0.000000e+00 : f32
        %max3A_482 = vector.broadcast %max3A_481 : f32 to vector<16xf32>
        %max3A_483 = arith.maximumf %add3A_480, %max3A_482 : vector<16xf32>
        tpu.vector_store_idx %arg18[%add3A_443, %and3A_8], %max3A_483 : memref<16x8xf32, #tpu.memory_space<vmem>>[vector<16xi32>, vector<16xi32>], vector<16xf32>,
        %add3A_484 = arith.constant 2 : i32
        %add3A_485 = vector.broadcast %add3A_484 : i32 to vector<16xi32>
        %add3A_486 = arith.addi %shift_right_logical3A_6, %add3A_485 : vector<16xi32>
        %get3A_487 = arith.constant 3 : i32
        %get3A_488 = arith.index_cast %get3A_487 : i32 to index
        %get3A_489 = arith.constant 0 : index
        %get3A_490 = tpu.vector_load %arg19[%get3A_488, %get3A_489] {strides = array<i32>} : memref<4x16xf32, #tpu.memory_space<vmem>>, vector<16xf32>,
        %broadcast_in_dim3A_491 = arith.constant 0 : i32
        %broadcast_in_dim3A_492 = vector.broadcast %broadcast_in_dim3A_491 : i32 to vector<16xi32>
        %gather3A_493 = tpu.vector_load_idx %arg16[%add3A_486, %broadcast_in_dim3A_492] : memref<16x8xf32, #tpu.memory_space<vmem>>[vector<16xi32>, vector<16xi32>], vector<16xf32>,
        %gather3A_494 = tpu.vector_load_idx %arg17[%add3A_486, %broadcast_in_dim3A_492] : memref<16x8xf32, #tpu.memory_space<vmem>>[vector<16xi32>, vector<16xi32>], vector<16xf32>,
        %add3A_495 = arith.addf %gather3A_493, %gather3A_494 : vector<16xf32>
        %get3A_496 = arith.constant 0 : i32
        %get3A_497 = arith.index_cast %get3A_496 : i32 to index
        %get3A_498 = arith.constant 0 : index
        %get3A_499 = tpu.vector_load %arg19[%get3A_497, %get3A_498] {strides = array<i32>} : memref<4x16xf32, #tpu.memory_space<vmem>>, vector<16xf32>,
        %mul3A_500 = arith.mulf %add3A_495, %get3A_499 : vector<16xf32>
        %add3A_501 = arith.addf %get3A_490, %mul3A_500 : vector<16xf32>
        %broadcast_in_dim3A_502 = arith.constant 1 : i32
        %broadcast_in_dim3A_503 = vector.broadcast %broadcast_in_dim3A_502 : i32 to vector<16xi32>
        %gather3A_504 = tpu.vector_load_idx %arg16[%add3A_486, %broadcast_in_dim3A_503] : memref<16x8xf32, #tpu.memory_space<vmem>>[vector<16xi32>, vector<16xi32>], vector<16xf32>,
        %gather3A_505 = tpu.vector_load_idx %arg17[%add3A_486, %broadcast_in_dim3A_503] : memref<16x8xf32, #tpu.memory_space<vmem>>[vector<16xi32>, vector<16xi32>], vector<16xf32>,
        %add3A_506 = arith.addf %gather3A_504, %gather3A_505 : vector<16xf32>
        %get3A_507 = arith.constant 1 : i32
        %get3A_508 = arith.index_cast %get3A_507 : i32 to index
        %get3A_509 = arith.constant 0 : index
        %get3A_510 = tpu.vector_load %arg19[%get3A_508, %get3A_509] {strides = array<i32>} : memref<4x16xf32, #tpu.memory_space<vmem>>, vector<16xf32>,
        %mul3A_511 = arith.mulf %add3A_506, %get3A_510 : vector<16xf32>
        %add3A_512 = arith.addf %add3A_501, %mul3A_511 : vector<16xf32>
        %broadcast_in_dim3A_513 = arith.constant 2 : i32
        %broadcast_in_dim3A_514 = vector.broadcast %broadcast_in_dim3A_513 : i32 to vector<16xi32>
        %gather3A_515 = tpu.vector_load_idx %arg16[%add3A_486, %broadcast_in_dim3A_514] : memref<16x8xf32, #tpu.memory_space<vmem>>[vector<16xi32>, vector<16xi32>], vector<16xf32>,
        %gather3A_516 = tpu.vector_load_idx %arg17[%add3A_486, %broadcast_in_dim3A_514] : memref<16x8xf32, #tpu.memory_space<vmem>>[vector<16xi32>, vector<16xi32>], vector<16xf32>,
        %add3A_517 = arith.addf %gather3A_515, %gather3A_516 : vector<16xf32>
        %get3A_518 = arith.constant 2 : i32
        %get3A_519 = arith.index_cast %get3A_518 : i32 to index
        %get3A_520 = arith.constant 0 : index
        %get3A_521 = tpu.vector_load %arg19[%get3A_519, %get3A_520] {strides = array<i32>} : memref<4x16xf32, #tpu.memory_space<vmem>>, vector<16xf32>,
        %mul3A_522 = arith.mulf %add3A_517, %get3A_521 : vector<16xf32>
        %add3A_523 = arith.addf %add3A_512, %mul3A_522 : vector<16xf32>
        %max3A_524 = arith.constant 0.000000e+00 : f32
        %max3A_525 = vector.broadcast %max3A_524 : f32 to vector<16xf32>
        %max3A_526 = arith.maximumf %add3A_523, %max3A_525 : vector<16xf32>
        tpu.vector_store_idx %arg18[%add3A_486, %and3A_8], %max3A_526 : memref<16x8xf32, #tpu.memory_space<vmem>>[vector<16xi32>, vector<16xi32>], vector<16xf32>,
        %add3A_527 = arith.constant 4 : i32
        %add3A_528 = vector.broadcast %add3A_527 : i32 to vector<16xi32>
        %add3A_529 = arith.addi %shift_right_logical3A_6, %add3A_528 : vector<16xi32>
        %get3A_530 = arith.constant 3 : i32
        %get3A_531 = arith.index_cast %get3A_530 : i32 to index
        %get3A_532 = arith.constant 0 : index
        %get3A_533 = tpu.vector_load %arg19[%get3A_531, %get3A_532] {strides = array<i32>} : memref<4x16xf32, #tpu.memory_space<vmem>>, vector<16xf32>,
        %broadcast_in_dim3A_534 = arith.constant 0 : i32
        %broadcast_in_dim3A_535 = vector.broadcast %broadcast_in_dim3A_534 : i32 to vector<16xi32>
        %gather3A_536 = tpu.vector_load_idx %arg16[%add3A_529, %broadcast_in_dim3A_535] : memref<16x8xf32, #tpu.memory_space<vmem>>[vector<16xi32>, vector<16xi32>], vector<16xf32>,
        %gather3A_537 = tpu.vector_load_idx %arg17[%add3A_529, %broadcast_in_dim3A_535] : memref<16x8xf32, #tpu.memory_space<vmem>>[vector<16xi32>, vector<16xi32>], vector<16xf32>,
        %add3A_538 = arith.addf %gather3A_536, %gather3A_537 : vector<16xf32>
        %get3A_539 = arith.constant 0 : i32
        %get3A_540 = arith.index_cast %get3A_539 : i32 to index
        %get3A_541 = arith.constant 0 : index
        %get3A_542 = tpu.vector_load %arg19[%get3A_540, %get3A_541] {strides = array<i32>} : memref<4x16xf32, #tpu.memory_space<vmem>>, vector<16xf32>,
        %mul3A_543 = arith.mulf %add3A_538, %get3A_542 : vector<16xf32>
        %add3A_544 = arith.addf %get3A_533, %mul3A_543 : vector<16xf32>
        %broadcast_in_dim3A_545 = arith.constant 1 : i32
        %broadcast_in_dim3A_546 = vector.broadcast %broadcast_in_dim3A_545 : i32 to vector<16xi32>
        %gather3A_547 = tpu.vector_load_idx %arg16[%add3A_529, %broadcast_in_dim3A_546] : memref<16x8xf32, #tpu.memory_space<vmem>>[vector<16xi32>, vector<16xi32>], vector<16xf32>,
        %gather3A_548 = tpu.vector_load_idx %arg17[%add3A_529, %broadcast_in_dim3A_546] : memref<16x8xf32, #tpu.memory_space<vmem>>[vector<16xi32>, vector<16xi32>], vector<16xf32>,
        %add3A_549 = arith.addf %gather3A_547, %gather3A_548 : vector<16xf32>
        %get3A_550 = arith.constant 1 : i32
        %get3A_551 = arith.index_cast %get3A_550 : i32 to index
        %get3A_552 = arith.constant 0 : index
        %get3A_553 = tpu.vector_load %arg19[%get3A_551, %get3A_552] {strides = array<i32>} : memref<4x16xf32, #tpu.memory_space<vmem>>, vector<16xf32>,
        %mul3A_554 = arith.mulf %add3A_549, %get3A_553 : vector<16xf32>
        %add3A_555 = arith.addf %add3A_544, %mul3A_554 : vector<16xf32>
        %broadcast_in_dim3A_556 = arith.constant 2 : i32
        %broadcast_in_dim3A_557 = vector.broadcast %broadcast_in_dim3A_556 : i32 to vector<16xi32>
        %gather3A_558 = tpu.vector_load_idx %arg16[%add3A_529, %broadcast_in_dim3A_557] : memref<16x8xf32, #tpu.memory_space<vmem>>[vector<16xi32>, vector<16xi32>], vector<16xf32>,
        %gather3A_559 = tpu.vector_load_idx %arg17[%add3A_529, %broadcast_in_dim3A_557] : memref<16x8xf32, #tpu.memory_space<vmem>>[vector<16xi32>, vector<16xi32>], vector<16xf32>,
        %add3A_560 = arith.addf %gather3A_558, %gather3A_559 : vector<16xf32>
        %get3A_561 = arith.constant 2 : i32
        %get3A_562 = arith.index_cast %get3A_561 : i32 to index
        %get3A_563 = arith.constant 0 : index
        %get3A_564 = tpu.vector_load %arg19[%get3A_562, %get3A_563] {strides = array<i32>} : memref<4x16xf32, #tpu.memory_space<vmem>>, vector<16xf32>,
        %mul3A_565 = arith.mulf %add3A_560, %get3A_564 : vector<16xf32>
        %add3A_566 = arith.addf %add3A_555, %mul3A_565 : vector<16xf32>
        %max3A_567 = arith.constant 0.000000e+00 : f32
        %max3A_568 = vector.broadcast %max3A_567 : f32 to vector<16xf32>
        %max3A_569 = arith.maximumf %add3A_566, %max3A_568 : vector<16xf32>
        tpu.vector_store_idx %arg18[%add3A_529, %and3A_8], %max3A_569 : memref<16x8xf32, #tpu.memory_space<vmem>>[vector<16xi32>, vector<16xi32>], vector<16xf32>,
        %add3A_570 = arith.constant 6 : i32
        %add3A_571 = vector.broadcast %add3A_570 : i32 to vector<16xi32>
        %add3A_572 = arith.addi %shift_right_logical3A_6, %add3A_571 : vector<16xi32>
        %get3A_573 = arith.constant 3 : i32
        %get3A_574 = arith.index_cast %get3A_573 : i32 to index
        %get3A_575 = arith.constant 0 : index
        %get3A_576 = tpu.vector_load %arg19[%get3A_574, %get3A_575] {strides = array<i32>} : memref<4x16xf32, #tpu.memory_space<vmem>>, vector<16xf32>,
        %broadcast_in_dim3A_577 = arith.constant 0 : i32
        %broadcast_in_dim3A_578 = vector.broadcast %broadcast_in_dim3A_577 : i32 to vector<16xi32>
        %gather3A_579 = tpu.vector_load_idx %arg16[%add3A_572, %broadcast_in_dim3A_578] : memref<16x8xf32, #tpu.memory_space<vmem>>[vector<16xi32>, vector<16xi32>], vector<16xf32>,
        %gather3A_580 = tpu.vector_load_idx %arg17[%add3A_572, %broadcast_in_dim3A_578] : memref<16x8xf32, #tpu.memory_space<vmem>>[vector<16xi32>, vector<16xi32>], vector<16xf32>,
        %add3A_581 = arith.addf %gather3A_579, %gather3A_580 : vector<16xf32>
        %get3A_582 = arith.constant 0 : i32
        %get3A_583 = arith.index_cast %get3A_582 : i32 to index
        %get3A_584 = arith.constant 0 : index
        %get3A_585 = tpu.vector_load %arg19[%get3A_583, %get3A_584] {strides = array<i32>} : memref<4x16xf32, #tpu.memory_space<vmem>>, vector<16xf32>,
        %mul3A_586 = arith.mulf %add3A_581, %get3A_585 : vector<16xf32>
        %add3A_587 = arith.addf %get3A_576, %mul3A_586 : vector<16xf32>
        %broadcast_in_dim3A_588 = arith.constant 1 : i32
        %broadcast_in_dim3A_589 = vector.broadcast %broadcast_in_dim3A_588 : i32 to vector<16xi32>
        %gather3A_590 = tpu.vector_load_idx %arg16[%add3A_572, %broadcast_in_dim3A_589] : memref<16x8xf32, #tpu.memory_space<vmem>>[vector<16xi32>, vector<16xi32>], vector<16xf32>,
        %gather3A_591 = tpu.vector_load_idx %arg17[%add3A_572, %broadcast_in_dim3A_589] : memref<16x8xf32, #tpu.memory_space<vmem>>[vector<16xi32>, vector<16xi32>], vector<16xf32>,
        %add3A_592 = arith.addf %gather3A_590, %gather3A_591 : vector<16xf32>
        %get3A_593 = arith.constant 1 : i32
        %get3A_594 = arith.index_cast %get3A_593 : i32 to index
        %get3A_595 = arith.constant 0 : index
        %get3A_596 = tpu.vector_load %arg19[%get3A_594, %get3A_595] {strides = array<i32>} : memref<4x16xf32, #tpu.memory_space<vmem>>, vector<16xf32>,
        %mul3A_597 = arith.mulf %add3A_592, %get3A_596 : vector<16xf32>
        %add3A_598 = arith.addf %add3A_587, %mul3A_597 : vector<16xf32>
        %broadcast_in_dim3A_599 = arith.constant 2 : i32
        %broadcast_in_dim3A_600 = vector.broadcast %broadcast_in_dim3A_599 : i32 to vector<16xi32>
        %gather3A_601 = tpu.vector_load_idx %arg16[%add3A_572, %broadcast_in_dim3A_600] : memref<16x8xf32, #tpu.memory_space<vmem>>[vector<16xi32>, vector<16xi32>], vector<16xf32>,
        %gather3A_602 = tpu.vector_load_idx %arg17[%add3A_572, %broadcast_in_dim3A_600] : memref<16x8xf32, #tpu.memory_space<vmem>>[vector<16xi32>, vector<16xi32>], vector<16xf32>,
        %add3A_603 = arith.addf %gather3A_601, %gather3A_602 : vector<16xf32>
        %get3A_604 = arith.constant 2 : i32
        %get3A_605 = arith.index_cast %get3A_604 : i32 to index
        %get3A_606 = arith.constant 0 : index
        %get3A_607 = tpu.vector_load %arg19[%get3A_605, %get3A_606] {strides = array<i32>} : memref<4x16xf32, #tpu.memory_space<vmem>>, vector<16xf32>,
        %mul3A_608 = arith.mulf %add3A_603, %get3A_607 : vector<16xf32>
        %add3A_609 = arith.addf %add3A_598, %mul3A_608 : vector<16xf32>
        %max3A_610 = arith.constant 0.000000e+00 : f32
        %max3A_611 = vector.broadcast %max3A_610 : f32 to vector<16xf32>
        %max3A_612 = arith.maximumf %add3A_609, %max3A_611 : vector<16xf32>
        tpu.vector_store_idx %arg18[%add3A_572, %and3A_8], %max3A_612 : memref<16x8xf32, #tpu.memory_space<vmem>>[vector<16xi32>, vector<16xi32>], vector<16xf32>,
        %add3A_613 = arith.constant 8 : i32
        %add3A_614 = vector.broadcast %add3A_613 : i32 to vector<16xi32>
        %add3A_615 = arith.addi %shift_right_logical3A_6, %add3A_614 : vector<16xi32>
        %get3A_616 = arith.constant 3 : i32
        %get3A_617 = arith.index_cast %get3A_616 : i32 to index
        %get3A_618 = arith.constant 0 : index
        %get3A_619 = tpu.vector_load %arg19[%get3A_617, %get3A_618] {strides = array<i32>} : memref<4x16xf32, #tpu.memory_space<vmem>>, vector<16xf32>,
        %broadcast_in_dim3A_620 = arith.constant 0 : i32
        %broadcast_in_dim3A_621 = vector.broadcast %broadcast_in_dim3A_620 : i32 to vector<16xi32>
        %gather3A_622 = tpu.vector_load_idx %arg16[%add3A_615, %broadcast_in_dim3A_621] : memref<16x8xf32, #tpu.memory_space<vmem>>[vector<16xi32>, vector<16xi32>], vector<16xf32>,
        %gather3A_623 = tpu.vector_load_idx %arg17[%add3A_615, %broadcast_in_dim3A_621] : memref<16x8xf32, #tpu.memory_space<vmem>>[vector<16xi32>, vector<16xi32>], vector<16xf32>,
        %add3A_624 = arith.addf %gather3A_622, %gather3A_623 : vector<16xf32>
        %get3A_625 = arith.constant 0 : i32
        %get3A_626 = arith.index_cast %get3A_625 : i32 to index
        %get3A_627 = arith.constant 0 : index
        %get3A_628 = tpu.vector_load %arg19[%get3A_626, %get3A_627] {strides = array<i32>} : memref<4x16xf32, #tpu.memory_space<vmem>>, vector<16xf32>,
        %mul3A_629 = arith.mulf %add3A_624, %get3A_628 : vector<16xf32>
        %add3A_630 = arith.addf %get3A_619, %mul3A_629 : vector<16xf32>
        %broadcast_in_dim3A_631 = arith.constant 1 : i32
        %broadcast_in_dim3A_632 = vector.broadcast %broadcast_in_dim3A_631 : i32 to vector<16xi32>
        %gather3A_633 = tpu.vector_load_idx %arg16[%add3A_615, %broadcast_in_dim3A_632] : memref<16x8xf32, #tpu.memory_space<vmem>>[vector<16xi32>, vector<16xi32>], vector<16xf32>,
        %gather3A_634 = tpu.vector_load_idx %arg17[%add3A_615, %broadcast_in_dim3A_632] : memref<16x8xf32, #tpu.memory_space<vmem>>[vector<16xi32>, vector<16xi32>], vector<16xf32>,
        %add3A_635 = arith.addf %gather3A_633, %gather3A_634 : vector<16xf32>
        %get3A_636 = arith.constant 1 : i32
        %get3A_637 = arith.index_cast %get3A_636 : i32 to index
        %get3A_638 = arith.constant 0 : index
        %get3A_639 = tpu.vector_load %arg19[%get3A_637, %get3A_638] {strides = array<i32>} : memref<4x16xf32, #tpu.memory_space<vmem>>, vector<16xf32>,
        %mul3A_640 = arith.mulf %add3A_635, %get3A_639 : vector<16xf32>
        %add3A_641 = arith.addf %add3A_630, %mul3A_640 : vector<16xf32>
        %broadcast_in_dim3A_642 = arith.constant 2 : i32
        %broadcast_in_dim3A_643 = vector.broadcast %broadcast_in_dim3A_642 : i32 to vector<16xi32>
        %gather3A_644 = tpu.vector_load_idx %arg16[%add3A_615, %broadcast_in_dim3A_643] : memref<16x8xf32, #tpu.memory_space<vmem>>[vector<16xi32>, vector<16xi32>], vector<16xf32>,
        %gather3A_645 = tpu.vector_load_idx %arg17[%add3A_615, %broadcast_in_dim3A_643] : memref<16x8xf32, #tpu.memory_space<vmem>>[vector<16xi32>, vector<16xi32>], vector<16xf32>,
        %add3A_646 = arith.addf %gather3A_644, %gather3A_645 : vector<16xf32>
        %get3A_647 = arith.constant 2 : i32
        %get3A_648 = arith.index_cast %get3A_647 : i32 to index
        %get3A_649 = arith.constant 0 : index
        %get3A_650 = tpu.vector_load %arg19[%get3A_648, %get3A_649] {strides = array<i32>} : memref<4x16xf32, #tpu.memory_space<vmem>>, vector<16xf32>,
        %mul3A_651 = arith.mulf %add3A_646, %get3A_650 : vector<16xf32>
        %add3A_652 = arith.addf %add3A_641, %mul3A_651 : vector<16xf32>
        %max3A_653 = arith.constant 0.000000e+00 : f32
        %max3A_654 = vector.broadcast %max3A_653 : f32 to vector<16xf32>
        %max3A_655 = arith.maximumf %add3A_652, %max3A_654 : vector<16xf32>
        tpu.vector_store_idx %arg18[%add3A_615, %and3A_8], %max3A_655 : memref<16x8xf32, #tpu.memory_space<vmem>>[vector<16xi32>, vector<16xi32>], vector<16xf32>,
        %add3A_656 = arith.constant 10 : i32
        %add3A_657 = vector.broadcast %add3A_656 : i32 to vector<16xi32>
        %add3A_658 = arith.addi %shift_right_logical3A_6, %add3A_657 : vector<16xi32>
        %get3A_659 = arith.constant 3 : i32
        %get3A_660 = arith.index_cast %get3A_659 : i32 to index
        %get3A_661 = arith.constant 0 : index
        %get3A_662 = tpu.vector_load %arg19[%get3A_660, %get3A_661] {strides = array<i32>} : memref<4x16xf32, #tpu.memory_space<vmem>>, vector<16xf32>,
        %broadcast_in_dim3A_663 = arith.constant 0 : i32
        %broadcast_in_dim3A_664 = vector.broadcast %broadcast_in_dim3A_663 : i32 to vector<16xi32>
        %gather3A_665 = tpu.vector_load_idx %arg16[%add3A_658, %broadcast_in_dim3A_664] : memref<16x8xf32, #tpu.memory_space<vmem>>[vector<16xi32>, vector<16xi32>], vector<16xf32>,
        %gather3A_666 = tpu.vector_load_idx %arg17[%add3A_658, %broadcast_in_dim3A_664] : memref<16x8xf32, #tpu.memory_space<vmem>>[vector<16xi32>, vector<16xi32>], vector<16xf32>,
        %add3A_667 = arith.addf %gather3A_665, %gather3A_666 : vector<16xf32>
        %get3A_668 = arith.constant 0 : i32
        %get3A_669 = arith.index_cast %get3A_668 : i32 to index
        %get3A_670 = arith.constant 0 : index
        %get3A_671 = tpu.vector_load %arg19[%get3A_669, %get3A_670] {strides = array<i32>} : memref<4x16xf32, #tpu.memory_space<vmem>>, vector<16xf32>,
        %mul3A_672 = arith.mulf %add3A_667, %get3A_671 : vector<16xf32>
        %add3A_673 = arith.addf %get3A_662, %mul3A_672 : vector<16xf32>
        %broadcast_in_dim3A_674 = arith.constant 1 : i32
        %broadcast_in_dim3A_675 = vector.broadcast %broadcast_in_dim3A_674 : i32 to vector<16xi32>
        %gather3A_676 = tpu.vector_load_idx %arg16[%add3A_658, %broadcast_in_dim3A_675] : memref<16x8xf32, #tpu.memory_space<vmem>>[vector<16xi32>, vector<16xi32>], vector<16xf32>,
        %gather3A_677 = tpu.vector_load_idx %arg17[%add3A_658, %broadcast_in_dim3A_675] : memref<16x8xf32, #tpu.memory_space<vmem>>[vector<16xi32>, vector<16xi32>], vector<16xf32>,
        %add3A_678 = arith.addf %gather3A_676, %gather3A_677 : vector<16xf32>
        %get3A_679 = arith.constant 1 : i32
        %get3A_680 = arith.index_cast %get3A_679 : i32 to index
        %get3A_681 = arith.constant 0 : index
        %get3A_682 = tpu.vector_load %arg19[%get3A_680, %get3A_681] {strides = array<i32>} : memref<4x16xf32, #tpu.memory_space<vmem>>, vector<16xf32>,
        %mul3A_683 = arith.mulf %add3A_678, %get3A_682 : vector<16xf32>
        %add3A_684 = arith.addf %add3A_673, %mul3A_683 : vector<16xf32>
        %broadcast_in_dim3A_685 = arith.constant 2 : i32
        %broadcast_in_dim3A_686 = vector.broadcast %broadcast_in_dim3A_685 : i32 to vector<16xi32>
        %gather3A_687 = tpu.vector_load_idx %arg16[%add3A_658, %broadcast_in_dim3A_686] : memref<16x8xf32, #tpu.memory_space<vmem>>[vector<16xi32>, vector<16xi32>], vector<16xf32>,
        %gather3A_688 = tpu.vector_load_idx %arg17[%add3A_658, %broadcast_in_dim3A_686] : memref<16x8xf32, #tpu.memory_space<vmem>>[vector<16xi32>, vector<16xi32>], vector<16xf32>,
        %add3A_689 = arith.addf %gather3A_687, %gather3A_688 : vector<16xf32>
        %get3A_690 = arith.constant 2 : i32
        %get3A_691 = arith.index_cast %get3A_690 : i32 to index
        %get3A_692 = arith.constant 0 : index
        %get3A_693 = tpu.vector_load %arg19[%get3A_691, %get3A_692] {strides = array<i32>} : memref<4x16xf32, #tpu.memory_space<vmem>>, vector<16xf32>,
        %mul3A_694 = arith.mulf %add3A_689, %get3A_693 : vector<16xf32>
        %add3A_695 = arith.addf %add3A_684, %mul3A_694 : vector<16xf32>
        %max3A_696 = arith.constant 0.000000e+00 : f32
        %max3A_697 = vector.broadcast %max3A_696 : f32 to vector<16xf32>
        %max3A_698 = arith.maximumf %add3A_695, %max3A_697 : vector<16xf32>
        tpu.vector_store_idx %arg18[%add3A_658, %and3A_8], %max3A_698 : memref<16x8xf32, #tpu.memory_space<vmem>>[vector<16xi32>, vector<16xi32>], vector<16xf32>,
        %add3A_699 = arith.constant 12 : i32
        %add3A_700 = vector.broadcast %add3A_699 : i32 to vector<16xi32>
        %add3A_701 = arith.addi %shift_right_logical3A_6, %add3A_700 : vector<16xi32>
        %get3A_702 = arith.constant 3 : i32
        %get3A_703 = arith.index_cast %get3A_702 : i32 to index
        %get3A_704 = arith.constant 0 : index
        %get3A_705 = tpu.vector_load %arg19[%get3A_703, %get3A_704] {strides = array<i32>} : memref<4x16xf32, #tpu.memory_space<vmem>>, vector<16xf32>,
        %broadcast_in_dim3A_706 = arith.constant 0 : i32
        %broadcast_in_dim3A_707 = vector.broadcast %broadcast_in_dim3A_706 : i32 to vector<16xi32>
        %gather3A_708 = tpu.vector_load_idx %arg16[%add3A_701, %broadcast_in_dim3A_707] : memref<16x8xf32, #tpu.memory_space<vmem>>[vector<16xi32>, vector<16xi32>], vector<16xf32>,
        %gather3A_709 = tpu.vector_load_idx %arg17[%add3A_701, %broadcast_in_dim3A_707] : memref<16x8xf32, #tpu.memory_space<vmem>>[vector<16xi32>, vector<16xi32>], vector<16xf32>,
        %add3A_710 = arith.addf %gather3A_708, %gather3A_709 : vector<16xf32>
        %get3A_711 = arith.constant 0 : i32
        %get3A_712 = arith.index_cast %get3A_711 : i32 to index
        %get3A_713 = arith.constant 0 : index
        %get3A_714 = tpu.vector_load %arg19[%get3A_712, %get3A_713] {strides = array<i32>} : memref<4x16xf32, #tpu.memory_space<vmem>>, vector<16xf32>,
        %mul3A_715 = arith.mulf %add3A_710, %get3A_714 : vector<16xf32>
        %add3A_716 = arith.addf %get3A_705, %mul3A_715 : vector<16xf32>
        %broadcast_in_dim3A_717 = arith.constant 1 : i32
        %broadcast_in_dim3A_718 = vector.broadcast %broadcast_in_dim3A_717 : i32 to vector<16xi32>
        %gather3A_719 = tpu.vector_load_idx %arg16[%add3A_701, %broadcast_in_dim3A_718] : memref<16x8xf32, #tpu.memory_space<vmem>>[vector<16xi32>, vector<16xi32>], vector<16xf32>,
        %gather3A_720 = tpu.vector_load_idx %arg17[%add3A_701, %broadcast_in_dim3A_718] : memref<16x8xf32, #tpu.memory_space<vmem>>[vector<16xi32>, vector<16xi32>], vector<16xf32>,
        %add3A_721 = arith.addf %gather3A_719, %gather3A_720 : vector<16xf32>
        %get3A_722 = arith.constant 1 : i32
        %get3A_723 = arith.index_cast %get3A_722 : i32 to index
        %get3A_724 = arith.constant 0 : index
        %get3A_725 = tpu.vector_load %arg19[%get3A_723, %get3A_724] {strides = array<i32>} : memref<4x16xf32, #tpu.memory_space<vmem>>, vector<16xf32>,
        %mul3A_726 = arith.mulf %add3A_721, %get3A_725 : vector<16xf32>
        %add3A_727 = arith.addf %add3A_716, %mul3A_726 : vector<16xf32>
        %broadcast_in_dim3A_728 = arith.constant 2 : i32
        %broadcast_in_dim3A_729 = vector.broadcast %broadcast_in_dim3A_728 : i32 to vector<16xi32>
        %gather3A_730 = tpu.vector_load_idx %arg16[%add3A_701, %broadcast_in_dim3A_729] : memref<16x8xf32, #tpu.memory_space<vmem>>[vector<16xi32>, vector<16xi32>], vector<16xf32>,
        %gather3A_731 = tpu.vector_load_idx %arg17[%add3A_701, %broadcast_in_dim3A_729] : memref<16x8xf32, #tpu.memory_space<vmem>>[vector<16xi32>, vector<16xi32>], vector<16xf32>,
        %add3A_732 = arith.addf %gather3A_730, %gather3A_731 : vector<16xf32>
        %get3A_733 = arith.constant 2 : i32
        %get3A_734 = arith.index_cast %get3A_733 : i32 to index
        %get3A_735 = arith.constant 0 : index
        %get3A_736 = tpu.vector_load %arg19[%get3A_734, %get3A_735] {strides = array<i32>} : memref<4x16xf32, #tpu.memory_space<vmem>>, vector<16xf32>,
        %mul3A_737 = arith.mulf %add3A_732, %get3A_736 : vector<16xf32>
        %add3A_738 = arith.addf %add3A_727, %mul3A_737 : vector<16xf32>
        %max3A_739 = arith.constant 0.000000e+00 : f32
        %max3A_740 = vector.broadcast %max3A_739 : f32 to vector<16xf32>
        %max3A_741 = arith.maximumf %add3A_738, %max3A_740 : vector<16xf32>
        tpu.vector_store_idx %arg18[%add3A_701, %and3A_8], %max3A_741 : memref<16x8xf32, #tpu.memory_space<vmem>>[vector<16xi32>, vector<16xi32>], vector<16xf32>,
        %add3A_742 = arith.constant 14 : i32
        %add3A_743 = vector.broadcast %add3A_742 : i32 to vector<16xi32>
        %add3A_744 = arith.addi %shift_right_logical3A_6, %add3A_743 : vector<16xi32>
        %get3A_745 = arith.constant 3 : i32
        %get3A_746 = arith.index_cast %get3A_745 : i32 to index
        %get3A_747 = arith.constant 0 : index
        %get3A_748 = tpu.vector_load %arg19[%get3A_746, %get3A_747] {strides = array<i32>} : memref<4x16xf32, #tpu.memory_space<vmem>>, vector<16xf32>,
        %broadcast_in_dim3A_749 = arith.constant 0 : i32
        %broadcast_in_dim3A_750 = vector.broadcast %broadcast_in_dim3A_749 : i32 to vector<16xi32>
        %gather3A_751 = tpu.vector_load_idx %arg16[%add3A_744, %broadcast_in_dim3A_750] : memref<16x8xf32, #tpu.memory_space<vmem>>[vector<16xi32>, vector<16xi32>], vector<16xf32>,
        %gather3A_752 = tpu.vector_load_idx %arg17[%add3A_744, %broadcast_in_dim3A_750] : memref<16x8xf32, #tpu.memory_space<vmem>>[vector<16xi32>, vector<16xi32>], vector<16xf32>,
        %add3A_753 = arith.addf %gather3A_751, %gather3A_752 : vector<16xf32>
        %get3A_754 = arith.constant 0 : i32
        %get3A_755 = arith.index_cast %get3A_754 : i32 to index
        %get3A_756 = arith.constant 0 : index
        %get3A_757 = tpu.vector_load %arg19[%get3A_755, %get3A_756] {strides = array<i32>} : memref<4x16xf32, #tpu.memory_space<vmem>>, vector<16xf32>,
        %mul3A_758 = arith.mulf %add3A_753, %get3A_757 : vector<16xf32>
        %add3A_759 = arith.addf %get3A_748, %mul3A_758 : vector<16xf32>
        %broadcast_in_dim3A_760 = arith.constant 1 : i32
        %broadcast_in_dim3A_761 = vector.broadcast %broadcast_in_dim3A_760 : i32 to vector<16xi32>
        %gather3A_762 = tpu.vector_load_idx %arg16[%add3A_744, %broadcast_in_dim3A_761] : memref<16x8xf32, #tpu.memory_space<vmem>>[vector<16xi32>, vector<16xi32>], vector<16xf32>,
        %gather3A_763 = tpu.vector_load_idx %arg17[%add3A_744, %broadcast_in_dim3A_761] : memref<16x8xf32, #tpu.memory_space<vmem>>[vector<16xi32>, vector<16xi32>], vector<16xf32>,
        %add3A_764 = arith.addf %gather3A_762, %gather3A_763 : vector<16xf32>
        %get3A_765 = arith.constant 1 : i32
        %get3A_766 = arith.index_cast %get3A_765 : i32 to index
        %get3A_767 = arith.constant 0 : index
        %get3A_768 = tpu.vector_load %arg19[%get3A_766, %get3A_767] {strides = array<i32>} : memref<4x16xf32, #tpu.memory_space<vmem>>, vector<16xf32>,
        %mul3A_769 = arith.mulf %add3A_764, %get3A_768 : vector<16xf32>
        %add3A_770 = arith.addf %add3A_759, %mul3A_769 : vector<16xf32>
        %broadcast_in_dim3A_771 = arith.constant 2 : i32
        %broadcast_in_dim3A_772 = vector.broadcast %broadcast_in_dim3A_771 : i32 to vector<16xi32>
        %gather3A_773 = tpu.vector_load_idx %arg16[%add3A_744, %broadcast_in_dim3A_772] : memref<16x8xf32, #tpu.memory_space<vmem>>[vector<16xi32>, vector<16xi32>], vector<16xf32>,
        %gather3A_774 = tpu.vector_load_idx %arg17[%add3A_744, %broadcast_in_dim3A_772] : memref<16x8xf32, #tpu.memory_space<vmem>>[vector<16xi32>, vector<16xi32>], vector<16xf32>,
        %add3A_775 = arith.addf %gather3A_773, %gather3A_774 : vector<16xf32>
        %get3A_776 = arith.constant 2 : i32
        %get3A_777 = arith.index_cast %get3A_776 : i32 to index
        %get3A_778 = arith.constant 0 : index
        %get3A_779 = tpu.vector_load %arg19[%get3A_777, %get3A_778] {strides = array<i32>} : memref<4x16xf32, #tpu.memory_space<vmem>>, vector<16xf32>,
        %mul3A_780 = arith.mulf %add3A_775, %get3A_779 : vector<16xf32>
        %add3A_781 = arith.addf %add3A_770, %mul3A_780 : vector<16xf32>
        %max3A_782 = arith.constant 0.000000e+00 : f32
        %max3A_783 = vector.broadcast %max3A_782 : f32 to vector<16xf32>
        %max3A_784 = arith.maximumf %add3A_781, %max3A_783 : vector<16xf32>
        tpu.vector_store_idx %arg18[%add3A_744, %and3A_8], %max3A_784 : memref<16x8xf32, #tpu.memory_space<vmem>>[vector<16xi32>, vector<16xi32>], vector<16xf32>,
        "tpu.region"() ({
          %run_scoped3A = tpu.sem_alloc : memref<!tpu.dma_semaphore, #tpu.memory_space<semaphore_mem>>
          %dma_start3A = arith.constant 0 : i32
          %dma_start3A_785 = tpu.memref_slice %arg13[%add3A_63, %dma_start3A] : memref<640x16xi32, #tpu.memory_space<vmem>> -> memref<1x16xi32, #tpu.memory_space<vmem>>
          %dma_start3A_786 = tpu.memref_squeeze %dma_start3A_785 : memref<1x16xi32, #tpu.memory_space<vmem>> -> memref<16xi32, #tpu.memory_space<vmem>>
          %dma_start3A_787 = arith.constant 0 : i32
          %dma_start3A_788 = arith.constant 0 : i32
          %dma_start3A_789 = tpu.memref_slice %arg22[%dma_start3A_787, %dma_start3A_788] : memref<320x8xf32, #tpu.memory_space<vmem_shared>> -> memref<320x8xf32, #tpu.memory_space<vmem_shared>>
          tpu.enqueue_indirect_dma source(%arg18 : memref<16x8xf32, #tpu.memory_space<vmem>>) target(%dma_start3A_789 : memref<320x8xf32, #tpu.memory_space<vmem_shared>>) offsets(%dma_start3A_786 : memref<16xi32, #tpu.memory_space<vmem>>) semaphore(%run_scoped3A : memref<!tpu.dma_semaphore, #tpu.memory_space<semaphore_mem>>) {add = true}
          %dma_wait3A_790 = arith.constant 0 : i32
          %dma_wait3A_791 = tpu.memref_slice %arg13[%add3A_63, %dma_wait3A_790] : memref<640x16xi32, #tpu.memory_space<vmem>> -> memref<1x16xi32, #tpu.memory_space<vmem>>
          %dma_wait3A_792 = tpu.memref_squeeze %dma_wait3A_791 : memref<1x16xi32, #tpu.memory_space<vmem>> -> memref<16xi32, #tpu.memory_space<vmem>>
          %dma_wait3A_793 = arith.constant 0 : i32
          %dma_wait3A_794 = arith.constant 0 : i32
          %dma_wait3A_795 = tpu.memref_slice %arg22[%dma_wait3A_793, %dma_wait3A_794] : memref<320x8xf32, #tpu.memory_space<vmem_shared>> -> memref<320x8xf32, #tpu.memory_space<vmem_shared>>
          tpu.wait_indirect_dma semaphore(%run_scoped3A : memref<!tpu.dma_semaphore, #tpu.memory_space<semaphore_mem>>) src(%arg18 : memref<16x8xf32, #tpu.memory_space<vmem>>) dst(%dma_wait3A_795 : memref<320x8xf32, #tpu.memory_space<vmem_shared>>)
          tpu.yield
        }) : () -> ()
      } else {
      }
    }
    %barrier3A = arith.constant 0 : index
    tpu.barrier barrier_id(%barrier3A)
    %mul3A_51 = arith.constant 20 : i32
    %mul3A_52 = arith.muli %arg1, %mul3A_51 : i32
    %mul3A_53 = arith.constant 20 : i32
    %mul3A_54 = arith.muli %arg1, %mul3A_53 : i32
    "tpu.region"() ({
      %run_scoped3A = tpu.sem_alloc : memref<!tpu.dma_semaphore, #tpu.memory_space<semaphore_mem>>
      %dma_start3A = arith.constant 0 : i32
      %dma_start3A_59 = tpu.memref_slice %arg8[%arg0, %mul3A_54, %dma_start3A] : memref<2x320x8xf32, #tpu.memory_space<hbm>> -> memref<1x20x8xf32, #tpu.memory_space<hbm>>
      %dma_start3A_60 = tpu.memref_squeeze %dma_start3A_59 : memref<1x20x8xf32, #tpu.memory_space<hbm>> -> memref<20x8xf32, #tpu.memory_space<hbm>>
      %dma_start3A_61 = arith.constant 0 : i32
      %dma_start3A_62 = tpu.memref_slice %arg22[%mul3A_52, %dma_start3A_61] : memref<320x8xf32, #tpu.memory_space<vmem_shared>> -> memref<20x8xf32, #tpu.memory_space<vmem_shared>>
      tpu.enqueue_dma source(%dma_start3A_62 : memref<20x8xf32, #tpu.memory_space<vmem_shared>>) target(%dma_start3A_60 : memref<20x8xf32, #tpu.memory_space<hbm>>) target_semaphore(%run_scoped3A : memref<!tpu.dma_semaphore, #tpu.memory_space<semaphore_mem>>)
      %dma_wait3A = arith.constant 0 : i32
      %dma_wait3A_63 = tpu.memref_slice %arg8[%arg0, %mul3A_54, %dma_wait3A] : memref<2x320x8xf32, #tpu.memory_space<hbm>> -> memref<1x20x8xf32, #tpu.memory_space<hbm>>
      %dma_wait3A_64 = tpu.memref_squeeze %dma_wait3A_63 : memref<1x20x8xf32, #tpu.memory_space<hbm>> -> memref<20x8xf32, #tpu.memory_space<hbm>>
      %dma_wait3A_65 = arith.constant 0 : i32
      %dma_wait3A_66 = tpu.memref_slice %arg22[%mul3A_52, %dma_wait3A_65] : memref<320x8xf32, #tpu.memory_space<vmem_shared>> -> memref<20x8xf32, #tpu.memory_space<vmem_shared>>
      tpu.wait_dma2 semaphore(%run_scoped3A : memref<!tpu.dma_semaphore, #tpu.memory_space<semaphore_mem>>) src(%dma_wait3A_66 : memref<20x8xf32, #tpu.memory_space<vmem_shared>>) dst(%dma_wait3A_64 : memref<20x8xf32, #tpu.memory_space<hbm>>)
      tpu.yield
    }) : () -> ()
    %eq3A = arith.constant 0 : i32
    %eq3A_55 = arith.cmpi eq, %arg0, %eq3A : i32
    %convert_element_type3A_56 = arith.extui %eq3A_55 : i1 to i32
    %cond3A_57 = arith.constant 0 : i32
    %cond3A_58 = arith.cmpi ne, %convert_element_type3A_56, %cond3A_57 : i32
    scf.if %cond3A_58 {
      %mul3A_59 = arith.constant 16 : i32
      %mul3A_60 = arith.muli %arg1, %mul3A_59 : i32
      "tpu.region"() ({
        %run_scoped3A = tpu.sem_alloc : memref<!tpu.dma_semaphore, #tpu.memory_space<semaphore_mem>>
        %dma_start3A = arith.constant 0 : i32
        %dma_start3A_402 = tpu.memref_slice %arg2[%mul3A_60, %dma_start3A] : memref<10240x8xf32, #tpu.memory_space<hbm>> -> memref<16x8xf32, #tpu.memory_space<hbm>>
        %dma_start3A_403 = arith.constant 0 : i32
        %dma_start3A_404 = tpu.memref_slice %arg2[%mul3A_60, %dma_start3A_403] : memref<10240x8xf32, #tpu.memory_space<hbm>> -> memref<16x8xf32, #tpu.memory_space<hbm>>
        tpu.enqueue_dma source(%dma_start3A_404 : memref<16x8xf32, #tpu.memory_space<hbm>>) target(%arg20 : memref<16x8xf32, #tpu.memory_space<vmem>>) target_semaphore(%run_scoped3A : memref<!tpu.dma_semaphore, #tpu.memory_space<semaphore_mem>>)
        %dma_wait3A = arith.constant 0 : i32
        %dma_wait3A_405 = tpu.memref_slice %arg2[%mul3A_60, %dma_wait3A] : memref<10240x8xf32, #tpu.memory_space<hbm>> -> memref<16x8xf32, #tpu.memory_space<hbm>>
        %dma_wait3A_406 = arith.constant 0 : i32
        %dma_wait3A_407 = tpu.memref_slice %arg2[%mul3A_60, %dma_wait3A_406] : memref<10240x8xf32, #tpu.memory_space<hbm>> -> memref<16x8xf32, #tpu.memory_space<hbm>>
        tpu.wait_dma2 semaphore(%run_scoped3A : memref<!tpu.dma_semaphore, #tpu.memory_space<semaphore_mem>>) src(%dma_wait3A_407 : memref<16x8xf32, #tpu.memory_space<hbm>>) dst(%arg20 : memref<16x8xf32, #tpu.memory_space<vmem>>)
        tpu.yield
      }) : () -> ()
      "tpu.region"() ({
        %run_scoped3A = tpu.sem_alloc : memref<!tpu.dma_semaphore, #tpu.memory_space<semaphore_mem>>
        %dma_start3A = arith.constant 0 : i32
        %dma_start3A_402 = tpu.memref_slice %arg3[%mul3A_60, %dma_start3A] : memref<10240x8xf32, #tpu.memory_space<hbm>> -> memref<16x8xf32, #tpu.memory_space<hbm>>
        %dma_start3A_403 = arith.constant 0 : i32
        %dma_start3A_404 = tpu.memref_slice %arg3[%mul3A_60, %dma_start3A_403] : memref<10240x8xf32, #tpu.memory_space<hbm>> -> memref<16x8xf32, #tpu.memory_space<hbm>>
        tpu.enqueue_dma source(%dma_start3A_404 : memref<16x8xf32, #tpu.memory_space<hbm>>) target(%arg21 : memref<16x8xf32, #tpu.memory_space<vmem>>) target_semaphore(%run_scoped3A : memref<!tpu.dma_semaphore, #tpu.memory_space<semaphore_mem>>)
        %dma_wait3A = arith.constant 0 : i32
        %dma_wait3A_405 = tpu.memref_slice %arg3[%mul3A_60, %dma_wait3A] : memref<10240x8xf32, #tpu.memory_space<hbm>> -> memref<16x8xf32, #tpu.memory_space<hbm>>
        %dma_wait3A_406 = arith.constant 0 : i32
        %dma_wait3A_407 = tpu.memref_slice %arg3[%mul3A_60, %dma_wait3A_406] : memref<10240x8xf32, #tpu.memory_space<hbm>> -> memref<16x8xf32, #tpu.memory_space<hbm>>
        tpu.wait_dma2 semaphore(%run_scoped3A : memref<!tpu.dma_semaphore, #tpu.memory_space<semaphore_mem>>) src(%dma_wait3A_407 : memref<16x8xf32, #tpu.memory_space<hbm>>) dst(%arg21 : memref<16x8xf32, #tpu.memory_space<vmem>>)
        tpu.yield
      }) : () -> ()
      %add3A_61 = arith.constant 0 : i32
      %add3A_62 = vector.broadcast %add3A_61 : i32 to vector<16xi32>
      %add3A_63 = arith.addi %shift_right_logical3A_6, %add3A_62 : vector<16xi32>
      %get3A = arith.constant 3 : i32
      %get3A_64 = arith.index_cast %get3A : i32 to index
      %get3A_65 = arith.constant 0 : index
      %get3A_66 = tpu.vector_load %arg19[%get3A_64, %get3A_65] {strides = array<i32>} : memref<4x16xf32, #tpu.memory_space<vmem>>, vector<16xf32>,
      %broadcast_in_dim3A_67 = arith.constant 0 : i32
      %broadcast_in_dim3A_68 = vector.broadcast %broadcast_in_dim3A_67 : i32 to vector<16xi32>
      %gather3A = tpu.vector_load_idx %arg20[%add3A_63, %broadcast_in_dim3A_68] : memref<16x8xf32, #tpu.memory_space<vmem>>[vector<16xi32>, vector<16xi32>], vector<16xf32>,
      %gather3A_69 = tpu.vector_load_idx %arg21[%add3A_63, %broadcast_in_dim3A_68] : memref<16x8xf32, #tpu.memory_space<vmem>>[vector<16xi32>, vector<16xi32>], vector<16xf32>,
      %add3A_70 = arith.addf %gather3A, %gather3A_69 : vector<16xf32>
      %get3A_71 = arith.constant 0 : i32
      %get3A_72 = arith.index_cast %get3A_71 : i32 to index
      %get3A_73 = arith.constant 0 : index
      %get3A_74 = tpu.vector_load %arg19[%get3A_72, %get3A_73] {strides = array<i32>} : memref<4x16xf32, #tpu.memory_space<vmem>>, vector<16xf32>,
      %mul3A_75 = arith.mulf %add3A_70, %get3A_74 : vector<16xf32>
      %add3A_76 = arith.addf %get3A_66, %mul3A_75 : vector<16xf32>
      %broadcast_in_dim3A_77 = arith.constant 1 : i32
      %broadcast_in_dim3A_78 = vector.broadcast %broadcast_in_dim3A_77 : i32 to vector<16xi32>
      %gather3A_79 = tpu.vector_load_idx %arg20[%add3A_63, %broadcast_in_dim3A_78] : memref<16x8xf32, #tpu.memory_space<vmem>>[vector<16xi32>, vector<16xi32>], vector<16xf32>,
      %gather3A_80 = tpu.vector_load_idx %arg21[%add3A_63, %broadcast_in_dim3A_78] : memref<16x8xf32, #tpu.memory_space<vmem>>[vector<16xi32>, vector<16xi32>], vector<16xf32>,
      %add3A_81 = arith.addf %gather3A_79, %gather3A_80 : vector<16xf32>
      %get3A_82 = arith.constant 1 : i32
      %get3A_83 = arith.index_cast %get3A_82 : i32 to index
      %get3A_84 = arith.constant 0 : index
      %get3A_85 = tpu.vector_load %arg19[%get3A_83, %get3A_84] {strides = array<i32>} : memref<4x16xf32, #tpu.memory_space<vmem>>, vector<16xf32>,
      %mul3A_86 = arith.mulf %add3A_81, %get3A_85 : vector<16xf32>
      %add3A_87 = arith.addf %add3A_76, %mul3A_86 : vector<16xf32>
      %broadcast_in_dim3A_88 = arith.constant 2 : i32
      %broadcast_in_dim3A_89 = vector.broadcast %broadcast_in_dim3A_88 : i32 to vector<16xi32>
      %gather3A_90 = tpu.vector_load_idx %arg20[%add3A_63, %broadcast_in_dim3A_89] : memref<16x8xf32, #tpu.memory_space<vmem>>[vector<16xi32>, vector<16xi32>], vector<16xf32>,
      %gather3A_91 = tpu.vector_load_idx %arg21[%add3A_63, %broadcast_in_dim3A_89] : memref<16x8xf32, #tpu.memory_space<vmem>>[vector<16xi32>, vector<16xi32>], vector<16xf32>,
      %add3A_92 = arith.addf %gather3A_90, %gather3A_91 : vector<16xf32>
      %get3A_93 = arith.constant 2 : i32
      %get3A_94 = arith.index_cast %get3A_93 : i32 to index
      %get3A_95 = arith.constant 0 : index
      %get3A_96 = tpu.vector_load %arg19[%get3A_94, %get3A_95] {strides = array<i32>} : memref<4x16xf32, #tpu.memory_space<vmem>>, vector<16xf32>,
      %mul3A_97 = arith.mulf %add3A_92, %get3A_96 : vector<16xf32>
      %add3A_98 = arith.addf %add3A_87, %mul3A_97 : vector<16xf32>
      %max3A = arith.constant 0.000000e+00 : f32
      %max3A_99 = vector.broadcast %max3A : f32 to vector<16xf32>
      %max3A_100 = arith.maximumf %add3A_98, %max3A_99 : vector<16xf32>
      tpu.vector_store_idx %arg18[%add3A_63, %and3A_8], %max3A_100 : memref<16x8xf32, #tpu.memory_space<vmem>>[vector<16xi32>, vector<16xi32>], vector<16xf32>,
      %add3A_101 = arith.constant 2 : i32
      %add3A_102 = vector.broadcast %add3A_101 : i32 to vector<16xi32>
      %add3A_103 = arith.addi %shift_right_logical3A_6, %add3A_102 : vector<16xi32>
      %get3A_104 = arith.constant 3 : i32
      %get3A_105 = arith.index_cast %get3A_104 : i32 to index
      %get3A_106 = arith.constant 0 : index
      %get3A_107 = tpu.vector_load %arg19[%get3A_105, %get3A_106] {strides = array<i32>} : memref<4x16xf32, #tpu.memory_space<vmem>>, vector<16xf32>,
      %broadcast_in_dim3A_108 = arith.constant 0 : i32
      %broadcast_in_dim3A_109 = vector.broadcast %broadcast_in_dim3A_108 : i32 to vector<16xi32>
      %gather3A_110 = tpu.vector_load_idx %arg20[%add3A_103, %broadcast_in_dim3A_109] : memref<16x8xf32, #tpu.memory_space<vmem>>[vector<16xi32>, vector<16xi32>], vector<16xf32>,
      %gather3A_111 = tpu.vector_load_idx %arg21[%add3A_103, %broadcast_in_dim3A_109] : memref<16x8xf32, #tpu.memory_space<vmem>>[vector<16xi32>, vector<16xi32>], vector<16xf32>,
      %add3A_112 = arith.addf %gather3A_110, %gather3A_111 : vector<16xf32>
      %get3A_113 = arith.constant 0 : i32
      %get3A_114 = arith.index_cast %get3A_113 : i32 to index
      %get3A_115 = arith.constant 0 : index
      %get3A_116 = tpu.vector_load %arg19[%get3A_114, %get3A_115] {strides = array<i32>} : memref<4x16xf32, #tpu.memory_space<vmem>>, vector<16xf32>,
      %mul3A_117 = arith.mulf %add3A_112, %get3A_116 : vector<16xf32>
      %add3A_118 = arith.addf %get3A_107, %mul3A_117 : vector<16xf32>
      %broadcast_in_dim3A_119 = arith.constant 1 : i32
      %broadcast_in_dim3A_120 = vector.broadcast %broadcast_in_dim3A_119 : i32 to vector<16xi32>
      %gather3A_121 = tpu.vector_load_idx %arg20[%add3A_103, %broadcast_in_dim3A_120] : memref<16x8xf32, #tpu.memory_space<vmem>>[vector<16xi32>, vector<16xi32>], vector<16xf32>,
      %gather3A_122 = tpu.vector_load_idx %arg21[%add3A_103, %broadcast_in_dim3A_120] : memref<16x8xf32, #tpu.memory_space<vmem>>[vector<16xi32>, vector<16xi32>], vector<16xf32>,
      %add3A_123 = arith.addf %gather3A_121, %gather3A_122 : vector<16xf32>
      %get3A_124 = arith.constant 1 : i32
      %get3A_125 = arith.index_cast %get3A_124 : i32 to index
      %get3A_126 = arith.constant 0 : index
      %get3A_127 = tpu.vector_load %arg19[%get3A_125, %get3A_126] {strides = array<i32>} : memref<4x16xf32, #tpu.memory_space<vmem>>, vector<16xf32>,
      %mul3A_128 = arith.mulf %add3A_123, %get3A_127 : vector<16xf32>
      %add3A_129 = arith.addf %add3A_118, %mul3A_128 : vector<16xf32>
      %broadcast_in_dim3A_130 = arith.constant 2 : i32
      %broadcast_in_dim3A_131 = vector.broadcast %broadcast_in_dim3A_130 : i32 to vector<16xi32>
      %gather3A_132 = tpu.vector_load_idx %arg20[%add3A_103, %broadcast_in_dim3A_131] : memref<16x8xf32, #tpu.memory_space<vmem>>[vector<16xi32>, vector<16xi32>], vector<16xf32>,
      %gather3A_133 = tpu.vector_load_idx %arg21[%add3A_103, %broadcast_in_dim3A_131] : memref<16x8xf32, #tpu.memory_space<vmem>>[vector<16xi32>, vector<16xi32>], vector<16xf32>,
      %add3A_134 = arith.addf %gather3A_132, %gather3A_133 : vector<16xf32>
      %get3A_135 = arith.constant 2 : i32
      %get3A_136 = arith.index_cast %get3A_135 : i32 to index
      %get3A_137 = arith.constant 0 : index
      %get3A_138 = tpu.vector_load %arg19[%get3A_136, %get3A_137] {strides = array<i32>} : memref<4x16xf32, #tpu.memory_space<vmem>>, vector<16xf32>,
      %mul3A_139 = arith.mulf %add3A_134, %get3A_138 : vector<16xf32>
      %add3A_140 = arith.addf %add3A_129, %mul3A_139 : vector<16xf32>
      %max3A_141 = arith.constant 0.000000e+00 : f32
      %max3A_142 = vector.broadcast %max3A_141 : f32 to vector<16xf32>
      %max3A_143 = arith.maximumf %add3A_140, %max3A_142 : vector<16xf32>
      tpu.vector_store_idx %arg18[%add3A_103, %and3A_8], %max3A_143 : memref<16x8xf32, #tpu.memory_space<vmem>>[vector<16xi32>, vector<16xi32>], vector<16xf32>,
      %add3A_144 = arith.constant 4 : i32
      %add3A_145 = vector.broadcast %add3A_144 : i32 to vector<16xi32>
      %add3A_146 = arith.addi %shift_right_logical3A_6, %add3A_145 : vector<16xi32>
      %get3A_147 = arith.constant 3 : i32
      %get3A_148 = arith.index_cast %get3A_147 : i32 to index
      %get3A_149 = arith.constant 0 : index
      %get3A_150 = tpu.vector_load %arg19[%get3A_148, %get3A_149] {strides = array<i32>} : memref<4x16xf32, #tpu.memory_space<vmem>>, vector<16xf32>,
      %broadcast_in_dim3A_151 = arith.constant 0 : i32
      %broadcast_in_dim3A_152 = vector.broadcast %broadcast_in_dim3A_151 : i32 to vector<16xi32>
      %gather3A_153 = tpu.vector_load_idx %arg20[%add3A_146, %broadcast_in_dim3A_152] : memref<16x8xf32, #tpu.memory_space<vmem>>[vector<16xi32>, vector<16xi32>], vector<16xf32>,
      %gather3A_154 = tpu.vector_load_idx %arg21[%add3A_146, %broadcast_in_dim3A_152] : memref<16x8xf32, #tpu.memory_space<vmem>>[vector<16xi32>, vector<16xi32>], vector<16xf32>,
      %add3A_155 = arith.addf %gather3A_153, %gather3A_154 : vector<16xf32>
      %get3A_156 = arith.constant 0 : i32
      %get3A_157 = arith.index_cast %get3A_156 : i32 to index
      %get3A_158 = arith.constant 0 : index
      %get3A_159 = tpu.vector_load %arg19[%get3A_157, %get3A_158] {strides = array<i32>} : memref<4x16xf32, #tpu.memory_space<vmem>>, vector<16xf32>,
      %mul3A_160 = arith.mulf %add3A_155, %get3A_159 : vector<16xf32>
      %add3A_161 = arith.addf %get3A_150, %mul3A_160 : vector<16xf32>
      %broadcast_in_dim3A_162 = arith.constant 1 : i32
      %broadcast_in_dim3A_163 = vector.broadcast %broadcast_in_dim3A_162 : i32 to vector<16xi32>
      %gather3A_164 = tpu.vector_load_idx %arg20[%add3A_146, %broadcast_in_dim3A_163] : memref<16x8xf32, #tpu.memory_space<vmem>>[vector<16xi32>, vector<16xi32>], vector<16xf32>,
      %gather3A_165 = tpu.vector_load_idx %arg21[%add3A_146, %broadcast_in_dim3A_163] : memref<16x8xf32, #tpu.memory_space<vmem>>[vector<16xi32>, vector<16xi32>], vector<16xf32>,
      %add3A_166 = arith.addf %gather3A_164, %gather3A_165 : vector<16xf32>
      %get3A_167 = arith.constant 1 : i32
      %get3A_168 = arith.index_cast %get3A_167 : i32 to index
      %get3A_169 = arith.constant 0 : index
      %get3A_170 = tpu.vector_load %arg19[%get3A_168, %get3A_169] {strides = array<i32>} : memref<4x16xf32, #tpu.memory_space<vmem>>, vector<16xf32>,
      %mul3A_171 = arith.mulf %add3A_166, %get3A_170 : vector<16xf32>
      %add3A_172 = arith.addf %add3A_161, %mul3A_171 : vector<16xf32>
      %broadcast_in_dim3A_173 = arith.constant 2 : i32
      %broadcast_in_dim3A_174 = vector.broadcast %broadcast_in_dim3A_173 : i32 to vector<16xi32>
      %gather3A_175 = tpu.vector_load_idx %arg20[%add3A_146, %broadcast_in_dim3A_174] : memref<16x8xf32, #tpu.memory_space<vmem>>[vector<16xi32>, vector<16xi32>], vector<16xf32>,
      %gather3A_176 = tpu.vector_load_idx %arg21[%add3A_146, %broadcast_in_dim3A_174] : memref<16x8xf32, #tpu.memory_space<vmem>>[vector<16xi32>, vector<16xi32>], vector<16xf32>,
      %add3A_177 = arith.addf %gather3A_175, %gather3A_176 : vector<16xf32>
      %get3A_178 = arith.constant 2 : i32
      %get3A_179 = arith.index_cast %get3A_178 : i32 to index
      %get3A_180 = arith.constant 0 : index
      %get3A_181 = tpu.vector_load %arg19[%get3A_179, %get3A_180] {strides = array<i32>} : memref<4x16xf32, #tpu.memory_space<vmem>>, vector<16xf32>,
      %mul3A_182 = arith.mulf %add3A_177, %get3A_181 : vector<16xf32>
      %add3A_183 = arith.addf %add3A_172, %mul3A_182 : vector<16xf32>
      %max3A_184 = arith.constant 0.000000e+00 : f32
      %max3A_185 = vector.broadcast %max3A_184 : f32 to vector<16xf32>
      %max3A_186 = arith.maximumf %add3A_183, %max3A_185 : vector<16xf32>
      tpu.vector_store_idx %arg18[%add3A_146, %and3A_8], %max3A_186 : memref<16x8xf32, #tpu.memory_space<vmem>>[vector<16xi32>, vector<16xi32>], vector<16xf32>,
      %add3A_187 = arith.constant 6 : i32
      %add3A_188 = vector.broadcast %add3A_187 : i32 to vector<16xi32>
      %add3A_189 = arith.addi %shift_right_logical3A_6, %add3A_188 : vector<16xi32>
      %get3A_190 = arith.constant 3 : i32
      %get3A_191 = arith.index_cast %get3A_190 : i32 to index
      %get3A_192 = arith.constant 0 : index
      %get3A_193 = tpu.vector_load %arg19[%get3A_191, %get3A_192] {strides = array<i32>} : memref<4x16xf32, #tpu.memory_space<vmem>>, vector<16xf32>,
      %broadcast_in_dim3A_194 = arith.constant 0 : i32
      %broadcast_in_dim3A_195 = vector.broadcast %broadcast_in_dim3A_194 : i32 to vector<16xi32>
      %gather3A_196 = tpu.vector_load_idx %arg20[%add3A_189, %broadcast_in_dim3A_195] : memref<16x8xf32, #tpu.memory_space<vmem>>[vector<16xi32>, vector<16xi32>], vector<16xf32>,
      %gather3A_197 = tpu.vector_load_idx %arg21[%add3A_189, %broadcast_in_dim3A_195] : memref<16x8xf32, #tpu.memory_space<vmem>>[vector<16xi32>, vector<16xi32>], vector<16xf32>,
      %add3A_198 = arith.addf %gather3A_196, %gather3A_197 : vector<16xf32>
      %get3A_199 = arith.constant 0 : i32
      %get3A_200 = arith.index_cast %get3A_199 : i32 to index
      %get3A_201 = arith.constant 0 : index
      %get3A_202 = tpu.vector_load %arg19[%get3A_200, %get3A_201] {strides = array<i32>} : memref<4x16xf32, #tpu.memory_space<vmem>>, vector<16xf32>,
      %mul3A_203 = arith.mulf %add3A_198, %get3A_202 : vector<16xf32>
      %add3A_204 = arith.addf %get3A_193, %mul3A_203 : vector<16xf32>
      %broadcast_in_dim3A_205 = arith.constant 1 : i32
      %broadcast_in_dim3A_206 = vector.broadcast %broadcast_in_dim3A_205 : i32 to vector<16xi32>
      %gather3A_207 = tpu.vector_load_idx %arg20[%add3A_189, %broadcast_in_dim3A_206] : memref<16x8xf32, #tpu.memory_space<vmem>>[vector<16xi32>, vector<16xi32>], vector<16xf32>,
      %gather3A_208 = tpu.vector_load_idx %arg21[%add3A_189, %broadcast_in_dim3A_206] : memref<16x8xf32, #tpu.memory_space<vmem>>[vector<16xi32>, vector<16xi32>], vector<16xf32>,
      %add3A_209 = arith.addf %gather3A_207, %gather3A_208 : vector<16xf32>
      %get3A_210 = arith.constant 1 : i32
      %get3A_211 = arith.index_cast %get3A_210 : i32 to index
      %get3A_212 = arith.constant 0 : index
      %get3A_213 = tpu.vector_load %arg19[%get3A_211, %get3A_212] {strides = array<i32>} : memref<4x16xf32, #tpu.memory_space<vmem>>, vector<16xf32>,
      %mul3A_214 = arith.mulf %add3A_209, %get3A_213 : vector<16xf32>
      %add3A_215 = arith.addf %add3A_204, %mul3A_214 : vector<16xf32>
      %broadcast_in_dim3A_216 = arith.constant 2 : i32
      %broadcast_in_dim3A_217 = vector.broadcast %broadcast_in_dim3A_216 : i32 to vector<16xi32>
      %gather3A_218 = tpu.vector_load_idx %arg20[%add3A_189, %broadcast_in_dim3A_217] : memref<16x8xf32, #tpu.memory_space<vmem>>[vector<16xi32>, vector<16xi32>], vector<16xf32>,
      %gather3A_219 = tpu.vector_load_idx %arg21[%add3A_189, %broadcast_in_dim3A_217] : memref<16x8xf32, #tpu.memory_space<vmem>>[vector<16xi32>, vector<16xi32>], vector<16xf32>,
      %add3A_220 = arith.addf %gather3A_218, %gather3A_219 : vector<16xf32>
      %get3A_221 = arith.constant 2 : i32
      %get3A_222 = arith.index_cast %get3A_221 : i32 to index
      %get3A_223 = arith.constant 0 : index
      %get3A_224 = tpu.vector_load %arg19[%get3A_222, %get3A_223] {strides = array<i32>} : memref<4x16xf32, #tpu.memory_space<vmem>>, vector<16xf32>,
      %mul3A_225 = arith.mulf %add3A_220, %get3A_224 : vector<16xf32>
      %add3A_226 = arith.addf %add3A_215, %mul3A_225 : vector<16xf32>
      %max3A_227 = arith.constant 0.000000e+00 : f32
      %max3A_228 = vector.broadcast %max3A_227 : f32 to vector<16xf32>
      %max3A_229 = arith.maximumf %add3A_226, %max3A_228 : vector<16xf32>
      tpu.vector_store_idx %arg18[%add3A_189, %and3A_8], %max3A_229 : memref<16x8xf32, #tpu.memory_space<vmem>>[vector<16xi32>, vector<16xi32>], vector<16xf32>,
      %add3A_230 = arith.constant 8 : i32
      %add3A_231 = vector.broadcast %add3A_230 : i32 to vector<16xi32>
      %add3A_232 = arith.addi %shift_right_logical3A_6, %add3A_231 : vector<16xi32>
      %get3A_233 = arith.constant 3 : i32
      %get3A_234 = arith.index_cast %get3A_233 : i32 to index
      %get3A_235 = arith.constant 0 : index
      %get3A_236 = tpu.vector_load %arg19[%get3A_234, %get3A_235] {strides = array<i32>} : memref<4x16xf32, #tpu.memory_space<vmem>>, vector<16xf32>,
      %broadcast_in_dim3A_237 = arith.constant 0 : i32
      %broadcast_in_dim3A_238 = vector.broadcast %broadcast_in_dim3A_237 : i32 to vector<16xi32>
      %gather3A_239 = tpu.vector_load_idx %arg20[%add3A_232, %broadcast_in_dim3A_238] : memref<16x8xf32, #tpu.memory_space<vmem>>[vector<16xi32>, vector<16xi32>], vector<16xf32>,
      %gather3A_240 = tpu.vector_load_idx %arg21[%add3A_232, %broadcast_in_dim3A_238] : memref<16x8xf32, #tpu.memory_space<vmem>>[vector<16xi32>, vector<16xi32>], vector<16xf32>,
      %add3A_241 = arith.addf %gather3A_239, %gather3A_240 : vector<16xf32>
      %get3A_242 = arith.constant 0 : i32
      %get3A_243 = arith.index_cast %get3A_242 : i32 to index
      %get3A_244 = arith.constant 0 : index
      %get3A_245 = tpu.vector_load %arg19[%get3A_243, %get3A_244] {strides = array<i32>} : memref<4x16xf32, #tpu.memory_space<vmem>>, vector<16xf32>,
      %mul3A_246 = arith.mulf %add3A_241, %get3A_245 : vector<16xf32>
      %add3A_247 = arith.addf %get3A_236, %mul3A_246 : vector<16xf32>
      %broadcast_in_dim3A_248 = arith.constant 1 : i32
      %broadcast_in_dim3A_249 = vector.broadcast %broadcast_in_dim3A_248 : i32 to vector<16xi32>
      %gather3A_250 = tpu.vector_load_idx %arg20[%add3A_232, %broadcast_in_dim3A_249] : memref<16x8xf32, #tpu.memory_space<vmem>>[vector<16xi32>, vector<16xi32>], vector<16xf32>,
      %gather3A_251 = tpu.vector_load_idx %arg21[%add3A_232, %broadcast_in_dim3A_249] : memref<16x8xf32, #tpu.memory_space<vmem>>[vector<16xi32>, vector<16xi32>], vector<16xf32>,
      %add3A_252 = arith.addf %gather3A_250, %gather3A_251 : vector<16xf32>
      %get3A_253 = arith.constant 1 : i32
      %get3A_254 = arith.index_cast %get3A_253 : i32 to index
      %get3A_255 = arith.constant 0 : index
      %get3A_256 = tpu.vector_load %arg19[%get3A_254, %get3A_255] {strides = array<i32>} : memref<4x16xf32, #tpu.memory_space<vmem>>, vector<16xf32>,
      %mul3A_257 = arith.mulf %add3A_252, %get3A_256 : vector<16xf32>
      %add3A_258 = arith.addf %add3A_247, %mul3A_257 : vector<16xf32>
      %broadcast_in_dim3A_259 = arith.constant 2 : i32
      %broadcast_in_dim3A_260 = vector.broadcast %broadcast_in_dim3A_259 : i32 to vector<16xi32>
      %gather3A_261 = tpu.vector_load_idx %arg20[%add3A_232, %broadcast_in_dim3A_260] : memref<16x8xf32, #tpu.memory_space<vmem>>[vector<16xi32>, vector<16xi32>], vector<16xf32>,
      %gather3A_262 = tpu.vector_load_idx %arg21[%add3A_232, %broadcast_in_dim3A_260] : memref<16x8xf32, #tpu.memory_space<vmem>>[vector<16xi32>, vector<16xi32>], vector<16xf32>,
      %add3A_263 = arith.addf %gather3A_261, %gather3A_262 : vector<16xf32>
      %get3A_264 = arith.constant 2 : i32
      %get3A_265 = arith.index_cast %get3A_264 : i32 to index
      %get3A_266 = arith.constant 0 : index
      %get3A_267 = tpu.vector_load %arg19[%get3A_265, %get3A_266] {strides = array<i32>} : memref<4x16xf32, #tpu.memory_space<vmem>>, vector<16xf32>,
      %mul3A_268 = arith.mulf %add3A_263, %get3A_267 : vector<16xf32>
      %add3A_269 = arith.addf %add3A_258, %mul3A_268 : vector<16xf32>
      %max3A_270 = arith.constant 0.000000e+00 : f32
      %max3A_271 = vector.broadcast %max3A_270 : f32 to vector<16xf32>
      %max3A_272 = arith.maximumf %add3A_269, %max3A_271 : vector<16xf32>
      tpu.vector_store_idx %arg18[%add3A_232, %and3A_8], %max3A_272 : memref<16x8xf32, #tpu.memory_space<vmem>>[vector<16xi32>, vector<16xi32>], vector<16xf32>,
      %add3A_273 = arith.constant 10 : i32
      %add3A_274 = vector.broadcast %add3A_273 : i32 to vector<16xi32>
      %add3A_275 = arith.addi %shift_right_logical3A_6, %add3A_274 : vector<16xi32>
      %get3A_276 = arith.constant 3 : i32
      %get3A_277 = arith.index_cast %get3A_276 : i32 to index
      %get3A_278 = arith.constant 0 : index
      %get3A_279 = tpu.vector_load %arg19[%get3A_277, %get3A_278] {strides = array<i32>} : memref<4x16xf32, #tpu.memory_space<vmem>>, vector<16xf32>,
      %broadcast_in_dim3A_280 = arith.constant 0 : i32
      %broadcast_in_dim3A_281 = vector.broadcast %broadcast_in_dim3A_280 : i32 to vector<16xi32>
      %gather3A_282 = tpu.vector_load_idx %arg20[%add3A_275, %broadcast_in_dim3A_281] : memref<16x8xf32, #tpu.memory_space<vmem>>[vector<16xi32>, vector<16xi32>], vector<16xf32>,
      %gather3A_283 = tpu.vector_load_idx %arg21[%add3A_275, %broadcast_in_dim3A_281] : memref<16x8xf32, #tpu.memory_space<vmem>>[vector<16xi32>, vector<16xi32>], vector<16xf32>,
      %add3A_284 = arith.addf %gather3A_282, %gather3A_283 : vector<16xf32>
      %get3A_285 = arith.constant 0 : i32
      %get3A_286 = arith.index_cast %get3A_285 : i32 to index
      %get3A_287 = arith.constant 0 : index
      %get3A_288 = tpu.vector_load %arg19[%get3A_286, %get3A_287] {strides = array<i32>} : memref<4x16xf32, #tpu.memory_space<vmem>>, vector<16xf32>,
      %mul3A_289 = arith.mulf %add3A_284, %get3A_288 : vector<16xf32>
      %add3A_290 = arith.addf %get3A_279, %mul3A_289 : vector<16xf32>
      %broadcast_in_dim3A_291 = arith.constant 1 : i32
      %broadcast_in_dim3A_292 = vector.broadcast %broadcast_in_dim3A_291 : i32 to vector<16xi32>
      %gather3A_293 = tpu.vector_load_idx %arg20[%add3A_275, %broadcast_in_dim3A_292] : memref<16x8xf32, #tpu.memory_space<vmem>>[vector<16xi32>, vector<16xi32>], vector<16xf32>,
      %gather3A_294 = tpu.vector_load_idx %arg21[%add3A_275, %broadcast_in_dim3A_292] : memref<16x8xf32, #tpu.memory_space<vmem>>[vector<16xi32>, vector<16xi32>], vector<16xf32>,
      %add3A_295 = arith.addf %gather3A_293, %gather3A_294 : vector<16xf32>
      %get3A_296 = arith.constant 1 : i32
      %get3A_297 = arith.index_cast %get3A_296 : i32 to index
      %get3A_298 = arith.constant 0 : index
      %get3A_299 = tpu.vector_load %arg19[%get3A_297, %get3A_298] {strides = array<i32>} : memref<4x16xf32, #tpu.memory_space<vmem>>, vector<16xf32>,
      %mul3A_300 = arith.mulf %add3A_295, %get3A_299 : vector<16xf32>
      %add3A_301 = arith.addf %add3A_290, %mul3A_300 : vector<16xf32>
      %broadcast_in_dim3A_302 = arith.constant 2 : i32
      %broadcast_in_dim3A_303 = vector.broadcast %broadcast_in_dim3A_302 : i32 to vector<16xi32>
      %gather3A_304 = tpu.vector_load_idx %arg20[%add3A_275, %broadcast_in_dim3A_303] : memref<16x8xf32, #tpu.memory_space<vmem>>[vector<16xi32>, vector<16xi32>], vector<16xf32>,
      %gather3A_305 = tpu.vector_load_idx %arg21[%add3A_275, %broadcast_in_dim3A_303] : memref<16x8xf32, #tpu.memory_space<vmem>>[vector<16xi32>, vector<16xi32>], vector<16xf32>,
      %add3A_306 = arith.addf %gather3A_304, %gather3A_305 : vector<16xf32>
      %get3A_307 = arith.constant 2 : i32
      %get3A_308 = arith.index_cast %get3A_307 : i32 to index
      %get3A_309 = arith.constant 0 : index
      %get3A_310 = tpu.vector_load %arg19[%get3A_308, %get3A_309] {strides = array<i32>} : memref<4x16xf32, #tpu.memory_space<vmem>>, vector<16xf32>,
      %mul3A_311 = arith.mulf %add3A_306, %get3A_310 : vector<16xf32>
      %add3A_312 = arith.addf %add3A_301, %mul3A_311 : vector<16xf32>
      %max3A_313 = arith.constant 0.000000e+00 : f32
      %max3A_314 = vector.broadcast %max3A_313 : f32 to vector<16xf32>
      %max3A_315 = arith.maximumf %add3A_312, %max3A_314 : vector<16xf32>
      tpu.vector_store_idx %arg18[%add3A_275, %and3A_8], %max3A_315 : memref<16x8xf32, #tpu.memory_space<vmem>>[vector<16xi32>, vector<16xi32>], vector<16xf32>,
      %add3A_316 = arith.constant 12 : i32
      %add3A_317 = vector.broadcast %add3A_316 : i32 to vector<16xi32>
      %add3A_318 = arith.addi %shift_right_logical3A_6, %add3A_317 : vector<16xi32>
      %get3A_319 = arith.constant 3 : i32
      %get3A_320 = arith.index_cast %get3A_319 : i32 to index
      %get3A_321 = arith.constant 0 : index
      %get3A_322 = tpu.vector_load %arg19[%get3A_320, %get3A_321] {strides = array<i32>} : memref<4x16xf32, #tpu.memory_space<vmem>>, vector<16xf32>,
      %broadcast_in_dim3A_323 = arith.constant 0 : i32
      %broadcast_in_dim3A_324 = vector.broadcast %broadcast_in_dim3A_323 : i32 to vector<16xi32>
      %gather3A_325 = tpu.vector_load_idx %arg20[%add3A_318, %broadcast_in_dim3A_324] : memref<16x8xf32, #tpu.memory_space<vmem>>[vector<16xi32>, vector<16xi32>], vector<16xf32>,
      %gather3A_326 = tpu.vector_load_idx %arg21[%add3A_318, %broadcast_in_dim3A_324] : memref<16x8xf32, #tpu.memory_space<vmem>>[vector<16xi32>, vector<16xi32>], vector<16xf32>,
      %add3A_327 = arith.addf %gather3A_325, %gather3A_326 : vector<16xf32>
      %get3A_328 = arith.constant 0 : i32
      %get3A_329 = arith.index_cast %get3A_328 : i32 to index
      %get3A_330 = arith.constant 0 : index
      %get3A_331 = tpu.vector_load %arg19[%get3A_329, %get3A_330] {strides = array<i32>} : memref<4x16xf32, #tpu.memory_space<vmem>>, vector<16xf32>,
      %mul3A_332 = arith.mulf %add3A_327, %get3A_331 : vector<16xf32>
      %add3A_333 = arith.addf %get3A_322, %mul3A_332 : vector<16xf32>
      %broadcast_in_dim3A_334 = arith.constant 1 : i32
      %broadcast_in_dim3A_335 = vector.broadcast %broadcast_in_dim3A_334 : i32 to vector<16xi32>
      %gather3A_336 = tpu.vector_load_idx %arg20[%add3A_318, %broadcast_in_dim3A_335] : memref<16x8xf32, #tpu.memory_space<vmem>>[vector<16xi32>, vector<16xi32>], vector<16xf32>,
      %gather3A_337 = tpu.vector_load_idx %arg21[%add3A_318, %broadcast_in_dim3A_335] : memref<16x8xf32, #tpu.memory_space<vmem>>[vector<16xi32>, vector<16xi32>], vector<16xf32>,
      %add3A_338 = arith.addf %gather3A_336, %gather3A_337 : vector<16xf32>
      %get3A_339 = arith.constant 1 : i32
      %get3A_340 = arith.index_cast %get3A_339 : i32 to index
      %get3A_341 = arith.constant 0 : index
      %get3A_342 = tpu.vector_load %arg19[%get3A_340, %get3A_341] {strides = array<i32>} : memref<4x16xf32, #tpu.memory_space<vmem>>, vector<16xf32>,
      %mul3A_343 = arith.mulf %add3A_338, %get3A_342 : vector<16xf32>
      %add3A_344 = arith.addf %add3A_333, %mul3A_343 : vector<16xf32>
      %broadcast_in_dim3A_345 = arith.constant 2 : i32
      %broadcast_in_dim3A_346 = vector.broadcast %broadcast_in_dim3A_345 : i32 to vector<16xi32>
      %gather3A_347 = tpu.vector_load_idx %arg20[%add3A_318, %broadcast_in_dim3A_346] : memref<16x8xf32, #tpu.memory_space<vmem>>[vector<16xi32>, vector<16xi32>], vector<16xf32>,
      %gather3A_348 = tpu.vector_load_idx %arg21[%add3A_318, %broadcast_in_dim3A_346] : memref<16x8xf32, #tpu.memory_space<vmem>>[vector<16xi32>, vector<16xi32>], vector<16xf32>,
      %add3A_349 = arith.addf %gather3A_347, %gather3A_348 : vector<16xf32>
      %get3A_350 = arith.constant 2 : i32
      %get3A_351 = arith.index_cast %get3A_350 : i32 to index
      %get3A_352 = arith.constant 0 : index
      %get3A_353 = tpu.vector_load %arg19[%get3A_351, %get3A_352] {strides = array<i32>} : memref<4x16xf32, #tpu.memory_space<vmem>>, vector<16xf32>,
      %mul3A_354 = arith.mulf %add3A_349, %get3A_353 : vector<16xf32>
      %add3A_355 = arith.addf %add3A_344, %mul3A_354 : vector<16xf32>
      %max3A_356 = arith.constant 0.000000e+00 : f32
      %max3A_357 = vector.broadcast %max3A_356 : f32 to vector<16xf32>
      %max3A_358 = arith.maximumf %add3A_355, %max3A_357 : vector<16xf32>
      tpu.vector_store_idx %arg18[%add3A_318, %and3A_8], %max3A_358 : memref<16x8xf32, #tpu.memory_space<vmem>>[vector<16xi32>, vector<16xi32>], vector<16xf32>,
      %add3A_359 = arith.constant 14 : i32
      %add3A_360 = vector.broadcast %add3A_359 : i32 to vector<16xi32>
      %add3A_361 = arith.addi %shift_right_logical3A_6, %add3A_360 : vector<16xi32>
      %get3A_362 = arith.constant 3 : i32
      %get3A_363 = arith.index_cast %get3A_362 : i32 to index
      %get3A_364 = arith.constant 0 : index
      %get3A_365 = tpu.vector_load %arg19[%get3A_363, %get3A_364] {strides = array<i32>} : memref<4x16xf32, #tpu.memory_space<vmem>>, vector<16xf32>,
      %broadcast_in_dim3A_366 = arith.constant 0 : i32
      %broadcast_in_dim3A_367 = vector.broadcast %broadcast_in_dim3A_366 : i32 to vector<16xi32>
      %gather3A_368 = tpu.vector_load_idx %arg20[%add3A_361, %broadcast_in_dim3A_367] : memref<16x8xf32, #tpu.memory_space<vmem>>[vector<16xi32>, vector<16xi32>], vector<16xf32>,
      %gather3A_369 = tpu.vector_load_idx %arg21[%add3A_361, %broadcast_in_dim3A_367] : memref<16x8xf32, #tpu.memory_space<vmem>>[vector<16xi32>, vector<16xi32>], vector<16xf32>,
      %add3A_370 = arith.addf %gather3A_368, %gather3A_369 : vector<16xf32>
      %get3A_371 = arith.constant 0 : i32
      %get3A_372 = arith.index_cast %get3A_371 : i32 to index
      %get3A_373 = arith.constant 0 : index
      %get3A_374 = tpu.vector_load %arg19[%get3A_372, %get3A_373] {strides = array<i32>} : memref<4x16xf32, #tpu.memory_space<vmem>>, vector<16xf32>,
      %mul3A_375 = arith.mulf %add3A_370, %get3A_374 : vector<16xf32>
      %add3A_376 = arith.addf %get3A_365, %mul3A_375 : vector<16xf32>
      %broadcast_in_dim3A_377 = arith.constant 1 : i32
      %broadcast_in_dim3A_378 = vector.broadcast %broadcast_in_dim3A_377 : i32 to vector<16xi32>
      %gather3A_379 = tpu.vector_load_idx %arg20[%add3A_361, %broadcast_in_dim3A_378] : memref<16x8xf32, #tpu.memory_space<vmem>>[vector<16xi32>, vector<16xi32>], vector<16xf32>,
      %gather3A_380 = tpu.vector_load_idx %arg21[%add3A_361, %broadcast_in_dim3A_378] : memref<16x8xf32, #tpu.memory_space<vmem>>[vector<16xi32>, vector<16xi32>], vector<16xf32>,
      %add3A_381 = arith.addf %gather3A_379, %gather3A_380 : vector<16xf32>
      %get3A_382 = arith.constant 1 : i32
      %get3A_383 = arith.index_cast %get3A_382 : i32 to index
      %get3A_384 = arith.constant 0 : index
      %get3A_385 = tpu.vector_load %arg19[%get3A_383, %get3A_384] {strides = array<i32>} : memref<4x16xf32, #tpu.memory_space<vmem>>, vector<16xf32>,
      %mul3A_386 = arith.mulf %add3A_381, %get3A_385 : vector<16xf32>
      %add3A_387 = arith.addf %add3A_376, %mul3A_386 : vector<16xf32>
      %broadcast_in_dim3A_388 = arith.constant 2 : i32
      %broadcast_in_dim3A_389 = vector.broadcast %broadcast_in_dim3A_388 : i32 to vector<16xi32>
      %gather3A_390 = tpu.vector_load_idx %arg20[%add3A_361, %broadcast_in_dim3A_389] : memref<16x8xf32, #tpu.memory_space<vmem>>[vector<16xi32>, vector<16xi32>], vector<16xf32>,
      %gather3A_391 = tpu.vector_load_idx %arg21[%add3A_361, %broadcast_in_dim3A_389] : memref<16x8xf32, #tpu.memory_space<vmem>>[vector<16xi32>, vector<16xi32>], vector<16xf32>,
      %add3A_392 = arith.addf %gather3A_390, %gather3A_391 : vector<16xf32>
      %get3A_393 = arith.constant 2 : i32
      %get3A_394 = arith.index_cast %get3A_393 : i32 to index
      %get3A_395 = arith.constant 0 : index
      %get3A_396 = tpu.vector_load %arg19[%get3A_394, %get3A_395] {strides = array<i32>} : memref<4x16xf32, #tpu.memory_space<vmem>>, vector<16xf32>,
      %mul3A_397 = arith.mulf %add3A_392, %get3A_396 : vector<16xf32>
      %add3A_398 = arith.addf %add3A_387, %mul3A_397 : vector<16xf32>
      %max3A_399 = arith.constant 0.000000e+00 : f32
      %max3A_400 = vector.broadcast %max3A_399 : f32 to vector<16xf32>
      %max3A_401 = arith.maximumf %add3A_398, %max3A_400 : vector<16xf32>
      tpu.vector_store_idx %arg18[%add3A_361, %and3A_8], %max3A_401 : memref<16x8xf32, #tpu.memory_space<vmem>>[vector<16xi32>, vector<16xi32>], vector<16xf32>,
      "tpu.region"() ({
        %run_scoped3A = tpu.sem_alloc : memref<!tpu.dma_semaphore, #tpu.memory_space<semaphore_mem>>
        %dma_start3A = arith.constant 0 : i32
        %dma_start3A_402 = tpu.memref_slice %arg9[%mul3A_60, %dma_start3A] : memref<256x8xf32, #tpu.memory_space<hbm>> -> memref<16x8xf32, #tpu.memory_space<hbm>>
        %dma_start3A_403 = arith.constant 0 : i32
        %dma_start3A_404 = tpu.memref_slice %arg9[%mul3A_60, %dma_start3A_403] : memref<256x8xf32, #tpu.memory_space<hbm>> -> memref<16x8xf32, #tpu.memory_space<hbm>>
        tpu.enqueue_dma source(%arg18 : memref<16x8xf32, #tpu.memory_space<vmem>>) target(%dma_start3A_404 : memref<16x8xf32, #tpu.memory_space<hbm>>) target_semaphore(%run_scoped3A : memref<!tpu.dma_semaphore, #tpu.memory_space<semaphore_mem>>)
        %dma_wait3A = arith.constant 0 : i32
        %dma_wait3A_405 = tpu.memref_slice %arg9[%mul3A_60, %dma_wait3A] : memref<256x8xf32, #tpu.memory_space<hbm>> -> memref<16x8xf32, #tpu.memory_space<hbm>>
        %dma_wait3A_406 = arith.constant 0 : i32
        %dma_wait3A_407 = tpu.memref_slice %arg9[%mul3A_60, %dma_wait3A_406] : memref<256x8xf32, #tpu.memory_space<hbm>> -> memref<16x8xf32, #tpu.memory_space<hbm>>
        tpu.wait_dma2 semaphore(%run_scoped3A : memref<!tpu.dma_semaphore, #tpu.memory_space<semaphore_mem>>) src(%arg18 : memref<16x8xf32, #tpu.memory_space<vmem>>) dst(%dma_wait3A_407 : memref<16x8xf32, #tpu.memory_space<hbm>>)
        tpu.yield
      }) : () -> ()
    } else {
    }
    return
  }
}

module attributes {stable_mosaic.version = 14 : i64} {
  func.func @body(%arg0: memref<256x8xf32, #tpu.memory_space<vmem>>, %arg1: memref<2x256x8xf32, #tpu.memory_space<vmem>>, %arg2: memref<8x3xf32, #tpu.memory_space<vmem>>, %arg3: memref<1x3xf32, #tpu.memory_space<vmem>>, %arg4: memref<3x12xf32, #tpu.memory_space<vmem>>, %arg5: memref<3x12xf32, #tpu.memory_space<vmem>>, %arg6: memref<3x12xf32, #tpu.memory_space<vmem>>, %arg7: memref<1x12xf32, #tpu.memory_space<vmem>>, %arg8: memref<6x16x16xf32, #tpu.memory_space<vmem>>, %arg9: memref<16x1xf32, #tpu.memory_space<vmem>>, %arg10: memref<16x1xf32, #tpu.memory_space<vmem>>, %arg11: memref<128x32xf32, #tpu.memory_space<vmem>>, %arg12: memref<128x1xf32, #tpu.memory_space<vmem>>, %arg13: memref<1x128xf32, #tpu.memory_space<vmem>>, %arg14: memref<1x1xf32, #tpu.memory_space<vmem>>, %arg15: memref<1x1xf32, #tpu.memory_space<vmem>>) attributes {dimension_semantics = [], scalar_prefetch = 0 : i64, scratch_operands = 0 : i64, tpu.core_type = #tpu.core_type<tc>} {
    %get3A = arith.constant 0 : index
    %get3A_0 = arith.constant 0 : index
    %get3A_1 = arith.constant 0 : index
    %get3A_2 = vector.load %arg1[%get3A, %get3A_0, %get3A_1] : memref<2x256x8xf32, #tpu.memory_space<vmem>>, vector<2x256x8xf32>
    %get3A_3 = arith.constant 0 : index
    %get3A_4 = arith.constant 0 : index
    %get3A_5 = vector.load %arg0[%get3A_3, %get3A_4] : memref<256x8xf32, #tpu.memory_space<vmem>>, vector<256x8xf32>
    %slice3A = vector.extract_strided_slice %get3A_2 {offsets = [0, 0, 0], sizes = [1, 256, 8], strides = [1, 1, 1]} : vector<2x256x8xf32> to vector<1x256x8xf32>
    %squeeze3A = vector.shape_cast %slice3A : vector<1x256x8xf32> to vector<256x8xf32>
    %add3A = arith.addf %get3A_5, %squeeze3A : vector<256x8xf32>
    %slice3A_6 = vector.extract_strided_slice %get3A_2 {offsets = [1, 0, 0], sizes = [1, 256, 8], strides = [1, 1, 1]} : vector<2x256x8xf32> to vector<1x256x8xf32>
    %squeeze3A_7 = vector.shape_cast %slice3A_6 : vector<1x256x8xf32> to vector<256x8xf32>
    %add3A_8 = arith.addf %add3A, %squeeze3A_7 : vector<256x8xf32>
    %get3A_9 = arith.constant 0 : index
    %get3A_10 = arith.constant 0 : index
    %get3A_11 = vector.load %arg2[%get3A_9, %get3A_10] : memref<8x3xf32, #tpu.memory_space<vmem>>, vector<8x3xf32>
    %dot_general3A = arith.constant dense<0.000000e+00> : vector<256x3xf32>
    %dot_general3A_12 = tpu.matmul %add3A_8, %get3A_11, %dot_general3A {dimension_numbers = #tpu.dot_dimension_numbers<[1], [0], [0], [1], [0, 0, 1, 1], [], []>, transpose_lhs_hint = false} : vector<256x8xf32>, vector<8x3xf32>, vector<256x3xf32> -> vector<256x3xf32>
    %get3A_13 = arith.constant 0 : index
    %get3A_14 = arith.constant 0 : index
    %get3A_15 = vector.load %arg3[%get3A_13, %get3A_14] : memref<1x3xf32, #tpu.memory_space<vmem>>, vector<1x3xf32>
    %add3A_16 = vector.broadcast %get3A_15 : vector<1x3xf32> to vector<256x3xf32>
    %add3A_17 = arith.addf %dot_general3A_12, %add3A_16 : vector<256x3xf32>
    %max3A = arith.constant 0.000000e+00 : f32
    %max3A_18 = vector.broadcast %max3A : f32 to vector<256x3xf32>
    %max3A_19 = arith.maximumf %add3A_17, %max3A_18 : vector<256x3xf32>
    %reshape3A = vector.shape_cast %max3A_19 : vector<256x3xf32> to vector<16x16x3xf32>
    %broadcast_in_dim3A = arith.constant 0.000000e+00 : f32
    %broadcast_in_dim3A_20 = vector.broadcast %broadcast_in_dim3A : f32 to vector<16x3xf32>
    %broadcast_in_dim3A_21 = arith.constant 0.000000e+00 : f32
    %broadcast_in_dim3A_22 = vector.broadcast %broadcast_in_dim3A_21 : f32 to vector<16x3xf32>
    %broadcast_in_dim3A_23 = arith.constant 0.000000e+00 : f32
    %broadcast_in_dim3A_24 = vector.broadcast %broadcast_in_dim3A_23 : f32 to vector<16x3xf32>
    %broadcast_in_dim3A_25 = arith.constant 0.000000e+00 : f32
    %broadcast_in_dim3A_26 = vector.broadcast %broadcast_in_dim3A_25 : f32 to vector<16x3xf32>
    %get3A_27 = arith.constant 0 : index
    %get3A_28 = arith.constant 0 : index
    %get3A_29 = vector.load %arg4[%get3A_27, %get3A_28] : memref<3x12xf32, #tpu.memory_space<vmem>>, vector<3x12xf32>
    %dot_general3A_30 = arith.constant dense<0.000000e+00> : vector<16x12xf32>
    %dot_general3A_31 = tpu.matmul %broadcast_in_dim3A_20, %get3A_29, %dot_general3A_30 {dimension_numbers = #tpu.dot_dimension_numbers<[1], [0], [0], [1], [0, 0, 1, 1], [], []>, transpose_lhs_hint = false} : vector<16x3xf32>, vector<3x12xf32>, vector<16x12xf32> -> vector<16x12xf32>
    %get3A_32 = arith.constant 0 : index
    %get3A_33 = arith.constant 0 : index
    %get3A_34 = vector.load %arg5[%get3A_32, %get3A_33] : memref<3x12xf32, #tpu.memory_space<vmem>>, vector<3x12xf32>
    %dot_general3A_35 = arith.constant dense<0.000000e+00> : vector<16x12xf32>
    %dot_general3A_36 = tpu.matmul %broadcast_in_dim3A_22, %get3A_34, %dot_general3A_35 {dimension_numbers = #tpu.dot_dimension_numbers<[1], [0], [0], [1], [0, 0, 1, 1], [], []>, transpose_lhs_hint = false} : vector<16x3xf32>, vector<3x12xf32>, vector<16x12xf32> -> vector<16x12xf32>
    %add3A_37 = arith.addf %dot_general3A_31, %dot_general3A_36 : vector<16x12xf32>
    %get3A_38 = arith.constant 0 : index
    %get3A_39 = arith.constant 0 : index
    %get3A_40 = vector.load %arg6[%get3A_38, %get3A_39] : memref<3x12xf32, #tpu.memory_space<vmem>>, vector<3x12xf32>
    %dot_general3A_41 = arith.constant dense<0.000000e+00> : vector<16x12xf32>
    %dot_general3A_42 = tpu.matmul %broadcast_in_dim3A_24, %get3A_40, %dot_general3A_41 {dimension_numbers = #tpu.dot_dimension_numbers<[1], [0], [0], [1], [0, 0, 1, 1], [], []>, transpose_lhs_hint = false} : vector<16x3xf32>, vector<3x12xf32>, vector<16x12xf32> -> vector<16x12xf32>
    %add3A_43 = arith.addf %add3A_37, %dot_general3A_42 : vector<16x12xf32>
    %get3A_44 = arith.constant 0 : index
    %get3A_45 = arith.constant 0 : index
    %get3A_46 = vector.load %arg7[%get3A_44, %get3A_45] : memref<1x12xf32, #tpu.memory_space<vmem>>, vector<1x12xf32>
    %add3A_47 = vector.broadcast %get3A_46 : vector<1x12xf32> to vector<16x12xf32>
    %add3A_48 = arith.addf %add3A_43, %add3A_47 : vector<16x12xf32>
    %slice3A_49 = vector.extract_strided_slice %add3A_48 {offsets = [0, 0], sizes = [16, 3], strides = [1, 1]} : vector<16x12xf32> to vector<16x3xf32>
    %logistic3A = arith.negf %slice3A_49 : vector<16x3xf32>
    %logistic3A_50 = math.exp %logistic3A : vector<16x3xf32>
    %logistic3A_51 = arith.constant 1.000000e+00 : f32
    %logistic3A_52 = vector.broadcast %logistic3A_51 : f32 to vector<16x3xf32>
    %logistic3A_53 = arith.addf %logistic3A_52, %logistic3A_50 : vector<16x3xf32>
    %logistic3A_54 = arith.divf %logistic3A_52, %logistic3A_53 : vector<16x3xf32>
    %slice3A_55 = vector.extract_strided_slice %add3A_48 {offsets = [0, 3], sizes = [16, 3], strides = [1, 1]} : vector<16x12xf32> to vector<16x3xf32>
    %logistic3A_56 = arith.negf %slice3A_55 : vector<16x3xf32>
    %logistic3A_57 = math.exp %logistic3A_56 : vector<16x3xf32>
    %logistic3A_58 = arith.constant 1.000000e+00 : f32
    %logistic3A_59 = vector.broadcast %logistic3A_58 : f32 to vector<16x3xf32>
    %logistic3A_60 = arith.addf %logistic3A_59, %logistic3A_57 : vector<16x3xf32>
    %logistic3A_61 = arith.divf %logistic3A_59, %logistic3A_60 : vector<16x3xf32>
    %slice3A_62 = vector.extract_strided_slice %add3A_48 {offsets = [0, 6], sizes = [16, 3], strides = [1, 1]} : vector<16x12xf32> to vector<16x3xf32>
    %tanh3A = math.tanh %slice3A_62 : vector<16x3xf32>
    %slice3A_63 = vector.extract_strided_slice %add3A_48 {offsets = [0, 9], sizes = [16, 3], strides = [1, 1]} : vector<16x12xf32> to vector<16x3xf32>
    %logistic3A_64 = arith.negf %slice3A_63 : vector<16x3xf32>
    %logistic3A_65 = math.exp %logistic3A_64 : vector<16x3xf32>
    %logistic3A_66 = arith.constant 1.000000e+00 : f32
    %logistic3A_67 = vector.broadcast %logistic3A_66 : f32 to vector<16x3xf32>
    %logistic3A_68 = arith.addf %logistic3A_67, %logistic3A_65 : vector<16x3xf32>
    %logistic3A_69 = arith.divf %logistic3A_67, %logistic3A_68 : vector<16x3xf32>
    %mul3A = arith.mulf %logistic3A_61, %broadcast_in_dim3A_26 : vector<16x3xf32>
    %mul3A_70 = arith.mulf %logistic3A_54, %tanh3A : vector<16x3xf32>
    %add3A_71 = arith.addf %mul3A, %mul3A_70 : vector<16x3xf32>
    %tanh3A_72 = math.tanh %add3A_71 : vector<16x3xf32>
    %mul3A_73 = arith.mulf %logistic3A_69, %tanh3A_72 : vector<16x3xf32>
    %broadcast_in_dim3A_74 = vector.shape_cast %mul3A_73 : vector<16x3xf32> to vector<16x1x3xf32>
    %mul3A_75 = vector.broadcast %broadcast_in_dim3A_74 : vector<16x1x3xf32> to vector<16x16x3xf32>
    %mul3A_76 = arith.mulf %reshape3A, %mul3A_75 : vector<16x16x3xf32>
    %reduce_sum3A = arith.constant dense<0.000000e+00> : vector<16x16xf32>
    %reduce_sum3A_77 = vector.multi_reduction <add>, %mul3A_76, %reduce_sum3A [2] : vector<16x16x3xf32> to vector<16x16xf32>
    %reduce_max3A = arith.constant dense<0xFF800000> : vector<16xf32>
    %reduce_max3A_78 = vector.multi_reduction <maximumf>, %reduce_sum3A_77, %reduce_max3A [1] : vector<16x16xf32> to vector<16xf32>
    %broadcast_in_dim3A_79 = vector.shape_cast %reduce_max3A_78 : vector<16xf32> to vector<16x1xf32>
    %sub3A = vector.broadcast %broadcast_in_dim3A_79 : vector<16x1xf32> to vector<16x16xf32>
    %sub3A_80 = arith.subf %reduce_sum3A_77, %sub3A : vector<16x16xf32>
    %exp3A = math.exp %sub3A_80 : vector<16x16xf32>
    %reduce_sum3A_81 = arith.constant dense<0.000000e+00> : vector<16xf32>
    %reduce_sum3A_82 = vector.multi_reduction <add>, %exp3A, %reduce_sum3A_81 [1] : vector<16x16xf32> to vector<16xf32>
    %broadcast_in_dim3A_83 = vector.shape_cast %reduce_sum3A_82 : vector<16xf32> to vector<16x1xf32>
    %div3A = vector.broadcast %broadcast_in_dim3A_83 : vector<16x1xf32> to vector<16x16xf32>
    %div3A_84 = arith.divf %exp3A, %div3A : vector<16x16xf32>
    %slice3A_85 = vector.extract_strided_slice %div3A_84 {offsets = [0, 0], sizes = [16, 1], strides = [1, 1]} : vector<16x16xf32> to vector<16x1xf32>
    %slice3A_86 = vector.extract_strided_slice %reshape3A {offsets = [0, 0, 0], sizes = [16, 1, 3], strides = [1, 1, 1]} : vector<16x16x3xf32> to vector<16x1x3xf32>
    %squeeze3A_87 = vector.shape_cast %slice3A_86 : vector<16x1x3xf32> to vector<16x3xf32>
    %mul3A_88 = vector.broadcast %slice3A_85 : vector<16x1xf32> to vector<16x3xf32>
    %mul3A_89 = arith.mulf %mul3A_88, %squeeze3A_87 : vector<16x3xf32>
    %slice3A_90 = vector.extract_strided_slice %div3A_84 {offsets = [0, 1], sizes = [16, 1], strides = [1, 1]} : vector<16x16xf32> to vector<16x1xf32>
    %slice3A_91 = vector.extract_strided_slice %reshape3A {offsets = [0, 1, 0], sizes = [16, 1, 3], strides = [1, 1, 1]} : vector<16x16x3xf32> to vector<16x1x3xf32>
    %squeeze3A_92 = vector.shape_cast %slice3A_91 : vector<16x1x3xf32> to vector<16x3xf32>
    %mul3A_93 = vector.broadcast %slice3A_90 : vector<16x1xf32> to vector<16x3xf32>
    %mul3A_94 = arith.mulf %mul3A_93, %squeeze3A_92 : vector<16x3xf32>
    %add3A_95 = arith.addf %mul3A_89, %mul3A_94 : vector<16x3xf32>
    %slice3A_96 = vector.extract_strided_slice %div3A_84 {offsets = [0, 2], sizes = [16, 1], strides = [1, 1]} : vector<16x16xf32> to vector<16x1xf32>
    %slice3A_97 = vector.extract_strided_slice %reshape3A {offsets = [0, 2, 0], sizes = [16, 1, 3], strides = [1, 1, 1]} : vector<16x16x3xf32> to vector<16x1x3xf32>
    %squeeze3A_98 = vector.shape_cast %slice3A_97 : vector<16x1x3xf32> to vector<16x3xf32>
    %mul3A_99 = vector.broadcast %slice3A_96 : vector<16x1xf32> to vector<16x3xf32>
    %mul3A_100 = arith.mulf %mul3A_99, %squeeze3A_98 : vector<16x3xf32>
    %add3A_101 = arith.addf %add3A_95, %mul3A_100 : vector<16x3xf32>
    %slice3A_102 = vector.extract_strided_slice %div3A_84 {offsets = [0, 3], sizes = [16, 1], strides = [1, 1]} : vector<16x16xf32> to vector<16x1xf32>
    %slice3A_103 = vector.extract_strided_slice %reshape3A {offsets = [0, 3, 0], sizes = [16, 1, 3], strides = [1, 1, 1]} : vector<16x16x3xf32> to vector<16x1x3xf32>
    %squeeze3A_104 = vector.shape_cast %slice3A_103 : vector<16x1x3xf32> to vector<16x3xf32>
    %mul3A_105 = vector.broadcast %slice3A_102 : vector<16x1xf32> to vector<16x3xf32>
    %mul3A_106 = arith.mulf %mul3A_105, %squeeze3A_104 : vector<16x3xf32>
    %add3A_107 = arith.addf %add3A_101, %mul3A_106 : vector<16x3xf32>
    %slice3A_108 = vector.extract_strided_slice %div3A_84 {offsets = [0, 4], sizes = [16, 1], strides = [1, 1]} : vector<16x16xf32> to vector<16x1xf32>
    %slice3A_109 = vector.extract_strided_slice %reshape3A {offsets = [0, 4, 0], sizes = [16, 1, 3], strides = [1, 1, 1]} : vector<16x16x3xf32> to vector<16x1x3xf32>
    %squeeze3A_110 = vector.shape_cast %slice3A_109 : vector<16x1x3xf32> to vector<16x3xf32>
    %mul3A_111 = vector.broadcast %slice3A_108 : vector<16x1xf32> to vector<16x3xf32>
    %mul3A_112 = arith.mulf %mul3A_111, %squeeze3A_110 : vector<16x3xf32>
    %add3A_113 = arith.addf %add3A_107, %mul3A_112 : vector<16x3xf32>
    %slice3A_114 = vector.extract_strided_slice %div3A_84 {offsets = [0, 5], sizes = [16, 1], strides = [1, 1]} : vector<16x16xf32> to vector<16x1xf32>
    %slice3A_115 = vector.extract_strided_slice %reshape3A {offsets = [0, 5, 0], sizes = [16, 1, 3], strides = [1, 1, 1]} : vector<16x16x3xf32> to vector<16x1x3xf32>
    %squeeze3A_116 = vector.shape_cast %slice3A_115 : vector<16x1x3xf32> to vector<16x3xf32>
    %mul3A_117 = vector.broadcast %slice3A_114 : vector<16x1xf32> to vector<16x3xf32>
    %mul3A_118 = arith.mulf %mul3A_117, %squeeze3A_116 : vector<16x3xf32>
    %add3A_119 = arith.addf %add3A_113, %mul3A_118 : vector<16x3xf32>
    %slice3A_120 = vector.extract_strided_slice %div3A_84 {offsets = [0, 6], sizes = [16, 1], strides = [1, 1]} : vector<16x16xf32> to vector<16x1xf32>
    %slice3A_121 = vector.extract_strided_slice %reshape3A {offsets = [0, 6, 0], sizes = [16, 1, 3], strides = [1, 1, 1]} : vector<16x16x3xf32> to vector<16x1x3xf32>
    %squeeze3A_122 = vector.shape_cast %slice3A_121 : vector<16x1x3xf32> to vector<16x3xf32>
    %mul3A_123 = vector.broadcast %slice3A_120 : vector<16x1xf32> to vector<16x3xf32>
    %mul3A_124 = arith.mulf %mul3A_123, %squeeze3A_122 : vector<16x3xf32>
    %add3A_125 = arith.addf %add3A_119, %mul3A_124 : vector<16x3xf32>
    %slice3A_126 = vector.extract_strided_slice %div3A_84 {offsets = [0, 7], sizes = [16, 1], strides = [1, 1]} : vector<16x16xf32> to vector<16x1xf32>
    %slice3A_127 = vector.extract_strided_slice %reshape3A {offsets = [0, 7, 0], sizes = [16, 1, 3], strides = [1, 1, 1]} : vector<16x16x3xf32> to vector<16x1x3xf32>
    %squeeze3A_128 = vector.shape_cast %slice3A_127 : vector<16x1x3xf32> to vector<16x3xf32>
    %mul3A_129 = vector.broadcast %slice3A_126 : vector<16x1xf32> to vector<16x3xf32>
    %mul3A_130 = arith.mulf %mul3A_129, %squeeze3A_128 : vector<16x3xf32>
    %add3A_131 = arith.addf %add3A_125, %mul3A_130 : vector<16x3xf32>
    %slice3A_132 = vector.extract_strided_slice %div3A_84 {offsets = [0, 8], sizes = [16, 1], strides = [1, 1]} : vector<16x16xf32> to vector<16x1xf32>
    %slice3A_133 = vector.extract_strided_slice %reshape3A {offsets = [0, 8, 0], sizes = [16, 1, 3], strides = [1, 1, 1]} : vector<16x16x3xf32> to vector<16x1x3xf32>
    %squeeze3A_134 = vector.shape_cast %slice3A_133 : vector<16x1x3xf32> to vector<16x3xf32>
    %mul3A_135 = vector.broadcast %slice3A_132 : vector<16x1xf32> to vector<16x3xf32>
    %mul3A_136 = arith.mulf %mul3A_135, %squeeze3A_134 : vector<16x3xf32>
    %add3A_137 = arith.addf %add3A_131, %mul3A_136 : vector<16x3xf32>
    %slice3A_138 = vector.extract_strided_slice %div3A_84 {offsets = [0, 9], sizes = [16, 1], strides = [1, 1]} : vector<16x16xf32> to vector<16x1xf32>
    %slice3A_139 = vector.extract_strided_slice %reshape3A {offsets = [0, 9, 0], sizes = [16, 1, 3], strides = [1, 1, 1]} : vector<16x16x3xf32> to vector<16x1x3xf32>
    %squeeze3A_140 = vector.shape_cast %slice3A_139 : vector<16x1x3xf32> to vector<16x3xf32>
    %mul3A_141 = vector.broadcast %slice3A_138 : vector<16x1xf32> to vector<16x3xf32>
    %mul3A_142 = arith.mulf %mul3A_141, %squeeze3A_140 : vector<16x3xf32>
    %add3A_143 = arith.addf %add3A_137, %mul3A_142 : vector<16x3xf32>
    %slice3A_144 = vector.extract_strided_slice %div3A_84 {offsets = [0, 10], sizes = [16, 1], strides = [1, 1]} : vector<16x16xf32> to vector<16x1xf32>
    %slice3A_145 = vector.extract_strided_slice %reshape3A {offsets = [0, 10, 0], sizes = [16, 1, 3], strides = [1, 1, 1]} : vector<16x16x3xf32> to vector<16x1x3xf32>
    %squeeze3A_146 = vector.shape_cast %slice3A_145 : vector<16x1x3xf32> to vector<16x3xf32>
    %mul3A_147 = vector.broadcast %slice3A_144 : vector<16x1xf32> to vector<16x3xf32>
    %mul3A_148 = arith.mulf %mul3A_147, %squeeze3A_146 : vector<16x3xf32>
    %add3A_149 = arith.addf %add3A_143, %mul3A_148 : vector<16x3xf32>
    %slice3A_150 = vector.extract_strided_slice %div3A_84 {offsets = [0, 11], sizes = [16, 1], strides = [1, 1]} : vector<16x16xf32> to vector<16x1xf32>
    %slice3A_151 = vector.extract_strided_slice %reshape3A {offsets = [0, 11, 0], sizes = [16, 1, 3], strides = [1, 1, 1]} : vector<16x16x3xf32> to vector<16x1x3xf32>
    %squeeze3A_152 = vector.shape_cast %slice3A_151 : vector<16x1x3xf32> to vector<16x3xf32>
    %mul3A_153 = vector.broadcast %slice3A_150 : vector<16x1xf32> to vector<16x3xf32>
    %mul3A_154 = arith.mulf %mul3A_153, %squeeze3A_152 : vector<16x3xf32>
    %add3A_155 = arith.addf %add3A_149, %mul3A_154 : vector<16x3xf32>
    %slice3A_156 = vector.extract_strided_slice %div3A_84 {offsets = [0, 12], sizes = [16, 1], strides = [1, 1]} : vector<16x16xf32> to vector<16x1xf32>
    %slice3A_157 = vector.extract_strided_slice %reshape3A {offsets = [0, 12, 0], sizes = [16, 1, 3], strides = [1, 1, 1]} : vector<16x16x3xf32> to vector<16x1x3xf32>
    %squeeze3A_158 = vector.shape_cast %slice3A_157 : vector<16x1x3xf32> to vector<16x3xf32>
    %mul3A_159 = vector.broadcast %slice3A_156 : vector<16x1xf32> to vector<16x3xf32>
    %mul3A_160 = arith.mulf %mul3A_159, %squeeze3A_158 : vector<16x3xf32>
    %add3A_161 = arith.addf %add3A_155, %mul3A_160 : vector<16x3xf32>
    %slice3A_162 = vector.extract_strided_slice %div3A_84 {offsets = [0, 13], sizes = [16, 1], strides = [1, 1]} : vector<16x16xf32> to vector<16x1xf32>
    %slice3A_163 = vector.extract_strided_slice %reshape3A {offsets = [0, 13, 0], sizes = [16, 1, 3], strides = [1, 1, 1]} : vector<16x16x3xf32> to vector<16x1x3xf32>
    %squeeze3A_164 = vector.shape_cast %slice3A_163 : vector<16x1x3xf32> to vector<16x3xf32>
    %mul3A_165 = vector.broadcast %slice3A_162 : vector<16x1xf32> to vector<16x3xf32>
    %mul3A_166 = arith.mulf %mul3A_165, %squeeze3A_164 : vector<16x3xf32>
    %add3A_167 = arith.addf %add3A_161, %mul3A_166 : vector<16x3xf32>
    %slice3A_168 = vector.extract_strided_slice %div3A_84 {offsets = [0, 14], sizes = [16, 1], strides = [1, 1]} : vector<16x16xf32> to vector<16x1xf32>
    %slice3A_169 = vector.extract_strided_slice %reshape3A {offsets = [0, 14, 0], sizes = [16, 1, 3], strides = [1, 1, 1]} : vector<16x16x3xf32> to vector<16x1x3xf32>
    %squeeze3A_170 = vector.shape_cast %slice3A_169 : vector<16x1x3xf32> to vector<16x3xf32>
    %mul3A_171 = vector.broadcast %slice3A_168 : vector<16x1xf32> to vector<16x3xf32>
    %mul3A_172 = arith.mulf %mul3A_171, %squeeze3A_170 : vector<16x3xf32>
    %add3A_173 = arith.addf %add3A_167, %mul3A_172 : vector<16x3xf32>
    %slice3A_174 = vector.extract_strided_slice %div3A_84 {offsets = [0, 15], sizes = [16, 1], strides = [1, 1]} : vector<16x16xf32> to vector<16x1xf32>
    %slice3A_175 = vector.extract_strided_slice %reshape3A {offsets = [0, 15, 0], sizes = [16, 1, 3], strides = [1, 1, 1]} : vector<16x16x3xf32> to vector<16x1x3xf32>
    %squeeze3A_176 = vector.shape_cast %slice3A_175 : vector<16x1x3xf32> to vector<16x3xf32>
    %mul3A_177 = vector.broadcast %slice3A_174 : vector<16x1xf32> to vector<16x3xf32>
    %mul3A_178 = arith.mulf %mul3A_177, %squeeze3A_176 : vector<16x3xf32>
    %add3A_179 = arith.addf %add3A_173, %mul3A_178 : vector<16x3xf32>
    %get3A_180 = arith.constant 0 : index
    %get3A_181 = arith.constant 0 : index
    %get3A_182 = vector.load %arg4[%get3A_180, %get3A_181] : memref<3x12xf32, #tpu.memory_space<vmem>>, vector<3x12xf32>
    %dot_general3A_183 = arith.constant dense<0.000000e+00> : vector<16x12xf32>
    %dot_general3A_184 = tpu.matmul %mul3A_73, %get3A_182, %dot_general3A_183 {dimension_numbers = #tpu.dot_dimension_numbers<[1], [0], [0], [1], [0, 0, 1, 1], [], []>, transpose_lhs_hint = false} : vector<16x3xf32>, vector<3x12xf32>, vector<16x12xf32> -> vector<16x12xf32>
    %get3A_185 = arith.constant 0 : index
    %get3A_186 = arith.constant 0 : index
    %get3A_187 = vector.load %arg5[%get3A_185, %get3A_186] : memref<3x12xf32, #tpu.memory_space<vmem>>, vector<3x12xf32>
    %dot_general3A_188 = arith.constant dense<0.000000e+00> : vector<16x12xf32>
    %dot_general3A_189 = tpu.matmul %add3A_179, %get3A_187, %dot_general3A_188 {dimension_numbers = #tpu.dot_dimension_numbers<[1], [0], [0], [1], [0, 0, 1, 1], [], []>, transpose_lhs_hint = false} : vector<16x3xf32>, vector<3x12xf32>, vector<16x12xf32> -> vector<16x12xf32>
    %add3A_190 = arith.addf %dot_general3A_184, %dot_general3A_189 : vector<16x12xf32>
    %get3A_191 = arith.constant 0 : index
    %get3A_192 = arith.constant 0 : index
    %get3A_193 = vector.load %arg6[%get3A_191, %get3A_192] : memref<3x12xf32, #tpu.memory_space<vmem>>, vector<3x12xf32>
    %dot_general3A_194 = arith.constant dense<0.000000e+00> : vector<16x12xf32>
    %dot_general3A_195 = tpu.matmul %mul3A_73, %get3A_193, %dot_general3A_194 {dimension_numbers = #tpu.dot_dimension_numbers<[1], [0], [0], [1], [0, 0, 1, 1], [], []>, transpose_lhs_hint = false} : vector<16x3xf32>, vector<3x12xf32>, vector<16x12xf32> -> vector<16x12xf32>
    %add3A_196 = arith.addf %add3A_190, %dot_general3A_195 : vector<16x12xf32>
    %get3A_197 = arith.constant 0 : index
    %get3A_198 = arith.constant 0 : index
    %get3A_199 = vector.load %arg7[%get3A_197, %get3A_198] : memref<1x12xf32, #tpu.memory_space<vmem>>, vector<1x12xf32>
    %add3A_200 = vector.broadcast %get3A_199 : vector<1x12xf32> to vector<16x12xf32>
    %add3A_201 = arith.addf %add3A_196, %add3A_200 : vector<16x12xf32>
    %slice3A_202 = vector.extract_strided_slice %add3A_201 {offsets = [0, 0], sizes = [16, 3], strides = [1, 1]} : vector<16x12xf32> to vector<16x3xf32>
    %logistic3A_203 = arith.negf %slice3A_202 : vector<16x3xf32>
    %logistic3A_204 = math.exp %logistic3A_203 : vector<16x3xf32>
    %logistic3A_205 = arith.constant 1.000000e+00 : f32
    %logistic3A_206 = vector.broadcast %logistic3A_205 : f32 to vector<16x3xf32>
    %logistic3A_207 = arith.addf %logistic3A_206, %logistic3A_204 : vector<16x3xf32>
    %logistic3A_208 = arith.divf %logistic3A_206, %logistic3A_207 : vector<16x3xf32>
    %slice3A_209 = vector.extract_strided_slice %add3A_201 {offsets = [0, 3], sizes = [16, 3], strides = [1, 1]} : vector<16x12xf32> to vector<16x3xf32>
    %logistic3A_210 = arith.negf %slice3A_209 : vector<16x3xf32>
    %logistic3A_211 = math.exp %logistic3A_210 : vector<16x3xf32>
    %logistic3A_212 = arith.constant 1.000000e+00 : f32
    %logistic3A_213 = vector.broadcast %logistic3A_212 : f32 to vector<16x3xf32>
    %logistic3A_214 = arith.addf %logistic3A_213, %logistic3A_211 : vector<16x3xf32>
    %logistic3A_215 = arith.divf %logistic3A_213, %logistic3A_214 : vector<16x3xf32>
    %slice3A_216 = vector.extract_strided_slice %add3A_201 {offsets = [0, 6], sizes = [16, 3], strides = [1, 1]} : vector<16x12xf32> to vector<16x3xf32>
    %tanh3A_217 = math.tanh %slice3A_216 : vector<16x3xf32>
    %slice3A_218 = vector.extract_strided_slice %add3A_201 {offsets = [0, 9], sizes = [16, 3], strides = [1, 1]} : vector<16x12xf32> to vector<16x3xf32>
    %logistic3A_219 = arith.negf %slice3A_218 : vector<16x3xf32>
    %logistic3A_220 = math.exp %logistic3A_219 : vector<16x3xf32>
    %logistic3A_221 = arith.constant 1.000000e+00 : f32
    %logistic3A_222 = vector.broadcast %logistic3A_221 : f32 to vector<16x3xf32>
    %logistic3A_223 = arith.addf %logistic3A_222, %logistic3A_220 : vector<16x3xf32>
    %logistic3A_224 = arith.divf %logistic3A_222, %logistic3A_223 : vector<16x3xf32>
    %mul3A_225 = arith.mulf %logistic3A_215, %add3A_71 : vector<16x3xf32>
    %mul3A_226 = arith.mulf %logistic3A_208, %tanh3A_217 : vector<16x3xf32>
    %add3A_227 = arith.addf %mul3A_225, %mul3A_226 : vector<16x3xf32>
    %tanh3A_228 = math.tanh %add3A_227 : vector<16x3xf32>
    %mul3A_229 = arith.mulf %logistic3A_224, %tanh3A_228 : vector<16x3xf32>
    %broadcast_in_dim3A_230 = vector.shape_cast %mul3A_229 : vector<16x3xf32> to vector<16x1x3xf32>
    %mul3A_231 = vector.broadcast %broadcast_in_dim3A_230 : vector<16x1x3xf32> to vector<16x16x3xf32>
    %mul3A_232 = arith.mulf %reshape3A, %mul3A_231 : vector<16x16x3xf32>
    %reduce_sum3A_233 = arith.constant dense<0.000000e+00> : vector<16x16xf32>
    %reduce_sum3A_234 = vector.multi_reduction <add>, %mul3A_232, %reduce_sum3A_233 [2] : vector<16x16x3xf32> to vector<16x16xf32>
    %reduce_max3A_235 = arith.constant dense<0xFF800000> : vector<16xf32>
    %reduce_max3A_236 = vector.multi_reduction <maximumf>, %reduce_sum3A_234, %reduce_max3A_235 [1] : vector<16x16xf32> to vector<16xf32>
    %broadcast_in_dim3A_237 = vector.shape_cast %reduce_max3A_236 : vector<16xf32> to vector<16x1xf32>
    %sub3A_238 = vector.broadcast %broadcast_in_dim3A_237 : vector<16x1xf32> to vector<16x16xf32>
    %sub3A_239 = arith.subf %reduce_sum3A_234, %sub3A_238 : vector<16x16xf32>
    %exp3A_240 = math.exp %sub3A_239 : vector<16x16xf32>
    %reduce_sum3A_241 = arith.constant dense<0.000000e+00> : vector<16xf32>
    %reduce_sum3A_242 = vector.multi_reduction <add>, %exp3A_240, %reduce_sum3A_241 [1] : vector<16x16xf32> to vector<16xf32>
    %broadcast_in_dim3A_243 = vector.shape_cast %reduce_sum3A_242 : vector<16xf32> to vector<16x1xf32>
    %div3A_244 = vector.broadcast %broadcast_in_dim3A_243 : vector<16x1xf32> to vector<16x16xf32>
    %div3A_245 = arith.divf %exp3A_240, %div3A_244 : vector<16x16xf32>
    %slice3A_246 = vector.extract_strided_slice %div3A_245 {offsets = [0, 0], sizes = [16, 1], strides = [1, 1]} : vector<16x16xf32> to vector<16x1xf32>
    %slice3A_247 = vector.extract_strided_slice %reshape3A {offsets = [0, 0, 0], sizes = [16, 1, 3], strides = [1, 1, 1]} : vector<16x16x3xf32> to vector<16x1x3xf32>
    %squeeze3A_248 = vector.shape_cast %slice3A_247 : vector<16x1x3xf32> to vector<16x3xf32>
    %mul3A_249 = vector.broadcast %slice3A_246 : vector<16x1xf32> to vector<16x3xf32>
    %mul3A_250 = arith.mulf %mul3A_249, %squeeze3A_248 : vector<16x3xf32>
    %slice3A_251 = vector.extract_strided_slice %div3A_245 {offsets = [0, 1], sizes = [16, 1], strides = [1, 1]} : vector<16x16xf32> to vector<16x1xf32>
    %slice3A_252 = vector.extract_strided_slice %reshape3A {offsets = [0, 1, 0], sizes = [16, 1, 3], strides = [1, 1, 1]} : vector<16x16x3xf32> to vector<16x1x3xf32>
    %squeeze3A_253 = vector.shape_cast %slice3A_252 : vector<16x1x3xf32> to vector<16x3xf32>
    %mul3A_254 = vector.broadcast %slice3A_251 : vector<16x1xf32> to vector<16x3xf32>
    %mul3A_255 = arith.mulf %mul3A_254, %squeeze3A_253 : vector<16x3xf32>
    %add3A_256 = arith.addf %mul3A_250, %mul3A_255 : vector<16x3xf32>
    %slice3A_257 = vector.extract_strided_slice %div3A_245 {offsets = [0, 2], sizes = [16, 1], strides = [1, 1]} : vector<16x16xf32> to vector<16x1xf32>
    %slice3A_258 = vector.extract_strided_slice %reshape3A {offsets = [0, 2, 0], sizes = [16, 1, 3], strides = [1, 1, 1]} : vector<16x16x3xf32> to vector<16x1x3xf32>
    %squeeze3A_259 = vector.shape_cast %slice3A_258 : vector<16x1x3xf32> to vector<16x3xf32>
    %mul3A_260 = vector.broadcast %slice3A_257 : vector<16x1xf32> to vector<16x3xf32>
    %mul3A_261 = arith.mulf %mul3A_260, %squeeze3A_259 : vector<16x3xf32>
    %add3A_262 = arith.addf %add3A_256, %mul3A_261 : vector<16x3xf32>
    %slice3A_263 = vector.extract_strided_slice %div3A_245 {offsets = [0, 3], sizes = [16, 1], strides = [1, 1]} : vector<16x16xf32> to vector<16x1xf32>
    %slice3A_264 = vector.extract_strided_slice %reshape3A {offsets = [0, 3, 0], sizes = [16, 1, 3], strides = [1, 1, 1]} : vector<16x16x3xf32> to vector<16x1x3xf32>
    %squeeze3A_265 = vector.shape_cast %slice3A_264 : vector<16x1x3xf32> to vector<16x3xf32>
    %mul3A_266 = vector.broadcast %slice3A_263 : vector<16x1xf32> to vector<16x3xf32>
    %mul3A_267 = arith.mulf %mul3A_266, %squeeze3A_265 : vector<16x3xf32>
    %add3A_268 = arith.addf %add3A_262, %mul3A_267 : vector<16x3xf32>
    %slice3A_269 = vector.extract_strided_slice %div3A_245 {offsets = [0, 4], sizes = [16, 1], strides = [1, 1]} : vector<16x16xf32> to vector<16x1xf32>
    %slice3A_270 = vector.extract_strided_slice %reshape3A {offsets = [0, 4, 0], sizes = [16, 1, 3], strides = [1, 1, 1]} : vector<16x16x3xf32> to vector<16x1x3xf32>
    %squeeze3A_271 = vector.shape_cast %slice3A_270 : vector<16x1x3xf32> to vector<16x3xf32>
    %mul3A_272 = vector.broadcast %slice3A_269 : vector<16x1xf32> to vector<16x3xf32>
    %mul3A_273 = arith.mulf %mul3A_272, %squeeze3A_271 : vector<16x3xf32>
    %add3A_274 = arith.addf %add3A_268, %mul3A_273 : vector<16x3xf32>
    %slice3A_275 = vector.extract_strided_slice %div3A_245 {offsets = [0, 5], sizes = [16, 1], strides = [1, 1]} : vector<16x16xf32> to vector<16x1xf32>
    %slice3A_276 = vector.extract_strided_slice %reshape3A {offsets = [0, 5, 0], sizes = [16, 1, 3], strides = [1, 1, 1]} : vector<16x16x3xf32> to vector<16x1x3xf32>
    %squeeze3A_277 = vector.shape_cast %slice3A_276 : vector<16x1x3xf32> to vector<16x3xf32>
    %mul3A_278 = vector.broadcast %slice3A_275 : vector<16x1xf32> to vector<16x3xf32>
    %mul3A_279 = arith.mulf %mul3A_278, %squeeze3A_277 : vector<16x3xf32>
    %add3A_280 = arith.addf %add3A_274, %mul3A_279 : vector<16x3xf32>
    %slice3A_281 = vector.extract_strided_slice %div3A_245 {offsets = [0, 6], sizes = [16, 1], strides = [1, 1]} : vector<16x16xf32> to vector<16x1xf32>
    %slice3A_282 = vector.extract_strided_slice %reshape3A {offsets = [0, 6, 0], sizes = [16, 1, 3], strides = [1, 1, 1]} : vector<16x16x3xf32> to vector<16x1x3xf32>
    %squeeze3A_283 = vector.shape_cast %slice3A_282 : vector<16x1x3xf32> to vector<16x3xf32>
    %mul3A_284 = vector.broadcast %slice3A_281 : vector<16x1xf32> to vector<16x3xf32>
    %mul3A_285 = arith.mulf %mul3A_284, %squeeze3A_283 : vector<16x3xf32>
    %add3A_286 = arith.addf %add3A_280, %mul3A_285 : vector<16x3xf32>
    %slice3A_287 = vector.extract_strided_slice %div3A_245 {offsets = [0, 7], sizes = [16, 1], strides = [1, 1]} : vector<16x16xf32> to vector<16x1xf32>
    %slice3A_288 = vector.extract_strided_slice %reshape3A {offsets = [0, 7, 0], sizes = [16, 1, 3], strides = [1, 1, 1]} : vector<16x16x3xf32> to vector<16x1x3xf32>
    %squeeze3A_289 = vector.shape_cast %slice3A_288 : vector<16x1x3xf32> to vector<16x3xf32>
    %mul3A_290 = vector.broadcast %slice3A_287 : vector<16x1xf32> to vector<16x3xf32>
    %mul3A_291 = arith.mulf %mul3A_290, %squeeze3A_289 : vector<16x3xf32>
    %add3A_292 = arith.addf %add3A_286, %mul3A_291 : vector<16x3xf32>
    %slice3A_293 = vector.extract_strided_slice %div3A_245 {offsets = [0, 8], sizes = [16, 1], strides = [1, 1]} : vector<16x16xf32> to vector<16x1xf32>
    %slice3A_294 = vector.extract_strided_slice %reshape3A {offsets = [0, 8, 0], sizes = [16, 1, 3], strides = [1, 1, 1]} : vector<16x16x3xf32> to vector<16x1x3xf32>
    %squeeze3A_295 = vector.shape_cast %slice3A_294 : vector<16x1x3xf32> to vector<16x3xf32>
    %mul3A_296 = vector.broadcast %slice3A_293 : vector<16x1xf32> to vector<16x3xf32>
    %mul3A_297 = arith.mulf %mul3A_296, %squeeze3A_295 : vector<16x3xf32>
    %add3A_298 = arith.addf %add3A_292, %mul3A_297 : vector<16x3xf32>
    %slice3A_299 = vector.extract_strided_slice %div3A_245 {offsets = [0, 9], sizes = [16, 1], strides = [1, 1]} : vector<16x16xf32> to vector<16x1xf32>
    %slice3A_300 = vector.extract_strided_slice %reshape3A {offsets = [0, 9, 0], sizes = [16, 1, 3], strides = [1, 1, 1]} : vector<16x16x3xf32> to vector<16x1x3xf32>
    %squeeze3A_301 = vector.shape_cast %slice3A_300 : vector<16x1x3xf32> to vector<16x3xf32>
    %mul3A_302 = vector.broadcast %slice3A_299 : vector<16x1xf32> to vector<16x3xf32>
    %mul3A_303 = arith.mulf %mul3A_302, %squeeze3A_301 : vector<16x3xf32>
    %add3A_304 = arith.addf %add3A_298, %mul3A_303 : vector<16x3xf32>
    %slice3A_305 = vector.extract_strided_slice %div3A_245 {offsets = [0, 10], sizes = [16, 1], strides = [1, 1]} : vector<16x16xf32> to vector<16x1xf32>
    %slice3A_306 = vector.extract_strided_slice %reshape3A {offsets = [0, 10, 0], sizes = [16, 1, 3], strides = [1, 1, 1]} : vector<16x16x3xf32> to vector<16x1x3xf32>
    %squeeze3A_307 = vector.shape_cast %slice3A_306 : vector<16x1x3xf32> to vector<16x3xf32>
    %mul3A_308 = vector.broadcast %slice3A_305 : vector<16x1xf32> to vector<16x3xf32>
    %mul3A_309 = arith.mulf %mul3A_308, %squeeze3A_307 : vector<16x3xf32>
    %add3A_310 = arith.addf %add3A_304, %mul3A_309 : vector<16x3xf32>
    %slice3A_311 = vector.extract_strided_slice %div3A_245 {offsets = [0, 11], sizes = [16, 1], strides = [1, 1]} : vector<16x16xf32> to vector<16x1xf32>
    %slice3A_312 = vector.extract_strided_slice %reshape3A {offsets = [0, 11, 0], sizes = [16, 1, 3], strides = [1, 1, 1]} : vector<16x16x3xf32> to vector<16x1x3xf32>
    %squeeze3A_313 = vector.shape_cast %slice3A_312 : vector<16x1x3xf32> to vector<16x3xf32>
    %mul3A_314 = vector.broadcast %slice3A_311 : vector<16x1xf32> to vector<16x3xf32>
    %mul3A_315 = arith.mulf %mul3A_314, %squeeze3A_313 : vector<16x3xf32>
    %add3A_316 = arith.addf %add3A_310, %mul3A_315 : vector<16x3xf32>
    %slice3A_317 = vector.extract_strided_slice %div3A_245 {offsets = [0, 12], sizes = [16, 1], strides = [1, 1]} : vector<16x16xf32> to vector<16x1xf32>
    %slice3A_318 = vector.extract_strided_slice %reshape3A {offsets = [0, 12, 0], sizes = [16, 1, 3], strides = [1, 1, 1]} : vector<16x16x3xf32> to vector<16x1x3xf32>
    %squeeze3A_319 = vector.shape_cast %slice3A_318 : vector<16x1x3xf32> to vector<16x3xf32>
    %mul3A_320 = vector.broadcast %slice3A_317 : vector<16x1xf32> to vector<16x3xf32>
    %mul3A_321 = arith.mulf %mul3A_320, %squeeze3A_319 : vector<16x3xf32>
    %add3A_322 = arith.addf %add3A_316, %mul3A_321 : vector<16x3xf32>
    %slice3A_323 = vector.extract_strided_slice %div3A_245 {offsets = [0, 13], sizes = [16, 1], strides = [1, 1]} : vector<16x16xf32> to vector<16x1xf32>
    %slice3A_324 = vector.extract_strided_slice %reshape3A {offsets = [0, 13, 0], sizes = [16, 1, 3], strides = [1, 1, 1]} : vector<16x16x3xf32> to vector<16x1x3xf32>
    %squeeze3A_325 = vector.shape_cast %slice3A_324 : vector<16x1x3xf32> to vector<16x3xf32>
    %mul3A_326 = vector.broadcast %slice3A_323 : vector<16x1xf32> to vector<16x3xf32>
    %mul3A_327 = arith.mulf %mul3A_326, %squeeze3A_325 : vector<16x3xf32>
    %add3A_328 = arith.addf %add3A_322, %mul3A_327 : vector<16x3xf32>
    %slice3A_329 = vector.extract_strided_slice %div3A_245 {offsets = [0, 14], sizes = [16, 1], strides = [1, 1]} : vector<16x16xf32> to vector<16x1xf32>
    %slice3A_330 = vector.extract_strided_slice %reshape3A {offsets = [0, 14, 0], sizes = [16, 1, 3], strides = [1, 1, 1]} : vector<16x16x3xf32> to vector<16x1x3xf32>
    %squeeze3A_331 = vector.shape_cast %slice3A_330 : vector<16x1x3xf32> to vector<16x3xf32>
    %mul3A_332 = vector.broadcast %slice3A_329 : vector<16x1xf32> to vector<16x3xf32>
    %mul3A_333 = arith.mulf %mul3A_332, %squeeze3A_331 : vector<16x3xf32>
    %add3A_334 = arith.addf %add3A_328, %mul3A_333 : vector<16x3xf32>
    %slice3A_335 = vector.extract_strided_slice %div3A_245 {offsets = [0, 15], sizes = [16, 1], strides = [1, 1]} : vector<16x16xf32> to vector<16x1xf32>
    %slice3A_336 = vector.extract_strided_slice %reshape3A {offsets = [0, 15, 0], sizes = [16, 1, 3], strides = [1, 1, 1]} : vector<16x16x3xf32> to vector<16x1x3xf32>
    %squeeze3A_337 = vector.shape_cast %slice3A_336 : vector<16x1x3xf32> to vector<16x3xf32>
    %mul3A_338 = vector.broadcast %slice3A_335 : vector<16x1xf32> to vector<16x3xf32>
    %mul3A_339 = arith.mulf %mul3A_338, %squeeze3A_337 : vector<16x3xf32>
    %add3A_340 = arith.addf %add3A_334, %mul3A_339 : vector<16x3xf32>
    %get3A_341 = arith.constant 0 : index
    %get3A_342 = arith.constant 0 : index
    %get3A_343 = arith.constant 0 : index
    %get3A_344 = vector.load %arg8[%get3A_341, %get3A_342, %get3A_343] : memref<6x16x16xf32, #tpu.memory_space<vmem>>, vector<6x16x16xf32>
    %slice3A_345 = vector.extract_strided_slice %get3A_344 {offsets = [0, 0, 0], sizes = [1, 16, 16], strides = [1, 1, 1]} : vector<6x16x16xf32> to vector<1x16x16xf32>
    %squeeze3A_346 = vector.shape_cast %slice3A_345 : vector<1x16x16xf32> to vector<16x16xf32>
    %slice3A_347 = vector.extract_strided_slice %mul3A_229 {offsets = [0, 0], sizes = [16, 1], strides = [1, 1]} : vector<16x3xf32> to vector<16x1xf32>
    %dot_general3A_348 = arith.constant dense<0.000000e+00> : vector<16x1xf32>
    %dot_general3A_349 = tpu.matmul %squeeze3A_346, %slice3A_347, %dot_general3A_348 {dimension_numbers = #tpu.dot_dimension_numbers<[1], [0], [0], [1], [0, 0, 1, 1], [], []>, transpose_lhs_hint = false} : vector<16x16xf32>, vector<16x1xf32>, vector<16x1xf32> -> vector<16x1xf32>
    %slice3A_350 = vector.extract_strided_slice %get3A_344 {offsets = [1, 0, 0], sizes = [1, 16, 16], strides = [1, 1, 1]} : vector<6x16x16xf32> to vector<1x16x16xf32>
    %squeeze3A_351 = vector.shape_cast %slice3A_350 : vector<1x16x16xf32> to vector<16x16xf32>
    %slice3A_352 = vector.extract_strided_slice %mul3A_229 {offsets = [0, 1], sizes = [16, 1], strides = [1, 1]} : vector<16x3xf32> to vector<16x1xf32>
    %dot_general3A_353 = arith.constant dense<0.000000e+00> : vector<16x1xf32>
    %dot_general3A_354 = tpu.matmul %squeeze3A_351, %slice3A_352, %dot_general3A_353 {dimension_numbers = #tpu.dot_dimension_numbers<[1], [0], [0], [1], [0, 0, 1, 1], [], []>, transpose_lhs_hint = false} : vector<16x16xf32>, vector<16x1xf32>, vector<16x1xf32> -> vector<16x1xf32>
    %add3A_355 = arith.addf %dot_general3A_349, %dot_general3A_354 : vector<16x1xf32>
    %slice3A_356 = vector.extract_strided_slice %get3A_344 {offsets = [2, 0, 0], sizes = [1, 16, 16], strides = [1, 1, 1]} : vector<6x16x16xf32> to vector<1x16x16xf32>
    %squeeze3A_357 = vector.shape_cast %slice3A_356 : vector<1x16x16xf32> to vector<16x16xf32>
    %slice3A_358 = vector.extract_strided_slice %mul3A_229 {offsets = [0, 2], sizes = [16, 1], strides = [1, 1]} : vector<16x3xf32> to vector<16x1xf32>
    %dot_general3A_359 = arith.constant dense<0.000000e+00> : vector<16x1xf32>
    %dot_general3A_360 = tpu.matmul %squeeze3A_357, %slice3A_358, %dot_general3A_359 {dimension_numbers = #tpu.dot_dimension_numbers<[1], [0], [0], [1], [0, 0, 1, 1], [], []>, transpose_lhs_hint = false} : vector<16x16xf32>, vector<16x1xf32>, vector<16x1xf32> -> vector<16x1xf32>
    %add3A_361 = arith.addf %add3A_355, %dot_general3A_360 : vector<16x1xf32>
    %slice3A_362 = vector.extract_strided_slice %get3A_344 {offsets = [3, 0, 0], sizes = [1, 16, 16], strides = [1, 1, 1]} : vector<6x16x16xf32> to vector<1x16x16xf32>
    %squeeze3A_363 = vector.shape_cast %slice3A_362 : vector<1x16x16xf32> to vector<16x16xf32>
    %slice3A_364 = vector.extract_strided_slice %add3A_340 {offsets = [0, 0], sizes = [16, 1], strides = [1, 1]} : vector<16x3xf32> to vector<16x1xf32>
    %dot_general3A_365 = arith.constant dense<0.000000e+00> : vector<16x1xf32>
    %dot_general3A_366 = tpu.matmul %squeeze3A_363, %slice3A_364, %dot_general3A_365 {dimension_numbers = #tpu.dot_dimension_numbers<[1], [0], [0], [1], [0, 0, 1, 1], [], []>, transpose_lhs_hint = false} : vector<16x16xf32>, vector<16x1xf32>, vector<16x1xf32> -> vector<16x1xf32>
    %add3A_367 = arith.addf %add3A_361, %dot_general3A_366 : vector<16x1xf32>
    %slice3A_368 = vector.extract_strided_slice %get3A_344 {offsets = [4, 0, 0], sizes = [1, 16, 16], strides = [1, 1, 1]} : vector<6x16x16xf32> to vector<1x16x16xf32>
    %squeeze3A_369 = vector.shape_cast %slice3A_368 : vector<1x16x16xf32> to vector<16x16xf32>
    %slice3A_370 = vector.extract_strided_slice %add3A_340 {offsets = [0, 1], sizes = [16, 1], strides = [1, 1]} : vector<16x3xf32> to vector<16x1xf32>
    %dot_general3A_371 = arith.constant dense<0.000000e+00> : vector<16x1xf32>
    %dot_general3A_372 = tpu.matmul %squeeze3A_369, %slice3A_370, %dot_general3A_371 {dimension_numbers = #tpu.dot_dimension_numbers<[1], [0], [0], [1], [0, 0, 1, 1], [], []>, transpose_lhs_hint = false} : vector<16x16xf32>, vector<16x1xf32>, vector<16x1xf32> -> vector<16x1xf32>
    %add3A_373 = arith.addf %add3A_367, %dot_general3A_372 : vector<16x1xf32>
    %slice3A_374 = vector.extract_strided_slice %get3A_344 {offsets = [5, 0, 0], sizes = [1, 16, 16], strides = [1, 1, 1]} : vector<6x16x16xf32> to vector<1x16x16xf32>
    %squeeze3A_375 = vector.shape_cast %slice3A_374 : vector<1x16x16xf32> to vector<16x16xf32>
    %slice3A_376 = vector.extract_strided_slice %add3A_340 {offsets = [0, 2], sizes = [16, 1], strides = [1, 1]} : vector<16x3xf32> to vector<16x1xf32>
    %dot_general3A_377 = arith.constant dense<0.000000e+00> : vector<16x1xf32>
    %dot_general3A_378 = tpu.matmul %squeeze3A_375, %slice3A_376, %dot_general3A_377 {dimension_numbers = #tpu.dot_dimension_numbers<[1], [0], [0], [1], [0, 0, 1, 1], [], []>, transpose_lhs_hint = false} : vector<16x16xf32>, vector<16x1xf32>, vector<16x1xf32> -> vector<16x1xf32>
    %add3A_379 = arith.addf %add3A_373, %dot_general3A_378 : vector<16x1xf32>
    %get3A_380 = arith.constant 0 : index
    %get3A_381 = arith.constant 0 : index
    %get3A_382 = vector.load %arg9[%get3A_380, %get3A_381] : memref<16x1xf32, #tpu.memory_space<vmem>>, vector<16x1xf32>
    %add3A_383 = arith.addf %add3A_379, %get3A_382 : vector<16x1xf32>
    %tanh3A_384 = math.tanh %add3A_383 : vector<16x1xf32>
    %get3A_385 = arith.constant 0 : index
    %get3A_386 = arith.constant 0 : index
    %get3A_387 = vector.load %arg10[%get3A_385, %get3A_386] : memref<16x1xf32, #tpu.memory_space<vmem>>, vector<16x1xf32>
    %concatenate3A = tpu.concatenate %tanh3A_384, %get3A_387 in 0 : vector<16x1xf32>, vector<16x1xf32> -> vector<32x1xf32>
    %get3A_388 = arith.constant 0 : index
    %get3A_389 = arith.constant 0 : index
    %get3A_390 = vector.load %arg11[%get3A_388, %get3A_389] : memref<128x32xf32, #tpu.memory_space<vmem>>, vector<128x32xf32>
    %dot_general3A_391 = arith.constant dense<0.000000e+00> : vector<128x1xf32>
    %dot_general3A_392 = tpu.matmul %get3A_390, %concatenate3A, %dot_general3A_391 {dimension_numbers = #tpu.dot_dimension_numbers<[1], [0], [0], [1], [0, 0, 1, 1], [], []>, transpose_lhs_hint = false} : vector<128x32xf32>, vector<32x1xf32>, vector<128x1xf32> -> vector<128x1xf32>
    %get3A_393 = arith.constant 0 : index
    %get3A_394 = arith.constant 0 : index
    %get3A_395 = vector.load %arg12[%get3A_393, %get3A_394] : memref<128x1xf32, #tpu.memory_space<vmem>>, vector<128x1xf32>
    %add3A_396 = arith.addf %dot_general3A_392, %get3A_395 : vector<128x1xf32>
    %max3A_397 = arith.constant 0.000000e+00 : f32
    %max3A_398 = vector.broadcast %max3A_397 : f32 to vector<128x1xf32>
    %max3A_399 = arith.maximumf %add3A_396, %max3A_398 : vector<128x1xf32>
    %get3A_400 = arith.constant 0 : index
    %get3A_401 = arith.constant 0 : index
    %get3A_402 = vector.load %arg13[%get3A_400, %get3A_401] : memref<1x128xf32, #tpu.memory_space<vmem>>, vector<1x128xf32>
    %dot_general3A_403 = arith.constant dense<0.000000e+00> : vector<1x1xf32>
    %dot_general3A_404 = tpu.matmul %get3A_402, %max3A_399, %dot_general3A_403 {dimension_numbers = #tpu.dot_dimension_numbers<[1], [0], [0], [1], [0, 0, 1, 1], [], []>, transpose_lhs_hint = false} : vector<1x128xf32>, vector<128x1xf32>, vector<1x1xf32> -> vector<1x1xf32>
    %get3A_405 = arith.constant 0 : index
    %get3A_406 = arith.constant 0 : index
    %get3A_407 = vector.load %arg14[%get3A_405, %get3A_406] : memref<1x1xf32, #tpu.memory_space<vmem>>, vector<1x1xf32>
    %add3A_408 = arith.addf %dot_general3A_404, %get3A_407 : vector<1x1xf32>
    %logistic3A_409 = arith.negf %add3A_408 : vector<1x1xf32>
    %logistic3A_410 = math.exp %logistic3A_409 : vector<1x1xf32>
    %logistic3A_411 = arith.constant 1.000000e+00 : f32
    %logistic3A_412 = vector.broadcast %logistic3A_411 : f32 to vector<1x1xf32>
    %logistic3A_413 = arith.addf %logistic3A_412, %logistic3A_410 : vector<1x1xf32>
    %logistic3A_414 = arith.divf %logistic3A_412, %logistic3A_413 : vector<1x1xf32>
    %swap3A = arith.constant 0 : index
    %swap3A_415 = arith.constant 0 : index
    %swap3A_416 = vector.load %arg15[%swap3A, %swap3A_415] : memref<1x1xf32, #tpu.memory_space<vmem>>, vector<1x1xf32>
    tpu.vector_store %arg15[%swap3A, %swap3A_415], %logistic3A_414 {strides = array<i32>} : memref<1x1xf32, #tpu.memory_space<vmem>>, vector<1x1xf32>,
    return
  }
}

</mosaic_0001>

<sc_bundles>
// kernel: kernel.5.cloned.1.call-start
scs
__scs_entry_jumppad:
0x0: {  	(pc) =	sbr.rel $0x88, $3  }
0x1: {  	(tag) =	ssettag $0x0;
	lr =	simm.s32 $0x1  }
0x2: {  	[smem:$0x3F90] =	sst lr;
	_ =	strace $0xD0000000  }
0x3: {  	_ = 	snop  }
0x4: {  	_ = 	snop  }
0x5: {  	_ = 	snop  }
0x6: {  	_ = 	snop  }
0x7: {  	_ = 	snop  }
__scs_overlays_trampoline_lowered:
0x8: {  	[smem:$0x3F9F] =	sst s0  }
0x9: {  	[smem:$0x3FA0] =	sst s1  }
0xa: {  	[smem:$0x3FA1] =	sst s2  }
0xb: {  	[smem:$0x3FA2] =	sst s3  }
0xc: {  	[smem:$0x3FA3] =	sst s4  }
0xd: {  	[smem:$0x3FA4] =	sst s5  }
0xe: {  	[smem:$0x3FA5] =	sst s6  }
0xf: {  	[smem:$0x3FA6] =	sst s7  }
0x10: {  	[smem:$0x3FA7] =	sst s8  }
0x11: {  	[smem:$0x3FA8] =	sst s9;
	s0 =	simm.s32 @!p0 $0x0  }
0x12: {  	s1 =	sld [smem:$0x3F8E];
	s0 =	simm.s32 @p0 $0x1  }
0x13: {  	[smem:$0x3FA9] =	sst s0;
	s0 =	simm.s32 @!p1 $0x0  }
0x14: {  	s2 =	sld [smem:$0x3F8D];
	s0 =	simm.s32 @p1 $0x1  }
0x15: {  	[smem:$0x3FAA] =	sst s0;
	s0 =	simm.s32 @!p2 $0x0  }
0x16: {  	s3 =	sld [smem:$0x3FDB];
	s0 =	simm.s32 @p2 $0x1  }
0x17: {  	s4 =	simm.s32 $0x1BF5;
	[smem:$0x3FAC] =	sst s0  }
0x18: {  	s0 =	sld [smem:$0x3F8F];
	_ =	swait.ge [sflag:s4], $0x0  }
0x19: {  	s7 =	sld [smem:$0x3F90]  }
0x1a: {  	s8 =	sadd.s32 $0xFFFFE003, lr  }
0x1b: {  	s9 =	sadd.s32 $0xFFFFFEF7, lr;
	s5 =	simm.s32 $0xFFFFFFFF;
	p2 =	slt.u32 s8, $0xFFFFF086  }
0x1c: {  	p1 =	slt.u32 s9, $0xF7A;
	s5 =	simm.s32 @!p2 $0x0  }
0x1d: {  	s5 =	simm.s32 @p1 $0x1;
	p0 =	seq.s32 s7, s2  }
0x1e: {  	s7 =	smul.u32 @!p0 $0xF7A, s2;
	p2 =	seq.s32 @!p0 s5, $0x0  }
0x1f: {  	s9 =	smul.u32 $0xF7A, s1;
	s8 =	simm.s32 @!p0 $0x1BF5;
	p2 =	por !p2, p0  }
0x20: {  	[sflag:s8] =	ssyncset.s32 @!p0 $0xFFFFF086;
	s6 =	sadd.s32 @!p0 s3, s7;
	s7 =	simm.s32 @!p0 $0x108  }
0x21: {  	s3 =	sadd.s32 s3, s9;
	s6 =	sadd.s32 @!p0 $0x88, s6;
	s7 =	simm.s32 @p2 $0x1082  }
0x22: {  	[simem:s7], [sflag:s8] =	dma.local @!p0 [hbm:s6], $0xF7A  }
0x23: {  	s9 =	sor.u32 $0xD0000000, s2;
	s6 =	simm.s32 $0x108;
	_ =	swait.ge @!p0 [sflag:s8], $0x0  }
0x24: {  	s3 =	sadd.s32 $0x88, s3;
	s6 =	simm.s32 @!p1 $0x1082;
	[sflag:s4] =	ssyncset.s32 $0xFFFFF086  }
0x25: {  	[simem:s6], [sflag:s4] =	dma.local [hbm:s3], $0xF7A  }
0x26: {  	[smem:$0x3F90] =	sst s1;
	(tag) =	ssettag s2;
	_ =	strace s9  }
0x27: {  	s1 =	sld [smem:$0x3FA0]  }
0x28: {  	s2 =	sld [smem:$0x3FA1]  }
0x29: {  	s4 =	sld [smem:$0x3FA3]  }
0x2a: {  	p0 =	seq.s32 s5, $0x0;
	s5 =	sld [smem:$0x3FA4]  }
0x2b: {  	s6 =	sld [smem:$0x3FA5]  }
0x2c: {  	s7 =	sld [smem:$0x3FA6]  }
0x2d: {  	s3 =	simm.s32 $0x108;
	s8 =	sld [smem:$0x3FA7]  }
0x2e: {  	s3 =	simm.s32 @!p0 $0x1082;
	s9 =	sld [smem:$0x3FA8]  }
0x2f: {  	lr =	sadd.s32 s0, s3;
	s0 =	sld [smem:$0x3F9F]  }
0x30: {  	s3 =	sld [smem:$0x3FA2]  }
0x31: {  	[smem:$0x3FAB] =	sst s10  }
0x32: {  	s10 =	sld [smem:$0x3FA9];
	_ =	sdelay $0x3  }
0x33: {  	p0 =	seq.s32 s10, $0x1;
	s10 =	sld [smem:$0x3FAB];
	_ =	sdelay $0x3  }
0x34: {  	[smem:$0x3FAB] =	sst s10  }
0x35: {  	s10 =	sld [smem:$0x3FAA];
	_ =	sdelay $0x3  }
0x36: {  	p1 =	seq.s32 s10, $0x1;
	s10 =	sld [smem:$0x3FAB];
	_ =	sdelay $0x3  }
0x37: {  	[smem:$0x3FAB] =	sst s10  }
0x38: {  	s10 =	sld [smem:$0x3FAC]  }
0x39: {  	_ = 	snop;
	(pc) =	sbr.ind lr, $3  }
0x3a: {  	_ = 	snop  }
0x3b: {  	_ = 	snop  }
0x3c: {  	p2 =	seq.s32 s10, $0x1;
	s10 =	sld [smem:$0x3FAB]  }
0x3d: {  	_ =	shalt  }
0x3e: {  	_ =	shalt  }
0x3f: {  	_ =	shalt  }
0x40: {  	_ =	shalt  }
0x41: {  	_ =	shalt  }
0x42: {  	_ =	shalt  }
0x43: {  	_ =	shalt  }
0x44: {  	_ =	shalt  }
0x45: {  	_ =	shalt  }
0x46: {  	_ =	shalt  }
0x47: {  	_ =	shalt  }
0x48: {  	_ =	shalt  }
0x49: {  	_ =	shalt  }
0x4a: {  	_ =	shalt  }
0x4b: {  	_ =	shalt  }
0x4c: {  	_ =	shalt  }
0x4d: {  	_ =	shalt  }
0x4e: {  	_ =	shalt  }
0x4f: {  	_ =	shalt  }
0x50: {  	_ =	shalt  }
0x51: {  	_ =	shalt  }
0x52: {  	_ =	shalt  }
0x53: {  	_ =	shalt  }
0x54: {  	_ =	shalt  }
0x55: {  	_ =	shalt  }
0x56: {  	_ =	shalt  }
0x57: {  	_ =	shalt  }
0x58: {  	_ =	shalt  }
0x59: {  	_ =	shalt  }
0x5a: {  	_ =	shalt  }
0x5b: {  	_ =	shalt  }
0x5c: {  	_ =	shalt  }
0x5d: {  	_ =	shalt  }
0x5e: {  	_ =	shalt  }
0x5f: {  	_ =	shalt  }
0x60: {  	_ =	shalt  }
0x61: {  	_ =	shalt  }
0x62: {  	_ =	shalt  }
0x63: {  	_ =	shalt  }
0x64: {  	_ =	shalt  }
0x65: {  	_ =	shalt  }
0x66: {  	_ =	shalt  }
0x67: {  	_ =	shalt  }
0x68: {  	_ =	shalt  }
0x69: {  	_ =	shalt  }
0x6a: {  	_ =	shalt  }
0x6b: {  	_ =	shalt  }
0x6c: {  	_ =	shalt  }
0x6d: {  	_ =	shalt  }
0x6e: {  	_ =	shalt  }
0x6f: {  	_ =	shalt  }
0x70: {  	_ =	shalt  }
0x71: {  	_ =	shalt  }
0x72: {  	_ =	shalt  }
0x73: {  	_ =	shalt  }
0x74: {  	_ =	shalt  }
0x75: {  	_ =	shalt  }
0x76: {  	_ =	shalt  }
0x77: {  	_ =	shalt  }
0x78: {  	_ =	shalt  }
0x79: {  	_ =	shalt  }
0x7a: {  	_ =	shalt  }
0x7b: {  	_ =	shalt  }
0x7c: {  	_ =	shalt  }
0x7d: {  	_ =	shalt  }
0x7e: {  	_ =	shalt  }
0x7f: {  	_ =	shalt  }
0x80: {  	_ =	shalt  }
0x81: {  	_ =	shalt  }
0x82: {  	_ =	shalt  }
0x83: {  	_ =	shalt  }
0x84: {  	_ =	shalt  }
0x85: {  	_ =	shalt  }
0x86: {  	_ =	shalt  }
0x87: {  	_ =	shalt  }
.Lfunc_end0:
.L_simem_size_0:
called_computation_lowered:
.L_overlay_start_0:
0x88: {  	s2 =	sld [smem:$0x3FD9]  }
0x89: {  	s3 =	sld [smem:$0x3FFE];
	_ =	sdelay $0x1  }
0x8a: {  	s1 =	srdreg.scid  }
0x8b: {  	s0 =	sand.u32 $0x1, s1  }
0x8c: {  	s16 =	sshll.u32 s0, $0xA;
	s2 =	sadd.s32 s3, s2  }
0x8d: {  	s2 =	sadd.s32 s2, s16  }
0x8e: {  	[smem:$0x3FB7] =	sst s2  }
0x8f: {  	_ = 	snop  }
0x90: {  	(tm) =	ssettm $0x1  }
0x91: {  	s17 =	sld [smem:$0x3FFB];
	_ =	sdelay $0x3  }
0x92: {  	_ =	strace s17  }
0x93: {  	s2 =	sld [smem:$0x3FFC];
	_ =	sdelay $0x3  }
0x94: {  	_ =	strace s2  }
0x95: {  	s2 =	sld [smem:$0x3FFD];
	_ =	sdelay $0x3  }
0x96: {  	_ =	strace s2  }
0x97: {  	_ =	strace $0x8FFFFFFF  }
0x98: {  	s18 =	sld [smem:$0x3FDB];
	_ =	sdelay $0x1  }
0x99: {  	s19 =	simm.s32 $_scs_section_size  }
0x9a: {  	s4 =	simm.s32 $_size__tile_overlayer_lowered;
	s5 =	simm.s32 $_tile_overlayer_lowered  }
0x9b: {  	s22 =	simm.s32 $0x1BFF;
	s21 =	sshll.u32 s5, $0x1;
	s2 =	sadd.s32 s19, s18  }
0x9c: {  	s6 =	simm.s32 $0x0;
	s20 =	sshll.u32 s4, $0x1;
	s4 =	sadd.s32 s21, s2  }
0x9d: {  	[timem:s6], [sflag:s22] =	dma.local [hbm:s4], s20  }
0x9e: {  	_ =	swait.ge [sflag:s22], s20  }
0x9f: {  	s3 =	ssub.s32 $0x0, s20;
	[sflag:s22] =	ssyncset.done $0x0  }
0xa0: {  	[sflag:s22] =	ssyncadd.s32 s3;
	_ =	sdelay $0x1  }
0xa1: {  	s23 =	simm.s32 $0x1B8B  }
0xa2: {  	_ =	swait.ge [sflag:s23], $0x1  }
0xa3: {  	[sflag:s23] =	ssyncset.done $0x0  }
0xa4: {  	s25 =	simm.s32 $0x1B8E;
	s24 =	sld [smem:$0x3FFE];
	[sflag:s23] =	ssyncadd.s32 $0xFFFFFFFF  }
0xa5: {  	s26 =	simm.s32 $execute0_lowered;
	[smem:$0x3FD2] =	sst s25  }
0xa6: {  	s4 =	sshll.u32 s26, $0x1;
	_ =	strace $0x80000046;
	[dreg:$0x1] =	wrdreg $0xFFFFFFFF  }
0xa7: {  	s28 =	simm.s32 $_size_execute0_lowered;
	s2 =	sadd.s32 s2, s4;
	[dreg:$0x0] =	wrdreg $0x0  }
0xa8: {  	s4 =	sshll.u32 s28, $0x1;
	[dreg:$0x2] =	wrdreg s2  }
0xa9: {  	[dreg:$0x3] =	wrdreg s4  }
0xaa: {  	[dreg:$0x4] =	wrdreg $0xC0  }
0xab: {  	_ =	task [dreg:s6], $0x5FFFF  }
0xac: {  	[dreg:$0x1] =	wrdreg $0xFFFFFFFF  }
0xad: {  	[dreg:$0x0] =	wrdreg $0x60  }
0xae: {  	[dreg:$0x2] =	wrdreg s24  }
0xaf: {  	[dreg:$0x3] =	wrdreg $0x5AA00  }
0xb0: {  	[dreg:$0x4] =	wrdreg $0x9  }
0xb1: {  	_ =	task.clear_ibuf [dreg:s6], $0x5FFFF;
	_ =	strace $0x90000046  }
0xb2: {  	s29 =	simm.s32 $0x9;
	_ =	strace $0x80000048  }
0xb3: {  	_ =	swait.ge [sflag:s29], $0x1  }
0xb4: {  	[sflag:s29] =	ssyncadd.s32 $0xFFFFFFFF  }
0xb5: {  	_ =	strace $0x90000048  }
0xb6: {  	_ =	sfence  }
0xb7: {  	s30 =	sld [smem:$0x0];
	_ =	sdelay $0x2  }
0xb8: {  	s31 =	sshll.u32 s1, $0xD;
	s1 =	sshrl.u32 s1, $0x2  }
0xb9: {  	s3 =	sand.u32 $0x4000, s31;
	s1 =	sadd.s32 s1, s30  }
0xba: {  	s0 =	sor.u32 s3, s0;
	s1 =	sshll.u32 s1, $0x11  }
0xbb: {  	s0 =	sor.u32 s1, s0  }
0xbc: {  	s0 =	sadd.s32 $0x8F2B, s0  }
0xbd: {  	[sflag:s0] =	ssyncadd.remote.s32 $0x1  }
0xbe: {  	_ =	sfence.sel $0xFFFF  }
0xbf: {  	[dreg:$0x0] =	wrdreg $0xFFFFFFFF;
	(pc) =	sbr.abs _section_cstart, $3  }
0xc0: {  	[dreg:$0x1] =	wrdreg $0xFFFFFFFF  }
0xc1: {  	_ =	task.clear_ibuf [dreg:s6], $0x2FFFF;
	_ =	strace $0x9FFFFFFF  }
0xc2: {  	(tm) =	ssettm $0x7FFFFFFF  }
0xc3: {  	_ =	shalt  }
tec
execute0_lowered:
.L_overlay_start_1:
0x0: {  	(tag) =	ssettag $0x1  }
0x1: {  	s0 =	srdreg.scid;
	s5 =	rddreg [dreg:$0x0]  }
0x2: {  	s2 =	rddreg [dreg:$0x1];
	s1 =	stileid.u32  }
0x3: {  	s3 =	simm.s32 $0x0;
	s13 =	simm.s32 $0x50;
	s14 =	simm.s32 $0x4E20  }
0x4: {  	s15 =	simm.s32 $0x50A0;
	s16 =	simm.s32 $0xA0;
	s17 =	simm.s32 $0x5320  }
0x5: {  	s18 =	simm.s32 $0xF0;
	s19 =	simm.s32 $0x55A0;
	s20 =	simm.s32 $0x140  }
0x6: {  	s21 =	simm.s32 $0x5820;
	s22 =	simm.s32 $0x1;
	s23 =	simm.s32 $0x4C90  }
0x7: {  	s26 =	simm.s32 $0x4D30;
	s28 =	simm.s32 $0x4D80;
	s29 =	simm.s32 $0x4DD0  }
0x8: {  	s30 =	simm.s32 $0x0;
	s0 =	sand.u32 $0x1, s0;
	[smem:$0x7FF] =	sst s3  }
0x9: {  	s9 =	smul.u32 $0x1400, s1;
	s31 =	sshll.u32 s1, $0x6;
	s4 =	sshll.u32 s0, $0x4  }
0xa: {  	_ =	strace $0x80000047;
	s7 =	smul.u32 $0x2800, s0;
	s0 =	ssub.s32 $0x2, s0  }
0xb: {  	s11 =	sor.u32 $0x1C02, s31;
	s4 =	sor.u32 s1, s4;
	s8 =	sshrl.u32 s0, $0x1  }
0xc: {  	s12 =	sadd.s32 s9, s2;
	s24 =	sshrl.u32 s9, $0x3;
	s9 =	simm.s32 $0x2710  }
0xd: {  	s6 =	smul.u32 $0x4E2, s4;
	s4 =	sadd.s32 $0x2000, s5;
	s7 =	sadd.s32 s7, s5  }
0xe: {  	s0 =	ssub.s32 s0, s8;
	s8 =	simm.s32 $0x2;
	s12 =	sshrl.u32 s12, $0x3  }
0xf: {  	s10 =	sadd.s32 $0x18400, s7;
	s25 =	sadd.s32 $0x1D400, s7;
	s7 =	smax.u32 s0, $0x1  }
0x10: {  	s6 =	sadd.s32 s6, s5;
	s10 =	sadd.s32 s24, s10;
	s24 =	sadd.s32 s24, s25  }
0x11: {  	s25 =	simm.s32 $0x4CE0;
	s5 =	sadd.s32 $0xE600, s6;
	s6 =	sadd.s32 $0x4800, s6  }
.LBB2_1:
0x12: {  	[tilespmem:s3], [sflag:$0x2] =	stream.linear.gather [hbm4b:s5+s3], $0x2710, $0x38;
	[tilespmem:$0x6EA0] =	vst v63  }
0x13: {  	_ =	swait.ge [sflag:s8], $0x2710  }
0x14: {  	[sflag:s8] =	ssyncset.done $0x0  }
0x15: {  	[sflag:s8] =	ssyncadd.s32 $0xFFFFD8F0  }
0x16: {  	[tilespmem:s9], [sflag:$0x2] =	stream.linear.gather [hbm4b:s6+s3], $0x2710, $0x38;
	[tilespmem:$0x6EA0] =	vst v63  }
0x17: {  	_ =	swait.ge [sflag:s8], $0x2710  }
0x18: {  	[sflag:s8] =	ssyncset.done $0x0  }
0x19: {  	[sflag:s8] =	ssyncadd.s32 $0xFFFFD8F0  }
0x1a: {  	[spmem:s12], [sflag:s11] =	dma.local [hbm:s10], $0x280  }
0x1b: {  	_ =	swait.ge [sflag:s8], $0x280  }
0x1c: {  	[sflag:s8] =	ssyncset.done $0x0  }
0x1d: {  	[sflag:s8] =	ssyncadd.s32 $0xFFFFFD80  }
0x1e: {  	[bflag:$0x0] =	sbarrier.arrive $0xFFFF  }
0x1f: {  	[tilespmem:s14], [sflag:$0x1] =	stream.indirect.gather [hbm4b:s4+s13], $0x8, s3, s13, $0xb8;
	[tilespmem:$0x6EA0] =	vst v63  }
0x20: {  	_ = 	snop  }
0x21: {  	[tilespmem:s15], [sflag:$0x1] =	stream.indirect.gather [hbm4b:s4+s13], $0x8, s13, s13, $0xb8;
	[tilespmem:$0x6EA0] =	vst v63  }
0x22: {  	_ = 	snop  }
0x23: {  	[tilespmem:s17], [sflag:$0x1] =	stream.indirect.gather [hbm4b:s4+s13], $0x8, s16, s13, $0xb8;
	[tilespmem:$0x6EA0] =	vst v63  }
0x24: {  	_ = 	snop  }
0x25: {  	[tilespmem:s19], [sflag:$0x1] =	stream.indirect.gather [hbm4b:s4+s13], $0x8, s18, s13, $0xb8;
	[tilespmem:$0x6EA0] =	vst v63  }
0x26: {  	_ = 	snop  }
0x27: {  	[tilespmem:s21], [sflag:$0x1] =	stream.indirect.gather [hbm4b:s4+s13], $0x8, s20, s13, $0xb8;
	[tilespmem:$0x6EA0] =	vst v63  }
0x28: {  	_ =	swait.ge [sflag:s22], $0x280  }
0x29: {  	[sflag:s22] =	ssyncset.done $0x0  }
0x2a: {  	s0 =	simm.s32 $0x2710;
	[sflag:s22] =	ssyncadd.s32 $0xFFFFFD80  }
0x2b: {  	[spmem:s2] =	stream.indirect.scatter.add.f32 [tilespmem:s14], [sflag:$0x2], $0x8, s0, s13, $0xb8;
	[tilespmem:$0x6EA0] =	vst v63  }
0x2c: {  	_ =	swait.ge [sflag:s8], $0x280  }
0x2d: {  	[sflag:s8] =	ssyncset.done $0x0  }
0x2e: {  	s1 =	simm.s32 $0x190;
	[sflag:s8] =	ssyncadd.s32 $0xFFFFFD80  }
0x2f: {  	[tilespmem:s14], [sflag:$0x1] =	stream.indirect.gather [hbm4b:s4+s13], $0x8, s1, s13, $0xb8;
	[tilespmem:$0x6EA0] =	vst v63  }
0x30: {  	_ =	swait.ge [sflag:s22], $0x280  }
0x31: {  	[sflag:s22] =	ssyncset.done $0x0  }
0x32: {  	s1 =	simm.s32 $0x2760;
	[sflag:s22] =	ssyncadd.s32 $0xFFFFFD80  }
0x33: {  	[spmem:s2] =	stream.indirect.scatter.add.f32 [tilespmem:s15], [sflag:$0x2], $0x8, s1, s13, $0xb8;
	[tilespmem:$0x6EA0] =	vst v63  }
0x34: {  	_ =	swait.ge [sflag:s8], $0x280  }
0x35: {  	[sflag:s8] =	ssyncset.done $0x0  }
0x36: {  	s1 =	simm.s32 $0x1E0;
	[sflag:s8] =	ssyncadd.s32 $0xFFFFFD80  }
0x37: {  	[tilespmem:s15], [sflag:$0x1] =	stream.indirect.gather [hbm4b:s4+s13], $0x8, s1, s13, $0xb8;
	[tilespmem:$0x6EA0] =	vst v63  }
0x38: {  	_ =	swait.ge [sflag:s22], $0x280  }
0x39: {  	[sflag:s22] =	ssyncset.done $0x0  }
0x3a: {  	s1 =	simm.s32 $0x27B0;
	[sflag:s22] =	ssyncadd.s32 $0xFFFFFD80  }
0x3b: {  	[spmem:s2] =	stream.indirect.scatter.add.f32 [tilespmem:s17], [sflag:$0x2], $0x8, s1, s13, $0xb8;
	[tilespmem:$0x6EA0] =	vst v63  }
0x3c: {  	_ =	swait.ge [sflag:s8], $0x280  }
0x3d: {  	[sflag:s8] =	ssyncset.done $0x0  }
0x3e: {  	s1 =	simm.s32 $0x230;
	[sflag:s8] =	ssyncadd.s32 $0xFFFFFD80  }
0x3f: {  	[tilespmem:s17], [sflag:$0x1] =	stream.indirect.gather [hbm4b:s4+s13], $0x8, s1, s13, $0xb8;
	[tilespmem:$0x6EA0] =	vst v63  }
0x40: {  	_ =	swait.ge [sflag:s22], $0x280  }
0x41: {  	[sflag:s22] =	ssyncset.done $0x0  }
0x42: {  	s1 =	simm.s32 $0x2800;
	[sflag:s22] =	ssyncadd.s32 $0xFFFFFD80  }
0x43: {  	[spmem:s2] =	stream.indirect.scatter.add.f32 [tilespmem:s19], [sflag:$0x2], $0x8, s1, s13, $0xb8;
	[tilespmem:$0x6EA0] =	vst v63  }
0x44: {  	_ =	swait.ge [sflag:s8], $0x280  }
0x45: {  	[sflag:s8] =	ssyncset.done $0x0  }
0x46: {  	s1 =	simm.s32 $0x280;
	[sflag:s8] =	ssyncadd.s32 $0xFFFFFD80  }
0x47: {  	[tilespmem:s19], [sflag:$0x1] =	stream.indirect.gather [hbm4b:s4+s13], $0x8, s1, s13, $0xb8;
	[tilespmem:$0x6EA0] =	vst v63  }
0x48: {  	_ =	swait.ge [sflag:s22], $0x280  }
0x49: {  	[sflag:s22] =	ssyncset.done $0x0  }
0x4a: {  	s1 =	simm.s32 $0x2850;
	[sflag:s22] =	ssyncadd.s32 $0xFFFFFD80  }
0x4b: {  	[spmem:s2] =	stream.indirect.scatter.add.f32 [tilespmem:s21], [sflag:$0x2], $0x8, s1, s13, $0xb8;
	[tilespmem:$0x6EA0] =	vst v63  }
0x4c: {  	_ =	swait.ge [sflag:s8], $0x280  }
0x4d: {  	[sflag:s8] =	ssyncset.done $0x0  }
0x4e: {  	s31 =	simm.s32 $0x640;
	s0 =	simm.s32 $0x2D0;
	[sflag:s8] =	ssyncadd.s32 $0xFFFFFD80  }
.LBB2_2:
0x4f: {  	[tilespmem:s21], [sflag:$0x1] =	stream.indirect.gather [hbm4b:s4+s13], $0x8, s0, s13, $0xb8;
	[tilespmem:$0x6EA0] =	vst v63  }
0x50: {  	s0 =	smov.u32 s31  }
0x51: {  	p0 =	sne.s32 s31, $0x8FC0;
	s31 =	sadd.s32 $0x640, s31;
	_ =	swait.ge [sflag:s22], $0x280  }
0x52: {  	s0 =	sshra.s32 s0, $0x2;
	[sflag:s22] =	ssyncset.done $0x0  }
0x53: {  	s1 =	sadd.s32 $0x2710, s0;
	[sflag:s22] =	ssyncadd.s32 $0xFFFFFD80  }
0x54: {  	[spmem:s2] =	stream.indirect.scatter.add.f32 [tilespmem:s14], [sflag:$0x2], $0x8, s1, s13, $0xb8;
	[tilespmem:$0x6EA0] =	vst v63  }
0x55: {  	_ =	swait.ge [sflag:s8], $0x280  }
0x56: {  	[sflag:s8] =	ssyncset.done $0x0  }
0x57: {  	s1 =	sadd.s32 $0x190, s0;
	[sflag:s8] =	ssyncadd.s32 $0xFFFFFD80  }
0x58: {  	[tilespmem:s14], [sflag:$0x1] =	stream.indirect.gather [hbm4b:s4+s13], $0x8, s1, s13, $0xb8;
	[tilespmem:$0x6EA0] =	vst v63  }
0x59: {  	_ =	swait.ge [sflag:s22], $0x280  }
0x5a: {  	[sflag:s22] =	ssyncset.done $0x0  }
0x5b: {  	s1 =	sadd.s32 $0x2760, s0;
	[sflag:s22] =	ssyncadd.s32 $0xFFFFFD80  }
0x5c: {  	[spmem:s2] =	stream.indirect.scatter.add.f32 [tilespmem:s15], [sflag:$0x2], $0x8, s1, s13, $0xb8;
	[tilespmem:$0x6EA0] =	vst v63  }
0x5d: {  	_ =	swait.ge [sflag:s8], $0x280  }
0x5e: {  	[sflag:s8] =	ssyncset.done $0x0  }
0x5f: {  	s1 =	sadd.s32 $0x1E0, s0;
	[sflag:s8] =	ssyncadd.s32 $0xFFFFFD80  }
0x60: {  	[tilespmem:s15], [sflag:$0x1] =	stream.indirect.gather [hbm4b:s4+s13], $0x8, s1, s13, $0xb8;
	[tilespmem:$0x6EA0] =	vst v63  }
0x61: {  	_ =	swait.ge [sflag:s22], $0x280  }
0x62: {  	[sflag:s22] =	ssyncset.done $0x0  }
0x63: {  	s1 =	sadd.s32 $0x27B0, s0;
	[sflag:s22] =	ssyncadd.s32 $0xFFFFFD80  }
0x64: {  	[spmem:s2] =	stream.indirect.scatter.add.f32 [tilespmem:s17], [sflag:$0x2], $0x8, s1, s13, $0xb8;
	[tilespmem:$0x6EA0] =	vst v63  }
0x65: {  	_ =	swait.ge [sflag:s8], $0x280  }
0x66: {  	[sflag:s8] =	ssyncset.done $0x0  }
0x67: {  	s1 =	sadd.s32 $0x230, s0;
	[sflag:s8] =	ssyncadd.s32 $0xFFFFFD80  }
0x68: {  	[tilespmem:s17], [sflag:$0x1] =	stream.indirect.gather [hbm4b:s4+s13], $0x8, s1, s13, $0xb8;
	[tilespmem:$0x6EA0] =	vst v63  }
0x69: {  	_ =	swait.ge [sflag:s22], $0x280  }
0x6a: {  	[sflag:s22] =	ssyncset.done $0x0  }
0x6b: {  	s1 =	sadd.s32 $0x2800, s0;
	[sflag:s22] =	ssyncadd.s32 $0xFFFFFD80  }
0x6c: {  	[spmem:s2] =	stream.indirect.scatter.add.f32 [tilespmem:s19], [sflag:$0x2], $0x8, s1, s13, $0xb8;
	[tilespmem:$0x6EA0] =	vst v63  }
0x6d: {  	_ =	swait.ge [sflag:s8], $0x280  }
0x6e: {  	[sflag:s8] =	ssyncset.done $0x0  }
0x6f: {  	s1 =	sadd.s32 $0x280, s0;
	[sflag:s8] =	ssyncadd.s32 $0xFFFFFD80  }
0x70: {  	[tilespmem:s19], [sflag:$0x1] =	stream.indirect.gather [hbm4b:s4+s13], $0x8, s1, s13, $0xb8;
	[tilespmem:$0x6EA0] =	vst v63  }
0x71: {  	_ =	swait.ge [sflag:s22], $0x280  }
0x72: {  	[sflag:s22] =	ssyncset.done $0x0  }
.Ltmp0:
0x73: {  	s1 =	sadd.s32 $0x2850, s0;
	[sflag:s22] =	ssyncadd.s32 $0xFFFFFD80;
	(pc) =	sbr.rel @p0 .LBB2_2-.Ltmp0, $4  }
0x74: {  	[spmem:s2] =	stream.indirect.scatter.add.f32 [tilespmem:s21], [sflag:$0x2], $0x8, s1, s13, $0xb8;
	[tilespmem:$0x6EA0] =	vst v63  }
0x75: {  	_ =	swait.ge [sflag:s8], $0x280  }
0x76: {  	[sflag:s8] =	ssyncset.done $0x0  }
0x77: {  	s0 =	sadd.s32 $0x2D0, s0;
	[sflag:s8] =	ssyncadd.s32 $0xFFFFFD80  }
0x78: {  	[tilespmem:s21], [sflag:$0x1] =	stream.indirect.gather [hbm4b:s4+s13], $0x8, s0, s13, $0xb8;
	[tilespmem:$0x6EA0] =	vst v63  }
0x79: {  	_ =	swait.ge [sflag:s22], $0x280  }
0x7a: {  	[sflag:s22] =	ssyncset.done $0x0  }
0x7b: {  	[sflag:s22] =	ssyncadd.s32 $0xFFFFFD80  }
0x7c: {  	[spmem:s2] =	stream.indirect.scatter.add.f32 [tilespmem:s14], [sflag:$0x2], $0x8, s23, s13, $0xb8;
	[tilespmem:$0x6EA0] =	vst v63  }
0x7d: {  	_ =	swait.ge [sflag:s8], $0x280  }
0x7e: {  	[sflag:s8] =	ssyncset.done $0x0  }
0x7f: {  	[sflag:s8] =	ssyncadd.s32 $0xFFFFFD80  }
0x80: {  	_ =	swait.ge [sflag:s22], $0x280  }
0x81: {  	[sflag:s22] =	ssyncset.done $0x0  }
0x82: {  	[sflag:s22] =	ssyncadd.s32 $0xFFFFFD80  }
0x83: {  	[spmem:s2] =	stream.indirect.scatter.add.f32 [tilespmem:s15], [sflag:$0x2], $0x8, s25, s13, $0xb8;
	[tilespmem:$0x6EA0] =	vst v63  }
0x84: {  	_ =	swait.ge [sflag:s8], $0x280  }
0x85: {  	[sflag:s8] =	ssyncset.done $0x0  }
0x86: {  	[sflag:s8] =	ssyncadd.s32 $0xFFFFFD80  }
0x87: {  	_ =	swait.ge [sflag:s22], $0x280  }
0x88: {  	[sflag:s22] =	ssyncset.done $0x0  }
0x89: {  	[sflag:s22] =	ssyncadd.s32 $0xFFFFFD80  }
0x8a: {  	[spmem:s2] =	stream.indirect.scatter.add.f32 [tilespmem:s17], [sflag:$0x2], $0x8, s26, s13, $0xb8;
	[tilespmem:$0x6EA0] =	vst v63  }
0x8b: {  	_ =	swait.ge [sflag:s8], $0x280  }
0x8c: {  	[sflag:s8] =	ssyncset.done $0x0  }
0x8d: {  	[sflag:s8] =	ssyncadd.s32 $0xFFFFFD80  }
0x8e: {  	_ =	swait.ge [sflag:s22], $0x280  }
0x8f: {  	[sflag:s22] =	ssyncset.done $0x0  }
0x90: {  	[sflag:s22] =	ssyncadd.s32 $0xFFFFFD80  }
0x91: {  	[spmem:s2] =	stream.indirect.scatter.add.f32 [tilespmem:s19], [sflag:$0x2], $0x8, s28, s13, $0xb8;
	[tilespmem:$0x6EA0] =	vst v63  }
0x92: {  	_ =	swait.ge [sflag:s8], $0x280  }
0x93: {  	[sflag:s8] =	ssyncset.done $0x0  }
0x94: {  	[sflag:s8] =	ssyncadd.s32 $0xFFFFFD80  }
0x95: {  	_ =	swait.ge [sflag:s22], $0x280  }
0x96: {  	[sflag:s22] =	ssyncset.done $0x0  }
0x97: {  	[sflag:s22] =	ssyncadd.s32 $0xFFFFFD80  }
0x98: {  	[spmem:s2] =	stream.indirect.scatter.add.f32 [tilespmem:s21], [sflag:$0x2], $0x8, s29, s13, $0xb8;
	[tilespmem:$0x6EA0] =	vst v63  }
0x99: {  	_ =	swait.ge [sflag:s8], $0x280  }
0x9a: {  	s30 =	sadd.s32 $0x1, s30;
	[sflag:s8] =	ssyncset.done $0x0  }
0x9b: {  	p0 =	sne.s32 s30, s7;
	[sflag:s8] =	ssyncadd.s32 $0xFFFFFD80  }
.Ltmp1:
0x9c: {  	[bflag:$0x0] =	sbarrier.arrive $0xFFFF;
	(pc) =	sbr.rel @p0 .LBB2_1-.Ltmp1, $4  }
0x9d: {  	[hbm:s24], [sflag:s11] =	dma.local [spmem:s12], $0x280  }
0x9e: {  	_ =	swait.ge [sflag:s8], $0x280  }
0x9f: {  	[sflag:s8] =	ssyncset.done $0x0  }
0xa0: {  	[sflag:s8] =	ssyncadd.s32 $0xFFFFFD80  }
0xa1: {  	_ =	sfence.sel $0x180000  }
0xa2: {  	[bflag:$0x0] =	sbarrier.arrive $0xFFFF  }
0xa3: {  	_ =	strace $0x90000047  }
0xa4: {  	s0 =	stileid.u32;
	[bflag:$0x2] =	sbarrier.arrive $0xFFFF  }
0xa5: {  	p0 =	sne.s32 s0, $0x0;
	s0 =	rddreg [dreg:$0x2]  }
0xa6: {  	s0 =	sadd.s32 @!p0 $0x100000, s0  }
0xa7: {  	[sflag:s0] =	ssyncadd.tile.s32 @!p0 $0x1;
	_ =	shalt  }
.Lfunc_end2:
_tile_overlayer_lowered:
.L_overlay_start_2:
0xa8: {  	(tag) =	ssettag $0x2  }
0xa9: {  	s0 =	rddreg [dreg:$0x0];
	s2 =	stileid.u32  }
0xaa: {  	s1 =	rddreg [dreg:$0x1];
	p0 =	sne.s32 s2, $0x0  }
0xab: {  	s3 =	rddreg [dreg:$0x2];
	[bflag:$0x3] =	sbarrier.arrive $0xFFFF;
	s2 =	simm.s32 @!p0 $0x1C02  }
0xac: {  	[timem:s3], [sflag:s2] =	dma.local @!p0 [hbm:s0], s1  }
0xad: {  	s0 =	simm.s32 @!p0 $0x2  }
0xae: {  	_ =	swait.ge @!p0 [sflag:s0], s1  }
0xaf: {  	s1 =	ssub.s32 @!p0 $0x0, s1;
	[sflag:s0] =	ssyncset.done @!p0 $0x0  }
0xb0: {  	[sflag:s0] =	ssyncadd.s32 @!p0 s1  }
0xb1: {  	[bflag:$0x3] =	sbarrier.arrive $0xFFFF  }
0xb2: {  	_ =	shalt  }

// kernel: kernel.8.cloned.1.call-start
scs
__scs_entry_jumppad:
0x0: {  	(pc) =	sbr.rel $0x88, $3  }
0x1: {  	(tag) =	ssettag $0x0;
	lr =	simm.s32 $0x1  }
0x2: {  	[smem:$0x3F90] =	sst lr;
	_ =	strace $0xD0000000  }
0x3: {  	_ = 	snop  }
0x4: {  	_ = 	snop  }
0x5: {  	_ = 	snop  }
0x6: {  	_ = 	snop  }
0x7: {  	_ = 	snop  }
__scs_overlays_trampoline_lowered:
0x8: {  	[smem:$0x3F9F] =	sst s0  }
0x9: {  	[smem:$0x3FA0] =	sst s1  }
0xa: {  	[smem:$0x3FA1] =	sst s2  }
0xb: {  	[smem:$0x3FA2] =	sst s3  }
0xc: {  	[smem:$0x3FA3] =	sst s4  }
0xd: {  	[smem:$0x3FA4] =	sst s5  }
0xe: {  	[smem:$0x3FA5] =	sst s6  }
0xf: {  	[smem:$0x3FA6] =	sst s7  }
0x10: {  	[smem:$0x3FA7] =	sst s8  }
0x11: {  	[smem:$0x3FA8] =	sst s9;
	s0 =	simm.s32 @!p0 $0x0  }
0x12: {  	s1 =	sld [smem:$0x3F8E];
	s0 =	simm.s32 @p0 $0x1  }
0x13: {  	[smem:$0x3FA9] =	sst s0;
	s0 =	simm.s32 @!p1 $0x0  }
0x14: {  	s2 =	sld [smem:$0x3F8D];
	s0 =	simm.s32 @p1 $0x1  }
0x15: {  	[smem:$0x3FAA] =	sst s0;
	s0 =	simm.s32 @!p2 $0x0  }
0x16: {  	s3 =	sld [smem:$0x3FDB];
	s0 =	simm.s32 @p2 $0x1  }
0x17: {  	s4 =	simm.s32 $0x1BF5;
	[smem:$0x3FAC] =	sst s0  }
0x18: {  	s0 =	sld [smem:$0x3F8F];
	_ =	swait.ge [sflag:s4], $0x0  }
0x19: {  	s7 =	sld [smem:$0x3F90]  }
0x1a: {  	s8 =	sadd.s32 $0xFFFFE003, lr  }
0x1b: {  	s9 =	sadd.s32 $0xFFFFFEF7, lr;
	s5 =	simm.s32 $0xFFFFFFFF;
	p2 =	slt.u32 s8, $0xFFFFF086  }
0x1c: {  	p1 =	slt.u32 s9, $0xF7A;
	s5 =	simm.s32 @!p2 $0x0  }
0x1d: {  	s5 =	simm.s32 @p1 $0x1;
	p0 =	seq.s32 s7, s2  }
0x1e: {  	s7 =	smul.u32 @!p0 $0xF7A, s2;
	p2 =	seq.s32 @!p0 s5, $0x0  }
0x1f: {  	s9 =	smul.u32 $0xF7A, s1;
	s8 =	simm.s32 @!p0 $0x1BF5;
	p2 =	por !p2, p0  }
0x20: {  	[sflag:s8] =	ssyncset.s32 @!p0 $0xFFFFF086;
	s6 =	sadd.s32 @!p0 s3, s7;
	s7 =	simm.s32 @!p0 $0x108  }
0x21: {  	s3 =	sadd.s32 s3, s9;
	s6 =	sadd.s32 @!p0 $0x88, s6;
	s7 =	simm.s32 @p2 $0x1082  }
0x22: {  	[simem:s7], [sflag:s8] =	dma.local @!p0 [hbm:s6], $0xF7A  }
0x23: {  	s9 =	sor.u32 $0xD0000000, s2;
	s6 =	simm.s32 $0x108;
	_ =	swait.ge @!p0 [sflag:s8], $0x0  }
0x24: {  	s3 =	sadd.s32 $0x88, s3;
	s6 =	simm.s32 @!p1 $0x1082;
	[sflag:s4] =	ssyncset.s32 $0xFFFFF086  }
0x25: {  	[simem:s6], [sflag:s4] =	dma.local [hbm:s3], $0xF7A  }
0x26: {  	[smem:$0x3F90] =	sst s1;
	(tag) =	ssettag s2;
	_ =	strace s9  }
0x27: {  	s1 =	sld [smem:$0x3FA0]  }
0x28: {  	s2 =	sld [smem:$0x3FA1]  }
0x29: {  	s4 =	sld [smem:$0x3FA3]  }
0x2a: {  	p0 =	seq.s32 s5, $0x0;
	s5 =	sld [smem:$0x3FA4]  }
0x2b: {  	s6 =	sld [smem:$0x3FA5]  }
0x2c: {  	s7 =	sld [smem:$0x3FA6]  }
0x2d: {  	s3 =	simm.s32 $0x108;
	s8 =	sld [smem:$0x3FA7]  }
0x2e: {  	s3 =	simm.s32 @!p0 $0x1082;
	s9 =	sld [smem:$0x3FA8]  }
0x2f: {  	lr =	sadd.s32 s0, s3;
	s0 =	sld [smem:$0x3F9F]  }
0x30: {  	s3 =	sld [smem:$0x3FA2]  }
0x31: {  	[smem:$0x3FAB] =	sst s10  }
0x32: {  	s10 =	sld [smem:$0x3FA9];
	_ =	sdelay $0x3  }
0x33: {  	p0 =	seq.s32 s10, $0x1;
	s10 =	sld [smem:$0x3FAB];
	_ =	sdelay $0x3  }
0x34: {  	[smem:$0x3FAB] =	sst s10  }
0x35: {  	s10 =	sld [smem:$0x3FAA];
	_ =	sdelay $0x3  }
0x36: {  	p1 =	seq.s32 s10, $0x1;
	s10 =	sld [smem:$0x3FAB];
	_ =	sdelay $0x3  }
0x37: {  	[smem:$0x3FAB] =	sst s10  }
0x38: {  	s10 =	sld [smem:$0x3FAC]  }
0x39: {  	_ = 	snop;
	(pc) =	sbr.ind lr, $3  }
0x3a: {  	_ = 	snop  }
0x3b: {  	_ = 	snop  }
0x3c: {  	p2 =	seq.s32 s10, $0x1;
	s10 =	sld [smem:$0x3FAB]  }
0x3d: {  	_ =	shalt  }
0x3e: {  	_ =	shalt  }
0x3f: {  	_ =	shalt  }
0x40: {  	_ =	shalt  }
0x41: {  	_ =	shalt  }
0x42: {  	_ =	shalt  }
0x43: {  	_ =	shalt  }
0x44: {  	_ =	shalt  }
0x45: {  	_ =	shalt  }
0x46: {  	_ =	shalt  }
0x47: {  	_ =	shalt  }
0x48: {  	_ =	shalt  }
0x49: {  	_ =	shalt  }
0x4a: {  	_ =	shalt  }
0x4b: {  	_ =	shalt  }
0x4c: {  	_ =	shalt  }
0x4d: {  	_ =	shalt  }
0x4e: {  	_ =	shalt  }
0x4f: {  	_ =	shalt  }
0x50: {  	_ =	shalt  }
0x51: {  	_ =	shalt  }
0x52: {  	_ =	shalt  }
0x53: {  	_ =	shalt  }
0x54: {  	_ =	shalt  }
0x55: {  	_ =	shalt  }
0x56: {  	_ =	shalt  }
0x57: {  	_ =	shalt  }
0x58: {  	_ =	shalt  }
0x59: {  	_ =	shalt  }
0x5a: {  	_ =	shalt  }
0x5b: {  	_ =	shalt  }
0x5c: {  	_ =	shalt  }
0x5d: {  	_ =	shalt  }
0x5e: {  	_ =	shalt  }
0x5f: {  	_ =	shalt  }
0x60: {  	_ =	shalt  }
0x61: {  	_ =	shalt  }
0x62: {  	_ =	shalt  }
0x63: {  	_ =	shalt  }
0x64: {  	_ =	shalt  }
0x65: {  	_ =	shalt  }
0x66: {  	_ =	shalt  }
0x67: {  	_ =	shalt  }
0x68: {  	_ =	shalt  }
0x69: {  	_ =	shalt  }
0x6a: {  	_ =	shalt  }
0x6b: {  	_ =	shalt  }
0x6c: {  	_ =	shalt  }
0x6d: {  	_ =	shalt  }
0x6e: {  	_ =	shalt  }
0x6f: {  	_ =	shalt  }
0x70: {  	_ =	shalt  }
0x71: {  	_ =	shalt  }
0x72: {  	_ =	shalt  }
0x73: {  	_ =	shalt  }
0x74: {  	_ =	shalt  }
0x75: {  	_ =	shalt  }
0x76: {  	_ =	shalt  }
0x77: {  	_ =	shalt  }
0x78: {  	_ =	shalt  }
0x79: {  	_ =	shalt  }
0x7a: {  	_ =	shalt  }
0x7b: {  	_ =	shalt  }
0x7c: {  	_ =	shalt  }
0x7d: {  	_ =	shalt  }
0x7e: {  	_ =	shalt  }
0x7f: {  	_ =	shalt  }
0x80: {  	_ =	shalt  }
0x81: {  	_ =	shalt  }
0x82: {  	_ =	shalt  }
0x83: {  	_ =	shalt  }
0x84: {  	_ =	shalt  }
0x85: {  	_ =	shalt  }
0x86: {  	_ =	shalt  }
0x87: {  	_ =	shalt  }
.Lfunc_end0:
.L_simem_size_0:
called_computation.1_lowered:
.L_overlay_start_0:
0x88: {  	s2 =	sld [smem:$0x3FD9]  }
0x89: {  	s3 =	sld [smem:$0x3FFE];
	_ =	sdelay $0x1  }
0x8a: {  	s1 =	srdreg.scid  }
0x8b: {  	s0 =	sand.u32 $0x1, s1  }
0x8c: {  	s17 =	sshll.u32 s0, $0xA;
	s2 =	sadd.s32 s3, s2  }
0x8d: {  	s2 =	sadd.s32 s2, s17  }
0x8e: {  	[smem:$0x3FB7] =	sst s2  }
0x8f: {  	_ = 	snop  }
0x90: {  	s2 =	sld [smem:$0x3FD0];
	(tm) =	ssettm $0x1  }
0x91: {  	s18 =	sld [smem:$0x3FFB];
	_ =	sdelay $0x3  }
0x92: {  	_ =	strace s18  }
0x93: {  	s3 =	sld [smem:$0x3FFC];
	_ =	sdelay $0x3  }
0x94: {  	_ =	strace s3  }
0x95: {  	s3 =	sld [smem:$0x3FFD];
	_ =	sdelay $0x3  }
0x96: {  	_ =	strace s3  }
0x97: {  	_ =	strace $0x8FFFFFFF  }
0x98: {  	s19 =	sld [smem:$0x3FDB];
	_ =	sdelay $0x1  }
0x99: {  	s4 =	simm.s32 $_scs_section_size  }
0x9a: {  	s5 =	simm.s32 $_size__tile_overlayer_lowered;
	s6 =	simm.s32 $_tile_overlayer_lowered  }
0x9b: {  	s22 =	simm.s32 $0x1BFF;
	s21 =	sshll.u32 s6, $0x1;
	s3 =	sadd.s32 s4, s19  }
0x9c: {  	s7 =	simm.s32 $0x0;
	s20 =	sshll.u32 s5, $0x1;
	s5 =	sadd.s32 s21, s3  }
0x9d: {  	[timem:s7], [sflag:s22] =	dma.local [hbm:s5], s20  }
0x9e: {  	_ =	swait.ge [sflag:s22], s20  }
0x9f: {  	s4 =	ssub.s32 $0x0, s20;
	[sflag:s22] =	ssyncset.done $0x0  }
0xa0: {  	[sflag:s22] =	ssyncadd.s32 s4;
	_ =	sdelay $0x1  }
0xa1: {  	s23 =	simm.s32 $0x1B8B  }
0xa2: {  	_ =	swait.ge [sflag:s23], $0x1  }
0xa3: {  	[sflag:s23] =	ssyncset.done $0x0  }
0xa4: {  	s25 =	simm.s32 $0x1B8E;
	s24 =	sld [smem:$0x3FFE];
	[sflag:s23] =	ssyncadd.s32 $0xFFFFFFFF  }
0xa5: {  	s26 =	simm.s32 $execute0_lowered;
	[smem:$0x3FD2] =	sst s25  }
0xa6: {  	s5 =	sshll.u32 s26, $0x1;
	_ =	strace $0x80000049;
	[dreg:$0x1] =	wrdreg $0xFFFFFFFF  }
0xa7: {  	s28 =	simm.s32 $_size_execute0_lowered;
	s3 =	sadd.s32 s3, s5;
	[dreg:$0x0] =	wrdreg $0x0  }
0xa8: {  	s5 =	sshll.u32 s28, $0x1;
	[dreg:$0x2] =	wrdreg s3  }
0xa9: {  	[dreg:$0x3] =	wrdreg s5  }
0xaa: {  	[dreg:$0x4] =	wrdreg $0xC0  }
0xab: {  	_ =	task [dreg:s7], $0x5FFFF  }
0xac: {  	[dreg:$0x1] =	wrdreg $0xFFFFFFFF  }
0xad: {  	[dreg:$0x0] =	wrdreg $0x60  }
0xae: {  	[dreg:$0x2] =	wrdreg s24  }
0xaf: {  	[dreg:$0x3] =	wrdreg s2  }
0xb0: {  	[dreg:$0x4] =	wrdreg $0xA1E00  }
0xb1: {  	[dreg:$0x5] =	wrdreg $0x9  }
0xb2: {  	_ =	task.clear_ibuf [dreg:s7], $0x6FFFF;
	_ =	strace $0x90000049  }
0xb3: {  	s29 =	simm.s32 $0x9;
	_ =	strace $0x8000004B  }
0xb4: {  	_ =	swait.ge [sflag:s29], $0x1  }
0xb5: {  	[sflag:s29] =	ssyncadd.s32 $0xFFFFFFFF  }
0xb6: {  	_ =	strace $0x9000004B  }
0xb7: {  	_ =	sfence  }
0xb8: {  	s30 =	sld [smem:$0x0];
	_ =	sdelay $0x2  }
0xb9: {  	s31 =	sshll.u32 s1, $0xD;
	s1 =	sshrl.u32 s1, $0x2  }
0xba: {  	s3 =	sand.u32 $0x4000, s31;
	s1 =	sadd.s32 s1, s30  }
0xbb: {  	s0 =	sor.u32 s3, s0;
	s1 =	sshll.u32 s1, $0x11  }
0xbc: {  	s0 =	sor.u32 s1, s0  }
0xbd: {  	s0 =	sadd.s32 $0x8F2B, s0  }
0xbe: {  	[sflag:s0] =	ssyncadd.remote.s32 $0x1  }
0xbf: {  	_ =	sfence.sel $0xFFFF  }
0xc0: {  	[dreg:$0x0] =	wrdreg $0xFFFFFFFF;
	(pc) =	sbr.abs _section_cstart, $3  }
0xc1: {  	[dreg:$0x1] =	wrdreg $0xFFFFFFFF  }
0xc2: {  	_ =	task.clear_ibuf [dreg:s7], $0x2FFFF;
	_ =	strace $0x9FFFFFFF  }
0xc3: {  	(tm) =	ssettm $0x7FFFFFFF  }
tec
execute0_lowered:
.L_overlay_start_1:
0x0: {  	(tag) =	ssettag $0x1  }
0x1: {  	s0 =	srdreg.scid;
	s1 =	rddreg [dreg:$0x0]  }
0x2: {  	s13 =	stileid.u32;
	s3 =	rddreg [dreg:$0x2];
	s4 =	simm.s32 $0x0  }
0x3: {  	s15 =	simm.s32 $0x2;
	s28 =	simm.s32 $0xA020;
	s29 =	simm.s32 $0x1  }
0x4: {  	s30 =	simm.s32 $0x3;
	s31 =	simm.s32 $0x9F20;
	s0 =	sand.u32 $0x1, s0  }
0x5: {  	[smem:$0x7FF] =	sst s4;
	s9 =	smul.u32 $0xA0, s13;
	s5 =	sadd.s32 $0x1AC00, s1  }
0x6: {  	s6 =	sadd.s32 $0x18400, s1;
	s11 =	sshll.u32 s13, $0x4;
	s26 =	sshll.u32 s13, $0x6  }
0x7: {  	s2 =	sshll.u32 s0, $0x4;
	_ =	strace $0x8000004A;
	s7 =	smul.u32 $0xA00, s0  }
0x8: {  	s20 =	ssub.s32 $0x2, s0;
	s24 =	sadd.s32 s5, s11;
	s25 =	sadd.s32 s6, s11  }
0x9: {  	v0 =	vlaneseq.u32;
	v2 =	vimm.s32 $0x0;
	s18 =	sor.u32 $0x1C02, s26;
	p0 =	sne.s32 s0, $0x0;
	s26 =	simm.s32 $0xA160  }
0xa: {  	v3 =	vimm.s32 $0x138;
	v1 =	vshrl.u32 v0, $0x3;
	v9 =	vor.u32 $0x10, v0;
	s0 =	simm.s32 $0x0;
	s2 =	sor.u32 s13, s2;
	s8 =	sshrl.u32 s9, $0x3  }
0xb: {  	v13 =	vor.u32 $0x20, v0;
	v17 =	vor.u32 $0x30, v0;
	v1 =	vmul.u32 $0x8, v1;
	s21 =	sshrl.u32 s20, $0x1;
	s23 =	sadd.s32 s9, s3;
	[dreg:$0x6] =	wrdreg s24  }
0xc: {  	v21 =	vor.u32 $0x40, v0;
	v25 =	vor.u32 $0x50, v0;
	v29 =	vor.u32 $0x60, v0;
	[dreg:$0x7] =	wrdreg s25;
	s24 =	simm.s32 $0x9EA0;
	s25 =	simm.s32 $0xA0E0  }
0xd: {  	v33 =	vor.u32 $0x70, v0;
	s2 =	smul.u32 $0x4E2, s2;
	s10 =	sadd.s32 s8, s1;
	s7 =	sadd.s32 s9, s7;
	v4 =	vor.u32 $0x1, v1;
	v5 =	vor.u32 $0x2, v1  }
0xe: {  	s14 =	ssub.s32 s20, s21;
	v6 =	vor.u32 $0x10, v1;
	v7 =	vor.u32 $0x11, v1;
	v8 =	vor.u32 $0x12, v1;
	s19 =	sshrl.u32 s23, $0x3;
	s20 =	simm.s32 $0x4E20  }
0xf: {  	v10 =	vor.u32 $0x20, v1;
	v11 =	vor.u32 $0x21, v1;
	v12 =	vor.u32 $0x22, v1;
	s21 =	simm.s32 $0x7620;
	s23 =	simm.s32 $0x9E20;
	s7 =	sshrl.u32 s7, $0x3  }
.Ltmp0:
0x10: {  	v14 =	vor.u32 $0x30, v1;
	v15 =	vor.u32 $0x31, v1;
	v16 =	vor.u32 $0x32, v1;
	s9 =	sadd.s32 $0x2000, s10;
	s2 =	sadd.s32 s2, s1;
	(pc) =	sbr.rel .LBB2_1-.Ltmp0, $4  }
0x11: {  	v18 =	vor.u32 $0x40, v1;
	v19 =	vor.u32 $0x41, v1;
	v20 =	vor.u32 $0x42, v1;
	s14 =	smax.u32 s14, $0x1;
	s12 =	sadd.s32 s7, s1;
	s22 =	sadd.s32 $0xE600, s2  }
0x12: {  	v22 =	vor.u32 $0x50, v1;
	v23 =	vor.u32 $0x51, v1;
	v24 =	vor.u32 $0x52, v1;
	s1 =	sadd.s32 s11, s1;
	s2 =	sadd.s32 $0x4800, s2;
	[dreg:$0x4] =	wrdreg s22  }
0x13: {  	v26 =	vor.u32 $0x60, v1;
	v27 =	vor.u32 $0x61, v1;
	v28 =	vor.u32 $0x62, v1;
	s10 =	sadd.s32 $0x2200, s12;
	s1 =	sadd.s32 $0x2600, s1;
	[dreg:$0x5] =	wrdreg s2  }
0x14: {  	v30 =	vor.u32 $0x70, v1;
	v31 =	vor.u32 $0x71, v1;
	v32 =	vor.u32 $0x72, v1;
	[dreg:$0x8] =	wrdreg s1;
	s22 =	simm.s32 $0x10;
	s1 =	simm.s32 $0x9FA0  }
.LBB2_18:
0x15: {  	s0 =	sadd.s32 $0x1, s0  }
0x16: {  	p1 =	sne.s32 s0, s14  }
.Ltmp1:
0x17: {  	_ = 	snop;
	(pc) =	sbr.rel @!p1 .LBB2_19-.Ltmp1, $1  }
0x18: {  	_ =	sdelay $0x3  }
.LBB2_1:
0x19: {  	s2 =	rddreg [dreg:$0x4]  }
0x1a: {  	[tilespmem:s4], [sflag:$0x2] =	stream.linear.gather [hbm4b:s2+s4], $0x2710, $0x38;
	[tilespmem:$0xA280] =	vst v63  }
0x1b: {  	_ =	swait.ge [sflag:s15], $0x2710  }
0x1c: {  	[sflag:s15] =	ssyncset.done $0x0  }
0x1d: {  	s7 =	simm.s32 $0x2710;
	s13 =	rddreg [dreg:$0x5];
	[sflag:s15] =	ssyncadd.s32 $0xFFFFD8F0  }
0x1e: {  	[tilespmem:s7], [sflag:$0x2] =	stream.linear.gather [hbm4b:s13+s4], $0x2710, $0x38;
	[tilespmem:$0xA280] =	vst v63  }
0x1f: {  	_ =	swait.ge [sflag:s15], $0x2710  }
0x20: {  	[sflag:s15] =	ssyncset.done $0x0  }
0x21: {  	[sflag:s15] =	ssyncadd.s32 $0xFFFFD8F0  }
0x22: {  	s17 =	simm.s32 $0xA0A0;
	s16 =	rddreg [dreg:$0x1]  }
0x23: {  	[tilespmem:s17], [sflag:$0x2] =	stream.linear.gather [hbm4b:s16+s4], $0x40, $0x38;
	[tilespmem:$0xA280] =	vst v63  }
0x24: {  	_ =	swait.ge [sflag:s15], $0x40  }
0x25: {  	[sflag:s15] =	ssyncset.done $0x0  }
0x26: {  	[sflag:s15] =	ssyncadd.s32 $0xFFFFFFC0  }
0x27: {  	[spmem:s19], [sflag:s18] =	dma.local [hbm:s9], $0x14  }
0x28: {  	_ =	swait.ge [sflag:s15], $0x14  }
0x29: {  	[sflag:s15] =	ssyncset.done $0x0  }
0x2a: {  	s2 =	simm.s32 $0x0;
	[sflag:s15] =	ssyncadd.s32 $0xFFFFFFEC  }
0x2b: {  	s11 =	simm.s32 $0x40;
	v36 =	vimm.s32 $0x0;
	v35 =	vld [tilespmem:s2+$0x2710]  }
.LBB2_2:
0x2c: {  	p1 =	sne.s32 s11, $0x9C00;
	_ =	sdelay $0x3  }
0x2d: {  	v34 =	vshll.u32 v36, $0x4;
	vm0 =	vlt.s32 v35, $0x100  }
0x2e: {  	v34 =	vor.u32 v0, v34;
	v37 =	vld [tilespmem:s2+$0x0];
	v38 =	vsel vm0, $0x1, v2  }
0x2f: {  	v36 =	vadd.s32 v38, v36;
	_ =	sdelay $0x1  }
.Ltmp2:
0x30: {  	(pc) =	sbr.rel @p1 .LBB2_2-.Ltmp2, $4  }
0x31: {  	_ = 	snop  }
0x32: {  	[tilespmem:v34+s20+$0x0] =	vst.idx.msk vm0, v37  }
0x33: {  	s2 =	sshra.s32 s11, $0x2;
	[tilespmem:v34+s21+$0x0] =	vst.idx.msk vm0, v35  }
0x34: {  	s11 =	sadd.s32 $0x40, s11;
	v35 =	vld [tilespmem:s2+$0x2710]  }
0x35: {  	_ =	sdelay $0x3  }
0x36: {  	vm0 =	vlt.s32 v35, $0x100  }
0x37: {  	v34 =	vsel vm0, $0x1, v2  }
0x38: {  	v34 =	vadd.s32 v34, v36  }
0x39: {  	v37 =	vxor.u32 $0x80000000, v34  }
0x3a: {  	(xrf0) =	vmax.scan.msk.u32 $0xffff, v37;
	_ =	sdelay $0x5  }
0x3b: {  	v37, _, _ =	vpop (xrf0)  }
0x3c: {  	(v2sf) =	vpush v37, $0xF;
	_ =	sdelay $0xe  }
0x3d: {  	v62 =	vshll.u32 v36, $0x4;
	s11 =	spop (v2sf)  }
0x3e: {  	v63 =	vld [tilespmem:s2+$0x0];
	v36 =	vor.u32 v0, v62;
	s2 =	sxor.u32 $0x80000000, s11  }
0x3f: {  	p1 =	slt.s32 s2, $0x1  }
.Ltmp3:
0x40: {  	_ = 	snop;
	(pc) =	sbr.rel @p1 .LBB2_11-.Ltmp3, $3  }
0x41: {  	_ =	sdelay $0x1  }
0x42: {  	[tilespmem:v36+s20+$0x0] =	vst.idx.msk vm0, v63  }
0x43: {  	s12 =	simm.s32 $0x0;
	[tilespmem:v36+s21+$0x0] =	vst.idx.msk vm0, v35  }
0x44: {  	p2 =	sne.s32 s2, $0x1  }
.Ltmp4:
0x45: {  	_ = 	snop;
	(pc) =	sbr.rel @!p2 .LBB2_5-.Ltmp4, $3  }
0x46: {  	_ =	sdelay $0x1  }
0x47: {  	v35 =	vmov s12  }
0x48: {  	s12 =	simm.s32 $0x1;
	p1 =	por $0x0, $0x0;
	vm2 =	vge.s32 v35, v34;
	v36 =	vshll.u32 v35, $0x4  }
0x49: {  	v35 =	vor.u32 v0, v36;
	p2 =	sne.s32 s2, $0x2  }
.Ltmp5:
0x4a: {  	vm0 =	vmmov vm2;
	(pc) =	sbr.rel @!p2 .LBB2_7-.Ltmp5, $3  }
0x4b: {  	_ =	sdelay $0x1  }
0x4c: {  	v63 =	vmov s12  }
0x4d: {  	s12 =	simm.s32 $0x2;
	p1 =	por $0x1, $0x1;
	vm1 =	vge.s32 v63, v34;
	v36 =	vshll.u32 v63, $0x4;
	[tilespmem:v35+s20+$0x0] =	vst.idx.msk vm2, v2  }
.LBB2_8:
0x4e: {  	s16 =	smov.u32 s12;
	s12 =	sadd.s32 $0x1, s12  }
0x4f: {  	[tilespmem:v35+s21+$0x0] =	vst.idx.msk vm0, v3;
	v35 =	vor.u32 v0, v36;
	vm0 =	vmmov vm1;
	p2 =	sne.s32 s2, s12  }
.Ltmp6:
0x50: {  	(pc) =	sbr.rel @p2 .LBB2_8-.Ltmp6, $3  }
0x51: {  	_ =	sdelay $0x1  }
0x52: {  	v37 =	vmov s16  }
0x53: {  	v36 =	vshll.u32 v37, $0x4;
	[tilespmem:v35+s20+$0x0] =	vst.idx.msk vm1, v2;
	vm1 =	vge.s32 v37, v34  }
0x54: {  	vm2 =	vmmov vm1  }
.LBB2_10:
0x55: {  	_ = 	snop  }
0x56: {  	v34 =	vor.u32 v0, v36;
	_ =	sdelay $0x3  }
0x57: {  	[tilespmem:v35+s21+$0x0] =	vst.idx.msk @p1 vm0, v3  }
0x58: {  	[tilespmem:v34+s20+$0x0] =	vst.idx.msk vm2, v2  }
0x59: {  	[tilespmem:v34+s21+$0x0] =	vst.idx.msk vm2, v3  }
0x5a: {  	[tilespmem:s23], [sflag:$0x1] =	stream.indirect.gather [hbm4b:s5+s22], $0x8, s20, s22, $0xb8;
	[tilespmem:$0xA280] =	vst v63  }
0x5b: {  	_ = 	snop  }
0x5c: {  	vm1 =	vmmov vm2;
	[tilespmem:s24], [sflag:$0x1] =	stream.indirect.gather [hbm4b:s6+s22], $0x8, s20, s22, $0xb8;
	[tilespmem:$0xA280] =	vst v63  }
.LBB2_11:
0x5d: {  	s11 =	sadd.s32 $0x80000001, s11  }
0x5e: {  	s16 =	sshrl.u32 s11, $0x1  }
0x5f: {  	p1 =	seq.s32 s16, $0x0  }
.Ltmp7:
0x60: {  	_ = 	snop;
	(pc) =	sbr.rel @p1 .LBB2_16-.Ltmp7, $1  }
0x61: {  	_ =	sdelay $0x3  }
.Ltmp8:
0x62: {  	(pc) =	sbr.rel .LBB2_13-.Ltmp8, $2  }
0x63: {  	_ =	sdelay $0x2  }
0x64: {  	s17 =	simm.s32 $0x7620;
	s11 =	simm.s32 $0x4E30;
	s12 =	simm.s32 $0x1  }
.LBB2_15:
0x65: {  	s16 =	sadd.s32 $0xFFFFFFFF, s16  }
0x66: {  	p1 =	sne.s32 s16, $0x0  }
.Ltmp9:
0x67: {  	_ = 	snop;
	(pc) =	sbr.rel @!p1 .LBB2_16-.Ltmp9, $2  }
0x68: {  	_ =	sdelay $0x2  }
0x69: {  	s17 =	sadd.s32 $0x20, s17;
	s11 =	sadd.s32 $0x20, s11;
	s12 =	sadd.s32 $0x2, s12  }
.LBB2_13:
0x6a: {  	_ =	swait.ge [sflag:s29], $0x80  }
0x6b: {  	[sflag:s29] =	ssyncset.done $0x0  }
0x6c: {  	[sflag:s29] =	ssyncadd.s32 $0xFFFFFF80  }
0x6d: {  	_ =	swait.ge [sflag:s29], $0x80  }
0x6e: {  	p1 =	sge.s32 s12, s2;
	[sflag:s29] =	ssyncset.done $0x0  }
0x6f: {  	s13 =	simm.s32 @!p1 $0x10;
	s7 =	simm.s32 @!p1 $0x9F20;
	[sflag:s29] =	ssyncadd.s32 $0xFFFFFF80  }
0x70: {  	[tilespmem:s7], [sflag:$0x1] =	stream.indirect.gather @!p1 [hbm4b:s5+s13], $0x8, s11, s13, $0xb8;
	[tilespmem:$0xA280] =	vst v63  }
0x71: {  	s7 =	simm.s32 @!p1 $0x9FA0  }
0x72: {  	[tilespmem:s7], [sflag:$0x1] =	stream.indirect.gather @!p1 [hbm4b:s6+s13], $0x8, s11, s13, $0xb8;
	[tilespmem:$0xA280] =	vst v63  }
0x73: {  	v34 =	vld [tilespmem:$0xA0D0]  }
0x74: {  	v35 =	vld.idx.msk [tilespmem:v1+s23+$0x0], $0xffff  }
0x75: {  	v36 =	vld.idx.msk [tilespmem:v1+s24+$0x0], $0xffff  }
0x76: {  	v37 =	vld [tilespmem:$0xA0A0]  }
0x77: {  	v38 =	vld.idx.msk [tilespmem:v4+s23+$0x0], $0xffff  }
0x78: {  	v39 =	vld.idx.msk [tilespmem:v4+s24+$0x0], $0xffff  }
0x79: {  	v40 =	vld [tilespmem:$0xA0B0]  }
0x7a: {  	v41 =	vld.idx.msk [tilespmem:v5+s23+$0x0], $0xffff  }
0x7b: {  	v42 =	vld.idx.msk [tilespmem:v5+s24+$0x0], $0xffff  }
0x7c: {  	v35 =	vadd.f32 v36, v35  }
0x7d: {  	v44 =	vld [tilespmem:$0xA0C0]  }
0x7e: {  	v45 =	vadd.f32 v39, v38;
	v35 =	vmul.f32 v37, v35;
	_ =	sdelay $0x1  }
0x7f: {  	v47 =	vadd.f32 v42, v41;
	v46 =	vmul.f32 v40, v45;
	v34 =	vadd.f32 v35, v34;
	_ =	sdelay $0x1  }
0x80: {  	v48 =	vmul.f32 v44, v47;
	v34 =	vadd.f32 v46, v34;
	_ =	sdelay $0x1  }
0x81: {  	v34 =	vadd.f32 v48, v34;
	_ =	sdelay $0x1  }
0x82: {  	v34 =	vmax.f32 v34, $0.0e+00  }
0x83: {  	[tilespmem:v0+s28+$0x0] =	vst.idx.msk $0xffff, v34  }
0x84: {  	v34 =	vld [tilespmem:$0xA0D0]  }
0x85: {  	v49 =	vld.idx.msk [tilespmem:v6+s23+$0x0], $0xffff  }
0x86: {  	v50 =	vld.idx.msk [tilespmem:v6+s24+$0x0], $0xffff  }
0x87: {  	v51 =	vld [tilespmem:$0xA0A0]  }
0x88: {  	v52 =	vld.idx.msk [tilespmem:v7+s23+$0x0], $0xffff  }
0x89: {  	v53 =	vld.idx.msk [tilespmem:v7+s24+$0x0], $0xffff  }
0x8a: {  	v54 =	vld [tilespmem:$0xA0B0]  }
0x8b: {  	v55 =	vld.idx.msk [tilespmem:v8+s23+$0x0], $0xffff  }
0x8c: {  	v56 =	vld.idx.msk [tilespmem:v8+s24+$0x0], $0xffff  }
0x8d: {  	v35 =	vadd.f32 v50, v49  }
0x8e: {  	v57 =	vld [tilespmem:$0xA0C0]  }
0x8f: {  	v58 =	vadd.f32 v53, v52;
	v35 =	vmul.f32 v51, v35;
	_ =	sdelay $0x1  }
0x90: {  	v60 =	vadd.f32 v56, v55;
	v59 =	vmul.f32 v54, v58;
	v34 =	vadd.f32 v35, v34;
	_ =	sdelay $0x1  }
0x91: {  	v61 =	vmul.f32 v57, v60;
	v34 =	vadd.f32 v59, v34;
	_ =	sdelay $0x1  }
0x92: {  	v34 =	vadd.f32 v61, v34;
	_ =	sdelay $0x1  }
0x93: {  	v34 =	vmax.f32 v34, $0.0e+00  }
0x94: {  	[tilespmem:v9+s28+$0x0] =	vst.idx.msk $0xffff, v34  }
0x95: {  	v34 =	vld [tilespmem:$0xA0D0]  }
0x96: {  	v62 =	vld.idx.msk [tilespmem:v10+s23+$0x0], $0xffff  }
0x97: {  	v63 =	vld.idx.msk [tilespmem:v10+s24+$0x0], $0xffff  }
0x98: {  	v45 =	vld [tilespmem:$0xA0A0]  }
0x99: {  	v46 =	vld.idx.msk [tilespmem:v11+s23+$0x0], $0xffff  }
0x9a: {  	v47 =	vld.idx.msk [tilespmem:v11+s24+$0x0], $0xffff  }
0x9b: {  	v48 =	vld [tilespmem:$0xA0B0]  }
0x9c: {  	v49 =	vld.idx.msk [tilespmem:v12+s23+$0x0], $0xffff  }
0x9d: {  	v50 =	vld.idx.msk [tilespmem:v12+s24+$0x0], $0xffff  }
0x9e: {  	v35 =	vadd.f32 v63, v62  }
0x9f: {  	v51 =	vld [tilespmem:$0xA0C0]  }
0xa0: {  	v52 =	vadd.f32 v47, v46;
	v35 =	vmul.f32 v45, v35;
	_ =	sdelay $0x1  }
0xa1: {  	v54 =	vadd.f32 v50, v49;
	v53 =	vmul.f32 v48, v52;
	v34 =	vadd.f32 v35, v34;
	_ =	sdelay $0x1  }
0xa2: {  	v55 =	vmul.f32 v51, v54;
	v34 =	vadd.f32 v53, v34;
	_ =	sdelay $0x1  }
0xa3: {  	v34 =	vadd.f32 v55, v34;
	_ =	sdelay $0x1  }
0xa4: {  	v34 =	vmax.f32 v34, $0.0e+00  }
0xa5: {  	[tilespmem:v13+s28+$0x0] =	vst.idx.msk $0xffff, v34  }
0xa6: {  	v34 =	vld [tilespmem:$0xA0D0]  }
0xa7: {  	v56 =	vld.idx.msk [tilespmem:v14+s23+$0x0], $0xffff  }
0xa8: {  	v57 =	vld.idx.msk [tilespmem:v14+s24+$0x0], $0xffff  }
0xa9: {  	v58 =	vld [tilespmem:$0xA0A0]  }
0xaa: {  	v59 =	vld.idx.msk [tilespmem:v15+s23+$0x0], $0xffff  }
0xab: {  	v60 =	vld.idx.msk [tilespmem:v15+s24+$0x0], $0xffff  }
0xac: {  	v61 =	vld [tilespmem:$0xA0B0]  }
0xad: {  	v62 =	vld.idx.msk [tilespmem:v16+s23+$0x0], $0xffff  }
0xae: {  	v63 =	vld.idx.msk [tilespmem:v16+s24+$0x0], $0xffff  }
0xaf: {  	v35 =	vadd.f32 v57, v56  }
0xb0: {  	v45 =	vld [tilespmem:$0xA0C0]  }
0xb1: {  	v46 =	vadd.f32 v60, v59;
	v35 =	vmul.f32 v58, v35;
	_ =	sdelay $0x1  }
0xb2: {  	v48 =	vadd.f32 v63, v62;
	v47 =	vmul.f32 v61, v46;
	v34 =	vadd.f32 v35, v34;
	_ =	sdelay $0x1  }
0xb3: {  	v49 =	vmul.f32 v45, v48;
	v34 =	vadd.f32 v47, v34;
	_ =	sdelay $0x1  }
0xb4: {  	v34 =	vadd.f32 v49, v34;
	_ =	sdelay $0x1  }
0xb5: {  	v34 =	vmax.f32 v34, $0.0e+00  }
0xb6: {  	[tilespmem:v17+s28+$0x0] =	vst.idx.msk $0xffff, v34  }
0xb7: {  	v34 =	vld [tilespmem:$0xA0D0]  }
0xb8: {  	v50 =	vld.idx.msk [tilespmem:v18+s23+$0x0], $0xffff  }
0xb9: {  	v51 =	vld.idx.msk [tilespmem:v18+s24+$0x0], $0xffff  }
0xba: {  	v52 =	vld [tilespmem:$0xA0A0]  }
0xbb: {  	v53 =	vld.idx.msk [tilespmem:v19+s23+$0x0], $0xffff  }
0xbc: {  	v54 =	vld.idx.msk [tilespmem:v19+s24+$0x0], $0xffff  }
0xbd: {  	v55 =	vld [tilespmem:$0xA0B0]  }
0xbe: {  	v56 =	vld.idx.msk [tilespmem:v20+s23+$0x0], $0xffff  }
0xbf: {  	v57 =	vld.idx.msk [tilespmem:v20+s24+$0x0], $0xffff  }
0xc0: {  	v35 =	vadd.f32 v51, v50  }
0xc1: {  	v58 =	vld [tilespmem:$0xA0C0]  }
0xc2: {  	v59 =	vadd.f32 v54, v53;
	v35 =	vmul.f32 v52, v35;
	_ =	sdelay $0x1  }
0xc3: {  	v61 =	vadd.f32 v57, v56;
	v60 =	vmul.f32 v55, v59;
	v34 =	vadd.f32 v35, v34;
	_ =	sdelay $0x1  }
0xc4: {  	v62 =	vmul.f32 v58, v61;
	v34 =	vadd.f32 v60, v34;
	_ =	sdelay $0x1  }
0xc5: {  	v34 =	vadd.f32 v62, v34;
	_ =	sdelay $0x1  }
0xc6: {  	v34 =	vmax.f32 v34, $0.0e+00  }
0xc7: {  	[tilespmem:v21+s28+$0x0] =	vst.idx.msk $0xffff, v34  }
0xc8: {  	v34 =	vld [tilespmem:$0xA0D0]  }
0xc9: {  	v63 =	vld.idx.msk [tilespmem:v22+s23+$0x0], $0xffff  }
0xca: {  	v45 =	vld.idx.msk [tilespmem:v22+s24+$0x0], $0xffff  }
0xcb: {  	v46 =	vld [tilespmem:$0xA0A0]  }
0xcc: {  	v47 =	vld.idx.msk [tilespmem:v23+s23+$0x0], $0xffff  }
0xcd: {  	v48 =	vld.idx.msk [tilespmem:v23+s24+$0x0], $0xffff  }
0xce: {  	v49 =	vld [tilespmem:$0xA0B0]  }
0xcf: {  	v50 =	vld.idx.msk [tilespmem:v24+s23+$0x0], $0xffff  }
0xd0: {  	v51 =	vld.idx.msk [tilespmem:v24+s24+$0x0], $0xffff  }
0xd1: {  	v35 =	vadd.f32 v45, v63  }
0xd2: {  	v52 =	vld [tilespmem:$0xA0C0]  }
0xd3: {  	v53 =	vadd.f32 v48, v47;
	v35 =	vmul.f32 v46, v35;
	_ =	sdelay $0x1  }
0xd4: {  	v55 =	vadd.f32 v51, v50;
	v54 =	vmul.f32 v49, v53;
	v34 =	vadd.f32 v35, v34;
	_ =	sdelay $0x1  }
0xd5: {  	v56 =	vmul.f32 v52, v55;
	v34 =	vadd.f32 v54, v34;
	_ =	sdelay $0x1  }
0xd6: {  	v34 =	vadd.f32 v56, v34;
	_ =	sdelay $0x1  }
0xd7: {  	v34 =	vmax.f32 v34, $0.0e+00  }
0xd8: {  	[tilespmem:v25+s28+$0x0] =	vst.idx.msk $0xffff, v34  }
0xd9: {  	v34 =	vld [tilespmem:$0xA0D0]  }
0xda: {  	v57 =	vld.idx.msk [tilespmem:v26+s23+$0x0], $0xffff  }
0xdb: {  	v58 =	vld.idx.msk [tilespmem:v26+s24+$0x0], $0xffff  }
0xdc: {  	v59 =	vld [tilespmem:$0xA0A0]  }
0xdd: {  	v60 =	vld.idx.msk [tilespmem:v27+s23+$0x0], $0xffff  }
0xde: {  	v61 =	vld.idx.msk [tilespmem:v27+s24+$0x0], $0xffff  }
0xdf: {  	v62 =	vld [tilespmem:$0xA0B0]  }
0xe0: {  	v63 =	vld.idx.msk [tilespmem:v28+s23+$0x0], $0xffff  }
0xe1: {  	v45 =	vld.idx.msk [tilespmem:v28+s24+$0x0], $0xffff  }
0xe2: {  	v35 =	vadd.f32 v58, v57  }
0xe3: {  	v46 =	vld [tilespmem:$0xA0C0]  }
0xe4: {  	v47 =	vadd.f32 v61, v60;
	v35 =	vmul.f32 v59, v35;
	_ =	sdelay $0x1  }
0xe5: {  	v49 =	vadd.f32 v45, v63;
	v48 =	vmul.f32 v62, v47;
	v34 =	vadd.f32 v35, v34;
	_ =	sdelay $0x1  }
0xe6: {  	v50 =	vmul.f32 v46, v49;
	v34 =	vadd.f32 v48, v34;
	_ =	sdelay $0x1  }
0xe7: {  	v34 =	vadd.f32 v50, v34;
	_ =	sdelay $0x1  }
0xe8: {  	v34 =	vmax.f32 v34, $0.0e+00  }
0xe9: {  	[tilespmem:v29+s28+$0x0] =	vst.idx.msk $0xffff, v34  }
0xea: {  	v34 =	vld [tilespmem:$0xA0D0]  }
0xeb: {  	v51 =	vld.idx.msk [tilespmem:v30+s23+$0x0], $0xffff  }
0xec: {  	v52 =	vld.idx.msk [tilespmem:v30+s24+$0x0], $0xffff  }
0xed: {  	v53 =	vld [tilespmem:$0xA0A0]  }
0xee: {  	v54 =	vld.idx.msk [tilespmem:v31+s23+$0x0], $0xffff  }
0xef: {  	v55 =	vld.idx.msk [tilespmem:v31+s24+$0x0], $0xffff  }
0xf0: {  	v56 =	vld [tilespmem:$0xA0B0]  }
0xf1: {  	v57 =	vld.idx.msk [tilespmem:v32+s23+$0x0], $0xffff  }
0xf2: {  	v58 =	vld.idx.msk [tilespmem:v32+s24+$0x0], $0xffff  }
0xf3: {  	v35 =	vadd.f32 v52, v51  }
0xf4: {  	v59 =	vld [tilespmem:$0xA0C0]  }
0xf5: {  	v60 =	vadd.f32 v55, v54;
	v35 =	vmul.f32 v53, v35;
	_ =	sdelay $0x1  }
0xf6: {  	v62 =	vadd.f32 v58, v57;
	v61 =	vmul.f32 v56, v60;
	v34 =	vadd.f32 v35, v34;
	_ =	sdelay $0x1  }
0xf7: {  	v63 =	vmul.f32 v59, v62;
	v34 =	vadd.f32 v61, v34;
	_ =	sdelay $0x1  }
0xf8: {  	v34 =	vadd.f32 v63, v34;
	_ =	sdelay $0x1  }
0xf9: {  	v34 =	vmax.f32 v34, $0.0e+00  }
.Ltmp10:
0xfa: {  	[tilespmem:v33+s28+$0x0] =	vst.idx.msk $0xffff, v34;
	(pc) =	sbr.rel @p1 .LBB2_15-.Ltmp10, $4  }
0xfb: {  	[spmem:s3] =	stream.indirect.scatter.add.f32 [tilespmem:s28], [sflag:$0x3], $0x8, s17, s22, $0xb8;
	[tilespmem:$0xA280] =	vst v63  }
0xfc: {  	_ =	swait.ge [sflag:s30], $0x80  }
0xfd: {  	[sflag:s30] =	ssyncset.done $0x0  }
0xfe: {  	[sflag:s30] =	ssyncadd.s32 $0xFFFFFF80  }
0xff: {  	_ =	swait.ge [sflag:s29], $0x80  }
0x100: {  	[sflag:s29] =	ssyncset.done $0x0  }
0x101: {  	s7 =	sadd.s32 $0x1, s12;
	[sflag:s29] =	ssyncadd.s32 $0xFFFFFF80  }
0x102: {  	p1 =	sge.s32 s7, s2;
	_ =	swait.ge [sflag:s29], $0x80  }
0x103: {  	s7 =	sadd.s32 @!p1 $0x10, s11;
	[sflag:s29] =	ssyncset.done $0x0  }
0x104: {  	s13 =	simm.s32 @!p1 $0x10;
	s8 =	simm.s32 @!p1 $0x9E20;
	[sflag:s29] =	ssyncadd.s32 $0xFFFFFF80  }
0x105: {  	[tilespmem:s8], [sflag:$0x1] =	stream.indirect.gather @!p1 [hbm4b:s5+s13], $0x8, s7, s13, $0xb8;
	[tilespmem:$0xA280] =	vst v63  }
0x106: {  	s8 =	simm.s32 @!p1 $0x9EA0  }
0x107: {  	[tilespmem:s8], [sflag:$0x1] =	stream.indirect.gather @!p1 [hbm4b:s6+s13], $0x8, s7, s13, $0xb8;
	[tilespmem:$0xA280] =	vst v63  }
0x108: {  	v34 =	vld [tilespmem:$0xA0D0]  }
0x109: {  	v35 =	vld.idx.msk [tilespmem:v1+s31+$0x0], $0xffff  }
0x10a: {  	v36 =	vld.idx.msk [tilespmem:v1+s1+$0x0], $0xffff  }
0x10b: {  	v37 =	vld [tilespmem:$0xA0A0]  }
0x10c: {  	v38 =	vld.idx.msk [tilespmem:v4+s31+$0x0], $0xffff  }
0x10d: {  	v39 =	vld.idx.msk [tilespmem:v4+s1+$0x0], $0xffff  }
0x10e: {  	v40 =	vld [tilespmem:$0xA0B0]  }
0x10f: {  	v41 =	vld.idx.msk [tilespmem:v5+s31+$0x0], $0xffff  }
0x110: {  	v42 =	vld.idx.msk [tilespmem:v5+s1+$0x0], $0xffff  }
0x111: {  	v35 =	vadd.f32 v36, v35  }
0x112: {  	v44 =	vld [tilespmem:$0xA0C0]  }
0x113: {  	v45 =	vadd.f32 v39, v38;
	v35 =	vmul.f32 v37, v35;
	_ =	sdelay $0x1  }
0x114: {  	v47 =	vadd.f32 v42, v41;
	v46 =	vmul.f32 v40, v45;
	v34 =	vadd.f32 v35, v34;
	_ =	sdelay $0x1  }
0x115: {  	v48 =	vmul.f32 v44, v47;
	v34 =	vadd.f32 v46, v34;
	_ =	sdelay $0x1  }
0x116: {  	v34 =	vadd.f32 v48, v34;
	_ =	sdelay $0x1  }
0x117: {  	v34 =	vmax.f32 v34, $0.0e+00  }
0x118: {  	[tilespmem:v0+s28+$0x0] =	vst.idx.msk $0xffff, v34  }
0x119: {  	v34 =	vld [tilespmem:$0xA0D0]  }
0x11a: {  	v49 =	vld.idx.msk [tilespmem:v6+s31+$0x0], $0xffff  }
0x11b: {  	v50 =	vld.idx.msk [tilespmem:v6+s1+$0x0], $0xffff  }
0x11c: {  	v51 =	vld [tilespmem:$0xA0A0]  }
0x11d: {  	v52 =	vld.idx.msk [tilespmem:v7+s31+$0x0], $0xffff  }
0x11e: {  	v53 =	vld.idx.msk [tilespmem:v7+s1+$0x0], $0xffff  }
0x11f: {  	v54 =	vld [tilespmem:$0xA0B0]  }
0x120: {  	v55 =	vld.idx.msk [tilespmem:v8+s31+$0x0], $0xffff  }
0x121: {  	v56 =	vld.idx.msk [tilespmem:v8+s1+$0x0], $0xffff  }
0x122: {  	v35 =	vadd.f32 v50, v49  }
0x123: {  	v57 =	vld [tilespmem:$0xA0C0]  }
0x124: {  	v58 =	vadd.f32 v53, v52;
	v35 =	vmul.f32 v51, v35;
	_ =	sdelay $0x1  }
0x125: {  	v60 =	vadd.f32 v56, v55;
	v59 =	vmul.f32 v54, v58;
	v34 =	vadd.f32 v35, v34;
	_ =	sdelay $0x1  }
0x126: {  	v61 =	vmul.f32 v57, v60;
	v34 =	vadd.f32 v59, v34;
	_ =	sdelay $0x1  }
0x127: {  	v34 =	vadd.f32 v61, v34;
	_ =	sdelay $0x1  }
0x128: {  	v34 =	vmax.f32 v34, $0.0e+00  }
0x129: {  	[tilespmem:v9+s28+$0x0] =	vst.idx.msk $0xffff, v34  }
0x12a: {  	v34 =	vld [tilespmem:$0xA0D0]  }
0x12b: {  	v62 =	vld.idx.msk [tilespmem:v10+s31+$0x0], $0xffff  }
0x12c: {  	v63 =	vld.idx.msk [tilespmem:v10+s1+$0x0], $0xffff  }
0x12d: {  	v45 =	vld [tilespmem:$0xA0A0]  }
0x12e: {  	v46 =	vld.idx.msk [tilespmem:v11+s31+$0x0], $0xffff  }
0x12f: {  	v47 =	vld.idx.msk [tilespmem:v11+s1+$0x0], $0xffff  }
0x130: {  	v48 =	vld [tilespmem:$0xA0B0]  }
0x131: {  	v49 =	vld.idx.msk [tilespmem:v12+s31+$0x0], $0xffff  }
0x132: {  	v50 =	vld.idx.msk [tilespmem:v12+s1+$0x0], $0xffff  }
0x133: {  	v35 =	vadd.f32 v63, v62  }
0x134: {  	v51 =	vld [tilespmem:$0xA0C0]  }
0x135: {  	v52 =	vadd.f32 v47, v46;
	v35 =	vmul.f32 v45, v35;
	_ =	sdelay $0x1  }
0x136: {  	v54 =	vadd.f32 v50, v49;
	v53 =	vmul.f32 v48, v52;
	v34 =	vadd.f32 v35, v34;
	_ =	sdelay $0x1  }
0x137: {  	v55 =	vmul.f32 v51, v54;
	v34 =	vadd.f32 v53, v34;
	_ =	sdelay $0x1  }
0x138: {  	v34 =	vadd.f32 v55, v34;
	_ =	sdelay $0x1  }
0x139: {  	v34 =	vmax.f32 v34, $0.0e+00  }
0x13a: {  	[tilespmem:v13+s28+$0x0] =	vst.idx.msk $0xffff, v34  }
0x13b: {  	v34 =	vld [tilespmem:$0xA0D0]  }
0x13c: {  	v56 =	vld.idx.msk [tilespmem:v14+s31+$0x0], $0xffff  }
0x13d: {  	v57 =	vld.idx.msk [tilespmem:v14+s1+$0x0], $0xffff  }
0x13e: {  	v58 =	vld [tilespmem:$0xA0A0]  }
0x13f: {  	v59 =	vld.idx.msk [tilespmem:v15+s31+$0x0], $0xffff  }
0x140: {  	v60 =	vld.idx.msk [tilespmem:v15+s1+$0x0], $0xffff  }
0x141: {  	v61 =	vld [tilespmem:$0xA0B0]  }
0x142: {  	v62 =	vld.idx.msk [tilespmem:v16+s31+$0x0], $0xffff  }
0x143: {  	v63 =	vld.idx.msk [tilespmem:v16+s1+$0x0], $0xffff  }
0x144: {  	v35 =	vadd.f32 v57, v56  }
0x145: {  	v45 =	vld [tilespmem:$0xA0C0]  }
0x146: {  	v46 =	vadd.f32 v60, v59;
	v35 =	vmul.f32 v58, v35;
	_ =	sdelay $0x1  }
0x147: {  	v48 =	vadd.f32 v63, v62;
	v47 =	vmul.f32 v61, v46;
	v34 =	vadd.f32 v35, v34;
	_ =	sdelay $0x1  }
0x148: {  	v49 =	vmul.f32 v45, v48;
	v34 =	vadd.f32 v47, v34;
	_ =	sdelay $0x1  }
0x149: {  	v34 =	vadd.f32 v49, v34;
	_ =	sdelay $0x1  }
0x14a: {  	v34 =	vmax.f32 v34, $0.0e+00  }
0x14b: {  	[tilespmem:v17+s28+$0x0] =	vst.idx.msk $0xffff, v34  }
0x14c: {  	v34 =	vld [tilespmem:$0xA0D0]  }
0x14d: {  	v50 =	vld.idx.msk [tilespmem:v18+s31+$0x0], $0xffff  }
0x14e: {  	v51 =	vld.idx.msk [tilespmem:v18+s1+$0x0], $0xffff  }
0x14f: {  	v52 =	vld [tilespmem:$0xA0A0]  }
0x150: {  	v53 =	vld.idx.msk [tilespmem:v19+s31+$0x0], $0xffff  }
0x151: {  	v54 =	vld.idx.msk [tilespmem:v19+s1+$0x0], $0xffff  }
0x152: {  	v55 =	vld [tilespmem:$0xA0B0]  }
0x153: {  	v56 =	vld.idx.msk [tilespmem:v20+s31+$0x0], $0xffff  }
0x154: {  	v57 =	vld.idx.msk [tilespmem:v20+s1+$0x0], $0xffff  }
0x155: {  	v35 =	vadd.f32 v51, v50  }
0x156: {  	v58 =	vld [tilespmem:$0xA0C0]  }
0x157: {  	v59 =	vadd.f32 v54, v53;
	v35 =	vmul.f32 v52, v35;
	_ =	sdelay $0x1  }
0x158: {  	v61 =	vadd.f32 v57, v56;
	v60 =	vmul.f32 v55, v59;
	v34 =	vadd.f32 v35, v34;
	_ =	sdelay $0x1  }
0x159: {  	v62 =	vmul.f32 v58, v61;
	v34 =	vadd.f32 v60, v34;
	_ =	sdelay $0x1  }
0x15a: {  	v34 =	vadd.f32 v62, v34;
	_ =	sdelay $0x1  }
0x15b: {  	v34 =	vmax.f32 v34, $0.0e+00  }
0x15c: {  	[tilespmem:v21+s28+$0x0] =	vst.idx.msk $0xffff, v34  }
0x15d: {  	v34 =	vld [tilespmem:$0xA0D0]  }
0x15e: {  	v63 =	vld.idx.msk [tilespmem:v22+s31+$0x0], $0xffff  }
0x15f: {  	v45 =	vld.idx.msk [tilespmem:v22+s1+$0x0], $0xffff  }
0x160: {  	v46 =	vld [tilespmem:$0xA0A0]  }
0x161: {  	v47 =	vld.idx.msk [tilespmem:v23+s31+$0x0], $0xffff  }
0x162: {  	v48 =	vld.idx.msk [tilespmem:v23+s1+$0x0], $0xffff  }
0x163: {  	v49 =	vld [tilespmem:$0xA0B0]  }
0x164: {  	v50 =	vld.idx.msk [tilespmem:v24+s31+$0x0], $0xffff  }
0x165: {  	v51 =	vld.idx.msk [tilespmem:v24+s1+$0x0], $0xffff  }
0x166: {  	v35 =	vadd.f32 v45, v63  }
0x167: {  	v52 =	vld [tilespmem:$0xA0C0]  }
0x168: {  	v53 =	vadd.f32 v48, v47;
	v35 =	vmul.f32 v46, v35;
	_ =	sdelay $0x1  }
0x169: {  	v55 =	vadd.f32 v51, v50;
	v54 =	vmul.f32 v49, v53;
	v34 =	vadd.f32 v35, v34;
	_ =	sdelay $0x1  }
0x16a: {  	v56 =	vmul.f32 v52, v55;
	v34 =	vadd.f32 v54, v34;
	_ =	sdelay $0x1  }
0x16b: {  	v34 =	vadd.f32 v56, v34;
	_ =	sdelay $0x1  }
0x16c: {  	v34 =	vmax.f32 v34, $0.0e+00  }
0x16d: {  	[tilespmem:v25+s28+$0x0] =	vst.idx.msk $0xffff, v34  }
0x16e: {  	v34 =	vld [tilespmem:$0xA0D0]  }
0x16f: {  	v57 =	vld.idx.msk [tilespmem:v26+s31+$0x0], $0xffff  }
0x170: {  	v58 =	vld.idx.msk [tilespmem:v26+s1+$0x0], $0xffff  }
0x171: {  	v59 =	vld [tilespmem:$0xA0A0]  }
0x172: {  	v60 =	vld.idx.msk [tilespmem:v27+s31+$0x0], $0xffff  }
0x173: {  	v61 =	vld.idx.msk [tilespmem:v27+s1+$0x0], $0xffff  }
0x174: {  	v62 =	vld [tilespmem:$0xA0B0]  }
0x175: {  	v63 =	vld.idx.msk [tilespmem:v28+s31+$0x0], $0xffff  }
0x176: {  	v45 =	vld.idx.msk [tilespmem:v28+s1+$0x0], $0xffff  }
0x177: {  	v35 =	vadd.f32 v58, v57  }
0x178: {  	v46 =	vld [tilespmem:$0xA0C0]  }
0x179: {  	v47 =	vadd.f32 v61, v60;
	v35 =	vmul.f32 v59, v35;
	_ =	sdelay $0x1  }
0x17a: {  	v49 =	vadd.f32 v45, v63;
	v48 =	vmul.f32 v62, v47;
	v34 =	vadd.f32 v35, v34;
	_ =	sdelay $0x1  }
0x17b: {  	v50 =	vmul.f32 v46, v49;
	v34 =	vadd.f32 v48, v34;
	_ =	sdelay $0x1  }
0x17c: {  	v34 =	vadd.f32 v50, v34;
	_ =	sdelay $0x1  }
0x17d: {  	v34 =	vmax.f32 v34, $0.0e+00  }
0x17e: {  	[tilespmem:v29+s28+$0x0] =	vst.idx.msk $0xffff, v34  }
0x17f: {  	v34 =	vld [tilespmem:$0xA0D0]  }
0x180: {  	v51 =	vld.idx.msk [tilespmem:v30+s31+$0x0], $0xffff  }
0x181: {  	v52 =	vld.idx.msk [tilespmem:v30+s1+$0x0], $0xffff  }
0x182: {  	v53 =	vld [tilespmem:$0xA0A0]  }
0x183: {  	v54 =	vld.idx.msk [tilespmem:v31+s31+$0x0], $0xffff  }
0x184: {  	v55 =	vld.idx.msk [tilespmem:v31+s1+$0x0], $0xffff  }
0x185: {  	v56 =	vld [tilespmem:$0xA0B0]  }
0x186: {  	v57 =	vld.idx.msk [tilespmem:v32+s31+$0x0], $0xffff  }
0x187: {  	v58 =	vld.idx.msk [tilespmem:v32+s1+$0x0], $0xffff  }
0x188: {  	v35 =	vadd.f32 v52, v51  }
0x189: {  	v59 =	vld [tilespmem:$0xA0C0]  }
0x18a: {  	v60 =	vadd.f32 v55, v54;
	v35 =	vmul.f32 v53, v35;
	_ =	sdelay $0x1  }
0x18b: {  	v62 =	vadd.f32 v58, v57;
	v61 =	vmul.f32 v56, v60;
	v34 =	vadd.f32 v35, v34;
	_ =	sdelay $0x1  }
0x18c: {  	v63 =	vmul.f32 v59, v62;
	v34 =	vadd.f32 v61, v34;
	_ =	sdelay $0x1  }
0x18d: {  	v34 =	vadd.f32 v63, v34;
	_ =	sdelay $0x1  }
0x18e: {  	v34 =	vmax.f32 v34, $0.0e+00  }
.Ltmp11:
0x18f: {  	s13 =	sadd.s32 $0x10, s17;
	[tilespmem:v33+s28+$0x0] =	vst.idx.msk $0xffff, v34;
	(pc) =	sbr.rel .LBB2_15-.Ltmp11, $4  }
0x190: {  	[spmem:s3] =	stream.indirect.scatter.add.f32 [tilespmem:s28], [sflag:$0x2], $0x8, s13, s22, $0xb8;
	[tilespmem:$0xA280] =	vst v63  }
0x191: {  	_ =	swait.ge [sflag:s15], $0x80  }
0x192: {  	[sflag:s15] =	ssyncset.done $0x0  }
0x193: {  	[sflag:s15] =	ssyncadd.s32 $0xFFFFFF80  }
.LBB2_16:
.Ltmp12:
0x194: {  	[bflag:$0x0] =	sbarrier.arrive $0xFFFF;
	(pc) =	sbr.rel @p0 .LBB2_18-.Ltmp12, $4  }
0x195: {  	[hbm:s10], [sflag:s18] =	dma.local [spmem:s19], $0x14  }
0x196: {  	_ =	swait.ge [sflag:s15], $0x14  }
0x197: {  	[sflag:s15] =	ssyncset.done $0x0  }
0x198: {  	[sflag:s15] =	ssyncadd.s32 $0xFFFFFFEC  }
0x199: {  	s2 =	rddreg [dreg:$0x6]  }
0x19a: {  	[tilespmem:s25], [sflag:$0x2] =	stream.linear.gather [hbm4b:s2+s4], $0x80, $0x38;
	[tilespmem:$0xA280] =	vst v63  }
0x19b: {  	_ =	swait.ge [sflag:s15], $0x80  }
0x19c: {  	[sflag:s15] =	ssyncset.done $0x0  }
0x19d: {  	s16 =	rddreg [dreg:$0x7];
	[sflag:s15] =	ssyncadd.s32 $0xFFFFFF80  }
0x19e: {  	[tilespmem:s26], [sflag:$0x2] =	stream.linear.gather [hbm4b:s16+s4], $0x80, $0x38;
	[tilespmem:$0xA280] =	vst v63  }
0x19f: {  	_ =	swait.ge [sflag:s15], $0x80  }
0x1a0: {  	[sflag:s15] =	ssyncset.done $0x0  }
0x1a1: {  	[sflag:s15] =	ssyncadd.s32 $0xFFFFFF80  }
0x1a2: {  	v34 =	vld [tilespmem:$0xA0D0]  }
0x1a3: {  	v35 =	vld.idx.msk [tilespmem:v1+s25+$0x0], $0xffff  }
0x1a4: {  	v36 =	vld.idx.msk [tilespmem:v1+s26+$0x0], $0xffff  }
0x1a5: {  	v37 =	vld [tilespmem:$0xA0A0]  }
0x1a6: {  	v38 =	vld.idx.msk [tilespmem:v4+s25+$0x0], $0xffff  }
0x1a7: {  	v39 =	vld.idx.msk [tilespmem:v4+s26+$0x0], $0xffff  }
0x1a8: {  	v40 =	vld [tilespmem:$0xA0B0]  }
0x1a9: {  	v41 =	vld.idx.msk [tilespmem:v5+s25+$0x0], $0xffff  }
0x1aa: {  	v42 =	vld.idx.msk [tilespmem:v5+s26+$0x0], $0xffff  }
0x1ab: {  	v35 =	vadd.f32 v36, v35  }
0x1ac: {  	v44 =	vld [tilespmem:$0xA0C0]  }
0x1ad: {  	v45 =	vadd.f32 v39, v38;
	v35 =	vmul.f32 v37, v35;
	_ =	sdelay $0x1  }
0x1ae: {  	v47 =	vadd.f32 v42, v41;
	v46 =	vmul.f32 v40, v45;
	v34 =	vadd.f32 v35, v34;
	_ =	sdelay $0x1  }
0x1af: {  	v48 =	vmul.f32 v44, v47;
	v34 =	vadd.f32 v46, v34;
	_ =	sdelay $0x1  }
0x1b0: {  	v34 =	vadd.f32 v48, v34;
	_ =	sdelay $0x1  }
0x1b1: {  	v34 =	vmax.f32 v34, $0.0e+00  }
0x1b2: {  	[tilespmem:v0+s28+$0x0] =	vst.idx.msk $0xffff, v34  }
0x1b3: {  	v34 =	vld [tilespmem:$0xA0D0]  }
0x1b4: {  	v49 =	vld.idx.msk [tilespmem:v6+s25+$0x0], $0xffff  }
0x1b5: {  	v50 =	vld.idx.msk [tilespmem:v6+s26+$0x0], $0xffff  }
0x1b6: {  	v51 =	vld [tilespmem:$0xA0A0]  }
0x1b7: {  	v52 =	vld.idx.msk [tilespmem:v7+s25+$0x0], $0xffff  }
0x1b8: {  	v53 =	vld.idx.msk [tilespmem:v7+s26+$0x0], $0xffff  }
0x1b9: {  	v54 =	vld [tilespmem:$0xA0B0]  }
0x1ba: {  	v55 =	vld.idx.msk [tilespmem:v8+s25+$0x0], $0xffff  }
0x1bb: {  	v56 =	vld.idx.msk [tilespmem:v8+s26+$0x0], $0xffff  }
0x1bc: {  	v35 =	vadd.f32 v50, v49  }
0x1bd: {  	v57 =	vld [tilespmem:$0xA0C0]  }
0x1be: {  	v58 =	vadd.f32 v53, v52;
	v35 =	vmul.f32 v51, v35;
	_ =	sdelay $0x1  }
0x1bf: {  	v60 =	vadd.f32 v56, v55;
	v59 =	vmul.f32 v54, v58;
	v34 =	vadd.f32 v35, v34;
	_ =	sdelay $0x1  }
0x1c0: {  	v61 =	vmul.f32 v57, v60;
	v34 =	vadd.f32 v59, v34;
	_ =	sdelay $0x1  }
0x1c1: {  	v34 =	vadd.f32 v61, v34;
	_ =	sdelay $0x1  }
0x1c2: {  	v34 =	vmax.f32 v34, $0.0e+00  }
0x1c3: {  	[tilespmem:v9+s28+$0x0] =	vst.idx.msk $0xffff, v34  }
0x1c4: {  	v34 =	vld [tilespmem:$0xA0D0]  }
0x1c5: {  	v62 =	vld.idx.msk [tilespmem:v10+s25+$0x0], $0xffff  }
0x1c6: {  	v63 =	vld.idx.msk [tilespmem:v10+s26+$0x0], $0xffff  }
0x1c7: {  	v45 =	vld [tilespmem:$0xA0A0]  }
0x1c8: {  	v46 =	vld.idx.msk [tilespmem:v11+s25+$0x0], $0xffff  }
0x1c9: {  	v47 =	vld.idx.msk [tilespmem:v11+s26+$0x0], $0xffff  }
0x1ca: {  	v48 =	vld [tilespmem:$0xA0B0]  }
0x1cb: {  	v49 =	vld.idx.msk [tilespmem:v12+s25+$0x0], $0xffff  }
0x1cc: {  	v50 =	vld.idx.msk [tilespmem:v12+s26+$0x0], $0xffff  }
0x1cd: {  	v35 =	vadd.f32 v63, v62  }
0x1ce: {  	v51 =	vld [tilespmem:$0xA0C0]  }
0x1cf: {  	v52 =	vadd.f32 v47, v46;
	v35 =	vmul.f32 v45, v35;
	_ =	sdelay $0x1  }
0x1d0: {  	v54 =	vadd.f32 v50, v49;
	v53 =	vmul.f32 v48, v52;
	v34 =	vadd.f32 v35, v34;
	_ =	sdelay $0x1  }
0x1d1: {  	v55 =	vmul.f32 v51, v54;
	v34 =	vadd.f32 v53, v34;
	_ =	sdelay $0x1  }
0x1d2: {  	v34 =	vadd.f32 v55, v34;
	_ =	sdelay $0x1  }
0x1d3: {  	v34 =	vmax.f32 v34, $0.0e+00  }
0x1d4: {  	[tilespmem:v13+s28+$0x0] =	vst.idx.msk $0xffff, v34  }
0x1d5: {  	v34 =	vld [tilespmem:$0xA0D0]  }
0x1d6: {  	v56 =	vld.idx.msk [tilespmem:v14+s25+$0x0], $0xffff  }
0x1d7: {  	v57 =	vld.idx.msk [tilespmem:v14+s26+$0x0], $0xffff  }
0x1d8: {  	v58 =	vld [tilespmem:$0xA0A0]  }
0x1d9: {  	v59 =	vld.idx.msk [tilespmem:v15+s25+$0x0], $0xffff  }
0x1da: {  	v60 =	vld.idx.msk [tilespmem:v15+s26+$0x0], $0xffff  }
0x1db: {  	v61 =	vld [tilespmem:$0xA0B0]  }
0x1dc: {  	v62 =	vld.idx.msk [tilespmem:v16+s25+$0x0], $0xffff  }
0x1dd: {  	v63 =	vld.idx.msk [tilespmem:v16+s26+$0x0], $0xffff  }
0x1de: {  	v35 =	vadd.f32 v57, v56  }
0x1df: {  	v45 =	vld [tilespmem:$0xA0C0]  }
0x1e0: {  	v46 =	vadd.f32 v60, v59;
	v35 =	vmul.f32 v58, v35;
	_ =	sdelay $0x1  }
0x1e1: {  	v48 =	vadd.f32 v63, v62;
	v47 =	vmul.f32 v61, v46;
	v34 =	vadd.f32 v35, v34;
	_ =	sdelay $0x1  }
0x1e2: {  	v49 =	vmul.f32 v45, v48;
	v34 =	vadd.f32 v47, v34;
	_ =	sdelay $0x1  }
0x1e3: {  	v34 =	vadd.f32 v49, v34;
	_ =	sdelay $0x1  }
0x1e4: {  	v34 =	vmax.f32 v34, $0.0e+00  }
0x1e5: {  	[tilespmem:v17+s28+$0x0] =	vst.idx.msk $0xffff, v34  }
0x1e6: {  	v34 =	vld [tilespmem:$0xA0D0]  }
0x1e7: {  	v50 =	vld.idx.msk [tilespmem:v18+s25+$0x0], $0xffff  }
0x1e8: {  	v51 =	vld.idx.msk [tilespmem:v18+s26+$0x0], $0xffff  }
0x1e9: {  	v52 =	vld [tilespmem:$0xA0A0]  }
0x1ea: {  	v53 =	vld.idx.msk [tilespmem:v19+s25+$0x0], $0xffff  }
0x1eb: {  	v54 =	vld.idx.msk [tilespmem:v19+s26+$0x0], $0xffff  }
0x1ec: {  	v55 =	vld [tilespmem:$0xA0B0]  }
0x1ed: {  	v56 =	vld.idx.msk [tilespmem:v20+s25+$0x0], $0xffff  }
0x1ee: {  	v57 =	vld.idx.msk [tilespmem:v20+s26+$0x0], $0xffff  }
0x1ef: {  	v35 =	vadd.f32 v51, v50  }
0x1f0: {  	v58 =	vld [tilespmem:$0xA0C0]  }
0x1f1: {  	v59 =	vadd.f32 v54, v53;
	v35 =	vmul.f32 v52, v35;
	_ =	sdelay $0x1  }
0x1f2: {  	v61 =	vadd.f32 v57, v56;
	v60 =	vmul.f32 v55, v59;
	v34 =	vadd.f32 v35, v34;
	_ =	sdelay $0x1  }
0x1f3: {  	v62 =	vmul.f32 v58, v61;
	v34 =	vadd.f32 v60, v34;
	_ =	sdelay $0x1  }
0x1f4: {  	v34 =	vadd.f32 v62, v34;
	_ =	sdelay $0x1  }
0x1f5: {  	v34 =	vmax.f32 v34, $0.0e+00  }
0x1f6: {  	[tilespmem:v21+s28+$0x0] =	vst.idx.msk $0xffff, v34  }
0x1f7: {  	v34 =	vld [tilespmem:$0xA0D0]  }
0x1f8: {  	v63 =	vld.idx.msk [tilespmem:v22+s25+$0x0], $0xffff  }
0x1f9: {  	v45 =	vld.idx.msk [tilespmem:v22+s26+$0x0], $0xffff  }
0x1fa: {  	v46 =	vld [tilespmem:$0xA0A0]  }
0x1fb: {  	v47 =	vld.idx.msk [tilespmem:v23+s25+$0x0], $0xffff  }
0x1fc: {  	v48 =	vld.idx.msk [tilespmem:v23+s26+$0x0], $0xffff  }
0x1fd: {  	v49 =	vld [tilespmem:$0xA0B0]  }
0x1fe: {  	v50 =	vld.idx.msk [tilespmem:v24+s25+$0x0], $0xffff  }
0x1ff: {  	v51 =	vld.idx.msk [tilespmem:v24+s26+$0x0], $0xffff  }
0x200: {  	v35 =	vadd.f32 v45, v63  }
0x201: {  	v52 =	vld [tilespmem:$0xA0C0]  }
0x202: {  	v53 =	vadd.f32 v48, v47;
	v35 =	vmul.f32 v46, v35;
	_ =	sdelay $0x1  }
0x203: {  	v55 =	vadd.f32 v51, v50;
	v54 =	vmul.f32 v49, v53;
	v34 =	vadd.f32 v35, v34;
	_ =	sdelay $0x1  }
0x204: {  	v56 =	vmul.f32 v52, v55;
	v34 =	vadd.f32 v54, v34;
	_ =	sdelay $0x1  }
0x205: {  	v34 =	vadd.f32 v56, v34;
	_ =	sdelay $0x1  }
0x206: {  	v34 =	vmax.f32 v34, $0.0e+00  }
0x207: {  	[tilespmem:v25+s28+$0x0] =	vst.idx.msk $0xffff, v34  }
0x208: {  	v34 =	vld [tilespmem:$0xA0D0]  }
0x209: {  	v57 =	vld.idx.msk [tilespmem:v26+s25+$0x0], $0xffff  }
0x20a: {  	v58 =	vld.idx.msk [tilespmem:v26+s26+$0x0], $0xffff  }
0x20b: {  	v59 =	vld [tilespmem:$0xA0A0]  }
0x20c: {  	v60 =	vld.idx.msk [tilespmem:v27+s25+$0x0], $0xffff  }
0x20d: {  	v61 =	vld.idx.msk [tilespmem:v27+s26+$0x0], $0xffff  }
0x20e: {  	v62 =	vld [tilespmem:$0xA0B0]  }
0x20f: {  	v63 =	vld.idx.msk [tilespmem:v28+s25+$0x0], $0xffff  }
0x210: {  	v45 =	vld.idx.msk [tilespmem:v28+s26+$0x0], $0xffff  }
0x211: {  	v35 =	vadd.f32 v58, v57  }
0x212: {  	v46 =	vld [tilespmem:$0xA0C0]  }
0x213: {  	v47 =	vadd.f32 v61, v60;
	v35 =	vmul.f32 v59, v35;
	_ =	sdelay $0x1  }
0x214: {  	v49 =	vadd.f32 v45, v63;
	v48 =	vmul.f32 v62, v47;
	v34 =	vadd.f32 v35, v34;
	_ =	sdelay $0x1  }
0x215: {  	v50 =	vmul.f32 v46, v49;
	v34 =	vadd.f32 v48, v34;
	_ =	sdelay $0x1  }
0x216: {  	v34 =	vadd.f32 v50, v34;
	_ =	sdelay $0x1  }
0x217: {  	v34 =	vmax.f32 v34, $0.0e+00  }
0x218: {  	[tilespmem:v29+s28+$0x0] =	vst.idx.msk $0xffff, v34  }
0x219: {  	v34 =	vld [tilespmem:$0xA0D0]  }
0x21a: {  	v51 =	vld.idx.msk [tilespmem:v30+s25+$0x0], $0xffff  }
0x21b: {  	v52 =	vld.idx.msk [tilespmem:v30+s26+$0x0], $0xffff  }
0x21c: {  	v53 =	vld [tilespmem:$0xA0A0]  }
0x21d: {  	v54 =	vld.idx.msk [tilespmem:v31+s25+$0x0], $0xffff  }
0x21e: {  	v55 =	vld.idx.msk [tilespmem:v31+s26+$0x0], $0xffff  }
0x21f: {  	v56 =	vld [tilespmem:$0xA0B0]  }
0x220: {  	v57 =	vld.idx.msk [tilespmem:v32+s25+$0x0], $0xffff  }
0x221: {  	v58 =	vld.idx.msk [tilespmem:v32+s26+$0x0], $0xffff  }
0x222: {  	v35 =	vadd.f32 v52, v51  }
0x223: {  	v59 =	vld [tilespmem:$0xA0C0]  }
0x224: {  	v60 =	vadd.f32 v55, v54;
	v35 =	vmul.f32 v53, v35;
	_ =	sdelay $0x1  }
0x225: {  	v62 =	vadd.f32 v58, v57;
	v61 =	vmul.f32 v56, v60;
	v34 =	vadd.f32 v35, v34;
	_ =	sdelay $0x1  }
0x226: {  	v63 =	vmul.f32 v59, v62;
	v34 =	vadd.f32 v61, v34;
	_ =	sdelay $0x1  }
0x227: {  	v34 =	vadd.f32 v63, v34;
	_ =	sdelay $0x1  }
0x228: {  	v34 =	vmax.f32 v34, $0.0e+00  }
.Ltmp13:
0x229: {  	s17 =	rddreg [dreg:$0x8];
	[tilespmem:v33+s28+$0x0] =	vst.idx.msk $0xffff, v34;
	(pc) =	sbr.rel .LBB2_18-.Ltmp13, $4  }
0x22a: {  	[hbm4b:s17+s4] =	stream.linear.scatter [tilespmem:s28], [sflag:$0x2], $0x80, $0x38;
	[tilespmem:$0xA280] =	vst v63  }
0x22b: {  	_ =	swait.ge [sflag:s15], $0x80  }
0x22c: {  	[sflag:s15] =	ssyncset.done $0x0  }
0x22d: {  	[sflag:s15] =	ssyncadd.s32 $0xFFFFFF80  }
.LBB2_5:
.Ltmp14:
0x22e: {  	(pc) =	sbr.rel .LBB2_10-.Ltmp14, $2  }
0x22f: {  	_ =	sdelay $0x2  }
0x230: {  	_ = 	snop  }
.LBB2_7:
.Ltmp15:
0x231: {  	(pc) =	sbr.rel .LBB2_10-.Ltmp15, $2  }
0x232: {  	_ =	sdelay $0x2  }
0x233: {  	vm2 =	vmmov vm1  }
.LBB2_19:
0x234: {  	_ =	sfence.sel $0x180000  }
0x235: {  	[bflag:$0x0] =	sbarrier.arrive $0xFFFF  }
0x236: {  	_ =	strace $0x9000004A  }
0x237: {  	s0 =	stileid.u32;
	[bflag:$0x2] =	sbarrier.arrive $0xFFFF  }
0x238: {  	p0 =	sne.s32 s0, $0x0;
	s0 =	rddreg [dreg:$0x3]  }
0x239: {  	s0 =	sadd.s32 @!p0 $0x100000, s0  }
0x23a: {  	[sflag:s0] =	ssyncadd.tile.s32 @!p0 $0x1;
	_ =	shalt  }
.Lfunc_end2:
_tile_overlayer_lowered:
.L_overlay_start_2:
0x23b: {  	(tag) =	ssettag $0x2  }
0x23c: {  	s0 =	rddreg [dreg:$0x0];
	s2 =	stileid.u32  }
0x23d: {  	s1 =	rddreg [dreg:$0x1];
	p0 =	sne.s32 s2, $0x0  }
0x23e: {  	s3 =	rddreg [dreg:$0x2];
	[bflag:$0x3] =	sbarrier.arrive $0xFFFF;
	s2 =	simm.s32 @!p0 $0x1C02  }
0x23f: {  	[timem:s3], [sflag:s2] =	dma.local @!p0 [hbm:s0], s1  }
0x240: {  	s0 =	simm.s32 @!p0 $0x2  }
0x241: {  	_ =	swait.ge @!p0 [sflag:s0], s1  }
0x242: {  	s1 =	ssub.s32 @!p0 $0x0, s1;
	[sflag:s0] =	ssyncset.done @!p0 $0x0  }
0x243: {  	[sflag:s0] =	ssyncadd.s32 @!p0 s1  }
0x244: {  	[bflag:$0x3] =	sbarrier.arrive $0xFFFF  }
0x245: {  	_ =	shalt  }

</sc_bundles>
